<compile_context>
chip_gen: v7x
topology: tpu7x:2x2x1
jax: 0.10.2.dev20260603
libtpu: 0.0.44.dev20260713+nightly
codegen_flags: <defaults>
</compile_context>

<pallas_src>
import functools

import jax
import jax.numpy as jnp
from jax import lax
from jax.experimental import pallas as pl
from jax.experimental.pallas import tpu as pltpu
from jax.experimental.pallas import tpu_sc as plsc

BATCH = 4096
SEQ = 200
DIM = 64
LANES = 16
NW = 32
BBLK = BATCH // NW
PITCH = 133
NGBUF = 4


def _sc_body(idx_hbm, table_hbm, pos_hbm, out_hbm,
             idx_v, rows_v, brick_v, pos_v,
             sem_g0, sem_g1, sem_g2, sem_g3, sem_o0, sem_o1):
    cid = lax.axis_index("c")
    sid = lax.axis_index("s")
    wid = sid * 2 + cid
    sem_g = (sem_g0, sem_g1, sem_g2, sem_g3)
    sem_o = (sem_o0, sem_o1)

    pltpu.sync_copy(pos_hbm, pos_v)
    pltpu.sync_copy(idx_hbm.at[:, pl.ds(wid, 1)], idx_v)

    def fire_gather(s, r):
        pltpu.async_copy(
            table_hbm.at[idx_v.at[s // 8, 0, s % 8]],
            rows_v.at[r],
            sem_g[r],
        )

    def drain_gather(r):
        pltpu.make_async_copy(
            table_hbm.at[pl.ds(0, BBLK)], rows_v.at[r], sem_g[r]
        ).wait()

    def drain_store(p):
        pltpu.make_async_copy(
            brick_v.at[p].at[:, :, pl.ds(0, 128)],
            out_hbm.at[0, :, 0],
            sem_o[p],
        ).wait()

    lane_d = [jnp.arange(k * LANES, (k + 1) * LANES, dtype=jnp.int32)
              for k in range(DIM // LANES)]
    dt_vecs = [d // 8 for d in lane_d]
    di_vecs = [d % 8 for d in lane_d]

    def build_brick(s, r, p):
        rows = rows_v.at[r]
        brick = brick_v.at[p]
        pvs = [pos_v[s, pl.ds(k * LANES, LANES)] for k in range(DIM // LANES)]

        @plsc.parallel_loop(0, BBLK, unroll=16)
        def _(b):
            col = jnp.full((LANES,), b, dtype=jnp.int32)
            for k in range(DIM // LANES):
                v = rows[b, pl.ds(k * LANES, LANES)] + pvs[k]
                plsc.store_scatter(brick, [dt_vecs[k], di_vecs[k], col], v)

    for s0 in range(3):
        fire_gather(s0, s0)

    @pl.loop(0, SEQ, step=NGBUF)
    def _(ss):
        for r in range(NGBUF):
            s = ss + r
            p = r % 2

            @pl.when(s + 3 < SEQ)
            def _prefetch():
                fire_gather(s + 3, (r + 3) % NGBUF)

            drain_gather(r)

            @pl.when(s >= 2)
            def _reclaim():
                drain_store(p)

            build_brick(s, r, p)
            pltpu.async_copy(
                brick_v.at[p].at[:, :, pl.ds(0, 128)],
                out_hbm.at[s, :, wid],
                sem_o[p],
            )

    drain_store(0)
    drain_store(1)


_sc_embed = functools.partial(
    pl.kernel,
    out_type=jax.ShapeDtypeStruct((SEQ, DIM // 8, NW, 8, 128), jnp.float32),
    mesh=plsc.VectorSubcoreMesh(
        core_axis_name="c", subcore_axis_name="s", num_cores=2, num_subcores=16
    ),
    scratch_types=[
        pltpu.VMEM((SEQ // 8, 1, 8, 128), jnp.int32),
        pltpu.VMEM((NGBUF, BBLK, DIM), jnp.float32),
        pltpu.VMEM((2, DIM // 8, 8, PITCH), jnp.float32),
        pltpu.VMEM((SEQ, DIM), jnp.float32),
        pltpu.SemaphoreType.DMA,
        pltpu.SemaphoreType.DMA,
        pltpu.SemaphoreType.DMA,
        pltpu.SemaphoreType.DMA,
        pltpu.SemaphoreType.DMA,
        pltpu.SemaphoreType.DMA,
    ],
    compiler_params=pltpu.CompilerParams(
        use_tc_tiling_on_sc=False, needs_layout_passes=False
    ),
)(_sc_body)


def kernel(inputs, table, pos_table):
    idx = (inputs.transpose(1, 0).reshape(SEQ // 8, 8, NW, 128)
           .transpose(0, 2, 1, 3))
    q = _sc_embed(idx, table, pos_table)
    return q.transpose(2, 4, 0, 1, 3).reshape(BATCH, SEQ, DIM)

# --- scband reference (transcript-rebuilt; emitter-appended) ---
"""Pipeline reference for scband-positional-embedding-80582176407933 (READ-ONLY COPY).

The authoritative reference and input builder live on the scoring server;
editing this copy changes nothing except your own understanding.
"""

import jax, jax.numpy as jnp
import numpy as np

BATCH = 4096
SEQ_LEN = 200
N_FEATURES = 100000
OUTPUT_DIM = 64


def setup_inputs(seed: int = 0) -> dict:
    key = jax.random.key(seed)
    k1, k2, k3 = jax.random.split(key, 3)
    inputs = jax.random.randint(k1, (BATCH, SEQ_LEN), 0, N_FEATURES, dtype=jnp.int64 if jax.config.jax_enable_x64 else jnp.int32).astype(jnp.int32)
    # learned params (Keras Embedding default: uniform init)
    table = jax.random.uniform(k2, (N_FEATURES, OUTPUT_DIM), dtype=jnp.float32, minval=-0.05, maxval=0.05)
    pos_table = jax.random.uniform(k3, (SEQ_LEN, OUTPUT_DIM), dtype=jnp.float32, minval=-0.05, maxval=0.05)
    return {"inputs": inputs, "table": table, "pos_table": pos_table}


def reference(inputs, table, pos_table):
    # PositionalEmbedding.call with mask_zero=False
    seq_len = inputs.shape[1]
    position_indices = jnp.arange(seq_len, dtype=jnp.int32)[jnp.newaxis, :]  # [1, S]
    position_embeddings = jnp.take(pos_table, position_indices, axis=0)      # [1, S, D]
    token_embeddings = jnp.take(table, inputs, axis=0)                       # [B, S, D]
    x = position_embeddings + token_embeddings
    return x

if __name__ == "__main__":
    import jax
    _d = setup_inputs()
    print(jax.jit(kernel)(*tuple(_d.values())))

</pallas_src>

<mosaic_0001>
#map = affine_map<(d0, d1) -> (0, 0, 0, 0)>
#map1 = affine_map<(d0, d1) -> (0, 0)>
#map2 = affine_map<(d0, d1) -> (0, 0, 0, 0, 0)>
module attributes {stable_mosaic.version = 14 : i64} {
  func.func @_sc_body(%arg0: i32, %arg1: i32, %arg2: memref<25x32x8x128xi32, #tpu.memory_space<hbm>>, %arg3: memref<100000x64xf32, #tpu.memory_space<hbm>>, %arg4: memref<200x64xf32, #tpu.memory_space<hbm>>, %arg5: memref<200x8x32x8x128xf32, #tpu.memory_space<hbm>>, %arg6: memref<25x1x8x128xi32, #tpu.memory_space<vmem>>, %arg7: memref<4x128x64xf32, #tpu.memory_space<vmem>>, %arg8: memref<2x8x8x133xf32, #tpu.memory_space<vmem>>, %arg9: memref<200x64xf32, #tpu.memory_space<vmem>>, %arg10: memref<!tpu.dma_semaphore, #tpu.memory_space<semaphore_mem>>, %arg11: memref<!tpu.dma_semaphore, #tpu.memory_space<semaphore_mem>>, %arg12: memref<!tpu.dma_semaphore, #tpu.memory_space<semaphore_mem>>, %arg13: memref<!tpu.dma_semaphore, #tpu.memory_space<semaphore_mem>>, %arg14: memref<!tpu.dma_semaphore, #tpu.memory_space<semaphore_mem>>, %arg15: memref<!tpu.dma_semaphore, #tpu.memory_space<semaphore_mem>>) attributes {dimension_semantics = [#tpu.dimension_semantics<core_parallel>, #tpu.dimension_semantics<subcore_parallel>], iteration_bounds = array<i64: 2, 16>, scalar_prefetch = 0 : i64, scratch_operands = 10 : i64, tpu.core_type = #tpu.core_type<sc_vector_subcore>, window_params = [{transform_indices = #map}, {transform_indices = #map1}, {transform_indices = #map1}, {transform_indices = #map2}]} {
    %mul3A = arith.constant 2 : i32
    %mul3A_0 = arith.muli %arg1, %mul3A : i32
    %add3A = arith.addi %mul3A_0, %arg0 : i32
    "tpu.region"() ({
      %run_scoped3A = tpu.sem_alloc : memref<!tpu.dma_semaphore, #tpu.memory_space<semaphore_mem>>
      tpu.enqueue_dma source(%arg4 : memref<200x64xf32, #tpu.memory_space<hbm>>) target(%arg9 : memref<200x64xf32, #tpu.memory_space<vmem>>) target_semaphore(%run_scoped3A : memref<!tpu.dma_semaphore, #tpu.memory_space<semaphore_mem>>)
      tpu.wait_dma2 semaphore(%run_scoped3A : memref<!tpu.dma_semaphore, #tpu.memory_space<semaphore_mem>>) src(%arg4 : memref<200x64xf32, #tpu.memory_space<hbm>>) dst(%arg9 : memref<200x64xf32, #tpu.memory_space<vmem>>)
      tpu.yield
    }) : () -> ()
    "tpu.region"() ({
      %run_scoped3A = tpu.sem_alloc : memref<!tpu.dma_semaphore, #tpu.memory_space<semaphore_mem>>
      %dma_start3A_321 = arith.constant 0 : i32
      %dma_start3A_322 = arith.constant 0 : i32
      %dma_start3A_323 = arith.constant 0 : i32
      %dma_start3A_324 = tpu.memref_slice %arg2[%dma_start3A_321, %add3A, %dma_start3A_322, %dma_start3A_323] : memref<25x32x8x128xi32, #tpu.memory_space<hbm>> -> memref<25x1x8x128xi32, #tpu.memory_space<hbm>>
      %dma_start3A_325 = arith.constant 0 : i32
      %dma_start3A_326 = arith.constant 0 : i32
      %dma_start3A_327 = arith.constant 0 : i32
      %dma_start3A_328 = tpu.memref_slice %arg2[%dma_start3A_325, %add3A, %dma_start3A_326, %dma_start3A_327] : memref<25x32x8x128xi32, #tpu.memory_space<hbm>> -> memref<25x1x8x128xi32, #tpu.memory_space<hbm>>
      tpu.enqueue_dma source(%dma_start3A_328 : memref<25x1x8x128xi32, #tpu.memory_space<hbm>>) target(%arg6 : memref<25x1x8x128xi32, #tpu.memory_space<vmem>>) target_semaphore(%run_scoped3A : memref<!tpu.dma_semaphore, #tpu.memory_space<semaphore_mem>>)
      %dma_wait3A_329 = arith.constant 0 : i32
      %dma_wait3A_330 = arith.constant 0 : i32
      %dma_wait3A_331 = arith.constant 0 : i32
      %dma_wait3A_332 = tpu.memref_slice %arg2[%dma_wait3A_329, %add3A, %dma_wait3A_330, %dma_wait3A_331] : memref<25x32x8x128xi32, #tpu.memory_space<hbm>> -> memref<25x1x8x128xi32, #tpu.memory_space<hbm>>
      %dma_wait3A_333 = arith.constant 0 : i32
      %dma_wait3A_334 = arith.constant 0 : i32
      %dma_wait3A_335 = arith.constant 0 : i32
      %dma_wait3A_336 = tpu.memref_slice %arg2[%dma_wait3A_333, %add3A, %dma_wait3A_334, %dma_wait3A_335] : memref<25x32x8x128xi32, #tpu.memory_space<hbm>> -> memref<25x1x8x128xi32, #tpu.memory_space<hbm>>
      tpu.wait_dma2 semaphore(%run_scoped3A : memref<!tpu.dma_semaphore, #tpu.memory_space<semaphore_mem>>) src(%dma_wait3A_336 : memref<25x1x8x128xi32, #tpu.memory_space<hbm>>) dst(%arg6 : memref<25x1x8x128xi32, #tpu.memory_space<vmem>>)
      tpu.yield
    }) : () -> ()
    %iota3A = tpu.iota {dimensions = array<i32: 0>} : vector<16xi32>
    %iota3A_1 = tpu.iota {dimensions = array<i32: 0>} : vector<16xi32>
    %add3A_2 = arith.constant 16 : i32
    %add3A_3 = vector.broadcast %add3A_2 : i32 to vector<16xi32>
    %add3A_4 = arith.addi %add3A_3, %iota3A_1 : vector<16xi32>
    %iota3A_5 = tpu.iota {dimensions = array<i32: 0>} : vector<16xi32>
    %add3A_6 = arith.constant 32 : i32
    %add3A_7 = vector.broadcast %add3A_6 : i32 to vector<16xi32>
    %add3A_8 = arith.addi %add3A_7, %iota3A_5 : vector<16xi32>
    %iota3A_9 = tpu.iota {dimensions = array<i32: 0>} : vector<16xi32>
    %add3A_10 = arith.constant 48 : i32
    %add3A_11 = vector.broadcast %add3A_10 : i32 to vector<16xi32>
    %add3A_12 = arith.addi %add3A_11, %iota3A_9 : vector<16xi32>
    %jit3A = arith.constant 8 : i32
    %div3A = vector.broadcast %jit3A : i32 to vector<16xi32>
    %div3A_13 = arith.divsi %iota3A, %div3A : vector<16xi32>
    %sign3A = arith.constant 0 : i32
    %sign3A_14 = vector.broadcast %sign3A : i32 to vector<16xi32>
    %sign3A_15 = arith.cmpi sgt, %iota3A, %sign3A_14 : vector<16xi32>
    %sign3A_16 = arith.extui %sign3A_15 : vector<16xi1> to vector<16xi32>
    %sign3A_17 = arith.constant 0 : i32
    %sign3A_18 = vector.broadcast %sign3A_17 : i32 to vector<16xi32>
    %sign3A_19 = arith.cmpi slt, %iota3A, %sign3A_18 : vector<16xi32>
    %sign3A_20 = arith.extui %sign3A_19 : vector<16xi1> to vector<16xi32>
    %sign3A_21 = arith.subi %sign3A_16, %sign3A_20 : vector<16xi32>
    %sign3A_22 = arith.constant 0 : i32
    %sign3A_23 = arith.cmpi sgt, %jit3A, %sign3A_22 : i32
    %sign3A_24 = arith.extui %sign3A_23 : i1 to i32
    %sign3A_25 = arith.constant 0 : i32
    %sign3A_26 = arith.cmpi slt, %jit3A, %sign3A_25 : i32
    %sign3A_27 = arith.extui %sign3A_26 : i1 to i32
    %sign3A_28 = arith.subi %sign3A_24, %sign3A_27 : i32
    %ne3A = vector.broadcast %sign3A_28 : i32 to vector<16xi32>
    %ne3A_29 = arith.cmpi ne, %sign3A_21, %ne3A : vector<16xi32>
    %rem3A = vector.broadcast %jit3A : i32 to vector<16xi32>
    %rem3A_30 = arith.remsi %iota3A, %rem3A : vector<16xi32>
    %ne3A_31 = arith.constant 0 : i32
    %ne3A_32 = vector.broadcast %ne3A_31 : i32 to vector<16xi32>
    %ne3A_33 = arith.cmpi ne, %rem3A_30, %ne3A_32 : vector<16xi32>
    %and3A = arith.andi %ne3A_29, %ne3A_33 : vector<16xi1>
    %sub3A = arith.constant 1 : i32
    %sub3A_34 = vector.broadcast %sub3A : i32 to vector<16xi32>
    %sub3A_35 = arith.subi %div3A_13, %sub3A_34 : vector<16xi32>
    %select_n3A = arith.select %and3A, %sub3A_35, %div3A_13 : vector<16xi1>, vector<16xi32>
    %jit3A_36 = arith.constant 8 : i32
    %div3A_37 = vector.broadcast %jit3A_36 : i32 to vector<16xi32>
    %div3A_38 = arith.divsi %add3A_4, %div3A_37 : vector<16xi32>
    %sign3A_39 = arith.constant 0 : i32
    %sign3A_40 = vector.broadcast %sign3A_39 : i32 to vector<16xi32>
    %sign3A_41 = arith.cmpi sgt, %add3A_4, %sign3A_40 : vector<16xi32>
    %sign3A_42 = arith.extui %sign3A_41 : vector<16xi1> to vector<16xi32>
    %sign3A_43 = arith.constant 0 : i32
    %sign3A_44 = vector.broadcast %sign3A_43 : i32 to vector<16xi32>
    %sign3A_45 = arith.cmpi slt, %add3A_4, %sign3A_44 : vector<16xi32>
    %sign3A_46 = arith.extui %sign3A_45 : vector<16xi1> to vector<16xi32>
    %sign3A_47 = arith.subi %sign3A_42, %sign3A_46 : vector<16xi32>
    %sign3A_48 = arith.constant 0 : i32
    %sign3A_49 = arith.cmpi sgt, %jit3A_36, %sign3A_48 : i32
    %sign3A_50 = arith.extui %sign3A_49 : i1 to i32
    %sign3A_51 = arith.constant 0 : i32
    %sign3A_52 = arith.cmpi slt, %jit3A_36, %sign3A_51 : i32
    %sign3A_53 = arith.extui %sign3A_52 : i1 to i32
    %sign3A_54 = arith.subi %sign3A_50, %sign3A_53 : i32
    %ne3A_55 = vector.broadcast %sign3A_54 : i32 to vector<16xi32>
    %ne3A_56 = arith.cmpi ne, %sign3A_47, %ne3A_55 : vector<16xi32>
    %rem3A_57 = vector.broadcast %jit3A_36 : i32 to vector<16xi32>
    %rem3A_58 = arith.remsi %add3A_4, %rem3A_57 : vector<16xi32>
    %ne3A_59 = arith.constant 0 : i32
    %ne3A_60 = vector.broadcast %ne3A_59 : i32 to vector<16xi32>
    %ne3A_61 = arith.cmpi ne, %rem3A_58, %ne3A_60 : vector<16xi32>
    %and3A_62 = arith.andi %ne3A_56, %ne3A_61 : vector<16xi1>
    %sub3A_63 = arith.constant 1 : i32
    %sub3A_64 = vector.broadcast %sub3A_63 : i32 to vector<16xi32>
    %sub3A_65 = arith.subi %div3A_38, %sub3A_64 : vector<16xi32>
    %select_n3A_66 = arith.select %and3A_62, %sub3A_65, %div3A_38 : vector<16xi1>, vector<16xi32>
    %jit3A_67 = arith.constant 8 : i32
    %div3A_68 = vector.broadcast %jit3A_67 : i32 to vector<16xi32>
    %div3A_69 = arith.divsi %add3A_8, %div3A_68 : vector<16xi32>
    %sign3A_70 = arith.constant 0 : i32
    %sign3A_71 = vector.broadcast %sign3A_70 : i32 to vector<16xi32>
    %sign3A_72 = arith.cmpi sgt, %add3A_8, %sign3A_71 : vector<16xi32>
    %sign3A_73 = arith.extui %sign3A_72 : vector<16xi1> to vector<16xi32>
    %sign3A_74 = arith.constant 0 : i32
    %sign3A_75 = vector.broadcast %sign3A_74 : i32 to vector<16xi32>
    %sign3A_76 = arith.cmpi slt, %add3A_8, %sign3A_75 : vector<16xi32>
    %sign3A_77 = arith.extui %sign3A_76 : vector<16xi1> to vector<16xi32>
    %sign3A_78 = arith.subi %sign3A_73, %sign3A_77 : vector<16xi32>
    %sign3A_79 = arith.constant 0 : i32
    %sign3A_80 = arith.cmpi sgt, %jit3A_67, %sign3A_79 : i32
    %sign3A_81 = arith.extui %sign3A_80 : i1 to i32
    %sign3A_82 = arith.constant 0 : i32
    %sign3A_83 = arith.cmpi slt, %jit3A_67, %sign3A_82 : i32
    %sign3A_84 = arith.extui %sign3A_83 : i1 to i32
    %sign3A_85 = arith.subi %sign3A_81, %sign3A_84 : i32
    %ne3A_86 = vector.broadcast %sign3A_85 : i32 to vector<16xi32>
    %ne3A_87 = arith.cmpi ne, %sign3A_78, %ne3A_86 : vector<16xi32>
    %rem3A_88 = vector.broadcast %jit3A_67 : i32 to vector<16xi32>
    %rem3A_89 = arith.remsi %add3A_8, %rem3A_88 : vector<16xi32>
    %ne3A_90 = arith.constant 0 : i32
    %ne3A_91 = vector.broadcast %ne3A_90 : i32 to vector<16xi32>
    %ne3A_92 = arith.cmpi ne, %rem3A_89, %ne3A_91 : vector<16xi32>
    %and3A_93 = arith.andi %ne3A_87, %ne3A_92 : vector<16xi1>
    %sub3A_94 = arith.constant 1 : i32
    %sub3A_95 = vector.broadcast %sub3A_94 : i32 to vector<16xi32>
    %sub3A_96 = arith.subi %div3A_69, %sub3A_95 : vector<16xi32>
    %select_n3A_97 = arith.select %and3A_93, %sub3A_96, %div3A_69 : vector<16xi1>, vector<16xi32>
    %jit3A_98 = arith.constant 8 : i32
    %div3A_99 = vector.broadcast %jit3A_98 : i32 to vector<16xi32>
    %div3A_100 = arith.divsi %add3A_12, %div3A_99 : vector<16xi32>
    %sign3A_101 = arith.constant 0 : i32
    %sign3A_102 = vector.broadcast %sign3A_101 : i32 to vector<16xi32>
    %sign3A_103 = arith.cmpi sgt, %add3A_12, %sign3A_102 : vector<16xi32>
    %sign3A_104 = arith.extui %sign3A_103 : vector<16xi1> to vector<16xi32>
    %sign3A_105 = arith.constant 0 : i32
    %sign3A_106 = vector.broadcast %sign3A_105 : i32 to vector<16xi32>
    %sign3A_107 = arith.cmpi slt, %add3A_12, %sign3A_106 : vector<16xi32>
    %sign3A_108 = arith.extui %sign3A_107 : vector<16xi1> to vector<16xi32>
    %sign3A_109 = arith.subi %sign3A_104, %sign3A_108 : vector<16xi32>
    %sign3A_110 = arith.constant 0 : i32
    %sign3A_111 = arith.cmpi sgt, %jit3A_98, %sign3A_110 : i32
    %sign3A_112 = arith.extui %sign3A_111 : i1 to i32
    %sign3A_113 = arith.constant 0 : i32
    %sign3A_114 = arith.cmpi slt, %jit3A_98, %sign3A_113 : i32
    %sign3A_115 = arith.extui %sign3A_114 : i1 to i32
    %sign3A_116 = arith.subi %sign3A_112, %sign3A_115 : i32
    %ne3A_117 = vector.broadcast %sign3A_116 : i32 to vector<16xi32>
    %ne3A_118 = arith.cmpi ne, %sign3A_109, %ne3A_117 : vector<16xi32>
    %rem3A_119 = vector.broadcast %jit3A_98 : i32 to vector<16xi32>
    %rem3A_120 = arith.remsi %add3A_12, %rem3A_119 : vector<16xi32>
    %ne3A_121 = arith.constant 0 : i32
    %ne3A_122 = vector.broadcast %ne3A_121 : i32 to vector<16xi32>
    %ne3A_123 = arith.cmpi ne, %rem3A_120, %ne3A_122 : vector<16xi32>
    %and3A_124 = arith.andi %ne3A_118, %ne3A_123 : vector<16xi1>
    %sub3A_125 = arith.constant 1 : i32
    %sub3A_126 = vector.broadcast %sub3A_125 : i32 to vector<16xi32>
    %sub3A_127 = arith.subi %div3A_100, %sub3A_126 : vector<16xi32>
    %select_n3A_128 = arith.select %and3A_124, %sub3A_127, %div3A_100 : vector<16xi1>, vector<16xi32>
    %jit3A_129 = arith.constant 8 : i32
    %eq3A = arith.constant 0 : i32
    %eq3A_130 = arith.cmpi eq, %jit3A_129, %eq3A : i32
    %jit3A_131 = arith.constant 1 : i32
    %select_n3A_132 = arith.select %eq3A_130, %jit3A_131, %jit3A_129 : i32
    %rem3A_133 = vector.broadcast %select_n3A_132 : i32 to vector<16xi32>
    %rem3A_134 = arith.remsi %iota3A, %rem3A_133 : vector<16xi32>
    %ne3A_135 = arith.constant 0 : i32
    %ne3A_136 = vector.broadcast %ne3A_135 : i32 to vector<16xi32>
    %ne3A_137 = arith.cmpi ne, %rem3A_134, %ne3A_136 : vector<16xi32>
    %lt3A = arith.constant 0 : i32
    %lt3A_138 = vector.broadcast %lt3A : i32 to vector<16xi32>
    %lt3A_139 = arith.cmpi slt, %rem3A_134, %lt3A_138 : vector<16xi32>
    %lt3A_140 = arith.constant 0 : i32
    %lt3A_141 = arith.cmpi slt, %select_n3A_132, %lt3A_140 : i32
    %ne3A_142 = vector.broadcast %lt3A_141 : i1 to vector<16xi1>
    %ne3A_143 = vector.broadcast %ne3A_142 : vector<16xi1> to vector<16xi1>
    %ne3A_144 = arith.xori %lt3A_139, %ne3A_143 : vector<16xi1>
    %and3A_145 = arith.andi %ne3A_144, %ne3A_137 : vector<16xi1>
    %add3A_146 = vector.broadcast %select_n3A_132 : i32 to vector<16xi32>
    %add3A_147 = arith.addi %rem3A_134, %add3A_146 : vector<16xi32>
    %select_n3A_148 = arith.select %and3A_145, %add3A_147, %rem3A_134 : vector<16xi1>, vector<16xi32>
    %jit3A_149 = arith.constant 8 : i32
    %eq3A_150 = arith.constant 0 : i32
    %eq3A_151 = arith.cmpi eq, %jit3A_149, %eq3A_150 : i32
    %jit3A_152 = arith.constant 1 : i32
    %select_n3A_153 = arith.select %eq3A_151, %jit3A_152, %jit3A_149 : i32
    %rem3A_154 = vector.broadcast %select_n3A_153 : i32 to vector<16xi32>
    %rem3A_155 = arith.remsi %add3A_4, %rem3A_154 : vector<16xi32>
    %ne3A_156 = arith.constant 0 : i32
    %ne3A_157 = vector.broadcast %ne3A_156 : i32 to vector<16xi32>
    %ne3A_158 = arith.cmpi ne, %rem3A_155, %ne3A_157 : vector<16xi32>
    %lt3A_159 = arith.constant 0 : i32
    %lt3A_160 = vector.broadcast %lt3A_159 : i32 to vector<16xi32>
    %lt3A_161 = arith.cmpi slt, %rem3A_155, %lt3A_160 : vector<16xi32>
    %lt3A_162 = arith.constant 0 : i32
    %lt3A_163 = arith.cmpi slt, %select_n3A_153, %lt3A_162 : i32
    %ne3A_164 = vector.broadcast %lt3A_163 : i1 to vector<16xi1>
    %ne3A_165 = vector.broadcast %ne3A_164 : vector<16xi1> to vector<16xi1>
    %ne3A_166 = arith.xori %lt3A_161, %ne3A_165 : vector<16xi1>
    %and3A_167 = arith.andi %ne3A_166, %ne3A_158 : vector<16xi1>
    %add3A_168 = vector.broadcast %select_n3A_153 : i32 to vector<16xi32>
    %add3A_169 = arith.addi %rem3A_155, %add3A_168 : vector<16xi32>
    %select_n3A_170 = arith.select %and3A_167, %add3A_169, %rem3A_155 : vector<16xi1>, vector<16xi32>
    %jit3A_171 = arith.constant 8 : i32
    %eq3A_172 = arith.constant 0 : i32
    %eq3A_173 = arith.cmpi eq, %jit3A_171, %eq3A_172 : i32
    %jit3A_174 = arith.constant 1 : i32
    %select_n3A_175 = arith.select %eq3A_173, %jit3A_174, %jit3A_171 : i32
    %rem3A_176 = vector.broadcast %select_n3A_175 : i32 to vector<16xi32>
    %rem3A_177 = arith.remsi %add3A_8, %rem3A_176 : vector<16xi32>
    %ne3A_178 = arith.constant 0 : i32
    %ne3A_179 = vector.broadcast %ne3A_178 : i32 to vector<16xi32>
    %ne3A_180 = arith.cmpi ne, %rem3A_177, %ne3A_179 : vector<16xi32>
    %lt3A_181 = arith.constant 0 : i32
    %lt3A_182 = vector.broadcast %lt3A_181 : i32 to vector<16xi32>
    %lt3A_183 = arith.cmpi slt, %rem3A_177, %lt3A_182 : vector<16xi32>
    %lt3A_184 = arith.constant 0 : i32
    %lt3A_185 = arith.cmpi slt, %select_n3A_175, %lt3A_184 : i32
    %ne3A_186 = vector.broadcast %lt3A_185 : i1 to vector<16xi1>
    %ne3A_187 = vector.broadcast %ne3A_186 : vector<16xi1> to vector<16xi1>
    %ne3A_188 = arith.xori %lt3A_183, %ne3A_187 : vector<16xi1>
    %and3A_189 = arith.andi %ne3A_188, %ne3A_180 : vector<16xi1>
    %add3A_190 = vector.broadcast %select_n3A_175 : i32 to vector<16xi32>
    %add3A_191 = arith.addi %rem3A_177, %add3A_190 : vector<16xi32>
    %select_n3A_192 = arith.select %and3A_189, %add3A_191, %rem3A_177 : vector<16xi1>, vector<16xi32>
    %jit3A_193 = arith.constant 8 : i32
    %eq3A_194 = arith.constant 0 : i32
    %eq3A_195 = arith.cmpi eq, %jit3A_193, %eq3A_194 : i32
    %jit3A_196 = arith.constant 1 : i32
    %select_n3A_197 = arith.select %eq3A_195, %jit3A_196, %jit3A_193 : i32
    %rem3A_198 = vector.broadcast %select_n3A_197 : i32 to vector<16xi32>
    %rem3A_199 = arith.remsi %add3A_12, %rem3A_198 : vector<16xi32>
    %ne3A_200 = arith.constant 0 : i32
    %ne3A_201 = vector.broadcast %ne3A_200 : i32 to vector<16xi32>
    %ne3A_202 = arith.cmpi ne, %rem3A_199, %ne3A_201 : vector<16xi32>
    %lt3A_203 = arith.constant 0 : i32
    %lt3A_204 = vector.broadcast %lt3A_203 : i32 to vector<16xi32>
    %lt3A_205 = arith.cmpi slt, %rem3A_199, %lt3A_204 : vector<16xi32>
    %lt3A_206 = arith.constant 0 : i32
    %lt3A_207 = arith.cmpi slt, %select_n3A_197, %lt3A_206 : i32
    %ne3A_208 = vector.broadcast %lt3A_207 : i1 to vector<16xi1>
    %ne3A_209 = vector.broadcast %ne3A_208 : vector<16xi1> to vector<16xi1>
    %ne3A_210 = arith.xori %lt3A_205, %ne3A_209 : vector<16xi1>
    %and3A_211 = arith.andi %ne3A_210, %ne3A_202 : vector<16xi1>
    %add3A_212 = vector.broadcast %select_n3A_197 : i32 to vector<16xi32>
    %add3A_213 = arith.addi %rem3A_199, %add3A_212 : vector<16xi32>
    %select_n3A_214 = arith.select %and3A_211, %add3A_213, %rem3A_199 : vector<16xi1>, vector<16xi32>
    %dma_start3A = arith.constant 0 : i32
    %dma_start3A_215 = arith.constant 0 : i32
    %dma_start3A_216 = arith.constant 0 : i32
    %dma_start3A_217 = arith.constant 0 : i32
    %dma_start3A_218 = arith.constant 0 : i32
    %dma_start3A_219 = arith.constant 0 : i32
    %dma_start3A_220 = tpu.memref_slice %arg7[%dma_start3A_217, %dma_start3A_218, %dma_start3A_219] : memref<4x128x64xf32, #tpu.memory_space<vmem>> -> memref<1x128x64xf32, #tpu.memory_space<vmem>>
    %dma_start3A_221 = tpu.memref_squeeze %dma_start3A_220 : memref<1x128x64xf32, #tpu.memory_space<vmem>> -> memref<128x64xf32, #tpu.memory_space<vmem>>
    %dma_start3A_222 = arith.constant 0 : i32
    %dma_start3A_223 = tpu.memref_slice %arg6[%dma_start3A, %dma_start3A_215, %dma_start3A_216, %dma_start3A_222] : memref<25x1x8x128xi32, #tpu.memory_space<vmem>> -> memref<1x1x1x128xi32, #tpu.memory_space<vmem>>
    %dma_start3A_224 = tpu.memref_squeeze %dma_start3A_223 : memref<1x1x1x128xi32, #tpu.memory_space<vmem>> -> memref<128xi32, #tpu.memory_space<vmem>>
    %dma_start3A_225 = arith.constant 0 : i32
    %dma_start3A_226 = arith.constant 0 : i32
    %dma_start3A_227 = tpu.memref_slice %arg3[%dma_start3A_225, %dma_start3A_226] : memref<100000x64xf32, #tpu.memory_space<hbm>> -> memref<100000x64xf32, #tpu.memory_space<hbm>>
    tpu.enqueue_indirect_dma source(%dma_start3A_227 : memref<100000x64xf32, #tpu.memory_space<hbm>>) target(%dma_start3A_221 : memref<128x64xf32, #tpu.memory_space<vmem>>) offsets(%dma_start3A_224 : memref<128xi32, #tpu.memory_space<vmem>>) semaphore(%arg10 : memref<!tpu.dma_semaphore, #tpu.memory_space<semaphore_mem>>)
    %dma_start3A_228 = arith.constant 0 : i32
    %dma_start3A_229 = arith.constant 0 : i32
    %dma_start3A_230 = arith.constant 1 : i32
    %dma_start3A_231 = arith.constant 1 : i32
    %dma_start3A_232 = arith.constant 0 : i32
    %dma_start3A_233 = arith.constant 0 : i32
    %dma_start3A_234 = tpu.memref_slice %arg7[%dma_start3A_231, %dma_start3A_232, %dma_start3A_233] : memref<4x128x64xf32, #tpu.memory_space<vmem>> -> memref<1x128x64xf32, #tpu.memory_space<vmem>>
    %dma_start3A_235 = tpu.memref_squeeze %dma_start3A_234 : memref<1x128x64xf32, #tpu.memory_space<vmem>> -> memref<128x64xf32, #tpu.memory_space<vmem>>
    %dma_start3A_236 = arith.constant 0 : i32
    %dma_start3A_237 = tpu.memref_slice %arg6[%dma_start3A_228, %dma_start3A_229, %dma_start3A_230, %dma_start3A_236] : memref<25x1x8x128xi32, #tpu.memory_space<vmem>> -> memref<1x1x1x128xi32, #tpu.memory_space<vmem>>
    %dma_start3A_238 = tpu.memref_squeeze %dma_start3A_237 : memref<1x1x1x128xi32, #tpu.memory_space<vmem>> -> memref<128xi32, #tpu.memory_space<vmem>>
    %dma_start3A_239 = arith.constant 0 : i32
    %dma_start3A_240 = arith.constant 0 : i32
    %dma_start3A_241 = tpu.memref_slice %arg3[%dma_start3A_239, %dma_start3A_240] : memref<100000x64xf32, #tpu.memory_space<hbm>> -> memref<100000x64xf32, #tpu.memory_space<hbm>>
    tpu.enqueue_indirect_dma source(%dma_start3A_241 : memref<100000x64xf32, #tpu.memory_space<hbm>>) target(%dma_start3A_235 : memref<128x64xf32, #tpu.memory_space<vmem>>) offsets(%dma_start3A_238 : memref<128xi32, #tpu.memory_space<vmem>>) semaphore(%arg11 : memref<!tpu.dma_semaphore, #tpu.memory_space<semaphore_mem>>)
    %dma_start3A_242 = arith.constant 0 : i32
    %dma_start3A_243 = arith.constant 0 : i32
    %dma_start3A_244 = arith.constant 2 : i32
    %dma_start3A_245 = arith.constant 2 : i32
    %dma_start3A_246 = arith.constant 0 : i32
    %dma_start3A_247 = arith.constant 0 : i32
    %dma_start3A_248 = tpu.memref_slice %arg7[%dma_start3A_245, %dma_start3A_246, %dma_start3A_247] : memref<4x128x64xf32, #tpu.memory_space<vmem>> -> memref<1x128x64xf32, #tpu.memory_space<vmem>>
    %dma_start3A_249 = tpu.memref_squeeze %dma_start3A_248 : memref<1x128x64xf32, #tpu.memory_space<vmem>> -> memref<128x64xf32, #tpu.memory_space<vmem>>
    %dma_start3A_250 = arith.constant 0 : i32
    %dma_start3A_251 = tpu.memref_slice %arg6[%dma_start3A_242, %dma_start3A_243, %dma_start3A_244, %dma_start3A_250] : memref<25x1x8x128xi32, #tpu.memory_space<vmem>> -> memref<1x1x1x128xi32, #tpu.memory_space<vmem>>
    %dma_start3A_252 = tpu.memref_squeeze %dma_start3A_251 : memref<1x1x1x128xi32, #tpu.memory_space<vmem>> -> memref<128xi32, #tpu.memory_space<vmem>>
    %dma_start3A_253 = arith.constant 0 : i32
    %dma_start3A_254 = arith.constant 0 : i32
    %dma_start3A_255 = tpu.memref_slice %arg3[%dma_start3A_253, %dma_start3A_254] : memref<100000x64xf32, #tpu.memory_space<hbm>> -> memref<100000x64xf32, #tpu.memory_space<hbm>>
    tpu.enqueue_indirect_dma source(%dma_start3A_255 : memref<100000x64xf32, #tpu.memory_space<hbm>>) target(%dma_start3A_249 : memref<128x64xf32, #tpu.memory_space<vmem>>) offsets(%dma_start3A_252 : memref<128xi32, #tpu.memory_space<vmem>>) semaphore(%arg12 : memref<!tpu.dma_semaphore, #tpu.memory_space<semaphore_mem>>)
    %scan3A = arith.constant 0 : i32
    %scan3A_256 = arith.constant 50 : i32
    %scan3A_257 = arith.addi %scan3A, %scan3A_256 : i32
    %scan3A_258 = arith.constant 1 : i32
    scf.for %scan3A_321 = %scan3A to %scan3A_257 step %scan3A_258  : i32 {
      %mul3A_322 = arith.constant 4 : i32
      %mul3A_323 = arith.muli %scan3A_321, %mul3A_322 : i32
      %add3A_324 = arith.constant 0 : i32
      %add3A_325 = arith.addi %add3A_324, %mul3A_323 : i32
      %add3A_326 = arith.constant 0 : i32
      %add3A_327 = arith.addi %add3A_325, %add3A_326 : i32
      %add3A_328 = arith.constant 3 : i32
      %add3A_329 = arith.addi %add3A_327, %add3A_328 : i32
      %lt3A_330 = arith.constant 200 : i32
      %lt3A_331 = arith.cmpi slt, %add3A_329, %lt3A_330 : i32
      %convert_element_type3A = arith.extui %lt3A_331 : i1 to i32
      %cond3A = arith.constant 0 : i32
      %cond3A_332 = arith.cmpi ne, %convert_element_type3A, %cond3A : i32
      scf.if %cond3A_332 {
        %add3A_621 = arith.constant 3 : i32
        %add3A_622 = arith.addi %add3A_327, %add3A_621 : i32
        %jit3A_623 = arith.constant 8 : i32
        %div3A_624 = arith.divsi %add3A_622, %jit3A_623 : i32
        %sign3A_625 = arith.constant 0 : i32
        %sign3A_626 = arith.cmpi sgt, %add3A_622, %sign3A_625 : i32
        %sign3A_627 = arith.extui %sign3A_626 : i1 to i32
        %sign3A_628 = arith.constant 0 : i32
        %sign3A_629 = arith.cmpi slt, %add3A_622, %sign3A_628 : i32
        %sign3A_630 = arith.extui %sign3A_629 : i1 to i32
        %sign3A_631 = arith.subi %sign3A_627, %sign3A_630 : i32
        %sign3A_632 = arith.constant 0 : i32
        %sign3A_633 = arith.cmpi sgt, %jit3A_623, %sign3A_632 : i32
        %sign3A_634 = arith.extui %sign3A_633 : i1 to i32
        %sign3A_635 = arith.constant 0 : i32
        %sign3A_636 = arith.cmpi slt, %jit3A_623, %sign3A_635 : i32
        %sign3A_637 = arith.extui %sign3A_636 : i1 to i32
        %sign3A_638 = arith.subi %sign3A_634, %sign3A_637 : i32
        %ne3A_639 = arith.cmpi ne, %sign3A_631, %sign3A_638 : i32
        %rem3A_640 = arith.remsi %add3A_622, %jit3A_623 : i32
        %ne3A_641 = arith.constant 0 : i32
        %ne3A_642 = arith.cmpi ne, %rem3A_640, %ne3A_641 : i32
        %and3A_643 = arith.andi %ne3A_639, %ne3A_642 : i1
        %sub3A_644 = arith.constant 1 : i32
        %sub3A_645 = arith.subi %div3A_624, %sub3A_644 : i32
        %select_n3A_646 = arith.select %and3A_643, %sub3A_645, %div3A_624 : i32
        %jit3A_647 = arith.constant 8 : i32
        %eq3A_648 = arith.constant 0 : i32
        %eq3A_649 = arith.cmpi eq, %jit3A_647, %eq3A_648 : i32
        %jit3A_650 = arith.constant 1 : i32
        %select_n3A_651 = arith.select %eq3A_649, %jit3A_650, %jit3A_647 : i32
        %rem3A_652 = arith.remsi %add3A_622, %select_n3A_651 : i32
        %ne3A_653 = arith.constant 0 : i32
        %ne3A_654 = arith.cmpi ne, %rem3A_652, %ne3A_653 : i32
        %lt3A_655 = arith.constant 0 : i32
        %lt3A_656 = arith.cmpi slt, %rem3A_652, %lt3A_655 : i32
        %lt3A_657 = arith.constant 0 : i32
        %lt3A_658 = arith.cmpi slt, %select_n3A_651, %lt3A_657 : i32
        %ne3A_659 = arith.xori %lt3A_656, %lt3A_658 : i1
        %and3A_660 = arith.andi %ne3A_659, %ne3A_654 : i1
        %add3A_661 = arith.addi %rem3A_652, %select_n3A_651 : i32
        %select_n3A_662 = arith.select %and3A_660, %add3A_661, %rem3A_652 : i32
        %dma_start3A_663 = arith.constant 0 : i32
        %dma_start3A_664 = arith.constant 3 : i32
        %dma_start3A_665 = arith.constant 0 : i32
        %dma_start3A_666 = arith.constant 0 : i32
        %dma_start3A_667 = tpu.memref_slice %arg7[%dma_start3A_664, %dma_start3A_665, %dma_start3A_666] : memref<4x128x64xf32, #tpu.memory_space<vmem>> -> memref<1x128x64xf32, #tpu.memory_space<vmem>>
        %dma_start3A_668 = tpu.memref_squeeze %dma_start3A_667 : memref<1x128x64xf32, #tpu.memory_space<vmem>> -> memref<128x64xf32, #tpu.memory_space<vmem>>
        %dma_start3A_669 = arith.constant 0 : i32
        %dma_start3A_670 = tpu.memref_slice %arg6[%select_n3A_646, %dma_start3A_663, %select_n3A_662, %dma_start3A_669] : memref<25x1x8x128xi32, #tpu.memory_space<vmem>> -> memref<1x1x1x128xi32, #tpu.memory_space<vmem>>
        %dma_start3A_671 = tpu.memref_squeeze %dma_start3A_670 : memref<1x1x1x128xi32, #tpu.memory_space<vmem>> -> memref<128xi32, #tpu.memory_space<vmem>>
        %dma_start3A_672 = arith.constant 0 : i32
        %dma_start3A_673 = arith.constant 0 : i32
        %dma_start3A_674 = tpu.memref_slice %arg3[%dma_start3A_672, %dma_start3A_673] : memref<100000x64xf32, #tpu.memory_space<hbm>> -> memref<100000x64xf32, #tpu.memory_space<hbm>>
        tpu.enqueue_indirect_dma source(%dma_start3A_674 : memref<100000x64xf32, #tpu.memory_space<hbm>>) target(%dma_start3A_668 : memref<128x64xf32, #tpu.memory_space<vmem>>) offsets(%dma_start3A_671 : memref<128xi32, #tpu.memory_space<vmem>>) semaphore(%arg13 : memref<!tpu.dma_semaphore, #tpu.memory_space<semaphore_mem>>)
      } else {
      }
      %dma_wait3A_333 = arith.constant 0 : i32
      %dma_wait3A_334 = arith.constant 0 : i32
      %dma_wait3A_335 = arith.constant 0 : i32
      %dma_wait3A_336 = tpu.memref_slice %arg7[%dma_wait3A_333, %dma_wait3A_334, %dma_wait3A_335] : memref<4x128x64xf32, #tpu.memory_space<vmem>> -> memref<1x128x64xf32, #tpu.memory_space<vmem>>
      %dma_wait3A_337 = tpu.memref_squeeze %dma_wait3A_336 : memref<1x128x64xf32, #tpu.memory_space<vmem>> -> memref<128x64xf32, #tpu.memory_space<vmem>>
      %dma_wait3A_338 = arith.constant 0 : i32
      %dma_wait3A_339 = arith.constant 0 : i32
      %dma_wait3A_340 = tpu.memref_slice %arg3[%dma_wait3A_338, %dma_wait3A_339] : memref<100000x64xf32, #tpu.memory_space<hbm>> -> memref<128x64xf32, #tpu.memory_space<hbm>>
      %dma_wait3A_341 = arith.constant 0 : i32
      %dma_wait3A_342 = arith.constant 0 : i32
      %dma_wait3A_343 = tpu.memref_slice %arg7[%dma_wait3A_333, %dma_wait3A_341, %dma_wait3A_342] : memref<4x128x64xf32, #tpu.memory_space<vmem>> -> memref<1x128x64xf32, #tpu.memory_space<vmem>>
      %dma_wait3A_344 = tpu.memref_squeeze %dma_wait3A_343 : memref<1x128x64xf32, #tpu.memory_space<vmem>> -> memref<128x64xf32, #tpu.memory_space<vmem>>
      %dma_wait3A_345 = arith.constant 0 : i32
      %dma_wait3A_346 = arith.constant 0 : i32
      %dma_wait3A_347 = tpu.memref_slice %arg3[%dma_wait3A_345, %dma_wait3A_346] : memref<100000x64xf32, #tpu.memory_space<hbm>> -> memref<128x64xf32, #tpu.memory_space<hbm>>
      tpu.wait_dma2 semaphore(%arg10 : memref<!tpu.dma_semaphore, #tpu.memory_space<semaphore_mem>>) src(%dma_wait3A_347 : memref<128x64xf32, #tpu.memory_space<hbm>>) dst(%dma_wait3A_344 : memref<128x64xf32, #tpu.memory_space<vmem>>)
      %ge3A = arith.constant 2 : i32
      %ge3A_348 = arith.cmpi sge, %add3A_327, %ge3A : i32
      %convert_element_type3A_349 = arith.extui %ge3A_348 : i1 to i32
      %cond3A_350 = arith.constant 0 : i32
      %cond3A_351 = arith.cmpi ne, %convert_element_type3A_349, %cond3A_350 : i32
      scf.if %cond3A_351 {
        %dma_wait3A_621 = arith.constant 0 : i32
        %dma_wait3A_622 = arith.constant 0 : i32
        %dma_wait3A_623 = arith.constant 0 : i32
        %dma_wait3A_624 = arith.constant 0 : i32
        %dma_wait3A_625 = arith.constant 0 : i32
        %dma_wait3A_626 = arith.constant 0 : i32
        %dma_wait3A_627 = tpu.memref_slice %arg8[%dma_wait3A_621, %dma_wait3A_624, %dma_wait3A_625, %dma_wait3A_626] : memref<2x8x8x133xf32, #tpu.memory_space<vmem>> -> memref<1x8x8x133xf32, #tpu.memory_space<vmem>>
        %dma_wait3A_628 = tpu.memref_squeeze %dma_wait3A_627 : memref<1x8x8x133xf32, #tpu.memory_space<vmem>> -> memref<8x8x133xf32, #tpu.memory_space<vmem>>
        %dma_wait3A_629 = arith.constant 0 : i32
        %dma_wait3A_630 = arith.constant 0 : i32
        %dma_wait3A_631 = arith.constant 0 : i32
        %dma_wait3A_632 = tpu.memref_slice %dma_wait3A_628[%dma_wait3A_629, %dma_wait3A_630, %dma_wait3A_631] : memref<8x8x133xf32, #tpu.memory_space<vmem>> -> memref<8x8x128xf32, #tpu.memory_space<vmem>>
        %dma_wait3A_633 = arith.constant 0 : i32
        %dma_wait3A_634 = arith.constant 0 : i32
        %dma_wait3A_635 = arith.constant 0 : i32
        %dma_wait3A_636 = tpu.memref_slice %arg5[%dma_wait3A_622, %dma_wait3A_633, %dma_wait3A_623, %dma_wait3A_634, %dma_wait3A_635] : memref<200x8x32x8x128xf32, #tpu.memory_space<hbm>> -> memref<1x8x1x8x128xf32, #tpu.memory_space<hbm>>
        %dma_wait3A_637 = tpu.memref_squeeze %dma_wait3A_636 : memref<1x8x1x8x128xf32, #tpu.memory_space<hbm>> -> memref<8x8x128xf32, #tpu.memory_space<hbm>>
        %dma_wait3A_638 = arith.constant 0 : i32
        %dma_wait3A_639 = arith.constant 0 : i32
        %dma_wait3A_640 = arith.constant 0 : i32
        %dma_wait3A_641 = tpu.memref_slice %arg5[%dma_wait3A_622, %dma_wait3A_638, %dma_wait3A_623, %dma_wait3A_639, %dma_wait3A_640] : memref<200x8x32x8x128xf32, #tpu.memory_space<hbm>> -> memref<1x8x1x8x128xf32, #tpu.memory_space<hbm>>
        %dma_wait3A_642 = tpu.memref_squeeze %dma_wait3A_641 : memref<1x8x1x8x128xf32, #tpu.memory_space<hbm>> -> memref<8x8x128xf32, #tpu.memory_space<hbm>>
        %dma_wait3A_643 = arith.constant 0 : i32
        %dma_wait3A_644 = arith.constant 0 : i32
        %dma_wait3A_645 = arith.constant 0 : i32
        %dma_wait3A_646 = tpu.memref_slice %arg8[%dma_wait3A_621, %dma_wait3A_643, %dma_wait3A_644, %dma_wait3A_645] : memref<2x8x8x133xf32, #tpu.memory_space<vmem>> -> memref<1x8x8x133xf32, #tpu.memory_space<vmem>>
        %dma_wait3A_647 = tpu.memref_squeeze %dma_wait3A_646 : memref<1x8x8x133xf32, #tpu.memory_space<vmem>> -> memref<8x8x133xf32, #tpu.memory_space<vmem>>
        %dma_wait3A_648 = arith.constant 0 : i32
        %dma_wait3A_649 = arith.constant 0 : i32
        %dma_wait3A_650 = arith.constant 0 : i32
        %dma_wait3A_651 = tpu.memref_slice %dma_wait3A_647[%dma_wait3A_648, %dma_wait3A_649, %dma_wait3A_650] : memref<8x8x133xf32, #tpu.memory_space<vmem>> -> memref<8x8x128xf32, #tpu.memory_space<vmem>>
        tpu.wait_dma2 semaphore(%arg14 : memref<!tpu.dma_semaphore, #tpu.memory_space<semaphore_mem>>) src(%dma_wait3A_651 : memref<8x8x128xf32, #tpu.memory_space<vmem>>) dst(%dma_wait3A_642 : memref<8x8x128xf32, #tpu.memory_space<hbm>>)
      } else {
      }
      %get3A = arith.index_cast %add3A_327 : i32 to index
      %get3A_352 = arith.constant 0 : index
      %get3A_353 = tpu.vector_load %arg9[%get3A, %get3A_352] {strides = array<i32>} : memref<200x64xf32, #tpu.memory_space<vmem>>, vector<16xf32>,
      %get3A_354 = arith.index_cast %add3A_327 : i32 to index
      %get3A_355 = arith.constant 16 : index
      %get3A_356 = tpu.vector_load %arg9[%get3A_354, %get3A_355] {strides = array<i32>} : memref<200x64xf32, #tpu.memory_space<vmem>>, vector<16xf32>,
      %get3A_357 = arith.index_cast %add3A_327 : i32 to index
      %get3A_358 = arith.constant 32 : index
      %get3A_359 = tpu.vector_load %arg9[%get3A_357, %get3A_358] {strides = array<i32>} : memref<200x64xf32, #tpu.memory_space<vmem>>, vector<16xf32>,
      %get3A_360 = arith.index_cast %add3A_327 : i32 to index
      %get3A_361 = arith.constant 48 : index
      %get3A_362 = tpu.vector_load %arg9[%get3A_360, %get3A_361] {strides = array<i32>} : memref<200x64xf32, #tpu.memory_space<vmem>>, vector<16xf32>,
      %parallel_loop3A = arith.constant 0 : i32
      %parallel_loop3A_363 = arith.constant 128 : i32
      %parallel_loop3A_364 = arith.constant 1 : i32
      %parallel_loop3A_365 = arith.constant 0 : i32
      %parallel_loop3A_366 = arith.constant 0 : i32
      scf.for %parallel_loop3A_621 = %parallel_loop3A to %parallel_loop3A_363 step %parallel_loop3A_364  : i32 {
        %parallel_loop3A_622 = vector.broadcast %parallel_loop3A_621 : i32 to vector<16xi32>
        %parallel_loop3A_623 = arith.constant 0 : i32
        %parallel_loop3A_624 = arith.constant 0 : i32
        %parallel_loop3A_625 = tpu.memref_slice %arg7[%parallel_loop3A_365, %parallel_loop3A_623, %parallel_loop3A_624] : memref<4x128x64xf32, #tpu.memory_space<vmem>> -> memref<1x128x64xf32, #tpu.memory_space<vmem>>
        %parallel_loop3A_626 = tpu.memref_squeeze %parallel_loop3A_625 : memref<1x128x64xf32, #tpu.memory_space<vmem>> -> memref<128x64xf32, #tpu.memory_space<vmem>>
        %parallel_loop3A_627 = arith.index_cast %parallel_loop3A_621 : i32 to index
        %parallel_loop3A_628 = arith.constant 0 : index
        %parallel_loop3A_629 = tpu.vector_load %parallel_loop3A_626[%parallel_loop3A_627, %parallel_loop3A_628] {strides = array<i32>} : memref<128x64xf32, #tpu.memory_space<vmem>>, vector<16xf32>,
        %parallel_loop3A_630 = arith.addf %parallel_loop3A_629, %get3A_353 : vector<16xf32>
        %parallel_loop3A_631 = arith.constant 0 : i32
        %parallel_loop3A_632 = arith.constant 0 : i32
        %parallel_loop3A_633 = arith.constant 0 : i32
        %parallel_loop3A_634 = tpu.memref_slice %arg8[%parallel_loop3A_366, %parallel_loop3A_631, %parallel_loop3A_632, %parallel_loop3A_633] : memref<2x8x8x133xf32, #tpu.memory_space<vmem>> -> memref<1x8x8x133xf32, #tpu.memory_space<vmem>>
        %parallel_loop3A_635 = tpu.memref_squeeze %parallel_loop3A_634 : memref<1x8x8x133xf32, #tpu.memory_space<vmem>> -> memref<8x8x133xf32, #tpu.memory_space<vmem>>
        tpu.vector_store_idx %parallel_loop3A_635[%select_n3A, %select_n3A_148, %parallel_loop3A_622], %parallel_loop3A_630 : memref<8x8x133xf32, #tpu.memory_space<vmem>>[vector<16xi32>, vector<16xi32>, vector<16xi32>], vector<16xf32>,
        %parallel_loop3A_636 = arith.constant 0 : i32
        %parallel_loop3A_637 = arith.constant 0 : i32
        %parallel_loop3A_638 = tpu.memref_slice %arg7[%parallel_loop3A_365, %parallel_loop3A_636, %parallel_loop3A_637] : memref<4x128x64xf32, #tpu.memory_space<vmem>> -> memref<1x128x64xf32, #tpu.memory_space<vmem>>
        %parallel_loop3A_639 = tpu.memref_squeeze %parallel_loop3A_638 : memref<1x128x64xf32, #tpu.memory_space<vmem>> -> memref<128x64xf32, #tpu.memory_space<vmem>>
        %parallel_loop3A_640 = arith.index_cast %parallel_loop3A_621 : i32 to index
        %parallel_loop3A_641 = arith.constant 16 : index
        %parallel_loop3A_642 = tpu.vector_load %parallel_loop3A_639[%parallel_loop3A_640, %parallel_loop3A_641] {strides = array<i32>} : memref<128x64xf32, #tpu.memory_space<vmem>>, vector<16xf32>,
        %parallel_loop3A_643 = arith.addf %parallel_loop3A_642, %get3A_356 : vector<16xf32>
        %parallel_loop3A_644 = arith.constant 0 : i32
        %parallel_loop3A_645 = arith.constant 0 : i32
        %parallel_loop3A_646 = arith.constant 0 : i32
        %parallel_loop3A_647 = tpu.memref_slice %arg8[%parallel_loop3A_366, %parallel_loop3A_644, %parallel_loop3A_645, %parallel_loop3A_646] : memref<2x8x8x133xf32, #tpu.memory_space<vmem>> -> memref<1x8x8x133xf32, #tpu.memory_space<vmem>>
        %parallel_loop3A_648 = tpu.memref_squeeze %parallel_loop3A_647 : memref<1x8x8x133xf32, #tpu.memory_space<vmem>> -> memref<8x8x133xf32, #tpu.memory_space<vmem>>
        tpu.vector_store_idx %parallel_loop3A_648[%select_n3A_66, %select_n3A_170, %parallel_loop3A_622], %parallel_loop3A_643 : memref<8x8x133xf32, #tpu.memory_space<vmem>>[vector<16xi32>, vector<16xi32>, vector<16xi32>], vector<16xf32>,
        %parallel_loop3A_649 = arith.constant 0 : i32
        %parallel_loop3A_650 = arith.constant 0 : i32
        %parallel_loop3A_651 = tpu.memref_slice %arg7[%parallel_loop3A_365, %parallel_loop3A_649, %parallel_loop3A_650] : memref<4x128x64xf32, #tpu.memory_space<vmem>> -> memref<1x128x64xf32, #tpu.memory_space<vmem>>
        %parallel_loop3A_652 = tpu.memref_squeeze %parallel_loop3A_651 : memref<1x128x64xf32, #tpu.memory_space<vmem>> -> memref<128x64xf32, #tpu.memory_space<vmem>>
        %parallel_loop3A_653 = arith.index_cast %parallel_loop3A_621 : i32 to index
        %parallel_loop3A_654 = arith.constant 32 : index
        %parallel_loop3A_655 = tpu.vector_load %parallel_loop3A_652[%parallel_loop3A_653, %parallel_loop3A_654] {strides = array<i32>} : memref<128x64xf32, #tpu.memory_space<vmem>>, vector<16xf32>,
        %parallel_loop3A_656 = arith.addf %parallel_loop3A_655, %get3A_359 : vector<16xf32>
        %parallel_loop3A_657 = arith.constant 0 : i32
        %parallel_loop3A_658 = arith.constant 0 : i32
        %parallel_loop3A_659 = arith.constant 0 : i32
        %parallel_loop3A_660 = tpu.memref_slice %arg8[%parallel_loop3A_366, %parallel_loop3A_657, %parallel_loop3A_658, %parallel_loop3A_659] : memref<2x8x8x133xf32, #tpu.memory_space<vmem>> -> memref<1x8x8x133xf32, #tpu.memory_space<vmem>>
        %parallel_loop3A_661 = tpu.memref_squeeze %parallel_loop3A_660 : memref<1x8x8x133xf32, #tpu.memory_space<vmem>> -> memref<8x8x133xf32, #tpu.memory_space<vmem>>
        tpu.vector_store_idx %parallel_loop3A_661[%select_n3A_97, %select_n3A_192, %parallel_loop3A_622], %parallel_loop3A_656 : memref<8x8x133xf32, #tpu.memory_space<vmem>>[vector<16xi32>, vector<16xi32>, vector<16xi32>], vector<16xf32>,
        %parallel_loop3A_662 = arith.constant 0 : i32
        %parallel_loop3A_663 = arith.constant 0 : i32
        %parallel_loop3A_664 = tpu.memref_slice %arg7[%parallel_loop3A_365, %parallel_loop3A_662, %parallel_loop3A_663] : memref<4x128x64xf32, #tpu.memory_space<vmem>> -> memref<1x128x64xf32, #tpu.memory_space<vmem>>
        %parallel_loop3A_665 = tpu.memref_squeeze %parallel_loop3A_664 : memref<1x128x64xf32, #tpu.memory_space<vmem>> -> memref<128x64xf32, #tpu.memory_space<vmem>>
        %parallel_loop3A_666 = arith.index_cast %parallel_loop3A_621 : i32 to index
        %parallel_loop3A_667 = arith.constant 48 : index
        %parallel_loop3A_668 = tpu.vector_load %parallel_loop3A_665[%parallel_loop3A_666, %parallel_loop3A_667] {strides = array<i32>} : memref<128x64xf32, #tpu.memory_space<vmem>>, vector<16xf32>,
        %parallel_loop3A_669 = arith.addf %parallel_loop3A_668, %get3A_362 : vector<16xf32>
        %parallel_loop3A_670 = arith.constant 0 : i32
        %parallel_loop3A_671 = arith.constant 0 : i32
        %parallel_loop3A_672 = arith.constant 0 : i32
        %parallel_loop3A_673 = tpu.memref_slice %arg8[%parallel_loop3A_366, %parallel_loop3A_670, %parallel_loop3A_671, %parallel_loop3A_672] : memref<2x8x8x133xf32, #tpu.memory_space<vmem>> -> memref<1x8x8x133xf32, #tpu.memory_space<vmem>>
        %parallel_loop3A_674 = tpu.memref_squeeze %parallel_loop3A_673 : memref<1x8x8x133xf32, #tpu.memory_space<vmem>> -> memref<8x8x133xf32, #tpu.memory_space<vmem>>
        tpu.vector_store_idx %parallel_loop3A_674[%select_n3A_128, %select_n3A_214, %parallel_loop3A_622], %parallel_loop3A_669 : memref<8x8x133xf32, #tpu.memory_space<vmem>>[vector<16xi32>, vector<16xi32>, vector<16xi32>], vector<16xf32>,
      } {sc.loop_unroll_factor = 16 : i64, sc.parallel_access}
      %dma_start3A_367 = arith.constant 0 : i32
      %dma_start3A_368 = arith.constant 0 : i32
      %dma_start3A_369 = arith.constant 0 : i32
      %dma_start3A_370 = arith.constant 0 : i32
      %dma_start3A_371 = tpu.memref_slice %arg8[%dma_start3A_367, %dma_start3A_368, %dma_start3A_369, %dma_start3A_370] : memref<2x8x8x133xf32, #tpu.memory_space<vmem>> -> memref<1x8x8x133xf32, #tpu.memory_space<vmem>>
      %dma_start3A_372 = tpu.memref_squeeze %dma_start3A_371 : memref<1x8x8x133xf32, #tpu.memory_space<vmem>> -> memref<8x8x133xf32, #tpu.memory_space<vmem>>
      %dma_start3A_373 = arith.constant 0 : i32
      %dma_start3A_374 = arith.constant 0 : i32
      %dma_start3A_375 = arith.constant 0 : i32
      %dma_start3A_376 = tpu.memref_slice %dma_start3A_372[%dma_start3A_373, %dma_start3A_374, %dma_start3A_375] : memref<8x8x133xf32, #tpu.memory_space<vmem>> -> memref<8x8x128xf32, #tpu.memory_space<vmem>>
      %dma_start3A_377 = arith.constant 0 : i32
      %dma_start3A_378 = arith.constant 0 : i32
      %dma_start3A_379 = arith.constant 0 : i32
      %dma_start3A_380 = tpu.memref_slice %arg5[%add3A_327, %dma_start3A_377, %add3A, %dma_start3A_378, %dma_start3A_379] : memref<200x8x32x8x128xf32, #tpu.memory_space<hbm>> -> memref<1x8x1x8x128xf32, #tpu.memory_space<hbm>>
      %dma_start3A_381 = tpu.memref_squeeze %dma_start3A_380 : memref<1x8x1x8x128xf32, #tpu.memory_space<hbm>> -> memref<8x8x128xf32, #tpu.memory_space<hbm>>
      %dma_start3A_382 = arith.constant 0 : i32
      %dma_start3A_383 = arith.constant 0 : i32
      %dma_start3A_384 = arith.constant 0 : i32
      %dma_start3A_385 = tpu.memref_slice %arg5[%add3A_327, %dma_start3A_382, %add3A, %dma_start3A_383, %dma_start3A_384] : memref<200x8x32x8x128xf32, #tpu.memory_space<hbm>> -> memref<1x8x1x8x128xf32, #tpu.memory_space<hbm>>
      %dma_start3A_386 = tpu.memref_squeeze %dma_start3A_385 : memref<1x8x1x8x128xf32, #tpu.memory_space<hbm>> -> memref<8x8x128xf32, #tpu.memory_space<hbm>>
      %dma_start3A_387 = arith.constant 0 : i32
      %dma_start3A_388 = arith.constant 0 : i32
      %dma_start3A_389 = arith.constant 0 : i32
      %dma_start3A_390 = tpu.memref_slice %arg8[%dma_start3A_367, %dma_start3A_387, %dma_start3A_388, %dma_start3A_389] : memref<2x8x8x133xf32, #tpu.memory_space<vmem>> -> memref<1x8x8x133xf32, #tpu.memory_space<vmem>>
      %dma_start3A_391 = tpu.memref_squeeze %dma_start3A_390 : memref<1x8x8x133xf32, #tpu.memory_space<vmem>> -> memref<8x8x133xf32, #tpu.memory_space<vmem>>
      %dma_start3A_392 = arith.constant 0 : i32
      %dma_start3A_393 = arith.constant 0 : i32
      %dma_start3A_394 = arith.constant 0 : i32
      %dma_start3A_395 = tpu.memref_slice %dma_start3A_391[%dma_start3A_392, %dma_start3A_393, %dma_start3A_394] : memref<8x8x133xf32, #tpu.memory_space<vmem>> -> memref<8x8x128xf32, #tpu.memory_space<vmem>>
      tpu.enqueue_dma source(%dma_start3A_395 : memref<8x8x128xf32, #tpu.memory_space<vmem>>) target(%dma_start3A_386 : memref<8x8x128xf32, #tpu.memory_space<hbm>>) target_semaphore(%arg14 : memref<!tpu.dma_semaphore, #tpu.memory_space<semaphore_mem>>)
      %add3A_396 = arith.constant 1 : i32
      %add3A_397 = arith.addi %add3A_325, %add3A_396 : i32
      %add3A_398 = arith.constant 3 : i32
      %add3A_399 = arith.addi %add3A_397, %add3A_398 : i32
      %lt3A_400 = arith.constant 200 : i32
      %lt3A_401 = arith.cmpi slt, %add3A_399, %lt3A_400 : i32
      %convert_element_type3A_402 = arith.extui %lt3A_401 : i1 to i32
      %cond3A_403 = arith.constant 0 : i32
      %cond3A_404 = arith.cmpi ne, %convert_element_type3A_402, %cond3A_403 : i32
      scf.if %cond3A_404 {
        %add3A_621 = arith.constant 3 : i32
        %add3A_622 = arith.addi %add3A_397, %add3A_621 : i32
        %jit3A_623 = arith.constant 8 : i32
        %div3A_624 = arith.divsi %add3A_622, %jit3A_623 : i32
        %sign3A_625 = arith.constant 0 : i32
        %sign3A_626 = arith.cmpi sgt, %add3A_622, %sign3A_625 : i32
        %sign3A_627 = arith.extui %sign3A_626 : i1 to i32
        %sign3A_628 = arith.constant 0 : i32
        %sign3A_629 = arith.cmpi slt, %add3A_622, %sign3A_628 : i32
        %sign3A_630 = arith.extui %sign3A_629 : i1 to i32
        %sign3A_631 = arith.subi %sign3A_627, %sign3A_630 : i32
        %sign3A_632 = arith.constant 0 : i32
        %sign3A_633 = arith.cmpi sgt, %jit3A_623, %sign3A_632 : i32
        %sign3A_634 = arith.extui %sign3A_633 : i1 to i32
        %sign3A_635 = arith.constant 0 : i32
        %sign3A_636 = arith.cmpi slt, %jit3A_623, %sign3A_635 : i32
        %sign3A_637 = arith.extui %sign3A_636 : i1 to i32
        %sign3A_638 = arith.subi %sign3A_634, %sign3A_637 : i32
        %ne3A_639 = arith.cmpi ne, %sign3A_631, %sign3A_638 : i32
        %rem3A_640 = arith.remsi %add3A_622, %jit3A_623 : i32
        %ne3A_641 = arith.constant 0 : i32
        %ne3A_642 = arith.cmpi ne, %rem3A_640, %ne3A_641 : i32
        %and3A_643 = arith.andi %ne3A_639, %ne3A_642 : i1
        %sub3A_644 = arith.constant 1 : i32
        %sub3A_645 = arith.subi %div3A_624, %sub3A_644 : i32
        %select_n3A_646 = arith.select %and3A_643, %sub3A_645, %div3A_624 : i32
        %jit3A_647 = arith.constant 8 : i32
        %eq3A_648 = arith.constant 0 : i32
        %eq3A_649 = arith.cmpi eq, %jit3A_647, %eq3A_648 : i32
        %jit3A_650 = arith.constant 1 : i32
        %select_n3A_651 = arith.select %eq3A_649, %jit3A_650, %jit3A_647 : i32
        %rem3A_652 = arith.remsi %add3A_622, %select_n3A_651 : i32
        %ne3A_653 = arith.constant 0 : i32
        %ne3A_654 = arith.cmpi ne, %rem3A_652, %ne3A_653 : i32
        %lt3A_655 = arith.constant 0 : i32
        %lt3A_656 = arith.cmpi slt, %rem3A_652, %lt3A_655 : i32
        %lt3A_657 = arith.constant 0 : i32
        %lt3A_658 = arith.cmpi slt, %select_n3A_651, %lt3A_657 : i32
        %ne3A_659 = arith.xori %lt3A_656, %lt3A_658 : i1
        %and3A_660 = arith.andi %ne3A_659, %ne3A_654 : i1
        %add3A_661 = arith.addi %rem3A_652, %select_n3A_651 : i32
        %select_n3A_662 = arith.select %and3A_660, %add3A_661, %rem3A_652 : i32
        %dma_start3A_663 = arith.constant 0 : i32
        %dma_start3A_664 = arith.constant 0 : i32
        %dma_start3A_665 = arith.constant 0 : i32
        %dma_start3A_666 = arith.constant 0 : i32
        %dma_start3A_667 = tpu.memref_slice %arg7[%dma_start3A_664, %dma_start3A_665, %dma_start3A_666] : memref<4x128x64xf32, #tpu.memory_space<vmem>> -> memref<1x128x64xf32, #tpu.memory_space<vmem>>
        %dma_start3A_668 = tpu.memref_squeeze %dma_start3A_667 : memref<1x128x64xf32, #tpu.memory_space<vmem>> -> memref<128x64xf32, #tpu.memory_space<vmem>>
        %dma_start3A_669 = arith.constant 0 : i32
        %dma_start3A_670 = tpu.memref_slice %arg6[%select_n3A_646, %dma_start3A_663, %select_n3A_662, %dma_start3A_669] : memref<25x1x8x128xi32, #tpu.memory_space<vmem>> -> memref<1x1x1x128xi32, #tpu.memory_space<vmem>>
        %dma_start3A_671 = tpu.memref_squeeze %dma_start3A_670 : memref<1x1x1x128xi32, #tpu.memory_space<vmem>> -> memref<128xi32, #tpu.memory_space<vmem>>
        %dma_start3A_672 = arith.constant 0 : i32
        %dma_start3A_673 = arith.constant 0 : i32
        %dma_start3A_674 = tpu.memref_slice %arg3[%dma_start3A_672, %dma_start3A_673] : memref<100000x64xf32, #tpu.memory_space<hbm>> -> memref<100000x64xf32, #tpu.memory_space<hbm>>
        tpu.enqueue_indirect_dma source(%dma_start3A_674 : memref<100000x64xf32, #tpu.memory_space<hbm>>) target(%dma_start3A_668 : memref<128x64xf32, #tpu.memory_space<vmem>>) offsets(%dma_start3A_671 : memref<128xi32, #tpu.memory_space<vmem>>) semaphore(%arg10 : memref<!tpu.dma_semaphore, #tpu.memory_space<semaphore_mem>>)
      } else {
      }
      %dma_wait3A_405 = arith.constant 1 : i32
      %dma_wait3A_406 = arith.constant 0 : i32
      %dma_wait3A_407 = arith.constant 0 : i32
      %dma_wait3A_408 = tpu.memref_slice %arg7[%dma_wait3A_405, %dma_wait3A_406, %dma_wait3A_407] : memref<4x128x64xf32, #tpu.memory_space<vmem>> -> memref<1x128x64xf32, #tpu.memory_space<vmem>>
      %dma_wait3A_409 = tpu.memref_squeeze %dma_wait3A_408 : memref<1x128x64xf32, #tpu.memory_space<vmem>> -> memref<128x64xf32, #tpu.memory_space<vmem>>
      %dma_wait3A_410 = arith.constant 0 : i32
      %dma_wait3A_411 = arith.constant 0 : i32
      %dma_wait3A_412 = tpu.memref_slice %arg3[%dma_wait3A_410, %dma_wait3A_411] : memref<100000x64xf32, #tpu.memory_space<hbm>> -> memref<128x64xf32, #tpu.memory_space<hbm>>
      %dma_wait3A_413 = arith.constant 0 : i32
      %dma_wait3A_414 = arith.constant 0 : i32
      %dma_wait3A_415 = tpu.memref_slice %arg7[%dma_wait3A_405, %dma_wait3A_413, %dma_wait3A_414] : memref<4x128x64xf32, #tpu.memory_space<vmem>> -> memref<1x128x64xf32, #tpu.memory_space<vmem>>
      %dma_wait3A_416 = tpu.memref_squeeze %dma_wait3A_415 : memref<1x128x64xf32, #tpu.memory_space<vmem>> -> memref<128x64xf32, #tpu.memory_space<vmem>>
      %dma_wait3A_417 = arith.constant 0 : i32
      %dma_wait3A_418 = arith.constant 0 : i32
      %dma_wait3A_419 = tpu.memref_slice %arg3[%dma_wait3A_417, %dma_wait3A_418] : memref<100000x64xf32, #tpu.memory_space<hbm>> -> memref<128x64xf32, #tpu.memory_space<hbm>>
      tpu.wait_dma2 semaphore(%arg11 : memref<!tpu.dma_semaphore, #tpu.memory_space<semaphore_mem>>) src(%dma_wait3A_419 : memref<128x64xf32, #tpu.memory_space<hbm>>) dst(%dma_wait3A_416 : memref<128x64xf32, #tpu.memory_space<vmem>>)
      %ge3A_420 = arith.constant 2 : i32
      %ge3A_421 = arith.cmpi sge, %add3A_397, %ge3A_420 : i32
      %convert_element_type3A_422 = arith.extui %ge3A_421 : i1 to i32
      %cond3A_423 = arith.constant 0 : i32
      %cond3A_424 = arith.cmpi ne, %convert_element_type3A_422, %cond3A_423 : i32
      scf.if %cond3A_424 {
        %dma_wait3A_621 = arith.constant 1 : i32
        %dma_wait3A_622 = arith.constant 0 : i32
        %dma_wait3A_623 = arith.constant 0 : i32
        %dma_wait3A_624 = arith.constant 0 : i32
        %dma_wait3A_625 = arith.constant 0 : i32
        %dma_wait3A_626 = arith.constant 0 : i32
        %dma_wait3A_627 = tpu.memref_slice %arg8[%dma_wait3A_621, %dma_wait3A_624, %dma_wait3A_625, %dma_wait3A_626] : memref<2x8x8x133xf32, #tpu.memory_space<vmem>> -> memref<1x8x8x133xf32, #tpu.memory_space<vmem>>
        %dma_wait3A_628 = tpu.memref_squeeze %dma_wait3A_627 : memref<1x8x8x133xf32, #tpu.memory_space<vmem>> -> memref<8x8x133xf32, #tpu.memory_space<vmem>>
        %dma_wait3A_629 = arith.constant 0 : i32
        %dma_wait3A_630 = arith.constant 0 : i32
        %dma_wait3A_631 = arith.constant 0 : i32
        %dma_wait3A_632 = tpu.memref_slice %dma_wait3A_628[%dma_wait3A_629, %dma_wait3A_630, %dma_wait3A_631] : memref<8x8x133xf32, #tpu.memory_space<vmem>> -> memref<8x8x128xf32, #tpu.memory_space<vmem>>
        %dma_wait3A_633 = arith.constant 0 : i32
        %dma_wait3A_634 = arith.constant 0 : i32
        %dma_wait3A_635 = arith.constant 0 : i32
        %dma_wait3A_636 = tpu.memref_slice %arg5[%dma_wait3A_622, %dma_wait3A_633, %dma_wait3A_623, %dma_wait3A_634, %dma_wait3A_635] : memref<200x8x32x8x128xf32, #tpu.memory_space<hbm>> -> memref<1x8x1x8x128xf32, #tpu.memory_space<hbm>>
        %dma_wait3A_637 = tpu.memref_squeeze %dma_wait3A_636 : memref<1x8x1x8x128xf32, #tpu.memory_space<hbm>> -> memref<8x8x128xf32, #tpu.memory_space<hbm>>
        %dma_wait3A_638 = arith.constant 0 : i32
        %dma_wait3A_639 = arith.constant 0 : i32
        %dma_wait3A_640 = arith.constant 0 : i32
        %dma_wait3A_641 = tpu.memref_slice %arg5[%dma_wait3A_622, %dma_wait3A_638, %dma_wait3A_623, %dma_wait3A_639, %dma_wait3A_640] : memref<200x8x32x8x128xf32, #tpu.memory_space<hbm>> -> memref<1x8x1x8x128xf32, #tpu.memory_space<hbm>>
        %dma_wait3A_642 = tpu.memref_squeeze %dma_wait3A_641 : memref<1x8x1x8x128xf32, #tpu.memory_space<hbm>> -> memref<8x8x128xf32, #tpu.memory_space<hbm>>
        %dma_wait3A_643 = arith.constant 0 : i32
        %dma_wait3A_644 = arith.constant 0 : i32
        %dma_wait3A_645 = arith.constant 0 : i32
        %dma_wait3A_646 = tpu.memref_slice %arg8[%dma_wait3A_621, %dma_wait3A_643, %dma_wait3A_644, %dma_wait3A_645] : memref<2x8x8x133xf32, #tpu.memory_space<vmem>> -> memref<1x8x8x133xf32, #tpu.memory_space<vmem>>
        %dma_wait3A_647 = tpu.memref_squeeze %dma_wait3A_646 : memref<1x8x8x133xf32, #tpu.memory_space<vmem>> -> memref<8x8x133xf32, #tpu.memory_space<vmem>>
        %dma_wait3A_648 = arith.constant 0 : i32
        %dma_wait3A_649 = arith.constant 0 : i32
        %dma_wait3A_650 = arith.constant 0 : i32
        %dma_wait3A_651 = tpu.memref_slice %dma_wait3A_647[%dma_wait3A_648, %dma_wait3A_649, %dma_wait3A_650] : memref<8x8x133xf32, #tpu.memory_space<vmem>> -> memref<8x8x128xf32, #tpu.memory_space<vmem>>
        tpu.wait_dma2 semaphore(%arg15 : memref<!tpu.dma_semaphore, #tpu.memory_space<semaphore_mem>>) src(%dma_wait3A_651 : memref<8x8x128xf32, #tpu.memory_space<vmem>>) dst(%dma_wait3A_642 : memref<8x8x128xf32, #tpu.memory_space<hbm>>)
      } else {
      }
      %get3A_425 = arith.index_cast %add3A_397 : i32 to index
      %get3A_426 = arith.constant 0 : index
      %get3A_427 = tpu.vector_load %arg9[%get3A_425, %get3A_426] {strides = array<i32>} : memref<200x64xf32, #tpu.memory_space<vmem>>, vector<16xf32>,
      %get3A_428 = arith.index_cast %add3A_397 : i32 to index
      %get3A_429 = arith.constant 16 : index
      %get3A_430 = tpu.vector_load %arg9[%get3A_428, %get3A_429] {strides = array<i32>} : memref<200x64xf32, #tpu.memory_space<vmem>>, vector<16xf32>,
      %get3A_431 = arith.index_cast %add3A_397 : i32 to index
      %get3A_432 = arith.constant 32 : index
      %get3A_433 = tpu.vector_load %arg9[%get3A_431, %get3A_432] {strides = array<i32>} : memref<200x64xf32, #tpu.memory_space<vmem>>, vector<16xf32>,
      %get3A_434 = arith.index_cast %add3A_397 : i32 to index
      %get3A_435 = arith.constant 48 : index
      %get3A_436 = tpu.vector_load %arg9[%get3A_434, %get3A_435] {strides = array<i32>} : memref<200x64xf32, #tpu.memory_space<vmem>>, vector<16xf32>,
      %parallel_loop3A_437 = arith.constant 0 : i32
      %parallel_loop3A_438 = arith.constant 128 : i32
      %parallel_loop3A_439 = arith.constant 1 : i32
      %parallel_loop3A_440 = arith.constant 1 : i32
      %parallel_loop3A_441 = arith.constant 1 : i32
      scf.for %parallel_loop3A_621 = %parallel_loop3A_437 to %parallel_loop3A_438 step %parallel_loop3A_439  : i32 {
        %parallel_loop3A_622 = vector.broadcast %parallel_loop3A_621 : i32 to vector<16xi32>
        %parallel_loop3A_623 = arith.constant 0 : i32
        %parallel_loop3A_624 = arith.constant 0 : i32
        %parallel_loop3A_625 = tpu.memref_slice %arg7[%parallel_loop3A_440, %parallel_loop3A_623, %parallel_loop3A_624] : memref<4x128x64xf32, #tpu.memory_space<vmem>> -> memref<1x128x64xf32, #tpu.memory_space<vmem>>
        %parallel_loop3A_626 = tpu.memref_squeeze %parallel_loop3A_625 : memref<1x128x64xf32, #tpu.memory_space<vmem>> -> memref<128x64xf32, #tpu.memory_space<vmem>>
        %parallel_loop3A_627 = arith.index_cast %parallel_loop3A_621 : i32 to index
        %parallel_loop3A_628 = arith.constant 0 : index
        %parallel_loop3A_629 = tpu.vector_load %parallel_loop3A_626[%parallel_loop3A_627, %parallel_loop3A_628] {strides = array<i32>} : memref<128x64xf32, #tpu.memory_space<vmem>>, vector<16xf32>,
        %parallel_loop3A_630 = arith.addf %parallel_loop3A_629, %get3A_427 : vector<16xf32>
        %parallel_loop3A_631 = arith.constant 0 : i32
        %parallel_loop3A_632 = arith.constant 0 : i32
        %parallel_loop3A_633 = arith.constant 0 : i32
        %parallel_loop3A_634 = tpu.memref_slice %arg8[%parallel_loop3A_441, %parallel_loop3A_631, %parallel_loop3A_632, %parallel_loop3A_633] : memref<2x8x8x133xf32, #tpu.memory_space<vmem>> -> memref<1x8x8x133xf32, #tpu.memory_space<vmem>>
        %parallel_loop3A_635 = tpu.memref_squeeze %parallel_loop3A_634 : memref<1x8x8x133xf32, #tpu.memory_space<vmem>> -> memref<8x8x133xf32, #tpu.memory_space<vmem>>
        tpu.vector_store_idx %parallel_loop3A_635[%select_n3A, %select_n3A_148, %parallel_loop3A_622], %parallel_loop3A_630 : memref<8x8x133xf32, #tpu.memory_space<vmem>>[vector<16xi32>, vector<16xi32>, vector<16xi32>], vector<16xf32>,
        %parallel_loop3A_636 = arith.constant 0 : i32
        %parallel_loop3A_637 = arith.constant 0 : i32
        %parallel_loop3A_638 = tpu.memref_slice %arg7[%parallel_loop3A_440, %parallel_loop3A_636, %parallel_loop3A_637] : memref<4x128x64xf32, #tpu.memory_space<vmem>> -> memref<1x128x64xf32, #tpu.memory_space<vmem>>
        %parallel_loop3A_639 = tpu.memref_squeeze %parallel_loop3A_638 : memref<1x128x64xf32, #tpu.memory_space<vmem>> -> memref<128x64xf32, #tpu.memory_space<vmem>>
        %parallel_loop3A_640 = arith.index_cast %parallel_loop3A_621 : i32 to index
        %parallel_loop3A_641 = arith.constant 16 : index
        %parallel_loop3A_642 = tpu.vector_load %parallel_loop3A_639[%parallel_loop3A_640, %parallel_loop3A_641] {strides = array<i32>} : memref<128x64xf32, #tpu.memory_space<vmem>>, vector<16xf32>,
        %parallel_loop3A_643 = arith.addf %parallel_loop3A_642, %get3A_430 : vector<16xf32>
        %parallel_loop3A_644 = arith.constant 0 : i32
        %parallel_loop3A_645 = arith.constant 0 : i32
        %parallel_loop3A_646 = arith.constant 0 : i32
        %parallel_loop3A_647 = tpu.memref_slice %arg8[%parallel_loop3A_441, %parallel_loop3A_644, %parallel_loop3A_645, %parallel_loop3A_646] : memref<2x8x8x133xf32, #tpu.memory_space<vmem>> -> memref<1x8x8x133xf32, #tpu.memory_space<vmem>>
        %parallel_loop3A_648 = tpu.memref_squeeze %parallel_loop3A_647 : memref<1x8x8x133xf32, #tpu.memory_space<vmem>> -> memref<8x8x133xf32, #tpu.memory_space<vmem>>
        tpu.vector_store_idx %parallel_loop3A_648[%select_n3A_66, %select_n3A_170, %parallel_loop3A_622], %parallel_loop3A_643 : memref<8x8x133xf32, #tpu.memory_space<vmem>>[vector<16xi32>, vector<16xi32>, vector<16xi32>], vector<16xf32>,
        %parallel_loop3A_649 = arith.constant 0 : i32
        %parallel_loop3A_650 = arith.constant 0 : i32
        %parallel_loop3A_651 = tpu.memref_slice %arg7[%parallel_loop3A_440, %parallel_loop3A_649, %parallel_loop3A_650] : memref<4x128x64xf32, #tpu.memory_space<vmem>> -> memref<1x128x64xf32, #tpu.memory_space<vmem>>
        %parallel_loop3A_652 = tpu.memref_squeeze %parallel_loop3A_651 : memref<1x128x64xf32, #tpu.memory_space<vmem>> -> memref<128x64xf32, #tpu.memory_space<vmem>>
        %parallel_loop3A_653 = arith.index_cast %parallel_loop3A_621 : i32 to index
        %parallel_loop3A_654 = arith.constant 32 : index
        %parallel_loop3A_655 = tpu.vector_load %parallel_loop3A_652[%parallel_loop3A_653, %parallel_loop3A_654] {strides = array<i32>} : memref<128x64xf32, #tpu.memory_space<vmem>>, vector<16xf32>,
        %parallel_loop3A_656 = arith.addf %parallel_loop3A_655, %get3A_433 : vector<16xf32>
        %parallel_loop3A_657 = arith.constant 0 : i32
        %parallel_loop3A_658 = arith.constant 0 : i32
        %parallel_loop3A_659 = arith.constant 0 : i32
        %parallel_loop3A_660 = tpu.memref_slice %arg8[%parallel_loop3A_441, %parallel_loop3A_657, %parallel_loop3A_658, %parallel_loop3A_659] : memref<2x8x8x133xf32, #tpu.memory_space<vmem>> -> memref<1x8x8x133xf32, #tpu.memory_space<vmem>>
        %parallel_loop3A_661 = tpu.memref_squeeze %parallel_loop3A_660 : memref<1x8x8x133xf32, #tpu.memory_space<vmem>> -> memref<8x8x133xf32, #tpu.memory_space<vmem>>
        tpu.vector_store_idx %parallel_loop3A_661[%select_n3A_97, %select_n3A_192, %parallel_loop3A_622], %parallel_loop3A_656 : memref<8x8x133xf32, #tpu.memory_space<vmem>>[vector<16xi32>, vector<16xi32>, vector<16xi32>], vector<16xf32>,
        %parallel_loop3A_662 = arith.constant 0 : i32
        %parallel_loop3A_663 = arith.constant 0 : i32
        %parallel_loop3A_664 = tpu.memref_slice %arg7[%parallel_loop3A_440, %parallel_loop3A_662, %parallel_loop3A_663] : memref<4x128x64xf32, #tpu.memory_space<vmem>> -> memref<1x128x64xf32, #tpu.memory_space<vmem>>
        %parallel_loop3A_665 = tpu.memref_squeeze %parallel_loop3A_664 : memref<1x128x64xf32, #tpu.memory_space<vmem>> -> memref<128x64xf32, #tpu.memory_space<vmem>>
        %parallel_loop3A_666 = arith.index_cast %parallel_loop3A_621 : i32 to index
        %parallel_loop3A_667 = arith.constant 48 : index
        %parallel_loop3A_668 = tpu.vector_load %parallel_loop3A_665[%parallel_loop3A_666, %parallel_loop3A_667] {strides = array<i32>} : memref<128x64xf32, #tpu.memory_space<vmem>>, vector<16xf32>,
        %parallel_loop3A_669 = arith.addf %parallel_loop3A_668, %get3A_436 : vector<16xf32>
        %parallel_loop3A_670 = arith.constant 0 : i32
        %parallel_loop3A_671 = arith.constant 0 : i32
        %parallel_loop3A_672 = arith.constant 0 : i32
        %parallel_loop3A_673 = tpu.memref_slice %arg8[%parallel_loop3A_441, %parallel_loop3A_670, %parallel_loop3A_671, %parallel_loop3A_672] : memref<2x8x8x133xf32, #tpu.memory_space<vmem>> -> memref<1x8x8x133xf32, #tpu.memory_space<vmem>>
        %parallel_loop3A_674 = tpu.memref_squeeze %parallel_loop3A_673 : memref<1x8x8x133xf32, #tpu.memory_space<vmem>> -> memref<8x8x133xf32, #tpu.memory_space<vmem>>
        tpu.vector_store_idx %parallel_loop3A_674[%select_n3A_128, %select_n3A_214, %parallel_loop3A_622], %parallel_loop3A_669 : memref<8x8x133xf32, #tpu.memory_space<vmem>>[vector<16xi32>, vector<16xi32>, vector<16xi32>], vector<16xf32>,
      } {sc.loop_unroll_factor = 16 : i64, sc.parallel_access}
      %dma_start3A_442 = arith.constant 1 : i32
      %dma_start3A_443 = arith.constant 0 : i32
      %dma_start3A_444 = arith.constant 0 : i32
      %dma_start3A_445 = arith.constant 0 : i32
      %dma_start3A_446 = tpu.memref_slice %arg8[%dma_start3A_442, %dma_start3A_443, %dma_start3A_444, %dma_start3A_445] : memref<2x8x8x133xf32, #tpu.memory_space<vmem>> -> memref<1x8x8x133xf32, #tpu.memory_space<vmem>>
      %dma_start3A_447 = tpu.memref_squeeze %dma_start3A_446 : memref<1x8x8x133xf32, #tpu.memory_space<vmem>> -> memref<8x8x133xf32, #tpu.memory_space<vmem>>
      %dma_start3A_448 = arith.constant 0 : i32
      %dma_start3A_449 = arith.constant 0 : i32
      %dma_start3A_450 = arith.constant 0 : i32
      %dma_start3A_451 = tpu.memref_slice %dma_start3A_447[%dma_start3A_448, %dma_start3A_449, %dma_start3A_450] : memref<8x8x133xf32, #tpu.memory_space<vmem>> -> memref<8x8x128xf32, #tpu.memory_space<vmem>>
      %dma_start3A_452 = arith.constant 0 : i32
      %dma_start3A_453 = arith.constant 0 : i32
      %dma_start3A_454 = arith.constant 0 : i32
      %dma_start3A_455 = tpu.memref_slice %arg5[%add3A_397, %dma_start3A_452, %add3A, %dma_start3A_453, %dma_start3A_454] : memref<200x8x32x8x128xf32, #tpu.memory_space<hbm>> -> memref<1x8x1x8x128xf32, #tpu.memory_space<hbm>>
      %dma_start3A_456 = tpu.memref_squeeze %dma_start3A_455 : memref<1x8x1x8x128xf32, #tpu.memory_space<hbm>> -> memref<8x8x128xf32, #tpu.memory_space<hbm>>
      %dma_start3A_457 = arith.constant 0 : i32
      %dma_start3A_458 = arith.constant 0 : i32
      %dma_start3A_459 = arith.constant 0 : i32
      %dma_start3A_460 = tpu.memref_slice %arg5[%add3A_397, %dma_start3A_457, %add3A, %dma_start3A_458, %dma_start3A_459] : memref<200x8x32x8x128xf32, #tpu.memory_space<hbm>> -> memref<1x8x1x8x128xf32, #tpu.memory_space<hbm>>
      %dma_start3A_461 = tpu.memref_squeeze %dma_start3A_460 : memref<1x8x1x8x128xf32, #tpu.memory_space<hbm>> -> memref<8x8x128xf32, #tpu.memory_space<hbm>>
      %dma_start3A_462 = arith.constant 0 : i32
      %dma_start3A_463 = arith.constant 0 : i32
      %dma_start3A_464 = arith.constant 0 : i32
      %dma_start3A_465 = tpu.memref_slice %arg8[%dma_start3A_442, %dma_start3A_462, %dma_start3A_463, %dma_start3A_464] : memref<2x8x8x133xf32, #tpu.memory_space<vmem>> -> memref<1x8x8x133xf32, #tpu.memory_space<vmem>>
      %dma_start3A_466 = tpu.memref_squeeze %dma_start3A_465 : memref<1x8x8x133xf32, #tpu.memory_space<vmem>> -> memref<8x8x133xf32, #tpu.memory_space<vmem>>
      %dma_start3A_467 = arith.constant 0 : i32
      %dma_start3A_468 = arith.constant 0 : i32
      %dma_start3A_469 = arith.constant 0 : i32
      %dma_start3A_470 = tpu.memref_slice %dma_start3A_466[%dma_start3A_467, %dma_start3A_468, %dma_start3A_469] : memref<8x8x133xf32, #tpu.memory_space<vmem>> -> memref<8x8x128xf32, #tpu.memory_space<vmem>>
      tpu.enqueue_dma source(%dma_start3A_470 : memref<8x8x128xf32, #tpu.memory_space<vmem>>) target(%dma_start3A_461 : memref<8x8x128xf32, #tpu.memory_space<hbm>>) target_semaphore(%arg15 : memref<!tpu.dma_semaphore, #tpu.memory_space<semaphore_mem>>)
      %add3A_471 = arith.constant 2 : i32
      %add3A_472 = arith.addi %add3A_325, %add3A_471 : i32
      %add3A_473 = arith.constant 3 : i32
      %add3A_474 = arith.addi %add3A_472, %add3A_473 : i32
      %lt3A_475 = arith.constant 200 : i32
      %lt3A_476 = arith.cmpi slt, %add3A_474, %lt3A_475 : i32
      %convert_element_type3A_477 = arith.extui %lt3A_476 : i1 to i32
      %cond3A_478 = arith.constant 0 : i32
      %cond3A_479 = arith.cmpi ne, %convert_element_type3A_477, %cond3A_478 : i32
      scf.if %cond3A_479 {
        %add3A_621 = arith.constant 3 : i32
        %add3A_622 = arith.addi %add3A_472, %add3A_621 : i32
        %jit3A_623 = arith.constant 8 : i32
        %div3A_624 = arith.divsi %add3A_622, %jit3A_623 : i32
        %sign3A_625 = arith.constant 0 : i32
        %sign3A_626 = arith.cmpi sgt, %add3A_622, %sign3A_625 : i32
        %sign3A_627 = arith.extui %sign3A_626 : i1 to i32
        %sign3A_628 = arith.constant 0 : i32
        %sign3A_629 = arith.cmpi slt, %add3A_622, %sign3A_628 : i32
        %sign3A_630 = arith.extui %sign3A_629 : i1 to i32
        %sign3A_631 = arith.subi %sign3A_627, %sign3A_630 : i32
        %sign3A_632 = arith.constant 0 : i32
        %sign3A_633 = arith.cmpi sgt, %jit3A_623, %sign3A_632 : i32
        %sign3A_634 = arith.extui %sign3A_633 : i1 to i32
        %sign3A_635 = arith.constant 0 : i32
        %sign3A_636 = arith.cmpi slt, %jit3A_623, %sign3A_635 : i32
        %sign3A_637 = arith.extui %sign3A_636 : i1 to i32
        %sign3A_638 = arith.subi %sign3A_634, %sign3A_637 : i32
        %ne3A_639 = arith.cmpi ne, %sign3A_631, %sign3A_638 : i32
        %rem3A_640 = arith.remsi %add3A_622, %jit3A_623 : i32
        %ne3A_641 = arith.constant 0 : i32
        %ne3A_642 = arith.cmpi ne, %rem3A_640, %ne3A_641 : i32
        %and3A_643 = arith.andi %ne3A_639, %ne3A_642 : i1
        %sub3A_644 = arith.constant 1 : i32
        %sub3A_645 = arith.subi %div3A_624, %sub3A_644 : i32
        %select_n3A_646 = arith.select %and3A_643, %sub3A_645, %div3A_624 : i32
        %jit3A_647 = arith.constant 8 : i32
        %eq3A_648 = arith.constant 0 : i32
        %eq3A_649 = arith.cmpi eq, %jit3A_647, %eq3A_648 : i32
        %jit3A_650 = arith.constant 1 : i32
        %select_n3A_651 = arith.select %eq3A_649, %jit3A_650, %jit3A_647 : i32
        %rem3A_652 = arith.remsi %add3A_622, %select_n3A_651 : i32
        %ne3A_653 = arith.constant 0 : i32
        %ne3A_654 = arith.cmpi ne, %rem3A_652, %ne3A_653 : i32
        %lt3A_655 = arith.constant 0 : i32
        %lt3A_656 = arith.cmpi slt, %rem3A_652, %lt3A_655 : i32
        %lt3A_657 = arith.constant 0 : i32
        %lt3A_658 = arith.cmpi slt, %select_n3A_651, %lt3A_657 : i32
        %ne3A_659 = arith.xori %lt3A_656, %lt3A_658 : i1
        %and3A_660 = arith.andi %ne3A_659, %ne3A_654 : i1
        %add3A_661 = arith.addi %rem3A_652, %select_n3A_651 : i32
        %select_n3A_662 = arith.select %and3A_660, %add3A_661, %rem3A_652 : i32
        %dma_start3A_663 = arith.constant 0 : i32
        %dma_start3A_664 = arith.constant 1 : i32
        %dma_start3A_665 = arith.constant 0 : i32
        %dma_start3A_666 = arith.constant 0 : i32
        %dma_start3A_667 = tpu.memref_slice %arg7[%dma_start3A_664, %dma_start3A_665, %dma_start3A_666] : memref<4x128x64xf32, #tpu.memory_space<vmem>> -> memref<1x128x64xf32, #tpu.memory_space<vmem>>
        %dma_start3A_668 = tpu.memref_squeeze %dma_start3A_667 : memref<1x128x64xf32, #tpu.memory_space<vmem>> -> memref<128x64xf32, #tpu.memory_space<vmem>>
        %dma_start3A_669 = arith.constant 0 : i32
        %dma_start3A_670 = tpu.memref_slice %arg6[%select_n3A_646, %dma_start3A_663, %select_n3A_662, %dma_start3A_669] : memref<25x1x8x128xi32, #tpu.memory_space<vmem>> -> memref<1x1x1x128xi32, #tpu.memory_space<vmem>>
        %dma_start3A_671 = tpu.memref_squeeze %dma_start3A_670 : memref<1x1x1x128xi32, #tpu.memory_space<vmem>> -> memref<128xi32, #tpu.memory_space<vmem>>
        %dma_start3A_672 = arith.constant 0 : i32
        %dma_start3A_673 = arith.constant 0 : i32
        %dma_start3A_674 = tpu.memref_slice %arg3[%dma_start3A_672, %dma_start3A_673] : memref<100000x64xf32, #tpu.memory_space<hbm>> -> memref<100000x64xf32, #tpu.memory_space<hbm>>
        tpu.enqueue_indirect_dma source(%dma_start3A_674 : memref<100000x64xf32, #tpu.memory_space<hbm>>) target(%dma_start3A_668 : memref<128x64xf32, #tpu.memory_space<vmem>>) offsets(%dma_start3A_671 : memref<128xi32, #tpu.memory_space<vmem>>) semaphore(%arg11 : memref<!tpu.dma_semaphore, #tpu.memory_space<semaphore_mem>>)
      } else {
      }
      %dma_wait3A_480 = arith.constant 2 : i32
      %dma_wait3A_481 = arith.constant 0 : i32
      %dma_wait3A_482 = arith.constant 0 : i32
      %dma_wait3A_483 = tpu.memref_slice %arg7[%dma_wait3A_480, %dma_wait3A_481, %dma_wait3A_482] : memref<4x128x64xf32, #tpu.memory_space<vmem>> -> memref<1x128x64xf32, #tpu.memory_space<vmem>>
      %dma_wait3A_484 = tpu.memref_squeeze %dma_wait3A_483 : memref<1x128x64xf32, #tpu.memory_space<vmem>> -> memref<128x64xf32, #tpu.memory_space<vmem>>
      %dma_wait3A_485 = arith.constant 0 : i32
      %dma_wait3A_486 = arith.constant 0 : i32
      %dma_wait3A_487 = tpu.memref_slice %arg3[%dma_wait3A_485, %dma_wait3A_486] : memref<100000x64xf32, #tpu.memory_space<hbm>> -> memref<128x64xf32, #tpu.memory_space<hbm>>
      %dma_wait3A_488 = arith.constant 0 : i32
      %dma_wait3A_489 = arith.constant 0 : i32
      %dma_wait3A_490 = tpu.memref_slice %arg7[%dma_wait3A_480, %dma_wait3A_488, %dma_wait3A_489] : memref<4x128x64xf32, #tpu.memory_space<vmem>> -> memref<1x128x64xf32, #tpu.memory_space<vmem>>
      %dma_wait3A_491 = tpu.memref_squeeze %dma_wait3A_490 : memref<1x128x64xf32, #tpu.memory_space<vmem>> -> memref<128x64xf32, #tpu.memory_space<vmem>>
      %dma_wait3A_492 = arith.constant 0 : i32
      %dma_wait3A_493 = arith.constant 0 : i32
      %dma_wait3A_494 = tpu.memref_slice %arg3[%dma_wait3A_492, %dma_wait3A_493] : memref<100000x64xf32, #tpu.memory_space<hbm>> -> memref<128x64xf32, #tpu.memory_space<hbm>>
      tpu.wait_dma2 semaphore(%arg12 : memref<!tpu.dma_semaphore, #tpu.memory_space<semaphore_mem>>) src(%dma_wait3A_494 : memref<128x64xf32, #tpu.memory_space<hbm>>) dst(%dma_wait3A_491 : memref<128x64xf32, #tpu.memory_space<vmem>>)
      %ge3A_495 = arith.constant 2 : i32
      %ge3A_496 = arith.cmpi sge, %add3A_472, %ge3A_495 : i32
      %convert_element_type3A_497 = arith.extui %ge3A_496 : i1 to i32
      %cond3A_498 = arith.constant 0 : i32
      %cond3A_499 = arith.cmpi ne, %convert_element_type3A_497, %cond3A_498 : i32
      scf.if %cond3A_499 {
        %dma_wait3A_621 = arith.constant 0 : i32
        %dma_wait3A_622 = arith.constant 0 : i32
        %dma_wait3A_623 = arith.constant 0 : i32
        %dma_wait3A_624 = arith.constant 0 : i32
        %dma_wait3A_625 = arith.constant 0 : i32
        %dma_wait3A_626 = arith.constant 0 : i32
        %dma_wait3A_627 = tpu.memref_slice %arg8[%dma_wait3A_621, %dma_wait3A_624, %dma_wait3A_625, %dma_wait3A_626] : memref<2x8x8x133xf32, #tpu.memory_space<vmem>> -> memref<1x8x8x133xf32, #tpu.memory_space<vmem>>
        %dma_wait3A_628 = tpu.memref_squeeze %dma_wait3A_627 : memref<1x8x8x133xf32, #tpu.memory_space<vmem>> -> memref<8x8x133xf32, #tpu.memory_space<vmem>>
        %dma_wait3A_629 = arith.constant 0 : i32
        %dma_wait3A_630 = arith.constant 0 : i32
        %dma_wait3A_631 = arith.constant 0 : i32
        %dma_wait3A_632 = tpu.memref_slice %dma_wait3A_628[%dma_wait3A_629, %dma_wait3A_630, %dma_wait3A_631] : memref<8x8x133xf32, #tpu.memory_space<vmem>> -> memref<8x8x128xf32, #tpu.memory_space<vmem>>
        %dma_wait3A_633 = arith.constant 0 : i32
        %dma_wait3A_634 = arith.constant 0 : i32
        %dma_wait3A_635 = arith.constant 0 : i32
        %dma_wait3A_636 = tpu.memref_slice %arg5[%dma_wait3A_622, %dma_wait3A_633, %dma_wait3A_623, %dma_wait3A_634, %dma_wait3A_635] : memref<200x8x32x8x128xf32, #tpu.memory_space<hbm>> -> memref<1x8x1x8x128xf32, #tpu.memory_space<hbm>>
        %dma_wait3A_637 = tpu.memref_squeeze %dma_wait3A_636 : memref<1x8x1x8x128xf32, #tpu.memory_space<hbm>> -> memref<8x8x128xf32, #tpu.memory_space<hbm>>
        %dma_wait3A_638 = arith.constant 0 : i32
        %dma_wait3A_639 = arith.constant 0 : i32
        %dma_wait3A_640 = arith.constant 0 : i32
        %dma_wait3A_641 = tpu.memref_slice %arg5[%dma_wait3A_622, %dma_wait3A_638, %dma_wait3A_623, %dma_wait3A_639, %dma_wait3A_640] : memref<200x8x32x8x128xf32, #tpu.memory_space<hbm>> -> memref<1x8x1x8x128xf32, #tpu.memory_space<hbm>>
        %dma_wait3A_642 = tpu.memref_squeeze %dma_wait3A_641 : memref<1x8x1x8x128xf32, #tpu.memory_space<hbm>> -> memref<8x8x128xf32, #tpu.memory_space<hbm>>
        %dma_wait3A_643 = arith.constant 0 : i32
        %dma_wait3A_644 = arith.constant 0 : i32
        %dma_wait3A_645 = arith.constant 0 : i32
        %dma_wait3A_646 = tpu.memref_slice %arg8[%dma_wait3A_621, %dma_wait3A_643, %dma_wait3A_644, %dma_wait3A_645] : memref<2x8x8x133xf32, #tpu.memory_space<vmem>> -> memref<1x8x8x133xf32, #tpu.memory_space<vmem>>
        %dma_wait3A_647 = tpu.memref_squeeze %dma_wait3A_646 : memref<1x8x8x133xf32, #tpu.memory_space<vmem>> -> memref<8x8x133xf32, #tpu.memory_space<vmem>>
        %dma_wait3A_648 = arith.constant 0 : i32
        %dma_wait3A_649 = arith.constant 0 : i32
        %dma_wait3A_650 = arith.constant 0 : i32
        %dma_wait3A_651 = tpu.memref_slice %dma_wait3A_647[%dma_wait3A_648, %dma_wait3A_649, %dma_wait3A_650] : memref<8x8x133xf32, #tpu.memory_space<vmem>> -> memref<8x8x128xf32, #tpu.memory_space<vmem>>
        tpu.wait_dma2 semaphore(%arg14 : memref<!tpu.dma_semaphore, #tpu.memory_space<semaphore_mem>>) src(%dma_wait3A_651 : memref<8x8x128xf32, #tpu.memory_space<vmem>>) dst(%dma_wait3A_642 : memref<8x8x128xf32, #tpu.memory_space<hbm>>)
      } else {
      }
      %get3A_500 = arith.index_cast %add3A_472 : i32 to index
      %get3A_501 = arith.constant 0 : index
      %get3A_502 = tpu.vector_load %arg9[%get3A_500, %get3A_501] {strides = array<i32>} : memref<200x64xf32, #tpu.memory_space<vmem>>, vector<16xf32>,
      %get3A_503 = arith.index_cast %add3A_472 : i32 to index
      %get3A_504 = arith.constant 16 : index
      %get3A_505 = tpu.vector_load %arg9[%get3A_503, %get3A_504] {strides = array<i32>} : memref<200x64xf32, #tpu.memory_space<vmem>>, vector<16xf32>,
      %get3A_506 = arith.index_cast %add3A_472 : i32 to index
      %get3A_507 = arith.constant 32 : index
      %get3A_508 = tpu.vector_load %arg9[%get3A_506, %get3A_507] {strides = array<i32>} : memref<200x64xf32, #tpu.memory_space<vmem>>, vector<16xf32>,
      %get3A_509 = arith.index_cast %add3A_472 : i32 to index
      %get3A_510 = arith.constant 48 : index
      %get3A_511 = tpu.vector_load %arg9[%get3A_509, %get3A_510] {strides = array<i32>} : memref<200x64xf32, #tpu.memory_space<vmem>>, vector<16xf32>,
      %parallel_loop3A_512 = arith.constant 0 : i32
      %parallel_loop3A_513 = arith.constant 128 : i32
      %parallel_loop3A_514 = arith.constant 1 : i32
      %parallel_loop3A_515 = arith.constant 2 : i32
      %parallel_loop3A_516 = arith.constant 0 : i32
      scf.for %parallel_loop3A_621 = %parallel_loop3A_512 to %parallel_loop3A_513 step %parallel_loop3A_514  : i32 {
        %parallel_loop3A_622 = vector.broadcast %parallel_loop3A_621 : i32 to vector<16xi32>
        %parallel_loop3A_623 = arith.constant 0 : i32
        %parallel_loop3A_624 = arith.constant 0 : i32
        %parallel_loop3A_625 = tpu.memref_slice %arg7[%parallel_loop3A_515, %parallel_loop3A_623, %parallel_loop3A_624] : memref<4x128x64xf32, #tpu.memory_space<vmem>> -> memref<1x128x64xf32, #tpu.memory_space<vmem>>
        %parallel_loop3A_626 = tpu.memref_squeeze %parallel_loop3A_625 : memref<1x128x64xf32, #tpu.memory_space<vmem>> -> memref<128x64xf32, #tpu.memory_space<vmem>>
        %parallel_loop3A_627 = arith.index_cast %parallel_loop3A_621 : i32 to index
        %parallel_loop3A_628 = arith.constant 0 : index
        %parallel_loop3A_629 = tpu.vector_load %parallel_loop3A_626[%parallel_loop3A_627, %parallel_loop3A_628] {strides = array<i32>} : memref<128x64xf32, #tpu.memory_space<vmem>>, vector<16xf32>,
        %parallel_loop3A_630 = arith.addf %parallel_loop3A_629, %get3A_502 : vector<16xf32>
        %parallel_loop3A_631 = arith.constant 0 : i32
        %parallel_loop3A_632 = arith.constant 0 : i32
        %parallel_loop3A_633 = arith.constant 0 : i32
        %parallel_loop3A_634 = tpu.memref_slice %arg8[%parallel_loop3A_516, %parallel_loop3A_631, %parallel_loop3A_632, %parallel_loop3A_633] : memref<2x8x8x133xf32, #tpu.memory_space<vmem>> -> memref<1x8x8x133xf32, #tpu.memory_space<vmem>>
        %parallel_loop3A_635 = tpu.memref_squeeze %parallel_loop3A_634 : memref<1x8x8x133xf32, #tpu.memory_space<vmem>> -> memref<8x8x133xf32, #tpu.memory_space<vmem>>
        tpu.vector_store_idx %parallel_loop3A_635[%select_n3A, %select_n3A_148, %parallel_loop3A_622], %parallel_loop3A_630 : memref<8x8x133xf32, #tpu.memory_space<vmem>>[vector<16xi32>, vector<16xi32>, vector<16xi32>], vector<16xf32>,
        %parallel_loop3A_636 = arith.constant 0 : i32
        %parallel_loop3A_637 = arith.constant 0 : i32
        %parallel_loop3A_638 = tpu.memref_slice %arg7[%parallel_loop3A_515, %parallel_loop3A_636, %parallel_loop3A_637] : memref<4x128x64xf32, #tpu.memory_space<vmem>> -> memref<1x128x64xf32, #tpu.memory_space<vmem>>
        %parallel_loop3A_639 = tpu.memref_squeeze %parallel_loop3A_638 : memref<1x128x64xf32, #tpu.memory_space<vmem>> -> memref<128x64xf32, #tpu.memory_space<vmem>>
        %parallel_loop3A_640 = arith.index_cast %parallel_loop3A_621 : i32 to index
        %parallel_loop3A_641 = arith.constant 16 : index
        %parallel_loop3A_642 = tpu.vector_load %parallel_loop3A_639[%parallel_loop3A_640, %parallel_loop3A_641] {strides = array<i32>} : memref<128x64xf32, #tpu.memory_space<vmem>>, vector<16xf32>,
        %parallel_loop3A_643 = arith.addf %parallel_loop3A_642, %get3A_505 : vector<16xf32>
        %parallel_loop3A_644 = arith.constant 0 : i32
        %parallel_loop3A_645 = arith.constant 0 : i32
        %parallel_loop3A_646 = arith.constant 0 : i32
        %parallel_loop3A_647 = tpu.memref_slice %arg8[%parallel_loop3A_516, %parallel_loop3A_644, %parallel_loop3A_645, %parallel_loop3A_646] : memref<2x8x8x133xf32, #tpu.memory_space<vmem>> -> memref<1x8x8x133xf32, #tpu.memory_space<vmem>>
        %parallel_loop3A_648 = tpu.memref_squeeze %parallel_loop3A_647 : memref<1x8x8x133xf32, #tpu.memory_space<vmem>> -> memref<8x8x133xf32, #tpu.memory_space<vmem>>
        tpu.vector_store_idx %parallel_loop3A_648[%select_n3A_66, %select_n3A_170, %parallel_loop3A_622], %parallel_loop3A_643 : memref<8x8x133xf32, #tpu.memory_space<vmem>>[vector<16xi32>, vector<16xi32>, vector<16xi32>], vector<16xf32>,
        %parallel_loop3A_649 = arith.constant 0 : i32
        %parallel_loop3A_650 = arith.constant 0 : i32
        %parallel_loop3A_651 = tpu.memref_slice %arg7[%parallel_loop3A_515, %parallel_loop3A_649, %parallel_loop3A_650] : memref<4x128x64xf32, #tpu.memory_space<vmem>> -> memref<1x128x64xf32, #tpu.memory_space<vmem>>
        %parallel_loop3A_652 = tpu.memref_squeeze %parallel_loop3A_651 : memref<1x128x64xf32, #tpu.memory_space<vmem>> -> memref<128x64xf32, #tpu.memory_space<vmem>>
        %parallel_loop3A_653 = arith.index_cast %parallel_loop3A_621 : i32 to index
        %parallel_loop3A_654 = arith.constant 32 : index
        %parallel_loop3A_655 = tpu.vector_load %parallel_loop3A_652[%parallel_loop3A_653, %parallel_loop3A_654] {strides = array<i32>} : memref<128x64xf32, #tpu.memory_space<vmem>>, vector<16xf32>,
        %parallel_loop3A_656 = arith.addf %parallel_loop3A_655, %get3A_508 : vector<16xf32>
        %parallel_loop3A_657 = arith.constant 0 : i32
        %parallel_loop3A_658 = arith.constant 0 : i32
        %parallel_loop3A_659 = arith.constant 0 : i32
        %parallel_loop3A_660 = tpu.memref_slice %arg8[%parallel_loop3A_516, %parallel_loop3A_657, %parallel_loop3A_658, %parallel_loop3A_659] : memref<2x8x8x133xf32, #tpu.memory_space<vmem>> -> memref<1x8x8x133xf32, #tpu.memory_space<vmem>>
        %parallel_loop3A_661 = tpu.memref_squeeze %parallel_loop3A_660 : memref<1x8x8x133xf32, #tpu.memory_space<vmem>> -> memref<8x8x133xf32, #tpu.memory_space<vmem>>
        tpu.vector_store_idx %parallel_loop3A_661[%select_n3A_97, %select_n3A_192, %parallel_loop3A_622], %parallel_loop3A_656 : memref<8x8x133xf32, #tpu.memory_space<vmem>>[vector<16xi32>, vector<16xi32>, vector<16xi32>], vector<16xf32>,
        %parallel_loop3A_662 = arith.constant 0 : i32
        %parallel_loop3A_663 = arith.constant 0 : i32
        %parallel_loop3A_664 = tpu.memref_slice %arg7[%parallel_loop3A_515, %parallel_loop3A_662, %parallel_loop3A_663] : memref<4x128x64xf32, #tpu.memory_space<vmem>> -> memref<1x128x64xf32, #tpu.memory_space<vmem>>
        %parallel_loop3A_665 = tpu.memref_squeeze %parallel_loop3A_664 : memref<1x128x64xf32, #tpu.memory_space<vmem>> -> memref<128x64xf32, #tpu.memory_space<vmem>>
        %parallel_loop3A_666 = arith.index_cast %parallel_loop3A_621 : i32 to index
        %parallel_loop3A_667 = arith.constant 48 : index
        %parallel_loop3A_668 = tpu.vector_load %parallel_loop3A_665[%parallel_loop3A_666, %parallel_loop3A_667] {strides = array<i32>} : memref<128x64xf32, #tpu.memory_space<vmem>>, vector<16xf32>,
        %parallel_loop3A_669 = arith.addf %parallel_loop3A_668, %get3A_511 : vector<16xf32>
        %parallel_loop3A_670 = arith.constant 0 : i32
        %parallel_loop3A_671 = arith.constant 0 : i32
        %parallel_loop3A_672 = arith.constant 0 : i32
        %parallel_loop3A_673 = tpu.memref_slice %arg8[%parallel_loop3A_516, %parallel_loop3A_670, %parallel_loop3A_671, %parallel_loop3A_672] : memref<2x8x8x133xf32, #tpu.memory_space<vmem>> -> memref<1x8x8x133xf32, #tpu.memory_space<vmem>>
        %parallel_loop3A_674 = tpu.memref_squeeze %parallel_loop3A_673 : memref<1x8x8x133xf32, #tpu.memory_space<vmem>> -> memref<8x8x133xf32, #tpu.memory_space<vmem>>
        tpu.vector_store_idx %parallel_loop3A_674[%select_n3A_128, %select_n3A_214, %parallel_loop3A_622], %parallel_loop3A_669 : memref<8x8x133xf32, #tpu.memory_space<vmem>>[vector<16xi32>, vector<16xi32>, vector<16xi32>], vector<16xf32>,
      } {sc.loop_unroll_factor = 16 : i64, sc.parallel_access}
      %dma_start3A_517 = arith.constant 0 : i32
      %dma_start3A_518 = arith.constant 0 : i32
      %dma_start3A_519 = arith.constant 0 : i32
      %dma_start3A_520 = arith.constant 0 : i32
      %dma_start3A_521 = tpu.memref_slice %arg8[%dma_start3A_517, %dma_start3A_518, %dma_start3A_519, %dma_start3A_520] : memref<2x8x8x133xf32, #tpu.memory_space<vmem>> -> memref<1x8x8x133xf32, #tpu.memory_space<vmem>>
      %dma_start3A_522 = tpu.memref_squeeze %dma_start3A_521 : memref<1x8x8x133xf32, #tpu.memory_space<vmem>> -> memref<8x8x133xf32, #tpu.memory_space<vmem>>
      %dma_start3A_523 = arith.constant 0 : i32
      %dma_start3A_524 = arith.constant 0 : i32
      %dma_start3A_525 = arith.constant 0 : i32
      %dma_start3A_526 = tpu.memref_slice %dma_start3A_522[%dma_start3A_523, %dma_start3A_524, %dma_start3A_525] : memref<8x8x133xf32, #tpu.memory_space<vmem>> -> memref<8x8x128xf32, #tpu.memory_space<vmem>>
      %dma_start3A_527 = arith.constant 0 : i32
      %dma_start3A_528 = arith.constant 0 : i32
      %dma_start3A_529 = arith.constant 0 : i32
      %dma_start3A_530 = tpu.memref_slice %arg5[%add3A_472, %dma_start3A_527, %add3A, %dma_start3A_528, %dma_start3A_529] : memref<200x8x32x8x128xf32, #tpu.memory_space<hbm>> -> memref<1x8x1x8x128xf32, #tpu.memory_space<hbm>>
      %dma_start3A_531 = tpu.memref_squeeze %dma_start3A_530 : memref<1x8x1x8x128xf32, #tpu.memory_space<hbm>> -> memref<8x8x128xf32, #tpu.memory_space<hbm>>
      %dma_start3A_532 = arith.constant 0 : i32
      %dma_start3A_533 = arith.constant 0 : i32
      %dma_start3A_534 = arith.constant 0 : i32
      %dma_start3A_535 = tpu.memref_slice %arg5[%add3A_472, %dma_start3A_532, %add3A, %dma_start3A_533, %dma_start3A_534] : memref<200x8x32x8x128xf32, #tpu.memory_space<hbm>> -> memref<1x8x1x8x128xf32, #tpu.memory_space<hbm>>
      %dma_start3A_536 = tpu.memref_squeeze %dma_start3A_535 : memref<1x8x1x8x128xf32, #tpu.memory_space<hbm>> -> memref<8x8x128xf32, #tpu.memory_space<hbm>>
      %dma_start3A_537 = arith.constant 0 : i32
      %dma_start3A_538 = arith.constant 0 : i32
      %dma_start3A_539 = arith.constant 0 : i32
      %dma_start3A_540 = tpu.memref_slice %arg8[%dma_start3A_517, %dma_start3A_537, %dma_start3A_538, %dma_start3A_539] : memref<2x8x8x133xf32, #tpu.memory_space<vmem>> -> memref<1x8x8x133xf32, #tpu.memory_space<vmem>>
      %dma_start3A_541 = tpu.memref_squeeze %dma_start3A_540 : memref<1x8x8x133xf32, #tpu.memory_space<vmem>> -> memref<8x8x133xf32, #tpu.memory_space<vmem>>
      %dma_start3A_542 = arith.constant 0 : i32
      %dma_start3A_543 = arith.constant 0 : i32
      %dma_start3A_544 = arith.constant 0 : i32
      %dma_start3A_545 = tpu.memref_slice %dma_start3A_541[%dma_start3A_542, %dma_start3A_543, %dma_start3A_544] : memref<8x8x133xf32, #tpu.memory_space<vmem>> -> memref<8x8x128xf32, #tpu.memory_space<vmem>>
      tpu.enqueue_dma source(%dma_start3A_545 : memref<8x8x128xf32, #tpu.memory_space<vmem>>) target(%dma_start3A_536 : memref<8x8x128xf32, #tpu.memory_space<hbm>>) target_semaphore(%arg14 : memref<!tpu.dma_semaphore, #tpu.memory_space<semaphore_mem>>)
      %add3A_546 = arith.constant 3 : i32
      %add3A_547 = arith.addi %add3A_325, %add3A_546 : i32
      %add3A_548 = arith.constant 3 : i32
      %add3A_549 = arith.addi %add3A_547, %add3A_548 : i32
      %lt3A_550 = arith.constant 200 : i32
      %lt3A_551 = arith.cmpi slt, %add3A_549, %lt3A_550 : i32
      %convert_element_type3A_552 = arith.extui %lt3A_551 : i1 to i32
      %cond3A_553 = arith.constant 0 : i32
      %cond3A_554 = arith.cmpi ne, %convert_element_type3A_552, %cond3A_553 : i32
      scf.if %cond3A_554 {
        %add3A_621 = arith.constant 3 : i32
        %add3A_622 = arith.addi %add3A_547, %add3A_621 : i32
        %jit3A_623 = arith.constant 8 : i32
        %div3A_624 = arith.divsi %add3A_622, %jit3A_623 : i32
        %sign3A_625 = arith.constant 0 : i32
        %sign3A_626 = arith.cmpi sgt, %add3A_622, %sign3A_625 : i32
        %sign3A_627 = arith.extui %sign3A_626 : i1 to i32
        %sign3A_628 = arith.constant 0 : i32
        %sign3A_629 = arith.cmpi slt, %add3A_622, %sign3A_628 : i32
        %sign3A_630 = arith.extui %sign3A_629 : i1 to i32
        %sign3A_631 = arith.subi %sign3A_627, %sign3A_630 : i32
        %sign3A_632 = arith.constant 0 : i32
        %sign3A_633 = arith.cmpi sgt, %jit3A_623, %sign3A_632 : i32
        %sign3A_634 = arith.extui %sign3A_633 : i1 to i32
        %sign3A_635 = arith.constant 0 : i32
        %sign3A_636 = arith.cmpi slt, %jit3A_623, %sign3A_635 : i32
        %sign3A_637 = arith.extui %sign3A_636 : i1 to i32
        %sign3A_638 = arith.subi %sign3A_634, %sign3A_637 : i32
        %ne3A_639 = arith.cmpi ne, %sign3A_631, %sign3A_638 : i32
        %rem3A_640 = arith.remsi %add3A_622, %jit3A_623 : i32
        %ne3A_641 = arith.constant 0 : i32
        %ne3A_642 = arith.cmpi ne, %rem3A_640, %ne3A_641 : i32
        %and3A_643 = arith.andi %ne3A_639, %ne3A_642 : i1
        %sub3A_644 = arith.constant 1 : i32
        %sub3A_645 = arith.subi %div3A_624, %sub3A_644 : i32
        %select_n3A_646 = arith.select %and3A_643, %sub3A_645, %div3A_624 : i32
        %jit3A_647 = arith.constant 8 : i32
        %eq3A_648 = arith.constant 0 : i32
        %eq3A_649 = arith.cmpi eq, %jit3A_647, %eq3A_648 : i32
        %jit3A_650 = arith.constant 1 : i32
        %select_n3A_651 = arith.select %eq3A_649, %jit3A_650, %jit3A_647 : i32
        %rem3A_652 = arith.remsi %add3A_622, %select_n3A_651 : i32
        %ne3A_653 = arith.constant 0 : i32
        %ne3A_654 = arith.cmpi ne, %rem3A_652, %ne3A_653 : i32
        %lt3A_655 = arith.constant 0 : i32
        %lt3A_656 = arith.cmpi slt, %rem3A_652, %lt3A_655 : i32
        %lt3A_657 = arith.constant 0 : i32
        %lt3A_658 = arith.cmpi slt, %select_n3A_651, %lt3A_657 : i32
        %ne3A_659 = arith.xori %lt3A_656, %lt3A_658 : i1
        %and3A_660 = arith.andi %ne3A_659, %ne3A_654 : i1
        %add3A_661 = arith.addi %rem3A_652, %select_n3A_651 : i32
        %select_n3A_662 = arith.select %and3A_660, %add3A_661, %rem3A_652 : i32
        %dma_start3A_663 = arith.constant 0 : i32
        %dma_start3A_664 = arith.constant 2 : i32
        %dma_start3A_665 = arith.constant 0 : i32
        %dma_start3A_666 = arith.constant 0 : i32
        %dma_start3A_667 = tpu.memref_slice %arg7[%dma_start3A_664, %dma_start3A_665, %dma_start3A_666] : memref<4x128x64xf32, #tpu.memory_space<vmem>> -> memref<1x128x64xf32, #tpu.memory_space<vmem>>
        %dma_start3A_668 = tpu.memref_squeeze %dma_start3A_667 : memref<1x128x64xf32, #tpu.memory_space<vmem>> -> memref<128x64xf32, #tpu.memory_space<vmem>>
        %dma_start3A_669 = arith.constant 0 : i32
        %dma_start3A_670 = tpu.memref_slice %arg6[%select_n3A_646, %dma_start3A_663, %select_n3A_662, %dma_start3A_669] : memref<25x1x8x128xi32, #tpu.memory_space<vmem>> -> memref<1x1x1x128xi32, #tpu.memory_space<vmem>>
        %dma_start3A_671 = tpu.memref_squeeze %dma_start3A_670 : memref<1x1x1x128xi32, #tpu.memory_space<vmem>> -> memref<128xi32, #tpu.memory_space<vmem>>
        %dma_start3A_672 = arith.constant 0 : i32
        %dma_start3A_673 = arith.constant 0 : i32
        %dma_start3A_674 = tpu.memref_slice %arg3[%dma_start3A_672, %dma_start3A_673] : memref<100000x64xf32, #tpu.memory_space<hbm>> -> memref<100000x64xf32, #tpu.memory_space<hbm>>
        tpu.enqueue_indirect_dma source(%dma_start3A_674 : memref<100000x64xf32, #tpu.memory_space<hbm>>) target(%dma_start3A_668 : memref<128x64xf32, #tpu.memory_space<vmem>>) offsets(%dma_start3A_671 : memref<128xi32, #tpu.memory_space<vmem>>) semaphore(%arg12 : memref<!tpu.dma_semaphore, #tpu.memory_space<semaphore_mem>>)
      } else {
      }
      %dma_wait3A_555 = arith.constant 3 : i32
      %dma_wait3A_556 = arith.constant 0 : i32
      %dma_wait3A_557 = arith.constant 0 : i32
      %dma_wait3A_558 = tpu.memref_slice %arg7[%dma_wait3A_555, %dma_wait3A_556, %dma_wait3A_557] : memref<4x128x64xf32, #tpu.memory_space<vmem>> -> memref<1x128x64xf32, #tpu.memory_space<vmem>>
      %dma_wait3A_559 = tpu.memref_squeeze %dma_wait3A_558 : memref<1x128x64xf32, #tpu.memory_space<vmem>> -> memref<128x64xf32, #tpu.memory_space<vmem>>
      %dma_wait3A_560 = arith.constant 0 : i32
      %dma_wait3A_561 = arith.constant 0 : i32
      %dma_wait3A_562 = tpu.memref_slice %arg3[%dma_wait3A_560, %dma_wait3A_561] : memref<100000x64xf32, #tpu.memory_space<hbm>> -> memref<128x64xf32, #tpu.memory_space<hbm>>
      %dma_wait3A_563 = arith.constant 0 : i32
      %dma_wait3A_564 = arith.constant 0 : i32
      %dma_wait3A_565 = tpu.memref_slice %arg7[%dma_wait3A_555, %dma_wait3A_563, %dma_wait3A_564] : memref<4x128x64xf32, #tpu.memory_space<vmem>> -> memref<1x128x64xf32, #tpu.memory_space<vmem>>
      %dma_wait3A_566 = tpu.memref_squeeze %dma_wait3A_565 : memref<1x128x64xf32, #tpu.memory_space<vmem>> -> memref<128x64xf32, #tpu.memory_space<vmem>>
      %dma_wait3A_567 = arith.constant 0 : i32
      %dma_wait3A_568 = arith.constant 0 : i32
      %dma_wait3A_569 = tpu.memref_slice %arg3[%dma_wait3A_567, %dma_wait3A_568] : memref<100000x64xf32, #tpu.memory_space<hbm>> -> memref<128x64xf32, #tpu.memory_space<hbm>>
      tpu.wait_dma2 semaphore(%arg13 : memref<!tpu.dma_semaphore, #tpu.memory_space<semaphore_mem>>) src(%dma_wait3A_569 : memref<128x64xf32, #tpu.memory_space<hbm>>) dst(%dma_wait3A_566 : memref<128x64xf32, #tpu.memory_space<vmem>>)
      %ge3A_570 = arith.constant 2 : i32
      %ge3A_571 = arith.cmpi sge, %add3A_547, %ge3A_570 : i32
      %convert_element_type3A_572 = arith.extui %ge3A_571 : i1 to i32
      %cond3A_573 = arith.constant 0 : i32
      %cond3A_574 = arith.cmpi ne, %convert_element_type3A_572, %cond3A_573 : i32
      scf.if %cond3A_574 {
        %dma_wait3A_621 = arith.constant 1 : i32
        %dma_wait3A_622 = arith.constant 0 : i32
        %dma_wait3A_623 = arith.constant 0 : i32
        %dma_wait3A_624 = arith.constant 0 : i32
        %dma_wait3A_625 = arith.constant 0 : i32
        %dma_wait3A_626 = arith.constant 0 : i32
        %dma_wait3A_627 = tpu.memref_slice %arg8[%dma_wait3A_621, %dma_wait3A_624, %dma_wait3A_625, %dma_wait3A_626] : memref<2x8x8x133xf32, #tpu.memory_space<vmem>> -> memref<1x8x8x133xf32, #tpu.memory_space<vmem>>
        %dma_wait3A_628 = tpu.memref_squeeze %dma_wait3A_627 : memref<1x8x8x133xf32, #tpu.memory_space<vmem>> -> memref<8x8x133xf32, #tpu.memory_space<vmem>>
        %dma_wait3A_629 = arith.constant 0 : i32
        %dma_wait3A_630 = arith.constant 0 : i32
        %dma_wait3A_631 = arith.constant 0 : i32
        %dma_wait3A_632 = tpu.memref_slice %dma_wait3A_628[%dma_wait3A_629, %dma_wait3A_630, %dma_wait3A_631] : memref<8x8x133xf32, #tpu.memory_space<vmem>> -> memref<8x8x128xf32, #tpu.memory_space<vmem>>
        %dma_wait3A_633 = arith.constant 0 : i32
        %dma_wait3A_634 = arith.constant 0 : i32
        %dma_wait3A_635 = arith.constant 0 : i32
        %dma_wait3A_636 = tpu.memref_slice %arg5[%dma_wait3A_622, %dma_wait3A_633, %dma_wait3A_623, %dma_wait3A_634, %dma_wait3A_635] : memref<200x8x32x8x128xf32, #tpu.memory_space<hbm>> -> memref<1x8x1x8x128xf32, #tpu.memory_space<hbm>>
        %dma_wait3A_637 = tpu.memref_squeeze %dma_wait3A_636 : memref<1x8x1x8x128xf32, #tpu.memory_space<hbm>> -> memref<8x8x128xf32, #tpu.memory_space<hbm>>
        %dma_wait3A_638 = arith.constant 0 : i32
        %dma_wait3A_639 = arith.constant 0 : i32
        %dma_wait3A_640 = arith.constant 0 : i32
        %dma_wait3A_641 = tpu.memref_slice %arg5[%dma_wait3A_622, %dma_wait3A_638, %dma_wait3A_623, %dma_wait3A_639, %dma_wait3A_640] : memref<200x8x32x8x128xf32, #tpu.memory_space<hbm>> -> memref<1x8x1x8x128xf32, #tpu.memory_space<hbm>>
        %dma_wait3A_642 = tpu.memref_squeeze %dma_wait3A_641 : memref<1x8x1x8x128xf32, #tpu.memory_space<hbm>> -> memref<8x8x128xf32, #tpu.memory_space<hbm>>
        %dma_wait3A_643 = arith.constant 0 : i32
        %dma_wait3A_644 = arith.constant 0 : i32
        %dma_wait3A_645 = arith.constant 0 : i32
        %dma_wait3A_646 = tpu.memref_slice %arg8[%dma_wait3A_621, %dma_wait3A_643, %dma_wait3A_644, %dma_wait3A_645] : memref<2x8x8x133xf32, #tpu.memory_space<vmem>> -> memref<1x8x8x133xf32, #tpu.memory_space<vmem>>
        %dma_wait3A_647 = tpu.memref_squeeze %dma_wait3A_646 : memref<1x8x8x133xf32, #tpu.memory_space<vmem>> -> memref<8x8x133xf32, #tpu.memory_space<vmem>>
        %dma_wait3A_648 = arith.constant 0 : i32
        %dma_wait3A_649 = arith.constant 0 : i32
        %dma_wait3A_650 = arith.constant 0 : i32
        %dma_wait3A_651 = tpu.memref_slice %dma_wait3A_647[%dma_wait3A_648, %dma_wait3A_649, %dma_wait3A_650] : memref<8x8x133xf32, #tpu.memory_space<vmem>> -> memref<8x8x128xf32, #tpu.memory_space<vmem>>
        tpu.wait_dma2 semaphore(%arg15 : memref<!tpu.dma_semaphore, #tpu.memory_space<semaphore_mem>>) src(%dma_wait3A_651 : memref<8x8x128xf32, #tpu.memory_space<vmem>>) dst(%dma_wait3A_642 : memref<8x8x128xf32, #tpu.memory_space<hbm>>)
      } else {
      }
      %get3A_575 = arith.index_cast %add3A_547 : i32 to index
      %get3A_576 = arith.constant 0 : index
      %get3A_577 = tpu.vector_load %arg9[%get3A_575, %get3A_576] {strides = array<i32>} : memref<200x64xf32, #tpu.memory_space<vmem>>, vector<16xf32>,
      %get3A_578 = arith.index_cast %add3A_547 : i32 to index
      %get3A_579 = arith.constant 16 : index
      %get3A_580 = tpu.vector_load %arg9[%get3A_578, %get3A_579] {strides = array<i32>} : memref<200x64xf32, #tpu.memory_space<vmem>>, vector<16xf32>,
      %get3A_581 = arith.index_cast %add3A_547 : i32 to index
      %get3A_582 = arith.constant 32 : index
      %get3A_583 = tpu.vector_load %arg9[%get3A_581, %get3A_582] {strides = array<i32>} : memref<200x64xf32, #tpu.memory_space<vmem>>, vector<16xf32>,
      %get3A_584 = arith.index_cast %add3A_547 : i32 to index
      %get3A_585 = arith.constant 48 : index
      %get3A_586 = tpu.vector_load %arg9[%get3A_584, %get3A_585] {strides = array<i32>} : memref<200x64xf32, #tpu.memory_space<vmem>>, vector<16xf32>,
      %parallel_loop3A_587 = arith.constant 0 : i32
      %parallel_loop3A_588 = arith.constant 128 : i32
      %parallel_loop3A_589 = arith.constant 1 : i32
      %parallel_loop3A_590 = arith.constant 3 : i32
      %parallel_loop3A_591 = arith.constant 1 : i32
      scf.for %parallel_loop3A_621 = %parallel_loop3A_587 to %parallel_loop3A_588 step %parallel_loop3A_589  : i32 {
        %parallel_loop3A_622 = vector.broadcast %parallel_loop3A_621 : i32 to vector<16xi32>
        %parallel_loop3A_623 = arith.constant 0 : i32
        %parallel_loop3A_624 = arith.constant 0 : i32
        %parallel_loop3A_625 = tpu.memref_slice %arg7[%parallel_loop3A_590, %parallel_loop3A_623, %parallel_loop3A_624] : memref<4x128x64xf32, #tpu.memory_space<vmem>> -> memref<1x128x64xf32, #tpu.memory_space<vmem>>
        %parallel_loop3A_626 = tpu.memref_squeeze %parallel_loop3A_625 : memref<1x128x64xf32, #tpu.memory_space<vmem>> -> memref<128x64xf32, #tpu.memory_space<vmem>>
        %parallel_loop3A_627 = arith.index_cast %parallel_loop3A_621 : i32 to index
        %parallel_loop3A_628 = arith.constant 0 : index
        %parallel_loop3A_629 = tpu.vector_load %parallel_loop3A_626[%parallel_loop3A_627, %parallel_loop3A_628] {strides = array<i32>} : memref<128x64xf32, #tpu.memory_space<vmem>>, vector<16xf32>,
        %parallel_loop3A_630 = arith.addf %parallel_loop3A_629, %get3A_577 : vector<16xf32>
        %parallel_loop3A_631 = arith.constant 0 : i32
        %parallel_loop3A_632 = arith.constant 0 : i32
        %parallel_loop3A_633 = arith.constant 0 : i32
        %parallel_loop3A_634 = tpu.memref_slice %arg8[%parallel_loop3A_591, %parallel_loop3A_631, %parallel_loop3A_632, %parallel_loop3A_633] : memref<2x8x8x133xf32, #tpu.memory_space<vmem>> -> memref<1x8x8x133xf32, #tpu.memory_space<vmem>>
        %parallel_loop3A_635 = tpu.memref_squeeze %parallel_loop3A_634 : memref<1x8x8x133xf32, #tpu.memory_space<vmem>> -> memref<8x8x133xf32, #tpu.memory_space<vmem>>
        tpu.vector_store_idx %parallel_loop3A_635[%select_n3A, %select_n3A_148, %parallel_loop3A_622], %parallel_loop3A_630 : memref<8x8x133xf32, #tpu.memory_space<vmem>>[vector<16xi32>, vector<16xi32>, vector<16xi32>], vector<16xf32>,
        %parallel_loop3A_636 = arith.constant 0 : i32
        %parallel_loop3A_637 = arith.constant 0 : i32
        %parallel_loop3A_638 = tpu.memref_slice %arg7[%parallel_loop3A_590, %parallel_loop3A_636, %parallel_loop3A_637] : memref<4x128x64xf32, #tpu.memory_space<vmem>> -> memref<1x128x64xf32, #tpu.memory_space<vmem>>
        %parallel_loop3A_639 = tpu.memref_squeeze %parallel_loop3A_638 : memref<1x128x64xf32, #tpu.memory_space<vmem>> -> memref<128x64xf32, #tpu.memory_space<vmem>>
        %parallel_loop3A_640 = arith.index_cast %parallel_loop3A_621 : i32 to index
        %parallel_loop3A_641 = arith.constant 16 : index
        %parallel_loop3A_642 = tpu.vector_load %parallel_loop3A_639[%parallel_loop3A_640, %parallel_loop3A_641] {strides = array<i32>} : memref<128x64xf32, #tpu.memory_space<vmem>>, vector<16xf32>,
        %parallel_loop3A_643 = arith.addf %parallel_loop3A_642, %get3A_580 : vector<16xf32>
        %parallel_loop3A_644 = arith.constant 0 : i32
        %parallel_loop3A_645 = arith.constant 0 : i32
        %parallel_loop3A_646 = arith.constant 0 : i32
        %parallel_loop3A_647 = tpu.memref_slice %arg8[%parallel_loop3A_591, %parallel_loop3A_644, %parallel_loop3A_645, %parallel_loop3A_646] : memref<2x8x8x133xf32, #tpu.memory_space<vmem>> -> memref<1x8x8x133xf32, #tpu.memory_space<vmem>>
        %parallel_loop3A_648 = tpu.memref_squeeze %parallel_loop3A_647 : memref<1x8x8x133xf32, #tpu.memory_space<vmem>> -> memref<8x8x133xf32, #tpu.memory_space<vmem>>
        tpu.vector_store_idx %parallel_loop3A_648[%select_n3A_66, %select_n3A_170, %parallel_loop3A_622], %parallel_loop3A_643 : memref<8x8x133xf32, #tpu.memory_space<vmem>>[vector<16xi32>, vector<16xi32>, vector<16xi32>], vector<16xf32>,
        %parallel_loop3A_649 = arith.constant 0 : i32
        %parallel_loop3A_650 = arith.constant 0 : i32
        %parallel_loop3A_651 = tpu.memref_slice %arg7[%parallel_loop3A_590, %parallel_loop3A_649, %parallel_loop3A_650] : memref<4x128x64xf32, #tpu.memory_space<vmem>> -> memref<1x128x64xf32, #tpu.memory_space<vmem>>
        %parallel_loop3A_652 = tpu.memref_squeeze %parallel_loop3A_651 : memref<1x128x64xf32, #tpu.memory_space<vmem>> -> memref<128x64xf32, #tpu.memory_space<vmem>>
        %parallel_loop3A_653 = arith.index_cast %parallel_loop3A_621 : i32 to index
        %parallel_loop3A_654 = arith.constant 32 : index
        %parallel_loop3A_655 = tpu.vector_load %parallel_loop3A_652[%parallel_loop3A_653, %parallel_loop3A_654] {strides = array<i32>} : memref<128x64xf32, #tpu.memory_space<vmem>>, vector<16xf32>,
        %parallel_loop3A_656 = arith.addf %parallel_loop3A_655, %get3A_583 : vector<16xf32>
        %parallel_loop3A_657 = arith.constant 0 : i32
        %parallel_loop3A_658 = arith.constant 0 : i32
        %parallel_loop3A_659 = arith.constant 0 : i32
        %parallel_loop3A_660 = tpu.memref_slice %arg8[%parallel_loop3A_591, %parallel_loop3A_657, %parallel_loop3A_658, %parallel_loop3A_659] : memref<2x8x8x133xf32, #tpu.memory_space<vmem>> -> memref<1x8x8x133xf32, #tpu.memory_space<vmem>>
        %parallel_loop3A_661 = tpu.memref_squeeze %parallel_loop3A_660 : memref<1x8x8x133xf32, #tpu.memory_space<vmem>> -> memref<8x8x133xf32, #tpu.memory_space<vmem>>
        tpu.vector_store_idx %parallel_loop3A_661[%select_n3A_97, %select_n3A_192, %parallel_loop3A_622], %parallel_loop3A_656 : memref<8x8x133xf32, #tpu.memory_space<vmem>>[vector<16xi32>, vector<16xi32>, vector<16xi32>], vector<16xf32>,
        %parallel_loop3A_662 = arith.constant 0 : i32
        %parallel_loop3A_663 = arith.constant 0 : i32
        %parallel_loop3A_664 = tpu.memref_slice %arg7[%parallel_loop3A_590, %parallel_loop3A_662, %parallel_loop3A_663] : memref<4x128x64xf32, #tpu.memory_space<vmem>> -> memref<1x128x64xf32, #tpu.memory_space<vmem>>
        %parallel_loop3A_665 = tpu.memref_squeeze %parallel_loop3A_664 : memref<1x128x64xf32, #tpu.memory_space<vmem>> -> memref<128x64xf32, #tpu.memory_space<vmem>>
        %parallel_loop3A_666 = arith.index_cast %parallel_loop3A_621 : i32 to index
        %parallel_loop3A_667 = arith.constant 48 : index
        %parallel_loop3A_668 = tpu.vector_load %parallel_loop3A_665[%parallel_loop3A_666, %parallel_loop3A_667] {strides = array<i32>} : memref<128x64xf32, #tpu.memory_space<vmem>>, vector<16xf32>,
        %parallel_loop3A_669 = arith.addf %parallel_loop3A_668, %get3A_586 : vector<16xf32>
        %parallel_loop3A_670 = arith.constant 0 : i32
        %parallel_loop3A_671 = arith.constant 0 : i32
        %parallel_loop3A_672 = arith.constant 0 : i32
        %parallel_loop3A_673 = tpu.memref_slice %arg8[%parallel_loop3A_591, %parallel_loop3A_670, %parallel_loop3A_671, %parallel_loop3A_672] : memref<2x8x8x133xf32, #tpu.memory_space<vmem>> -> memref<1x8x8x133xf32, #tpu.memory_space<vmem>>
        %parallel_loop3A_674 = tpu.memref_squeeze %parallel_loop3A_673 : memref<1x8x8x133xf32, #tpu.memory_space<vmem>> -> memref<8x8x133xf32, #tpu.memory_space<vmem>>
        tpu.vector_store_idx %parallel_loop3A_674[%select_n3A_128, %select_n3A_214, %parallel_loop3A_622], %parallel_loop3A_669 : memref<8x8x133xf32, #tpu.memory_space<vmem>>[vector<16xi32>, vector<16xi32>, vector<16xi32>], vector<16xf32>,
      } {sc.loop_unroll_factor = 16 : i64, sc.parallel_access}
      %dma_start3A_592 = arith.constant 1 : i32
      %dma_start3A_593 = arith.constant 0 : i32
      %dma_start3A_594 = arith.constant 0 : i32
      %dma_start3A_595 = arith.constant 0 : i32
      %dma_start3A_596 = tpu.memref_slice %arg8[%dma_start3A_592, %dma_start3A_593, %dma_start3A_594, %dma_start3A_595] : memref<2x8x8x133xf32, #tpu.memory_space<vmem>> -> memref<1x8x8x133xf32, #tpu.memory_space<vmem>>
      %dma_start3A_597 = tpu.memref_squeeze %dma_start3A_596 : memref<1x8x8x133xf32, #tpu.memory_space<vmem>> -> memref<8x8x133xf32, #tpu.memory_space<vmem>>
      %dma_start3A_598 = arith.constant 0 : i32
      %dma_start3A_599 = arith.constant 0 : i32
      %dma_start3A_600 = arith.constant 0 : i32
      %dma_start3A_601 = tpu.memref_slice %dma_start3A_597[%dma_start3A_598, %dma_start3A_599, %dma_start3A_600] : memref<8x8x133xf32, #tpu.memory_space<vmem>> -> memref<8x8x128xf32, #tpu.memory_space<vmem>>
      %dma_start3A_602 = arith.constant 0 : i32
      %dma_start3A_603 = arith.constant 0 : i32
      %dma_start3A_604 = arith.constant 0 : i32
      %dma_start3A_605 = tpu.memref_slice %arg5[%add3A_547, %dma_start3A_602, %add3A, %dma_start3A_603, %dma_start3A_604] : memref<200x8x32x8x128xf32, #tpu.memory_space<hbm>> -> memref<1x8x1x8x128xf32, #tpu.memory_space<hbm>>
      %dma_start3A_606 = tpu.memref_squeeze %dma_start3A_605 : memref<1x8x1x8x128xf32, #tpu.memory_space<hbm>> -> memref<8x8x128xf32, #tpu.memory_space<hbm>>
      %dma_start3A_607 = arith.constant 0 : i32
      %dma_start3A_608 = arith.constant 0 : i32
      %dma_start3A_609 = arith.constant 0 : i32
      %dma_start3A_610 = tpu.memref_slice %arg5[%add3A_547, %dma_start3A_607, %add3A, %dma_start3A_608, %dma_start3A_609] : memref<200x8x32x8x128xf32, #tpu.memory_space<hbm>> -> memref<1x8x1x8x128xf32, #tpu.memory_space<hbm>>
      %dma_start3A_611 = tpu.memref_squeeze %dma_start3A_610 : memref<1x8x1x8x128xf32, #tpu.memory_space<hbm>> -> memref<8x8x128xf32, #tpu.memory_space<hbm>>
      %dma_start3A_612 = arith.constant 0 : i32
      %dma_start3A_613 = arith.constant 0 : i32
      %dma_start3A_614 = arith.constant 0 : i32
      %dma_start3A_615 = tpu.memref_slice %arg8[%dma_start3A_592, %dma_start3A_612, %dma_start3A_613, %dma_start3A_614] : memref<2x8x8x133xf32, #tpu.memory_space<vmem>> -> memref<1x8x8x133xf32, #tpu.memory_space<vmem>>
      %dma_start3A_616 = tpu.memref_squeeze %dma_start3A_615 : memref<1x8x8x133xf32, #tpu.memory_space<vmem>> -> memref<8x8x133xf32, #tpu.memory_space<vmem>>
      %dma_start3A_617 = arith.constant 0 : i32
      %dma_start3A_618 = arith.constant 0 : i32
      %dma_start3A_619 = arith.constant 0 : i32
      %dma_start3A_620 = tpu.memref_slice %dma_start3A_616[%dma_start3A_617, %dma_start3A_618, %dma_start3A_619] : memref<8x8x133xf32, #tpu.memory_space<vmem>> -> memref<8x8x128xf32, #tpu.memory_space<vmem>>
      tpu.enqueue_dma source(%dma_start3A_620 : memref<8x8x128xf32, #tpu.memory_space<vmem>>) target(%dma_start3A_611 : memref<8x8x128xf32, #tpu.memory_space<hbm>>) target_semaphore(%arg15 : memref<!tpu.dma_semaphore, #tpu.memory_space<semaphore_mem>>)
    }
    %scan3A_259 = arith.constant 50 : i32
    %dma_wait3A = arith.constant 0 : i32
    %dma_wait3A_260 = arith.constant 0 : i32
    %dma_wait3A_261 = arith.constant 0 : i32
    %dma_wait3A_262 = arith.constant 0 : i32
    %dma_wait3A_263 = arith.constant 0 : i32
    %dma_wait3A_264 = arith.constant 0 : i32
    %dma_wait3A_265 = tpu.memref_slice %arg8[%dma_wait3A, %dma_wait3A_262, %dma_wait3A_263, %dma_wait3A_264] : memref<2x8x8x133xf32, #tpu.memory_space<vmem>> -> memref<1x8x8x133xf32, #tpu.memory_space<vmem>>
    %dma_wait3A_266 = tpu.memref_squeeze %dma_wait3A_265 : memref<1x8x8x133xf32, #tpu.memory_space<vmem>> -> memref<8x8x133xf32, #tpu.memory_space<vmem>>
    %dma_wait3A_267 = arith.constant 0 : i32
    %dma_wait3A_268 = arith.constant 0 : i32
    %dma_wait3A_269 = arith.constant 0 : i32
    %dma_wait3A_270 = tpu.memref_slice %dma_wait3A_266[%dma_wait3A_267, %dma_wait3A_268, %dma_wait3A_269] : memref<8x8x133xf32, #tpu.memory_space<vmem>> -> memref<8x8x128xf32, #tpu.memory_space<vmem>>
    %dma_wait3A_271 = arith.constant 0 : i32
    %dma_wait3A_272 = arith.constant 0 : i32
    %dma_wait3A_273 = arith.constant 0 : i32
    %dma_wait3A_274 = tpu.memref_slice %arg5[%dma_wait3A_260, %dma_wait3A_271, %dma_wait3A_261, %dma_wait3A_272, %dma_wait3A_273] : memref<200x8x32x8x128xf32, #tpu.memory_space<hbm>> -> memref<1x8x1x8x128xf32, #tpu.memory_space<hbm>>
    %dma_wait3A_275 = tpu.memref_squeeze %dma_wait3A_274 : memref<1x8x1x8x128xf32, #tpu.memory_space<hbm>> -> memref<8x8x128xf32, #tpu.memory_space<hbm>>
    %dma_wait3A_276 = arith.constant 0 : i32
    %dma_wait3A_277 = arith.constant 0 : i32
    %dma_wait3A_278 = arith.constant 0 : i32
    %dma_wait3A_279 = tpu.memref_slice %arg5[%dma_wait3A_260, %dma_wait3A_276, %dma_wait3A_261, %dma_wait3A_277, %dma_wait3A_278] : memref<200x8x32x8x128xf32, #tpu.memory_space<hbm>> -> memref<1x8x1x8x128xf32, #tpu.memory_space<hbm>>
    %dma_wait3A_280 = tpu.memref_squeeze %dma_wait3A_279 : memref<1x8x1x8x128xf32, #tpu.memory_space<hbm>> -> memref<8x8x128xf32, #tpu.memory_space<hbm>>
    %dma_wait3A_281 = arith.constant 0 : i32
    %dma_wait3A_282 = arith.constant 0 : i32
    %dma_wait3A_283 = arith.constant 0 : i32
    %dma_wait3A_284 = tpu.memref_slice %arg8[%dma_wait3A, %dma_wait3A_281, %dma_wait3A_282, %dma_wait3A_283] : memref<2x8x8x133xf32, #tpu.memory_space<vmem>> -> memref<1x8x8x133xf32, #tpu.memory_space<vmem>>
    %dma_wait3A_285 = tpu.memref_squeeze %dma_wait3A_284 : memref<1x8x8x133xf32, #tpu.memory_space<vmem>> -> memref<8x8x133xf32, #tpu.memory_space<vmem>>
    %dma_wait3A_286 = arith.constant 0 : i32
    %dma_wait3A_287 = arith.constant 0 : i32
    %dma_wait3A_288 = arith.constant 0 : i32
    %dma_wait3A_289 = tpu.memref_slice %dma_wait3A_285[%dma_wait3A_286, %dma_wait3A_287, %dma_wait3A_288] : memref<8x8x133xf32, #tpu.memory_space<vmem>> -> memref<8x8x128xf32, #tpu.memory_space<vmem>>
    tpu.wait_dma2 semaphore(%arg14 : memref<!tpu.dma_semaphore, #tpu.memory_space<semaphore_mem>>) src(%dma_wait3A_289 : memref<8x8x128xf32, #tpu.memory_space<vmem>>) dst(%dma_wait3A_280 : memref<8x8x128xf32, #tpu.memory_space<hbm>>)
    %dma_wait3A_290 = arith.constant 1 : i32
    %dma_wait3A_291 = arith.constant 0 : i32
    %dma_wait3A_292 = arith.constant 0 : i32
    %dma_wait3A_293 = arith.constant 0 : i32
    %dma_wait3A_294 = arith.constant 0 : i32
    %dma_wait3A_295 = arith.constant 0 : i32
    %dma_wait3A_296 = tpu.memref_slice %arg8[%dma_wait3A_290, %dma_wait3A_293, %dma_wait3A_294, %dma_wait3A_295] : memref<2x8x8x133xf32, #tpu.memory_space<vmem>> -> memref<1x8x8x133xf32, #tpu.memory_space<vmem>>
    %dma_wait3A_297 = tpu.memref_squeeze %dma_wait3A_296 : memref<1x8x8x133xf32, #tpu.memory_space<vmem>> -> memref<8x8x133xf32, #tpu.memory_space<vmem>>
    %dma_wait3A_298 = arith.constant 0 : i32
    %dma_wait3A_299 = arith.constant 0 : i32
    %dma_wait3A_300 = arith.constant 0 : i32
    %dma_wait3A_301 = tpu.memref_slice %dma_wait3A_297[%dma_wait3A_298, %dma_wait3A_299, %dma_wait3A_300] : memref<8x8x133xf32, #tpu.memory_space<vmem>> -> memref<8x8x128xf32, #tpu.memory_space<vmem>>
    %dma_wait3A_302 = arith.constant 0 : i32
    %dma_wait3A_303 = arith.constant 0 : i32
    %dma_wait3A_304 = arith.constant 0 : i32
    %dma_wait3A_305 = tpu.memref_slice %arg5[%dma_wait3A_291, %dma_wait3A_302, %dma_wait3A_292, %dma_wait3A_303, %dma_wait3A_304] : memref<200x8x32x8x128xf32, #tpu.memory_space<hbm>> -> memref<1x8x1x8x128xf32, #tpu.memory_space<hbm>>
    %dma_wait3A_306 = tpu.memref_squeeze %dma_wait3A_305 : memref<1x8x1x8x128xf32, #tpu.memory_space<hbm>> -> memref<8x8x128xf32, #tpu.memory_space<hbm>>
    %dma_wait3A_307 = arith.constant 0 : i32
    %dma_wait3A_308 = arith.constant 0 : i32
    %dma_wait3A_309 = arith.constant 0 : i32
    %dma_wait3A_310 = tpu.memref_slice %arg5[%dma_wait3A_291, %dma_wait3A_307, %dma_wait3A_292, %dma_wait3A_308, %dma_wait3A_309] : memref<200x8x32x8x128xf32, #tpu.memory_space<hbm>> -> memref<1x8x1x8x128xf32, #tpu.memory_space<hbm>>
    %dma_wait3A_311 = tpu.memref_squeeze %dma_wait3A_310 : memref<1x8x1x8x128xf32, #tpu.memory_space<hbm>> -> memref<8x8x128xf32, #tpu.memory_space<hbm>>
    %dma_wait3A_312 = arith.constant 0 : i32
    %dma_wait3A_313 = arith.constant 0 : i32
    %dma_wait3A_314 = arith.constant 0 : i32
    %dma_wait3A_315 = tpu.memref_slice %arg8[%dma_wait3A_290, %dma_wait3A_312, %dma_wait3A_313, %dma_wait3A_314] : memref<2x8x8x133xf32, #tpu.memory_space<vmem>> -> memref<1x8x8x133xf32, #tpu.memory_space<vmem>>
    %dma_wait3A_316 = tpu.memref_squeeze %dma_wait3A_315 : memref<1x8x8x133xf32, #tpu.memory_space<vmem>> -> memref<8x8x133xf32, #tpu.memory_space<vmem>>
    %dma_wait3A_317 = arith.constant 0 : i32
    %dma_wait3A_318 = arith.constant 0 : i32
    %dma_wait3A_319 = arith.constant 0 : i32
    %dma_wait3A_320 = tpu.memref_slice %dma_wait3A_316[%dma_wait3A_317, %dma_wait3A_318, %dma_wait3A_319] : memref<8x8x133xf32, #tpu.memory_space<vmem>> -> memref<8x8x128xf32, #tpu.memory_space<vmem>>
    tpu.wait_dma2 semaphore(%arg15 : memref<!tpu.dma_semaphore, #tpu.memory_space<semaphore_mem>>) src(%dma_wait3A_320 : memref<8x8x128xf32, #tpu.memory_space<vmem>>) dst(%dma_wait3A_311 : memref<8x8x128xf32, #tpu.memory_space<hbm>>)
    return
  }
}

</mosaic_0001>

<sc_bundles>
// kernel: kernel.3.cloned.1.call-start
scs
__scs_entry_jumppad:
0x0: {  	(pc) =	sbr.rel $0x88, $3  }
0x1: {  	(tag) =	ssettag $0x0;
	lr =	simm.s32 $0x1  }
0x2: {  	[smem:$0x3F9E] =	sst lr;
	_ =	strace $0xD0000000  }
0x3: {  	_ = 	snop  }
0x4: {  	_ = 	snop  }
0x5: {  	_ = 	snop  }
0x6: {  	_ = 	snop  }
0x7: {  	_ = 	snop  }
__scs_overlays_trampoline_lowered:
0x8: {  	[smem:$0x3FAD] =	sst s0  }
0x9: {  	[smem:$0x3FAE] =	sst s1  }
0xa: {  	[smem:$0x3FAF] =	sst s2  }
0xb: {  	[smem:$0x3FB0] =	sst s3  }
0xc: {  	[smem:$0x3FB1] =	sst s4  }
0xd: {  	[smem:$0x3FB2] =	sst s5  }
0xe: {  	[smem:$0x3FB3] =	sst s6  }
0xf: {  	[smem:$0x3FB4] =	sst s7  }
0x10: {  	[smem:$0x3FB5] =	sst s8  }
0x11: {  	[smem:$0x3FB6] =	sst s9;
	s0 =	simm.s32 @!p0 $0x0  }
0x12: {  	s1 =	sld [smem:$0x3F9C];
	s0 =	simm.s32 @p0 $0x1  }
0x13: {  	[smem:$0x3FB7] =	sst s0;
	s0 =	simm.s32 @!p1 $0x0  }
0x14: {  	s2 =	sld [smem:$0x3F9B];
	s0 =	simm.s32 @p1 $0x1  }
0x15: {  	[smem:$0x3FB8] =	sst s0;
	s0 =	simm.s32 @!p2 $0x0  }
0x16: {  	s3 =	sld [smem:$0x3FDB];
	s0 =	simm.s32 @p2 $0x1  }
0x17: {  	s4 =	simm.s32 $0x1BF5;
	[smem:$0x3FBA] =	sst s0  }
0x18: {  	s0 =	sld [smem:$0x3F9D];
	_ =	swait.ge [sflag:s4], $0x0  }
0x19: {  	s7 =	sld [smem:$0x3F9E]  }
0x1a: {  	s8 =	sadd.s32 $0xFFFFE003, lr  }
0x1b: {  	s9 =	sadd.s32 $0xFFFFFEF7, lr;
	s5 =	simm.s32 $0xFFFFFFFF;
	p2 =	slt.u32 s8, $0xFFFFF086  }
0x1c: {  	p1 =	slt.u32 s9, $0xF7A;
	s5 =	simm.s32 @!p2 $0x0  }
0x1d: {  	s5 =	simm.s32 @p1 $0x1;
	p0 =	seq.s32 s7, s2  }
0x1e: {  	s7 =	smul.u32 @!p0 $0xF7A, s2;
	p2 =	seq.s32 @!p0 s5, $0x0  }
0x1f: {  	s9 =	smul.u32 $0xF7A, s1;
	s8 =	simm.s32 @!p0 $0x1BF5;
	p2 =	por !p2, p0  }
0x20: {  	[sflag:s8] =	ssyncset.s32 @!p0 $0xFFFFF086;
	s6 =	sadd.s32 @!p0 s3, s7;
	s7 =	simm.s32 @!p0 $0x108  }
0x21: {  	s3 =	sadd.s32 s3, s9;
	s6 =	sadd.s32 @!p0 $0x88, s6;
	s7 =	simm.s32 @p2 $0x1082  }
0x22: {  	[simem:s7], [sflag:s8] =	dma.local @!p0 [hbm:s6], $0xF7A  }
0x23: {  	s9 =	sor.u32 $0xD0000000, s2;
	s6 =	simm.s32 $0x108;
	_ =	swait.ge @!p0 [sflag:s8], $0x0  }
0x24: {  	s3 =	sadd.s32 $0x88, s3;
	s6 =	simm.s32 @!p1 $0x1082;
	[sflag:s4] =	ssyncset.s32 $0xFFFFF086  }
0x25: {  	[simem:s6], [sflag:s4] =	dma.local [hbm:s3], $0xF7A  }
0x26: {  	[smem:$0x3F9E] =	sst s1;
	(tag) =	ssettag s2;
	_ =	strace s9  }
0x27: {  	s1 =	sld [smem:$0x3FAE]  }
0x28: {  	s2 =	sld [smem:$0x3FAF]  }
0x29: {  	s4 =	sld [smem:$0x3FB1]  }
0x2a: {  	p0 =	seq.s32 s5, $0x0;
	s5 =	sld [smem:$0x3FB2]  }
0x2b: {  	s6 =	sld [smem:$0x3FB3]  }
0x2c: {  	s7 =	sld [smem:$0x3FB4]  }
0x2d: {  	s3 =	simm.s32 $0x108;
	s8 =	sld [smem:$0x3FB5]  }
0x2e: {  	s3 =	simm.s32 @!p0 $0x1082;
	s9 =	sld [smem:$0x3FB6]  }
0x2f: {  	lr =	sadd.s32 s0, s3;
	s0 =	sld [smem:$0x3FAD]  }
0x30: {  	s3 =	sld [smem:$0x3FB0]  }
0x31: {  	[smem:$0x3FB9] =	sst s10  }
0x32: {  	s10 =	sld [smem:$0x3FB7];
	_ =	sdelay $0x3  }
0x33: {  	p0 =	seq.s32 s10, $0x1;
	s10 =	sld [smem:$0x3FB9];
	_ =	sdelay $0x3  }
0x34: {  	[smem:$0x3FB9] =	sst s10  }
0x35: {  	s10 =	sld [smem:$0x3FB8];
	_ =	sdelay $0x3  }
0x36: {  	p1 =	seq.s32 s10, $0x1;
	s10 =	sld [smem:$0x3FB9];
	_ =	sdelay $0x3  }
0x37: {  	[smem:$0x3FB9] =	sst s10  }
0x38: {  	s10 =	sld [smem:$0x3FBA]  }
0x39: {  	_ = 	snop;
	(pc) =	sbr.ind lr, $3  }
0x3a: {  	_ = 	snop  }
0x3b: {  	_ = 	snop  }
0x3c: {  	p2 =	seq.s32 s10, $0x1;
	s10 =	sld [smem:$0x3FB9]  }
0x3d: {  	_ =	shalt  }
0x3e: {  	_ =	shalt  }
0x3f: {  	_ =	shalt  }
0x40: {  	_ =	shalt  }
0x41: {  	_ =	shalt  }
0x42: {  	_ =	shalt  }
0x43: {  	_ =	shalt  }
0x44: {  	_ =	shalt  }
0x45: {  	_ =	shalt  }
0x46: {  	_ =	shalt  }
0x47: {  	_ =	shalt  }
0x48: {  	_ =	shalt  }
0x49: {  	_ =	shalt  }
0x4a: {  	_ =	shalt  }
0x4b: {  	_ =	shalt  }
0x4c: {  	_ =	shalt  }
0x4d: {  	_ =	shalt  }
0x4e: {  	_ =	shalt  }
0x4f: {  	_ =	shalt  }
0x50: {  	_ =	shalt  }
0x51: {  	_ =	shalt  }
0x52: {  	_ =	shalt  }
0x53: {  	_ =	shalt  }
0x54: {  	_ =	shalt  }
0x55: {  	_ =	shalt  }
0x56: {  	_ =	shalt  }
0x57: {  	_ =	shalt  }
0x58: {  	_ =	shalt  }
0x59: {  	_ =	shalt  }
0x5a: {  	_ =	shalt  }
0x5b: {  	_ =	shalt  }
0x5c: {  	_ =	shalt  }
0x5d: {  	_ =	shalt  }
0x5e: {  	_ =	shalt  }
0x5f: {  	_ =	shalt  }
0x60: {  	_ =	shalt  }
0x61: {  	_ =	shalt  }
0x62: {  	_ =	shalt  }
0x63: {  	_ =	shalt  }
0x64: {  	_ =	shalt  }
0x65: {  	_ =	shalt  }
0x66: {  	_ =	shalt  }
0x67: {  	_ =	shalt  }
0x68: {  	_ =	shalt  }
0x69: {  	_ =	shalt  }
0x6a: {  	_ =	shalt  }
0x6b: {  	_ =	shalt  }
0x6c: {  	_ =	shalt  }
0x6d: {  	_ =	shalt  }
0x6e: {  	_ =	shalt  }
0x6f: {  	_ =	shalt  }
0x70: {  	_ =	shalt  }
0x71: {  	_ =	shalt  }
0x72: {  	_ =	shalt  }
0x73: {  	_ =	shalt  }
0x74: {  	_ =	shalt  }
0x75: {  	_ =	shalt  }
0x76: {  	_ =	shalt  }
0x77: {  	_ =	shalt  }
0x78: {  	_ =	shalt  }
0x79: {  	_ =	shalt  }
0x7a: {  	_ =	shalt  }
0x7b: {  	_ =	shalt  }
0x7c: {  	_ =	shalt  }
0x7d: {  	_ =	shalt  }
0x7e: {  	_ =	shalt  }
0x7f: {  	_ =	shalt  }
0x80: {  	_ =	shalt  }
0x81: {  	_ =	shalt  }
0x82: {  	_ =	shalt  }
0x83: {  	_ =	shalt  }
0x84: {  	_ =	shalt  }
0x85: {  	_ =	shalt  }
0x86: {  	_ =	shalt  }
0x87: {  	_ =	shalt  }
.Lfunc_end0:
.L_simem_size_0:
called_computation_lowered:
.L_overlay_start_0:
0x88: {  	s2 =	sld [smem:$0x3FD9]  }
0x89: {  	s3 =	sld [smem:$0x3FFE];
	_ =	sdelay $0x1  }
0x8a: {  	s1 =	srdreg.scid  }
0x8b: {  	s0 =	sand.u32 $0x1, s1  }
0x8c: {  	s17 =	sshll.u32 s0, $0xA;
	s2 =	sadd.s32 s3, s2  }
0x8d: {  	s2 =	sadd.s32 s2, s17  }
0x8e: {  	[smem:$0x3FC5] =	sst s2  }
0x8f: {  	_ = 	snop  }
0x90: {  	s2 =	sld [smem:$0x3FC9]  }
0x91: {  	s18 =	sld [smem:$0x3FD0];
	(tm) =	ssettm $0x1  }
0x92: {  	s4 =	sld [smem:$0x3FFB];
	_ =	sdelay $0x3  }
0x93: {  	_ =	strace s4  }
0x94: {  	s4 =	sld [smem:$0x3FFC];
	_ =	sdelay $0x3  }
0x95: {  	_ =	strace s4  }
0x96: {  	s4 =	sld [smem:$0x3FFD];
	_ =	sdelay $0x3  }
0x97: {  	_ =	strace s4  }
0x98: {  	_ =	strace $0x8FFFFFFF  }
0x99: {  	s19 =	sld [smem:$0x3FDB];
	_ =	sdelay $0x1  }
0x9a: {  	s5 =	simm.s32 $_scs_section_size  }
0x9b: {  	s6 =	simm.s32 $_size__tile_overlayer_lowered;
	s7 =	simm.s32 $_tile_overlayer_lowered  }
0x9c: {  	s22 =	simm.s32 $0x1BFF;
	s21 =	sshll.u32 s7, $0x1;
	s4 =	sadd.s32 s5, s19  }
0x9d: {  	s8 =	simm.s32 $0x0;
	s20 =	sshll.u32 s6, $0x1;
	s6 =	sadd.s32 s21, s4  }
0x9e: {  	[timem:s8], [sflag:s22] =	dma.local [hbm:s6], s20  }
0x9f: {  	_ =	swait.ge [sflag:s22], s20  }
0xa0: {  	s5 =	ssub.s32 $0x0, s20;
	[sflag:s22] =	ssyncset.done $0x0  }
0xa1: {  	[sflag:s22] =	ssyncadd.s32 s5;
	_ =	sdelay $0x1  }
0xa2: {  	s23 =	simm.s32 $0x1B8B  }
0xa3: {  	_ =	swait.ge [sflag:s23], $0x1  }
0xa4: {  	[sflag:s23] =	ssyncset.done $0x0  }
0xa5: {  	s25 =	simm.s32 $0x1B8E;
	s24 =	sld [smem:$0x3FFE];
	[sflag:s23] =	ssyncadd.s32 $0xFFFFFFFF  }
0xa6: {  	s26 =	simm.s32 $execute0_lowered;
	[smem:$0x3FD2] =	sst s25  }
0xa7: {  	s6 =	sshll.u32 s26, $0x1;
	_ =	strace $0x80000046;
	[dreg:$0x1] =	wrdreg $0xFFFFFFFF  }
0xa8: {  	s28 =	simm.s32 $_size_execute0_lowered;
	s4 =	sadd.s32 s4, s6;
	[dreg:$0x0] =	wrdreg $0x0  }
0xa9: {  	s6 =	sshll.u32 s28, $0x1;
	[dreg:$0x2] =	wrdreg s4  }
0xaa: {  	[dreg:$0x3] =	wrdreg s6  }
0xab: {  	[dreg:$0x4] =	wrdreg $0xC0  }
0xac: {  	_ =	task [dreg:s8], $0x5FFFF  }
0xad: {  	[dreg:$0x1] =	wrdreg $0xFFFFFFFF  }
0xae: {  	[dreg:$0x0] =	wrdreg $0x60  }
0xaf: {  	[dreg:$0x2] =	wrdreg s2  }
0xb0: {  	[dreg:$0x3] =	wrdreg s24  }
0xb1: {  	[dreg:$0x4] =	wrdreg s18  }
0xb2: {  	[dreg:$0x5] =	wrdreg $0x9  }
0xb3: {  	_ =	task.clear_ibuf [dreg:s8], $0x6FFFF;
	_ =	strace $0x90000046  }
0xb4: {  	s29 =	simm.s32 $0x9;
	_ =	strace $0x80000048  }
0xb5: {  	_ =	swait.ge [sflag:s29], $0x1  }
0xb6: {  	[sflag:s29] =	ssyncadd.s32 $0xFFFFFFFF  }
0xb7: {  	_ =	strace $0x90000048  }
0xb8: {  	_ =	sfence  }
0xb9: {  	s30 =	sld [smem:$0x0];
	_ =	sdelay $0x2  }
0xba: {  	s31 =	sshll.u32 s1, $0xD;
	s1 =	sshrl.u32 s1, $0x2  }
0xbb: {  	s3 =	sand.u32 $0x4000, s31;
	s1 =	sadd.s32 s1, s30  }
0xbc: {  	s0 =	sor.u32 s3, s0;
	s1 =	sshll.u32 s1, $0x11  }
0xbd: {  	s0 =	sor.u32 s1, s0  }
0xbe: {  	s0 =	sadd.s32 $0x8F2B, s0  }
0xbf: {  	[sflag:s0] =	ssyncadd.remote.s32 $0x1  }
0xc0: {  	_ =	sfence.sel $0xFFFF  }
0xc1: {  	[dreg:$0x0] =	wrdreg $0xFFFFFFFF;
	(pc) =	sbr.abs _section_cstart, $3  }
0xc2: {  	[dreg:$0x1] =	wrdreg $0xFFFFFFFF  }
0xc3: {  	_ =	task.clear_ibuf [dreg:s8], $0x2FFFF;
	_ =	strace $0x9FFFFFFF  }
0xc4: {  	(tm) =	ssettm $0x7FFFFFFF  }
0xc5: {  	_ =	shalt  }
tec
execute0_lowered:
.L_overlay_start_1:
0x0: {  	(tag) =	ssettag $0x1  }
0x1: {  	s0 =	rddreg [dreg:$0x0];
	v0 =	vlaneseq.u32  }
0x2: {  	s3 =	rddreg [dreg:$0x1];
	s2 =	simm.s32 $0x0;
	v63 =	vmul.u32 $0x88, v0  }
0x3: {  	[smem:$0x7FF] =	sst s2  }
0x4: {  	s1 =	rddreg [dreg:$0x2];
	_ =	strace $0x80000047;
	v0 =	vor.u32 $0x1, v63;
	[tilespmem:$0x1FE40] =	vst v63  }
0x5: {  	v8 =	vadd.s32 $0x880, v63;
	[tilespmem:$0x1FE00] =	vst v0  }
0x6: {  	v5 =	vadd.s32 $0x1100, v63;
	[tilespmem:$0x1FE50] =	vst v8  }
0x7: {  	v2 =	vadd.s32 $0x1980, v63;
	[tilespmem:$0x1FE60] =	vst v5  }
0x8: {  	v12 =	vadd.s32 $0x881, v63;
	[tilespmem:$0x1FE70] =	vst v2  }
0x9: {  	v13 =	vadd.s32 $0x1101, v63;
	[tilespmem:$0x1FE80] =	vst v12  }
0xa: {  	v7 =	vadd.s32 $0x1981, v63;
	[tilespmem:$0x1FE90] =	vst v13  }
0xb: {  	v14 =	vor.u32 $0x2, v63;
	[tilespmem:$0x1FEA0] =	vst v7  }
0xc: {  	v15 =	vadd.s32 $0x882, v63;
	[tilespmem:$0x1FEB0] =	vst v14  }
0xd: {  	v16 =	vadd.s32 $0x1102, v63;
	[tilespmem:$0x1FEC0] =	vst v15  }
0xe: {  	v17 =	vadd.s32 $0x1982, v63;
	[tilespmem:$0x1FED0] =	vst v16  }
0xf: {  	v18 =	vor.u32 $0x3, v63;
	[tilespmem:$0x1FEE0] =	vst v17  }
0x10: {  	v19 =	vadd.s32 $0x883, v63;
	[tilespmem:$0x1FEF0] =	vst v18  }
0x11: {  	v20 =	vadd.s32 $0x1103, v63;
	[tilespmem:$0x1FF00] =	vst v19  }
0x12: {  	v21 =	vadd.s32 $0x1983, v63;
	[tilespmem:$0x1FF10] =	vst v20  }
0x13: {  	v22 =	vor.u32 $0x4, v63;
	[tilespmem:$0x1FF20] =	vst v21  }
0x14: {  	v23 =	vadd.s32 $0x884, v63;
	[tilespmem:$0x1FF30] =	vst v22  }
0x15: {  	v24 =	vadd.s32 $0x1104, v63;
	[tilespmem:$0x1FF40] =	vst v23  }
0x16: {  	v25 =	vadd.s32 $0x1984, v63;
	[tilespmem:$0x1FF50] =	vst v24  }
0x17: {  	v26 =	vor.u32 $0x5, v63;
	[tilespmem:$0x1FF60] =	vst v25  }
0x18: {  	v27 =	vadd.s32 $0x885, v63;
	[tilespmem:$0x1FF70] =	vst v26  }
0x19: {  	v28 =	vadd.s32 $0x1105, v63;
	[tilespmem:$0x1FF80] =	vst v27  }
0x1a: {  	s4 =	srdreg.scid;
	s5 =	stileid.u32;
	v10 =	vadd.s32 $0x1985, v63;
	[tilespmem:$0x1FF90] =	vst v28  }
0x1b: {  	s10 =	simm.s32 $0x7;
	s13 =	simm.s32 $0x80;
	s14 =	simm.s32 $0x6400;
	v30 =	vor.u32 $0x6, v63;
	[tilespmem:$0x1FFA0] =	vst v10  }
0x1c: {  	s16 =	simm.s32 $0x100;
	s17 =	simm.s32 $0xA400;
	s18 =	simm.s32 $0xC400;
	v31 =	vadd.s32 $0x886, v63;
	[tilespmem:$0x1FFB0] =	vst v30  }
0x1d: {  	s19 =	simm.s32 $0x1;
	s20 =	simm.s32 $0xE400;
	s21 =	simm.s32 $0x2;
	v32 =	vadd.s32 $0x1106, v63;
	[tilespmem:$0x1FFC0] =	vst v31  }
0x1e: {  	s22 =	simm.s32 $0x6;
	s23 =	simm.s32 $0x10600;
	s24 =	simm.s32 $0x3;
	v9 =	vadd.s32 $0x1986, v63;
	[tilespmem:$0x1FFD0] =	vst v32  }
0x1f: {  	s25 =	simm.s32 $0x5;
	s26 =	simm.s32 $0x4;
	s4 =	sand.u32 $0x1, s4;
	v6 =	vadd.s32 $0x1987, v63;
	[tilespmem:$0x1FFE0] =	vst v9  }
0x20: {  	s5 =	sshll.u32 s5, $0xB;
	s7 =	ssub.s32 $0x2, s4;
	s6 =	sshll.u32 s4, $0xA;
	v0 =	vor.u32 $0x7, v63;
	[tilespmem:$0x1FFF0] =	vst v6  }
0x21: {  	s28 =	simm.s32 $0x0;
	s8 =	sshrl.u32 s7, $0x1;
	s5 =	sor.u32 s6, s5;
	[tilespmem:$0x1FE10] =	vst v0;
	v0 =	vadd.s32 $0x887, v63  }
0x22: {  	v1 =	vimm.s32 $0x0;
	vm0 =	vcmask $0x300;
	s4 =	sadd.s32 $0xC00, s3;
	s30 =	ssub.s32 s7, s8;
	s31 =	sshrl.u32 s5, $0x3;
	[tilespmem:$0x1FE20] =	vst v0;
	v0 =	vadd.s32 $0x1107, v63  }
0x23: {  	v1 =	vsel vm0, $0x3, v1;
	s6 =	sadd.s32 $0x400, s3;
	s7 =	sadd.s32 s0, s31;
	s8 =	smax.u32 s30, $0x1;
	[tilespmem:$0x1FE30] =	vst v0  }
.LBB2_1:
0x24: {  	s0 =	simm.s32 $0x12800  }
0x25: {  	[tilespmem:s0], [sflag:$0x7] =	stream.linear.gather [hbm4b:s6+s2], $0x3200, $0x38;
	[tilespmem:$0x15A00] =	vst v63  }
0x26: {  	_ =	swait.ge [sflag:s10], $0x3200  }
0x27: {  	[sflag:s10] =	ssyncset.done $0x0  }
0x28: {  	s30 =	simm.s32 $0x400;
	s3 =	simm.s32 $0x8000;
	[sflag:s10] =	ssyncadd.s32 $0xFFFFCE00  }
0x29: {  	[tilespmem:s2], [sflag:$0x7] =	stream.strided.gather [hbm4b:s7+s30], $0x6400, s3, s30, $0x38;
	[tilespmem:$0x15A00] =	vst v63  }
0x2a: {  	_ =	swait.ge [sflag:s10], $0x6400  }
0x2b: {  	[sflag:s10] =	ssyncset.done $0x0  }
0x2c: {  	[sflag:s10] =	ssyncadd.s32 $0xFFFF9C00  }
0x2d: {  	[tilespmem:s14], [sflag:$0x1] =	stream.indirect.gather [hbm4b:s4+s13], $0x40, s2, s13, $0xb8;
	[tilespmem:$0x15A00] =	vst v63  }
0x2e: {  	s31 =	simm.s32 $0x8400  }
0x2f: {  	[tilespmem:s31], [sflag:$0x2] =	stream.indirect.gather [hbm4b:s4+s13], $0x40, s13, s13, $0xb8;
	[tilespmem:$0x15A00] =	vst v63  }
0x30: {  	s29 =	simm.s32 $0x0  }
0x31: {  	[tilespmem:s17], [sflag:$0x3] =	stream.indirect.gather [hbm4b:s4+s13], $0x40, s16, s13, $0xb8;
	[tilespmem:$0x15A00] =	vst v63  }
.LBB2_2:
0x32: {  	s30 =	sshllo.u32 s29, $0x2;
	s3 =	sshll.u32 s29, $0x9  }
0x33: {  	s11 =	simm.s32 $0x0;
	s12 =	simm.s32 $0x1;
	s15 =	simm.s32 $0x2  }
0x34: {  	s9 =	simm.s32 $0x3;
	s0 =	sshll.u32 s30, $0x7;
	s3 =	sand.u32 $0x7C00, s3  }
0x35: {  	v33 =	vmov s11;
	v34 =	vmov s12;
	s11 =	simm.s32 $0x4;
	s12 =	simm.s32 $0x5;
	s0 =	sand.u32 $0x380, s0  }
0x36: {  	v35 =	vmov s15;
	v36 =	vmov s9;
	s15 =	simm.s32 $0x6;
	s9 =	simm.s32 $0xD;
	s0 =	sor.u32 s0, s3  }
0x37: {  	v33 =	vshrl.u32 v33, $0x3;
	v37 =	vmov s11;
	[tilespmem:s18], [sflag:$0x4] =	stream.indirect.gather [hbm4b:s4+s13], $0x40, s0, s13, $0xb8;
	[tilespmem:$0x15A00] =	vst v63  }
0x38: {  	p0 =	seq.s32 s29, $0x0;
	v38 =	vmov s12;
	v39 =	vmov s15;
	s11 =	simm.s32 $0x7;
	v46 =	vmov s9;
	_ =	swait.ge [sflag:s19], $0x2000  }
0x39: {  	s12 =	simm.s32 $0x8;
	s15 =	simm.s32 $0x9;
	v34 =	vshrl.u32 v34, $0x3;
	v48 =	vshrl.u32 v35, $0x3;
	v49 =	vshrl.u32 v36, $0x3;
	[sflag:s19] =	ssyncset.done $0x0  }
0x3a: {  	v40 =	vmov s11;
	v41 =	vmov s12;
	v42 =	vmov s15;
	s0 =	simm.s32 @!p0 $0x5;
	[sflag:s19] =	ssyncadd.s32 $0xFFFFE000  }
0x3b: {  	s9 =	simm.s32 $0xF;
	s12 =	simm.s32 $0xB;
	v33 =	vshll.u32 v33, v1;
	v50 =	vshrl.u32 v37, $0x3;
	v38 =	vshrl.u32 v38, $0x3;
	_ =	swait.ge @!p0 [sflag:s0], $0x2000  }
0x3c: {  	s15 =	simm.s32 $0xC;
	v39 =	vshrl.u32 v39, $0x3;
	v46 =	vshrl.u32 v46, $0x3;
	v44 =	vmov s12;
	s12 =	sshll.u32 s29, $0x8;
	[sflag:s0] =	ssyncset.done @!p0 $0x0;
	v3 =	vld [tilespmem:$0x1FE10]  }
0x3d: {  	s11 =	simm.s32 $0xA;
	v51 =	vshll.u32 v34, v1;
	v48 =	vshll.u32 v48, v1;
	v45 =	vmov s15;
	s15 =	sand.u32 $0x3FFFFF00, s12;
	v2 =	vld [tilespmem:$0x1FE00];
	[sflag:s0] =	ssyncadd.s32 @!p0 $0xFFFFE000  }
0x3e: {  	v61 =	vmov s9;
	v49 =	vshll.u32 v49, v1;
	v43 =	vmov s11;
	v36 =	vld [tilespmem:s15+$0x12800]  }
0x3f: {  	v41 =	vshrl.u32 v41, $0x3;
	v29 =	vbroadcast v33, $0x0;
	v62 =	vshrl.u32 v61, $0x3;
	s0 =	simm.s32 $0x6600;
	v35 =	vld [tilespmem:s15+$0x12810]  }
0x40: {  	v52 =	vshll.u32 v50, v1;
	v53 =	vshll.u32 v39, v1;
	v50 =	vshll.u32 v62, v1;
	v55 =	vld [tilespmem:s0+$0xFFFFFE00]  }
0x41: {  	v11 =	vbroadcast v51, $0x0;
	v58 =	vshll.u32 v41, v1;
	v54 =	vbroadcast v50, $0x0;
	v41 =	vld [tilespmem:s0+$0x1C0]  }
0x42: {  	v51 =	vbroadcast v48, $0x0;
	v45 =	vshrl.u32 v45, $0x3;
	v59 =	vadd.s32 v63, v29;
	v57 =	vld [tilespmem:s0+$0xFFFFFE40]  }
0x43: {  	s11 =	simm.s32 $0xE;
	v61 =	vshll.u32 v46, v1;
	v50 =	vshll.u32 v45, v1;
	v60 =	vld [tilespmem:s0+$0xFFFFFE80];
	v45 =	vadd.s32 v3, v54  }
0x44: {  	v49 =	vbroadcast v49, $0x0;
	v47 =	vmov s11;
	v34 =	vld [tilespmem:s15+$0x12820];
	v46 =	vadd.s32 v2, v11  }
0x45: {  	v4 =	vmovc v63;
	v7 =	vbroadcast v52, $0x0;
	v63 =	vadd.s32 v14, v51;
	v33 =	vld [tilespmem:s15+$0x12830];
	v55 =	vadd.f32 v55, v36  }
0x46: {  	v37 =	vshrl.u32 v47, $0x3;
	v47 =	vshll.u32 v38, v1;
	v48 =	vld [tilespmem:s0+$0xFFFFFEC0];
	v52 =	vadd.f32 v41, v36  }
0x47: {  	v40 =	vshrl.u32 v40, $0x3;
	v62 =	vshll.u32 v37, v1;
	v39 =	vld [tilespmem:s0+$0xFFFFFF00];
	v37 =	vadd.f32 v57, v36;
	[tilespmem:v59+s20+$0x0] =	vst.idx.msk $0xffff, v55  }
0x48: {  	v47 =	vbroadcast v47, $0x0;
	v38 =	vld [tilespmem:s0+$0xFFFFFF40];
	v41 =	vadd.s32 v18, v49;
	[tilespmem:v45+s20+$0x0] =	vst.idx.msk $0xffff, v52;
	v45 =	vadd.f32 v60, v36  }
0x49: {  	v56 =	vshll.u32 v40, v1;
	v40 =	vld [tilespmem:s0+$0xFFFFFF80];
	v57 =	vadd.s32 v22, v7;
	[tilespmem:v46+s20+$0x0] =	vst.idx.msk $0xffff, v37  }
0x4a: {  	v42 =	vshrl.u32 v42, $0x3;
	v53 =	vbroadcast v53, $0x0;
	v52 =	vadd.s32 v26, v47;
	v60 =	vld [tilespmem:s0+$0xFFFFFFC0];
	[tilespmem:v63+s20+$0x0] =	vst.idx.msk $0xffff, v45  }
0x4b: {  	v42 =	vshll.u32 v42, v1;
	v37 =	vadd.f32 v48, v36;
	v48 =	vbroadcast v56, $0x0;
	v0 =	vld [tilespmem:$0x1FE20]  }
0x4c: {  	v39 =	vadd.f32 v39, v36;
	v59 =	vadd.s32 v30, v53;
	v56 =	vld [tilespmem:s0+$0x0];
	v45 =	vbroadcast v58, $0x0  }
0x4d: {  	v46 =	vbroadcast v42, $0x0;
	v63 =	vld [tilespmem:s0+$0x40];
	[tilespmem:v41+s20+$0x0] =	vst.idx.msk $0xffff, v37;
	v37 =	vadd.f32 v38, v36;
	v41 =	vadd.s32 v3, v48  }
0x4e: {  	v55 =	vld [tilespmem:s0+$0x1D0];
	[tilespmem:v57+s20+$0x0] =	vst.idx.msk $0xffff, v39;
	v57 =	vadd.s32 v4, v45  }
0x4f: {  	v43 =	vshrl.u32 v43, $0x3;
	v38 =	vadd.f32 v40, v36;
	[tilespmem:v52+s20+$0x0] =	vst.idx.msk $0xffff, v37;
	v52 =	vadd.s32 v2, v46  }
0x50: {  	v44 =	vshrl.u32 v44, $0x3;
	v40 =	vadd.f32 v60, v36;
	v58 =	vadd.s32 v0, v54  }
0x51: {  	v43 =	vshll.u32 v43, v1;
	v3 =	vbroadcast v50, $0x0;
	[tilespmem:v59+s20+$0x0] =	vst.idx.msk $0xffff, v38;
	v50 =	vadd.f32 v56, v36  }
0x52: {  	v44 =	vshll.u32 v44, v1;
	v42 =	vbroadcast v43, $0x0;
	v39 =	vld [tilespmem:s0+$0x80];
	[tilespmem:v41+s20+$0x0] =	vst.idx.msk $0xffff, v40;
	v41 =	vadd.f32 v63, v36  }
0x53: {  	v44 =	vbroadcast v44, $0x0;
	v37 =	vld [tilespmem:s0+$0xC0];
	v43 =	vadd.f32 v55, v35;
	[tilespmem:v57+s20+$0x0] =	vst.idx.msk $0xffff, v50  }
0x54: {  	v59 =	vadd.s32 v14, v42;
	v60 =	vld [tilespmem:s0+$0x100];
	[tilespmem:v52+s20+$0x0] =	vst.idx.msk $0xffff, v41  }
0x55: {  	v61 =	vbroadcast v61, $0x0;
	v56 =	vadd.s32 v18, v44;
	v38 =	vld [tilespmem:s0+$0x140];
	[tilespmem:v58+s20+$0x0] =	vst.idx.msk $0xffff, v43  }
0x56: {  	v55 =	vadd.s32 v22, v3;
	v2 =	vld [tilespmem:$0x1FE30]  }
0x57: {  	v39 =	vadd.f32 v39, v36;
	v50 =	vadd.s32 v26, v61;
	v57 =	vld [tilespmem:s0+$0x180];
	v43 =	vbroadcast v62, $0x0  }
0x58: {  	v37 =	vadd.f32 v37, v36;
	v62 =	vld [tilespmem:s0+$0xFFFFFE50]  }
0x59: {  	v58 =	vld [tilespmem:s0+$0x1E0];
	[tilespmem:v59+s20+$0x0] =	vst.idx.msk $0xffff, v39;
	v39 =	vadd.f32 v60, v36;
	v59 =	vadd.s32 v30, v43  }
0x5a: {  	v63 =	vld [tilespmem:s0+$0xFFFFFED0];
	v60 =	vadd.s32 v12, v11;
	[tilespmem:v56+s20+$0x0] =	vst.idx.msk $0xffff, v37;
	v37 =	vadd.f32 v38, v36  }
0x5b: {  	v52 =	vld [tilespmem:s0+$0xFFFFFE90];
	[tilespmem:v55+s20+$0x0] =	vst.idx.msk $0xffff, v39;
	v41 =	vadd.s32 v2, v54  }
0x5c: {  	v55 =	vadd.s32 v19, v49;
	[tilespmem:v50+s20+$0x0] =	vst.idx.msk $0xffff, v37;
	v37 =	vadd.f32 v57, v36  }
0x5d: {  	v38 =	vadd.s32 v15, v51;
	v56 =	vld [tilespmem:s0+$0xFFFFFF10];
	v50 =	vadd.f32 v62, v35  }
0x5e: {  	v39 =	vadd.f32 v58, v34;
	v58 =	vld [tilespmem:s0+$0xFFFFFF50];
	[tilespmem:v59+s20+$0x0] =	vst.idx.msk $0xffff, v37  }
0x5f: {  	v57 =	vadd.s32 v23, v7;
	v62 =	vld [tilespmem:s0+$0xFFFFFF90];
	[tilespmem:v60+s20+$0x0] =	vst.idx.msk $0xffff, v50;
	v60 =	vadd.f32 v63, v35  }
0x60: {  	v59 =	vld [tilespmem:s0+$0xFFFFFFD0];
	[tilespmem:v41+s20+$0x0] =	vst.idx.msk $0xffff, v39;
	v39 =	vadd.f32 v52, v35;
	v41 =	vadd.s32 v27, v47  }
0x61: {  	[tilespmem:v55+s20+$0x0] =	vst.idx.msk $0xffff, v60;
	v52 =	vadd.s32 v31, v53;
	v37 =	vld [tilespmem:s0+$0x1F0]  }
0x62: {  	v63 =	vld [tilespmem:s0+$0x10];
	v55 =	vadd.s32 v0, v48;
	[tilespmem:v38+s20+$0x0] =	vst.idx.msk $0xffff, v39;
	v38 =	vadd.f32 v56, v35  }
0x63: {  	v54 =	vadd.s32 v6, v54;
	v60 =	vadd.f32 v58, v35;
	v56 =	vld [tilespmem:s0+$0x50]  }
0x64: {  	v62 =	vadd.f32 v62, v35;
	v58 =	vld [tilespmem:s0+$0x90];
	[tilespmem:v57+s20+$0x0] =	vst.idx.msk $0xffff, v38;
	v57 =	vadd.s32 v8, v45  }
0x65: {  	v50 =	vld [tilespmem:s0+$0xD0];
	v38 =	vadd.f32 v59, v35;
	[tilespmem:v41+s20+$0x0] =	vst.idx.msk $0xffff, v60;
	v41 =	vadd.s32 v12, v46  }
0x66: {  	v59 =	vld [tilespmem:s0+$0x110];
	[tilespmem:v52+s20+$0x0] =	vst.idx.msk $0xffff, v62;
	v52 =	vadd.s32 v15, v42;
	v37 =	vadd.f32 v37, v33  }
0x67: {  	v39 =	vadd.f32 v63, v35;
	v60 =	vadd.s32 v19, v44;
	v62 =	vld [tilespmem:s0+$0x150];
	[tilespmem:v55+s20+$0x0] =	vst.idx.msk $0xffff, v38  }
0x68: {  	v38 =	vadd.s32 v23, v3;
	v63 =	vadd.f32 v56, v35;
	[tilespmem:v54+s20+$0x0] =	vst.idx.msk $0xffff, v37;
	v54 =	vld [tilespmem:s0+$0x190]  }
0x69: {  	v55 =	vld [tilespmem:s0+$0xFFFFFE10];
	v56 =	vadd.s32 v27, v61;
	[tilespmem:v57+s20+$0x0] =	vst.idx.msk $0xffff, v39;
	v39 =	vadd.f32 v58, v35  }
0x6a: {  	v57 =	vld [tilespmem:s0+$0xFFFFFE60];
	[tilespmem:v41+s20+$0x0] =	vst.idx.msk $0xffff, v63;
	v63 =	vadd.f32 v50, v35;
	v41 =	vadd.s32 v31, v43  }
0x6b: {  	v58 =	vld [tilespmem:s0+$0xFFFFFEA0];
	v50 =	vadd.s32 v8, v29;
	[tilespmem:v52+s20+$0x0] =	vst.idx.msk $0xffff, v39;
	v39 =	vadd.f32 v59, v35  }
0x6c: {  	v37 =	vadd.f32 v62, v35;
	v52 =	vadd.s32 v13, v11;
	v59 =	vld [tilespmem:s0+$0xFFFFFEE0];
	[tilespmem:v60+s20+$0x0] =	vst.idx.msk $0xffff, v63  }
0x6d: {  	v62 =	vld [tilespmem:s0+$0xFFFFFF20];
	v60 =	vadd.s32 v16, v51;
	[tilespmem:v38+s20+$0x0] =	vst.idx.msk $0xffff, v39;
	v38 =	vadd.f32 v54, v35  }
0x6e: {  	[tilespmem:v56+s20+$0x0] =	vst.idx.msk $0xffff, v37;
	v39 =	vadd.f32 v55, v35;
	v54 =	vadd.s32 v20, v49;
	v55 =	vld [tilespmem:s0+$0xFFFFFF60]  }
0x6f: {  	v56 =	vadd.s32 v24, v7;
	v63 =	vadd.f32 v57, v34;
	v57 =	vld [tilespmem:s0+$0xFFFFFFA0];
	[tilespmem:v41+s20+$0x0] =	vst.idx.msk $0xffff, v38  }
0x70: {  	v58 =	vadd.f32 v58, v34;
	[tilespmem:v50+s20+$0x0] =	vst.idx.msk $0xffff, v39;
	v39 =	vadd.s32 v28, v47;
	v41 =	vld [tilespmem:s0+$0xFFFFFFE0]  }
0x71: {  	v50 =	vadd.s32 v32, v53;
	[tilespmem:v52+s20+$0x0] =	vst.idx.msk $0xffff, v63;
	v63 =	vadd.f32 v59, v34;
	v52 =	vld [tilespmem:s0+$0x20]  }
0x72: {  	v40 =	vadd.f32 v62, v34;
	v59 =	vld [tilespmem:s0+$0x60];
	[tilespmem:v60+s20+$0x0] =	vst.idx.msk $0xffff, v58;
	v58 =	vadd.s32 v2, v48  }
0x73: {  	[tilespmem:v54+s20+$0x0] =	vst.idx.msk $0xffff, v63;
	v60 =	vadd.f32 v55, v34;
	v54 =	vadd.s32 v5, v45  }
0x74: {  	[tilespmem:v56+s20+$0x0] =	vst.idx.msk $0xffff, v40;
	v56 =	vadd.s32 v13, v46;
	v62 =	vadd.f32 v57, v34  }
0x75: {  	v55 =	vld [tilespmem:s0+$0xA0];
	[tilespmem:v39+s20+$0x0] =	vst.idx.msk $0xffff, v60;
	v63 =	vadd.f32 v41, v34  }
0x76: {  	v57 =	vld [tilespmem:s0+$0xE0];
	[tilespmem:v50+s20+$0x0] =	vst.idx.msk $0xffff, v62;
	v38 =	vadd.f32 v52, v34  }
0x77: {  	v39 =	vld [tilespmem:s0+$0x120];
	v40 =	vadd.f32 v59, v34;
	[tilespmem:v58+s20+$0x0] =	vst.idx.msk $0xffff, v63  }
0x78: {  	v41 =	vld [tilespmem:s0+$0x160];
	v50 =	vadd.s32 v16, v42;
	[tilespmem:v54+s20+$0x0] =	vst.idx.msk $0xffff, v38  }
0x79: {  	v52 =	vld [tilespmem:s0+$0x1A0];
	v58 =	vadd.s32 v20, v44;
	[tilespmem:v56+s20+$0x0] =	vst.idx.msk $0xffff, v40  }
0x7a: {  	v4 =	vmov v12;
	v12 =	vmov v13;
	v59 =	vadd.s32 v24, v3;
	v13 =	vld [tilespmem:$0x1FEA0]  }
0x7b: {  	v60 =	vld [tilespmem:s0+$0xFFFFFE20];
	v38 =	vadd.f32 v55, v34;
	v54 =	vadd.s32 v28, v61  }
0x7c: {  	v62 =	vld [tilespmem:s0+$0xFFFFFEB0];
	v56 =	vadd.s32 v32, v43;
	v37 =	vadd.f32 v57, v34  }
0x7d: {  	v55 =	vld [tilespmem:s0+$0xFFFFFE70];
	v57 =	vadd.s32 v5, v29;
	v39 =	vadd.f32 v39, v34;
	[tilespmem:v50+s20+$0x0] =	vst.idx.msk $0xffff, v38  }
0x7e: {  	v40 =	vld [tilespmem:s0+$0xFFFFFEF0];
	v41 =	vadd.f32 v41, v34;
	v50 =	vadd.s32 v17, v51;
	[tilespmem:v58+s20+$0x0] =	vst.idx.msk $0xffff, v37  }
0x7f: {  	s9 =	simm.s32 $0x13;
	s11 =	simm.s32 $0x10;
	v51 =	vld [tilespmem:s0+$0xFFFFFF30];
	v52 =	vadd.f32 v52, v34;
	[tilespmem:v59+s20+$0x0] =	vst.idx.msk $0xffff, v39;
	v63 =	vadd.s32 v13, v11  }
0x80: {  	v0 =	vmov s9;
	v38 =	vmov s11;
	v37 =	vld [tilespmem:s0+$0xFFFFFF70];
	[tilespmem:v54+s20+$0x0] =	vst.idx.msk $0xffff, v41  }
0x81: {  	v49 =	vadd.s32 v21, v49;
	v2 =	vshrl.u32 v38, $0x3;
	v38 =	vadd.f32 v60, v34;
	v60 =	vld [tilespmem:s0+$0xFFFFFFB0];
	[tilespmem:v56+s20+$0x0] =	vst.idx.msk $0xffff, v52  }
0x82: {  	v47 =	vadd.s32 v10, v47;
	v55 =	vadd.f32 v55, v33;
	v54 =	vadd.f32 v62, v33;
	v62 =	vld [tilespmem:s0+$0xFFFFFFF0];
	[tilespmem:$0x1FDF0] =	vst v0  }
0x83: {  	v53 =	vadd.s32 v9, v53;
	v59 =	vadd.s32 v25, v7;
	v56 =	vld [tilespmem:s0+$0x30];
	[tilespmem:v57+s20+$0x0] =	vst.idx.msk $0xffff, v38  }
0x84: {  	v48 =	vadd.s32 v6, v48;
	v42 =	vadd.s32 v17, v42;
	v57 =	vld [tilespmem:s0+$0x70];
	[tilespmem:v63+s20+$0x0] =	vst.idx.msk $0xffff, v55  }
0x85: {  	v61 =	vadd.s32 v10, v61;
	v43 =	vadd.s32 v9, v43;
	v40 =	vadd.f32 v40, v33;
	v0 =	vld [tilespmem:$0x1FE70]  }
0x86: {  	v51 =	vadd.f32 v51, v33;
	v38 =	vadd.f32 v60, v33;
	v60 =	vld [tilespmem:s0+$0xF0];
	[tilespmem:v50+s20+$0x0] =	vst.idx.msk $0xffff, v54  }
0x87: {  	s15 =	simm.s32 $0x12;
	v46 =	vadd.s32 v13, v46;
	v58 =	vadd.f32 v37, v33;
	v63 =	vld [tilespmem:s0+$0xB0];
	[tilespmem:v49+s20+$0x0] =	vst.idx.msk $0xffff, v40  }
0x88: {  	s9 =	simm.s32 $0x17;
	s11 =	simm.s32 $0x14;
	v7 =	vmov s15;
	[tilespmem:v59+s20+$0x0] =	vst.idx.msk $0xffff, v51;
	v51 =	vadd.f32 v56, v33;
	v56 =	vadd.s32 v21, v44  }
0x89: {  	s12 =	simm.s32 $0x11;
	v52 =	vmov s11;
	v41 =	vmov s9;
	v49 =	vadd.f32 v62, v33;
	[tilespmem:v47+s20+$0x0] =	vst.idx.msk $0xffff, v58  }
0x8a: {  	s15 =	simm.s32 $0x16;
	v11 =	vmov s12;
	s12 =	simm.s32 $0x15;
	v62 =	vld [tilespmem:s0+$0x130];
	v47 =	vadd.f32 v57, v33;
	[tilespmem:v53+s20+$0x0] =	vst.idx.msk $0xffff, v38;
	v37 =	vadd.s32 v0, v45  }
0x8b: {  	s11 =	simm.s32 $0x18;
	v55 =	vmov s12;
	v54 =	vmov s15;
	v44 =	vld [tilespmem:s0+$0x170];
	s15 =	simm.s32 $0x1A;
	[tilespmem:v48+s20+$0x0] =	vst.idx.msk $0xffff, v49;
	v48 =	vadd.f32 v60, v33  }
0x8c: {  	s12 =	simm.s32 $0x19;
	v59 =	vmov s11;
	v38 =	vld [tilespmem:s0+$0xFFFFFE30];
	v53 =	vmov s15;
	s15 =	simm.s32 $0x1E;
	[tilespmem:v46+s20+$0x0] =	vst.idx.msk $0xffff, v47;
	v50 =	vadd.f32 v63, v33  }
0x8d: {  	v58 =	vmov s12;
	v57 =	vadd.s32 v25, v3;
	s11 =	simm.s32 $0x1C;
	v40 =	vmov s15;
	v45 =	vld [tilespmem:s0+$0x1B0];
	[tilespmem:v56+s20+$0x0] =	vst.idx.msk $0xffff, v48  }
0x8e: {  	s9 =	simm.s32 $0x1B;
	v60 =	vmov s11;
	v47 =	vshrl.u32 v59, $0x3;
	v40 =	vshrl.u32 v40, $0x3;
	[tilespmem:v42+s20+$0x0] =	vst.idx.msk $0xffff, v50  }
0x8f: {  	s12 =	simm.s32 $0x1D;
	v63 =	vmov s9;
	v39 =	vadd.s32 v0, v29;
	v49 =	vadd.f32 v62, v33;
	[tilespmem:v37+s20+$0x0] =	vst.idx.msk $0xffff, v51  }
0x90: {  	v62 =	vmov s12;
	v46 =	vadd.f32 v44, v33;
	v44 =	vshrl.u32 v11, $0x3;
	v0 =	vld [tilespmem:$0x1FDF0]  }
0x91: {  	v56 =	vadd.f32 v38, v33;
	v48 =	vshrl.u32 v55, $0x3;
	v38 =	vshrl.u32 v58, $0x3  }
0x92: {  	v50 =	vshrl.u32 v7, $0x3;
	v37 =	vshll.u32 v2, v1;
	v42 =	vadd.f32 v45, v33;
	[tilespmem:v57+s20+$0x0] =	vst.idx.msk $0xffff, v49  }
0x93: {  	v51 =	vshrl.u32 v52, $0x3;
	v49 =	vshrl.u32 v54, $0x3;
	[tilespmem:v61+s20+$0x0] =	vst.idx.msk $0xffff, v46;
	v46 =	vshrl.u32 v41, $0x3  }
0x94: {  	v11 =	vmovc v4;
	v41 =	vshrl.u32 v60, $0x3;
	[tilespmem:v39+s20+$0x0] =	vst.idx.msk $0xffff, v56;
	v37 =	vbroadcast v37, $0x0;
	v39 =	vshrl.u32 v62, $0x3  }
0x95: {  	s31 =	sshll.u32 s29, $0x2;
	s3 =	simm.s32 $0x20;
	s9 =	simm.s32 $0x1F;
	v7 =	vmovc v8;
	v8 =	vmovc v5;
	[tilespmem:v43+s20+$0x0] =	vst.idx.msk $0xffff, v42;
	v42 =	vshrl.u32 v53, $0x3;
	v43 =	vshrl.u32 v63, $0x3;
	v45 =	vshrl.u32 v0, $0x3  }
.LBB2_3:
0x96: {  	v59 =	vmov s9;
	v10 =	vld [tilespmem:$0x1FE10]  }
0x97: {  	v53 =	vshll.u32 v50, v1;
	v9 =	vld [tilespmem:$0x1FE00];
	v50 =	vshrl.u32 v59, $0x3  }
0x98: {  	v44 =	vshll.u32 v44, v1;
	s0 =	sadd.s32 $0x400, s0;
	v29 =	vld [tilespmem:$0x1FE40];
	v60 =	vshll.u32 v50, v1  }
0x99: {  	v45 =	vshll.u32 v45, v1;
	v54 =	vshll.u32 v51, v1;
	v57 =	vld [tilespmem:s0+$0x1C0];
	v52 =	vbroadcast v60, $0x0  }
0x9a: {  	v48 =	vshll.u32 v48, v1;
	v50 =	vbroadcast v44, $0x0;
	v60 =	vshll.u32 v43, v1;
	v43 =	vld [tilespmem:s0+$0xFFFFFE40]  }
0x9b: {  	v55 =	vshll.u32 v49, v1;
	v62 =	vld [tilespmem:s0+$0xFFFFFE80];
	v51 =	vbroadcast v53, $0x0;
	v44 =	vadd.s32 v10, v52  }
0x9c: {  	v56 =	vshll.u32 v47, v1;
	v2 =	vshll.u32 v40, v1;
	v58 =	vld [tilespmem:s0+$0xFFFFFE00];
	v63 =	vadd.s32 v9, v50  }
0x9d: {  	v49 =	vbroadcast v45, $0x0;
	v45 =	vld [tilespmem:s0+$0xFFFFFF00];
	v47 =	vbroadcast v54, $0x0;
	v40 =	vadd.s32 v14, v51  }
0x9e: {  	v46 =	vshll.u32 v46, v1;
	v59 =	vshll.u32 v42, v1;
	v0 =	vld [tilespmem:s0+$0xFFFFFEC0];
	v54 =	vadd.f32 v57, v36  }
0x9f: {  	v53 =	vshll.u32 v39, v1;
	v5 =	vld [tilespmem:s0+$0xFFFFFF80];
	v4 =	vadd.s32 v22, v47;
	v43 =	vadd.f32 v43, v36  }
0xa0: {  	v3 =	vld [tilespmem:s0+$0xFFFFFF40];
	v61 =	vadd.s32 v29, v37;
	[tilespmem:v44+s20+$0x0] =	vst.idx.msk $0xffff, v54;
	v44 =	vadd.f32 v62, v36  }
0xa1: {  	v42 =	vbroadcast v48, $0x0;
	v57 =	vadd.f32 v58, v36;
	v58 =	vadd.s32 v18, v49;
	[tilespmem:v63+s20+$0x0] =	vst.idx.msk $0xffff, v43;
	v63 =	vld [tilespmem:$0x1FE20]  }
0xa2: {  	v48 =	vbroadcast v46, $0x0;
	v46 =	vld [tilespmem:s0+$0x0];
	[tilespmem:v40+s20+$0x0] =	vst.idx.msk $0xffff, v44;
	v40 =	vadd.f32 v45, v36;
	v44 =	vbroadcast v56, $0x0  }
0xa3: {  	v39 =	vbroadcast v55, $0x0;
	v0 =	vadd.f32 v0, v36;
	v54 =	vadd.s32 v26, v42;
	v62 =	vld [tilespmem:s0+$0x80]  }
0xa4: {  	v55 =	vld [tilespmem:s0+$0x1D0];
	[tilespmem:v4+s20+$0x0] =	vst.idx.msk $0xffff, v40;
	v4 =	vadd.f32 v5, v36;
	v5 =	vadd.s32 v29, v44  }
0xa5: {  	v38 =	vshll.u32 v38, v1;
	[tilespmem:v61+s20+$0x0] =	vst.idx.msk $0xffff, v57;
	v57 =	vadd.s32 v30, v39;
	v61 =	vld [tilespmem:s0+$0xFFFFFFC0]  }
0xa6: {  	[tilespmem:v58+s20+$0x0] =	vst.idx.msk $0xffff, v0;
	v0 =	vadd.f32 v3, v36;
	v45 =	vbroadcast v38, $0x0;
	v56 =	vadd.s32 v63, v52  }
0xa7: {  	v46 =	vadd.f32 v46, v36;
	v3 =	vadd.s32 v10, v48;
	v58 =	vld [tilespmem:s0+$0x40]  }
0xa8: {  	v41 =	vshll.u32 v41, v1;
	v43 =	vbroadcast v59, $0x0;
	[tilespmem:v54+s20+$0x0] =	vst.idx.msk $0xffff, v0;
	v0 =	vadd.s32 v9, v45;
	v54 =	vld [tilespmem:s0+$0xC0]  }
0xa9: {  	v40 =	vbroadcast v60, $0x0;
	v55 =	vadd.f32 v55, v35;
	[tilespmem:v5+s20+$0x0] =	vst.idx.msk $0xffff, v46;
	v5 =	vadd.f32 v62, v36;
	v62 =	vld [tilespmem:$0x1FE30]  }
0xaa: {  	v41 =	vbroadcast v41, $0x0;
	v59 =	vld [tilespmem:s0+$0x100];
	[tilespmem:v57+s20+$0x0] =	vst.idx.msk $0xffff, v4;
	v4 =	vadd.f32 v61, v36;
	v57 =	vadd.s32 v14, v43  }
0xab: {  	v38 =	vbroadcast v53, $0x0;
	v60 =	vadd.s32 v18, v40;
	v61 =	vld [tilespmem:s0+$0x140];
	[tilespmem:v56+s20+$0x0] =	vst.idx.msk $0xffff, v55  }
0xac: {  	[tilespmem:v3+s20+$0x0] =	vst.idx.msk $0xffff, v4;
	v3 =	vadd.f32 v58, v36;
	v4 =	vadd.s32 v22, v41;
	v53 =	vld [tilespmem:s0+$0x1E0]  }
0xad: {  	v46 =	vbroadcast v2, $0x0;
	v55 =	vadd.s32 v26, v38;
	v56 =	vld [tilespmem:s0+$0x180]  }
0xae: {  	v2 =	vld [tilespmem:s0+$0xFFFFFE50];
	[tilespmem:v0+s20+$0x0] =	vst.idx.msk $0xffff, v3;
	v0 =	vadd.f32 v54, v36;
	v3 =	vadd.s32 v62, v52  }
0xaf: {  	v54 =	vld [tilespmem:s0+$0xFFFFFE90];
	[tilespmem:v57+s20+$0x0] =	vst.idx.msk $0xffff, v5;
	v5 =	vadd.f32 v59, v36;
	v57 =	vadd.s32 v30, v46  }
0xb0: {  	v58 =	vadd.s32 v11, v50;
	v59 =	vld [tilespmem:s0+$0xFFFFFED0];
	[tilespmem:v60+s20+$0x0] =	vst.idx.msk $0xffff, v0;
	v0 =	vadd.f32 v61, v36  }
0xb1: {  	v60 =	vadd.s32 v15, v51;
	v61 =	vld [tilespmem:s0+$0xFFFFFF10];
	[tilespmem:v4+s20+$0x0] =	vst.idx.msk $0xffff, v5;
	v4 =	vadd.f32 v53, v34  }
0xb2: {  	v5 =	vadd.s32 v19, v49;
	[tilespmem:v55+s20+$0x0] =	vst.idx.msk $0xffff, v0;
	v0 =	vadd.f32 v56, v36;
	v53 =	vld [tilespmem:s0+$0xFFFFFF50]  }
0xb3: {  	v2 =	vadd.f32 v2, v35;
	v55 =	vadd.s32 v23, v47;
	v56 =	vld [tilespmem:s0+$0xFFFFFF90];
	[tilespmem:v3+s20+$0x0] =	vst.idx.msk $0xffff, v4  }
0xb4: {  	[tilespmem:v57+s20+$0x0] =	vst.idx.msk $0xffff, v0;
	v3 =	vadd.f32 v54, v35;
	v4 =	vadd.s32 v27, v42;
	v0 =	vld [tilespmem:s0+$0x1F0]  }
0xb5: {  	[tilespmem:v58+s20+$0x0] =	vst.idx.msk $0xffff, v2;
	v2 =	vadd.f32 v59, v35;
	v57 =	vld [tilespmem:s0+$0xFFFFFFD0];
	v54 =	vadd.s32 v31, v39  }
0xb6: {  	v52 =	vadd.s32 v6, v52;
	[tilespmem:v60+s20+$0x0] =	vst.idx.msk $0xffff, v3;
	v3 =	vadd.f32 v61, v35;
	v61 =	vld [tilespmem:s0+$0x10]  }
0xb7: {  	[tilespmem:v5+s20+$0x0] =	vst.idx.msk $0xffff, v2;
	v5 =	vadd.s32 v63, v48;
	v2 =	vadd.f32 v53, v35;
	v53 =	vld [tilespmem:s0+$0x50]  }
0xb8: {  	[tilespmem:v55+s20+$0x0] =	vst.idx.msk $0xffff, v3;
	v3 =	vadd.f32 v56, v35;
	v55 =	vadd.s32 v7, v44;
	v56 =	vld [tilespmem:s0+$0x90]  }
0xb9: {  	[tilespmem:v4+s20+$0x0] =	vst.idx.msk $0xffff, v2;
	v2 =	vadd.s32 v11, v45;
	v4 =	vld [tilespmem:s0+$0xD0];
	v0 =	vadd.f32 v0, v33  }
0xba: {  	[tilespmem:v54+s20+$0x0] =	vst.idx.msk $0xffff, v3;
	v3 =	vadd.f32 v57, v35;
	v54 =	vadd.s32 v15, v43;
	v57 =	vld [tilespmem:s0+$0x110]  }
0xbb: {  	v59 =	vadd.s32 v19, v40;
	v60 =	vld [tilespmem:s0+$0x150];
	v58 =	vadd.f32 v61, v35;
	[tilespmem:v52+s20+$0x0] =	vst.idx.msk $0xffff, v0  }
0xbc: {  	[tilespmem:v5+s20+$0x0] =	vst.idx.msk $0xffff, v3;
	v0 =	vadd.f32 v53, v35;
	v3 =	vadd.s32 v23, v41;
	v5 =	vld [tilespmem:s0+$0x190]  }
0xbd: {  	v52 =	vld [tilespmem:s0+$0xFFFFFE10];
	[tilespmem:v55+s20+$0x0] =	vst.idx.msk $0xffff, v58;
	v63 =	vadd.f32 v56, v35  }
0xbe: {  	v55 =	vadd.s32 v27, v38;
	v56 =	vld [tilespmem:s0+$0xFFFFFE60];
	[tilespmem:v2+s20+$0x0] =	vst.idx.msk $0xffff, v0;
	v0 =	vadd.f32 v4, v35  }
0xbf: {  	v29 =	vld [tilespmem:$0x1FFA0];
	v2 =	vadd.s32 v31, v46;
	[tilespmem:v54+s20+$0x0] =	vst.idx.msk $0xffff, v63;
	v53 =	vadd.f32 v57, v35  }
0xc0: {  	v9 =	vld [tilespmem:$0x1FE70];
	v4 =	vadd.s32 v7, v37;
	v54 =	vadd.s32 v12, v50;
	[tilespmem:v59+s20+$0x0] =	vst.idx.msk $0xffff, v0  }
0xc1: {  	v58 =	vld [tilespmem:s0+$0xFFFFFEA0];
	v0 =	vadd.f32 v60, v35;
	v59 =	vadd.s32 v16, v51;
	[tilespmem:v3+s20+$0x0] =	vst.idx.msk $0xffff, v53  }
0xc2: {  	v57 =	vld [tilespmem:s0+$0xFFFFFEE0];
	v3 =	vadd.f32 v5, v35;
	v5 =	vadd.f32 v52, v35;
	v52 =	vadd.s32 v20, v49  }
0xc3: {  	v61 =	vld [tilespmem:s0+$0xFFFFFF60];
	v49 =	vadd.s32 v21, v49;
	[tilespmem:v55+s20+$0x0] =	vst.idx.msk $0xffff, v0;
	v0 =	vadd.f32 v56, v34  }
0xc4: {  	v60 =	vld [tilespmem:s0+$0xFFFFFF20];
	v55 =	vadd.s32 v24, v47;
	v56 =	vadd.s32 v8, v37;
	[tilespmem:v2+s20+$0x0] =	vst.idx.msk $0xffff, v3  }
0xc5: {  	v10 =	vld [tilespmem:$0x1FFE0];
	v47 =	vadd.s32 v25, v47;
	v37 =	vadd.s32 v9, v37;
	[tilespmem:v4+s20+$0x0] =	vst.idx.msk $0xffff, v5  }
0xc6: {  	v63 =	vld [tilespmem:s0+$0xFFFFFFA0];
	v2 =	vadd.f32 v58, v34;
	v3 =	vadd.s32 v28, v42;
	v5 =	vadd.s32 v32, v39  }
0xc7: {  	v4 =	vld [tilespmem:s0+$0xFFFFFFE0];
	v42 =	vadd.s32 v29, v42;
	[tilespmem:v54+s20+$0x0] =	vst.idx.msk $0xffff, v0;
	v0 =	vadd.f32 v57, v34  }
0xc8: {  	v54 =	vld [tilespmem:s0+$0x20];
	v57 =	vadd.s32 v62, v48;
	v48 =	vadd.s32 v6, v48;
	[tilespmem:v59+s20+$0x0] =	vst.idx.msk $0xffff, v2  }
0xc9: {  	v58 =	vld [tilespmem:s0+$0x60];
	v2 =	vadd.f32 v60, v34;
	[tilespmem:v52+s20+$0x0] =	vst.idx.msk $0xffff, v0;
	v0 =	vadd.f32 v61, v34  }
0xca: {  	v62 =	vld [tilespmem:s0+$0xA0];
	v61 =	vadd.s32 v8, v44;
	v52 =	vadd.s32 v28, v38;
	v44 =	vadd.s32 v9, v44  }
0xcb: {  	v59 =	vld [tilespmem:s0+$0xFFFFFE20];
	[tilespmem:v55+s20+$0x0] =	vst.idx.msk $0xffff, v2;
	v2 =	vadd.f32 v63, v34;
	v63 =	vadd.s32 v12, v45  }
0xcc: {  	v60 =	vld [tilespmem:s0+$0xE0];
	[tilespmem:v3+s20+$0x0] =	vst.idx.msk $0xffff, v0;
	v0 =	vadd.f32 v4, v34;
	v3 =	vadd.s32 v16, v43  }
0xcd: {  	v38 =	vadd.s32 v29, v38;
	v4 =	vld [tilespmem:s0+$0x120];
	[tilespmem:v5+s20+$0x0] =	vst.idx.msk $0xffff, v2;
	v2 =	vadd.f32 v54, v34  }
0xce: {  	v5 =	vadd.s32 v20, v40;
	v54 =	vld [tilespmem:s0+$0x160];
	[tilespmem:v57+s20+$0x0] =	vst.idx.msk $0xffff, v0;
	v0 =	vadd.f32 v58, v34  }
0xcf: {  	v57 =	vadd.s32 v24, v41;
	v58 =	vld [tilespmem:s0+$0x1A0];
	[tilespmem:v61+s20+$0x0] =	vst.idx.msk $0xffff, v2;
	v2 =	vadd.f32 v62, v34  }
0xd0: {  	v53 =	vld [tilespmem:s0+$0xFFFFFE70];
	v55 =	vadd.s32 v32, v46;
	v61 =	vadd.f32 v59, v34;
	[tilespmem:v63+s20+$0x0] =	vst.idx.msk $0xffff, v0  }
0xd1: {  	v45 =	vadd.s32 v13, v45;
	v0 =	vadd.f32 v60, v34;
	v60 =	vld [tilespmem:s0+$0xFFFFFEB0];
	[tilespmem:v3+s20+$0x0] =	vst.idx.msk $0xffff, v2  }
0xd2: {  	v2 =	vadd.f32 v4, v34;
	v3 =	vadd.s32 v13, v50;
	v4 =	vld [tilespmem:s0+$0xFFFFFEF0];
	[tilespmem:v56+s20+$0x0] =	vst.idx.msk $0xffff, v61  }
0xd3: {  	v50 =	vadd.s32 v17, v51;
	v51 =	vld [tilespmem:s0+$0xFFFFFF30];
	[tilespmem:v5+s20+$0x0] =	vst.idx.msk $0xffff, v0;
	v0 =	vadd.f32 v54, v34  }
0xd4: {  	v46 =	vadd.s32 v10, v46;
	[tilespmem:v57+s20+$0x0] =	vst.idx.msk $0xffff, v2;
	v2 =	vadd.f32 v58, v34;
	v57 =	vld [tilespmem:s0+$0xFFFFFF70]  }
0xd5: {  	s12 =	sadd.s32 $0x3, s3;
	v41 =	vadd.s32 v25, v41;
	v62 =	vadd.f32 v53, v33;
	v53 =	vld [tilespmem:s0+$0xFFFFFFB0];
	v5 =	vmov s3;
	[tilespmem:v52+s20+$0x0] =	vst.idx.msk $0xffff, v0  }
0xd6: {  	s15 =	sadd.s32 $0x1, s3;
	v56 =	vmov s12;
	v5 =	vshrl.u32 v5, $0x3;
	[tilespmem:v55+s20+$0x0] =	vst.idx.msk $0xffff, v2;
	v63 =	vadd.f32 v60, v33;
	v55 =	vld [tilespmem:s0+$0xFFFFFFF0]  }
0xd7: {  	s11 =	sadd.s32 $0x2, s3;
	v0 =	vmov s15;
	[tilespmem:v3+s20+$0x0] =	vst.idx.msk $0xffff, v62;
	v3 =	vadd.f32 v4, v33;
	v4 =	vadd.s32 v10, v39;
	v39 =	vld [tilespmem:s0+$0x30]  }
0xd8: {  	v61 =	vld [tilespmem:s0+$0x70];
	s15 =	sadd.s32 $0x4, s3;
	v5 =	vshll.u32 v5, v1;
	v2 =	vmov s11;
	s11 =	sadd.s32 $0x5, s3;
	v60 =	vadd.f32 v51, v33;
	[tilespmem:v50+s20+$0x0] =	vst.idx.msk $0xffff, v63  }
0xd9: {  	v52 =	vmov s15;
	s15 =	sadd.s32 $0x7, s3;
	v54 =	vmov s11;
	v62 =	vld [tilespmem:s0+$0xB0];
	[tilespmem:v49+s20+$0x0] =	vst.idx.msk $0xffff, v3;
	v3 =	vadd.f32 v57, v33  }
0xda: {  	s12 =	sadd.s32 $0x6, s3;
	v51 =	vshrl.u32 v52, $0x3;
	v63 =	vadd.f32 v53, v33;
	v53 =	vmov s15;
	[tilespmem:v47+s20+$0x0] =	vst.idx.msk $0xffff, v60;
	v47 =	vld [tilespmem:s0+$0x1B0]  }
0xdb: {  	v50 =	vld [tilespmem:s0+$0xF0];
	s15 =	sadd.s32 $0xA, s3;
	v57 =	vmov s12;
	s12 =	sadd.s32 $0x9, s3;
	[tilespmem:v42+s20+$0x0] =	vst.idx.msk $0xffff, v3;
	v3 =	vadd.f32 v55, v33;
	v42 =	vadd.s32 v17, v43  }
0xdc: {  	s11 =	sadd.s32 $0x8, s3;
	v59 =	vmov s15;
	v58 =	vmov s12;
	v43 =	vld [tilespmem:s0+$0x130];
	[tilespmem:v4+s20+$0x0] =	vst.idx.msk $0xffff, v63;
	v4 =	vadd.f32 v39, v33  }
0xdd: {  	v55 =	vmov s11;
	s11 =	sadd.s32 $0xB, s3;
	v39 =	vadd.s32 v21, v40;
	v40 =	vld [tilespmem:s0+$0x170];
	[tilespmem:v48+s20+$0x0] =	vst.idx.msk $0xffff, v3;
	v3 =	vadd.f32 v61, v33  }
0xde: {  	s12 =	sadd.s32 $0xC, s3;
	v49 =	vshrl.u32 v57, $0x3;
	v60 =	vmov s11;
	v48 =	vld [tilespmem:s0+$0xFFFFFE30];
	[tilespmem:v44+s20+$0x0] =	vst.idx.msk $0xffff, v4;
	v4 =	vadd.f32 v62, v33  }
0xdf: {  	s15 =	sadd.s32 $0xD, s3;
	s11 =	sadd.s32 $0xE, s3;
	v61 =	vmov s12;
	v44 =	vshrl.u32 v0, $0x3;
	v0 =	vadd.f32 v47, v33;
	[tilespmem:v45+s20+$0x0] =	vst.idx.msk $0xffff, v3  }
0xe0: {  	p1 =	slt.u32 s3, $0x70;
	v63 =	vmov s11;
	v62 =	vmov s15;
	v3 =	vadd.f32 v50, v33;
	[tilespmem:v42+s20+$0x0] =	vst.idx.msk $0xffff, v4  }
.Ltmp0:
0xe1: {  	v47 =	vshrl.u32 v55, $0x3;
	v50 =	vshrl.u32 v2, $0x3;
	v4 =	vadd.f32 v43, v33;
	[tilespmem:v46+s20+$0x0] =	vst.idx.msk $0xffff, v0;
	(pc) =	sbr.rel @p1 .LBB2_3-.Ltmp0, $4  }
0xe2: {  	v45 =	vshrl.u32 v56, $0x3;
	v46 =	vshrl.u32 v53, $0x3;
	[tilespmem:v39+s20+$0x0] =	vst.idx.msk $0xffff, v3;
	v3 =	vadd.f32 v40, v33  }
0xe3: {  	v42 =	vshrl.u32 v59, $0x3;
	v43 =	vshrl.u32 v60, $0x3;
	[tilespmem:v41+s20+$0x0] =	vst.idx.msk $0xffff, v4;
	v2 =	vadd.f32 v48, v33  }
0xe4: {  	v39 =	vshrl.u32 v62, $0x3;
	v40 =	vshrl.u32 v63, $0x3;
	v48 =	vshrl.u32 v54, $0x3;
	[tilespmem:v38+s20+$0x0] =	vst.idx.msk $0xffff, v3  }
0xe5: {  	s9 =	sadd.s32 $0xF, s3;
	s3 =	sadd.s32 $0x10, s3;
	v41 =	vshrl.u32 v61, $0x3;
	v38 =	vshrl.u32 v58, $0x3;
	[tilespmem:v37+s20+$0x0] =	vst.idx.msk $0xffff, v2;
	v37 =	vbroadcast v5, $0x0  }
0xe6: {  	v10 =	vld [tilespmem:$0x1FE10]  }
0xe7: {  	v0 =	vshll.u32 v44, v1;
	v2 =	vshll.u32 v50, v1;
	v3 =	vmov s9;
	v29 =	vld [tilespmem:$0x1FE40]  }
0xe8: {  	s0 =	sadd.s32 $0x400, s0;
	v50 =	vshll.u32 v38, v1;
	v9 =	vld [tilespmem:$0x1FE00];
	v3 =	vshrl.u32 v3, $0x3;
	v38 =	vbroadcast v0, $0x0  }
0xe9: {  	v0 =	vshll.u32 v41, v1;
	v55 =	vld [tilespmem:s0+$0xFFFFFE80];
	v41 =	vbroadcast v2, $0x0;
	v3 =	vshll.u32 v3, v1  }
0xea: {  	v63 =	vld [tilespmem:s0+$0x1C0];
	v3 =	vbroadcast v3, $0x0  }
0xeb: {  	v60 =	vld [tilespmem:s0+$0xFFFFFE00];
	v58 =	vadd.s32 v14, v41  }
0xec: {  	v4 =	vshll.u32 v45, v1;
	v52 =	vshll.u32 v43, v1;
	v43 =	vld [tilespmem:s0+$0xFFFFFE40];
	v53 =	vadd.s32 v10, v3  }
0xed: {  	v5 =	vshll.u32 v51, v1;
	v2 =	vshll.u32 v39, v1;
	v54 =	vadd.s32 v29, v37  }
0xee: {  	v39 =	vbroadcast v4, $0x0;
	v56 =	vadd.s32 v9, v38;
	v62 =	vadd.f32 v55, v36  }
0xef: {  	v4 =	vshll.u32 v40, v1;
	v40 =	vbroadcast v5, $0x0;
	v5 =	vadd.f32 v63, v36  }
0xf0: {  	v44 =	vshll.u32 v48, v1;
	v48 =	vadd.f32 v60, v36;
	[tilespmem:v58+s20+$0x0] =	vst.idx.msk $0xffff, v62  }
0xf1: {  	v57 =	vld [tilespmem:s0+$0xFFFFFEC0];
	v61 =	vadd.f32 v43, v36;
	[tilespmem:v53+s20+$0x0] =	vst.idx.msk $0xffff, v5  }
0xf2: {  	v59 =	vld [tilespmem:s0+$0xFFFFFF00];
	[tilespmem:v54+s20+$0x0] =	vst.idx.msk $0xffff, v48  }
0xf3: {  	v45 =	vshll.u32 v49, v1;
	v49 =	vadd.s32 v18, v39;
	v60 =	vld [tilespmem:s0+$0xFFFFFF40];
	[tilespmem:v56+s20+$0x0] =	vst.idx.msk $0xffff, v61  }
0xf4: {  	v51 =	vshll.u32 v42, v1;
	v42 =	vbroadcast v44, $0x0;
	v63 =	vld [tilespmem:$0x1FE20]  }
0xf5: {  	v46 =	vshll.u32 v46, v1;
	v43 =	vbroadcast v45, $0x0;
	v5 =	vadd.s32 v22, v40;
	v53 =	vld [tilespmem:s0+$0xFFFFFF80]  }
0xf6: {  	v44 =	vbroadcast v46, $0x0;
	v55 =	vadd.f32 v57, v36;
	v57 =	vld [tilespmem:s0+$0xFFFFFFC0];
	v48 =	vadd.s32 v26, v42  }
0xf7: {  	v47 =	vshll.u32 v47, v1;
	v56 =	vadd.s32 v30, v43;
	v54 =	vld [tilespmem:s0+$0x1D0]  }
0xf8: {  	v45 =	vbroadcast v47, $0x0;
	v58 =	vadd.f32 v59, v36;
	v59 =	vld [tilespmem:s0+$0x0];
	[tilespmem:v49+s20+$0x0] =	vst.idx.msk $0xffff, v55;
	v55 =	vadd.s32 v10, v44  }
0xf9: {  	v46 =	vbroadcast v50, $0x0;
	v49 =	vadd.f32 v60, v36;
	v60 =	vld [tilespmem:s0+$0x40];
	v61 =	vadd.s32 v63, v3  }
0xfa: {  	v47 =	vbroadcast v51, $0x0;
	[tilespmem:v5+s20+$0x0] =	vst.idx.msk $0xffff, v58;
	v10 =	vadd.f32 v53, v36;
	v53 =	vadd.s32 v29, v45  }
0xfb: {  	v62 =	vadd.s32 v9, v46;
	v58 =	vld [tilespmem:s0+$0x80];
	[tilespmem:v48+s20+$0x0] =	vst.idx.msk $0xffff, v49;
	v29 =	vadd.f32 v57, v36  }
0xfc: {  	v9 =	vadd.s32 v14, v47;
	v63 =	vld [tilespmem:s0+$0xC0];
	v50 =	vadd.f32 v54, v35;
	[tilespmem:v56+s20+$0x0] =	vst.idx.msk $0xffff, v10  }
0xfd: {  	v48 =	vbroadcast v52, $0x0;
	v49 =	vbroadcast v0, $0x0;
	v0 =	vadd.f32 v59, v36;
	v10 =	vld [tilespmem:s0+$0x100];
	[tilespmem:v55+s20+$0x0] =	vst.idx.msk $0xffff, v29  }
0xfe: {  	v57 =	vld [tilespmem:s0+$0x140];
	[tilespmem:v61+s20+$0x0] =	vst.idx.msk $0xffff, v50;
	v50 =	vbroadcast v2, $0x0;
	v2 =	vadd.f32 v60, v36  }
0xff: {  	v56 =	vadd.s32 v18, v48;
	[tilespmem:v53+s20+$0x0] =	vst.idx.msk $0xffff, v0;
	v61 =	vld [tilespmem:s0+$0x180]  }
0x100: {  	v51 =	vbroadcast v4, $0x0;
	v0 =	vadd.f32 v58, v36;
	v60 =	vadd.s32 v26, v50;
	[tilespmem:v62+s20+$0x0] =	vst.idx.msk $0xffff, v2;
	v2 =	vld [tilespmem:s0+$0xFFFFFE50]  }
0x101: {  	v29 =	vadd.s32 v22, v49;
	v62 =	vadd.f32 v63, v36;
	v18 =	vld [tilespmem:$0x1FE30]  }
0x102: {  	[tilespmem:v9+s20+$0x0] =	vst.idx.msk $0xffff, v0;
	v0 =	vld [tilespmem:s0+$0xFFFFFE90];
	v9 =	vadd.f32 v10, v36;
	v10 =	vadd.s32 v30, v51  }
0x103: {  	v22 =	vadd.s32 v11, v38;
	v57 =	vadd.f32 v57, v36;
	v26 =	vld [tilespmem:s0+$0xFFFFFED0]  }
0x104: {  	v5 =	vadd.s32 v15, v41;
	v55 =	vld [tilespmem:s0+$0x1E0];
	[tilespmem:v56+s20+$0x0] =	vst.idx.msk $0xffff, v62  }
0x105: {  	v30 =	vadd.s32 v19, v39;
	[tilespmem:v60+s20+$0x0] =	vst.idx.msk $0xffff, v57;
	v60 =	vadd.f32 v61, v36  }
0x106: {  	[tilespmem:v29+s20+$0x0] =	vst.idx.msk $0xffff, v9;
	v29 =	vld [tilespmem:s0+$0xFFFFFF10];
	v2 =	vadd.f32 v2, v35;
	v63 =	vadd.s32 v18, v3  }
0x107: {  	v0 =	vadd.f32 v0, v35;
	[tilespmem:v10+s20+$0x0] =	vst.idx.msk $0xffff, v60  }
0x108: {  	[tilespmem:v22+s20+$0x0] =	vst.idx.msk $0xffff, v2;
	v2 =	vadd.f32 v26, v35  }
0x109: {  	v55 =	vadd.f32 v55, v34;
	v61 =	vld [tilespmem:s0+$0xFFFFFF50];
	[tilespmem:v5+s20+$0x0] =	vst.idx.msk $0xffff, v0  }
0x10a: {  	[tilespmem:v30+s20+$0x0] =	vst.idx.msk $0xffff, v2  }
0x10b: {  	v0 =	vadd.f32 v29, v35;
	v29 =	vld [tilespmem:s0+$0x10];
	[tilespmem:v63+s20+$0x0] =	vst.idx.msk $0xffff, v55  }
0x10c: {  	v62 =	vadd.s32 v23, v40;
	v14 =	vld [tilespmem:$0x1FE20]  }
0x10d: {  	v9 =	vadd.s32 v27, v42;
	v63 =	vld [tilespmem:s0+$0xFFFFFF90]  }
0x10e: {  	v2 =	vadd.f32 v61, v35;
	v61 =	vadd.s32 v7, v45;
	v10 =	vld [tilespmem:s0+$0x1F0]  }
0x10f: {  	v22 =	vadd.s32 v31, v43;
	v26 =	vld [tilespmem:s0+$0xFFFFFFD0]  }
0x110: {  	v3 =	vadd.s32 v6, v3  }
0x111: {  	v60 =	vld [tilespmem:s0+$0x50];
	[tilespmem:v62+s20+$0x0] =	vst.idx.msk $0xffff, v0;
	v5 =	vadd.f32 v29, v35;
	v30 =	vadd.s32 v14, v44  }
0x112: {  	v62 =	vld [tilespmem:s0+$0x90];
	[tilespmem:v9+s20+$0x0] =	vst.idx.msk $0xffff, v2;
	v0 =	vadd.f32 v63, v35  }
0x113: {  	v2 =	vadd.s32 v11, v46;
	[tilespmem:v61+s20+$0x0] =	vst.idx.msk $0xffff, v5;
	v63 =	vld [tilespmem:s0+$0xD0];
	v54 =	vadd.f32 v10, v33  }
0x114: {  	v9 =	vadd.s32 v15, v47;
	v10 =	vld [tilespmem:s0+$0x110];
	[tilespmem:v22+s20+$0x0] =	vst.idx.msk $0xffff, v0;
	v0 =	vadd.f32 v26, v35  }
0x115: {  	v22 =	vadd.s32 v23, v49;
	v23 =	vld [tilespmem:s0+$0x190];
	[tilespmem:v3+s20+$0x0] =	vst.idx.msk $0xffff, v54;
	v3 =	vadd.s32 v19, v48  }
0x116: {  	v61 =	vld [tilespmem:s0+$0xFFFFFEA0];
	[tilespmem:v30+s20+$0x0] =	vst.idx.msk $0xffff, v0;
	v0 =	vadd.f32 v60, v35  }
0x117: {  	v31 =	vadd.s32 v31, v51;
	v11 =	vld [tilespmem:s0+$0x150];
	v29 =	vadd.f32 v62, v35  }
0x118: {  	v62 =	vadd.s32 v16, v41;
	[tilespmem:v2+s20+$0x0] =	vst.idx.msk $0xffff, v0;
	v0 =	vld [tilespmem:s0+$0xFFFFFE60];
	v2 =	vadd.f32 v63, v35  }
0x119: {  	v26 =	vld [tilespmem:s0+$0xFFFFFE10];
	[tilespmem:v9+s20+$0x0] =	vst.idx.msk $0xffff, v29;
	v30 =	vadd.s32 v27, v50;
	v56 =	vadd.f32 v10, v35  }
0x11a: {  	v53 =	vadd.f32 v23, v35;
	[tilespmem:v3+s20+$0x0] =	vst.idx.msk $0xffff, v2;
	v2 =	vadd.s32 v12, v38;
	v3 =	vld [tilespmem:s0+$0xFFFFFEE0]  }
0x11b: {  	v60 =	vadd.s32 v7, v37;
	v23 =	vadd.f32 v61, v34;
	[tilespmem:v22+s20+$0x0] =	vst.idx.msk $0xffff, v56;
	v63 =	vld [tilespmem:s0+$0xFFFFFF20]  }
0x11c: {  	v54 =	vadd.f32 v11, v35;
	v9 =	vadd.s32 v20, v39;
	v10 =	vld [tilespmem:s0+$0xFFFFFF60];
	[tilespmem:v31+s20+$0x0] =	vst.idx.msk $0xffff, v53  }
0x11d: {  	v11 =	vadd.s32 v24, v40;
	v22 =	vld [tilespmem:s0+$0xFFFFFFA0];
	[tilespmem:v62+s20+$0x0] =	vst.idx.msk $0xffff, v23;
	v0 =	vadd.f32 v0, v34  }
0x11e: {  	v5 =	vadd.f32 v26, v35;
	v26 =	vadd.s32 v28, v42;
	v27 =	vld [tilespmem:s0+$0xFFFFFFE0];
	[tilespmem:v30+s20+$0x0] =	vst.idx.msk $0xffff, v54  }
0x11f: {  	[tilespmem:v2+s20+$0x0] =	vst.idx.msk $0xffff, v0;
	v0 =	vadd.f32 v3, v34;
	v2 =	vadd.s32 v32, v43;
	v3 =	vld [tilespmem:s0+$0x20]  }
0x120: {  	v31 =	vld [tilespmem:s0+$0x60];
	[tilespmem:v60+s20+$0x0] =	vst.idx.msk $0xffff, v5;
	v30 =	vadd.s32 v18, v44;
	v29 =	vadd.f32 v63, v34  }
0x121: {  	v61 =	vld [tilespmem:s0+$0xA0];
	v60 =	vadd.s32 v8, v45;
	[tilespmem:v9+s20+$0x0] =	vst.idx.msk $0xffff, v0;
	v0 =	vadd.f32 v10, v34  }
0x122: {  	v62 =	vadd.f32 v22, v34;
	v63 =	vadd.s32 v12, v46;
	[tilespmem:v11+s20+$0x0] =	vst.idx.msk $0xffff, v29;
	v9 =	vld [tilespmem:s0+$0xE0]  }
0x123: {  	v11 =	vld [tilespmem:s0+$0x120];
	v10 =	vadd.s32 v16, v47;
	[tilespmem:v26+s20+$0x0] =	vst.idx.msk $0xffff, v0;
	v0 =	vadd.f32 v27, v34  }
0x124: {  	v22 =	vld [tilespmem:s0+$0x160];
	[tilespmem:v2+s20+$0x0] =	vst.idx.msk $0xffff, v62;
	v2 =	vadd.f32 v3, v34;
	v3 =	vadd.s32 v20, v48  }
0x125: {  	v23 =	vadd.s32 v24, v49;
	v24 =	vld [tilespmem:s0+$0x1A0];
	[tilespmem:v30+s20+$0x0] =	vst.idx.msk $0xffff, v0;
	v0 =	vadd.f32 v31, v34  }
0x126: {  	v26 =	vadd.f32 v61, v34;
	v27 =	vadd.s32 v28, v50;
	[tilespmem:v60+s20+$0x0] =	vst.idx.msk $0xffff, v2;
	v2 =	vld [tilespmem:s0+$0xFFFFFE20]  }
0x127: {  	v29 =	vadd.s32 v32, v51;
	v28 =	vadd.f32 v9, v34;
	[tilespmem:v63+s20+$0x0] =	vst.idx.msk $0xffff, v0;
	v0 =	vld [tilespmem:s0+$0xFFFFFE70]  }
0x128: {  	v55 =	vadd.f32 v11, v34;
	v30 =	vadd.s32 v8, v37;
	v31 =	vld [tilespmem:s0+$0xFFFFFEB0];
	[tilespmem:v10+s20+$0x0] =	vst.idx.msk $0xffff, v26  }
0x129: {  	v57 =	vld [tilespmem:s0+$0xFFFFFEF0];
	v4 =	vadd.f32 v22, v34;
	[tilespmem:v3+s20+$0x0] =	vst.idx.msk $0xffff, v28;
	v3 =	vadd.s32 v13, v38  }
0x12a: {  	v58 =	vadd.s32 v17, v41;
	[tilespmem:v23+s20+$0x0] =	vst.idx.msk $0xffff, v55;
	v60 =	vadd.f32 v24, v34  }
0x12b: {  	v61 =	vadd.s32 v21, v39;
	[tilespmem:v27+s20+$0x0] =	vst.idx.msk $0xffff, v4;
	v2 =	vadd.f32 v2, v34  }
0x12c: {  	[tilespmem:v29+s20+$0x0] =	vst.idx.msk $0xffff, v60;
	v0 =	vadd.f32 v0, v33  }
0x12d: {  	v59 =	vld [tilespmem:s0+$0xFFFFFF30];
	[tilespmem:v30+s20+$0x0] =	vst.idx.msk $0xffff, v2;
	v2 =	vadd.f32 v31, v33  }
0x12e: {  	v23 =	vld [tilespmem:$0x1FFA0];
	[tilespmem:v3+s20+$0x0] =	vst.idx.msk $0xffff, v0;
	v0 =	vadd.f32 v57, v33  }
0x12f: {  	v27 =	vld [tilespmem:$0x1FFE0];
	[tilespmem:v58+s20+$0x0] =	vst.idx.msk $0xffff, v2  }
0x130: {  	v62 =	vld [tilespmem:s0+$0xFFFFFF70];
	[tilespmem:v61+s20+$0x0] =	vst.idx.msk $0xffff, v0  }
0x131: {  	v31 =	vld [tilespmem:$0x1FE70]  }
0x132: {  	v22 =	vld [tilespmem:s0+$0xFFFFFFB0];
	v63 =	vadd.s32 v25, v40  }
0x133: {  	v26 =	vld [tilespmem:s0+$0xFFFFFFF0];
	v24 =	vadd.s32 v23, v42  }
0x134: {  	v28 =	vld [tilespmem:s0+$0x30];
	v3 =	vadd.s32 v27, v43  }
0x135: {  	v29 =	vadd.s32 v6, v44;
	v30 =	vld [tilespmem:s0+$0x70];
	v2 =	vadd.f32 v59, v33  }
0x136: {  	v55 =	vld [tilespmem:s0+$0x130];
	v0 =	vadd.f32 v62, v33;
	v44 =	vadd.s32 v31, v45  }
0x137: {  	v52 =	vadd.s32 v13, v46;
	v53 =	vld [tilespmem:s0+$0xF0];
	[tilespmem:v63+s20+$0x0] =	vst.idx.msk $0xffff, v2;
	v2 =	vadd.f32 v22, v33  }
0x138: {  	v57 =	vadd.s32 v25, v49;
	v45 =	vld [tilespmem:s0+$0xB0];
	[tilespmem:v24+s20+$0x0] =	vst.idx.msk $0xffff, v0;
	v0 =	vadd.f32 v26, v33  }
0x139: {  	v56 =	vld [tilespmem:s0+$0x170];
	[tilespmem:v3+s20+$0x0] =	vst.idx.msk $0xffff, v2;
	v2 =	vadd.f32 v28, v33;
	v3 =	vadd.s32 v21, v48  }
0x13a: {  	v54 =	vadd.s32 v17, v47;
	v58 =	vld [tilespmem:s0+$0x1B0];
	[tilespmem:v29+s20+$0x0] =	vst.idx.msk $0xffff, v0;
	v0 =	vadd.f32 v30, v33  }
0x13b: {  	v63 =	vadd.f32 v55, v33;
	v60 =	vadd.s32 v23, v50;
	[tilespmem:v44+s20+$0x0] =	vst.idx.msk $0xffff, v2;
	v2 =	vld [tilespmem:s0+$0xFFFFFE30]  }
0x13c: {  	v61 =	vadd.s32 v27, v51;
	[tilespmem:v52+s20+$0x0] =	vst.idx.msk $0xffff, v0;
	v0 =	vadd.f32 v53, v33  }
0x13d: {  	[tilespmem:v57+s20+$0x0] =	vst.idx.msk $0xffff, v63;
	v62 =	vadd.s32 v31, v37;
	v59 =	vadd.f32 v45, v33  }
0x13e: {  	[tilespmem:v3+s20+$0x0] =	vst.idx.msk $0xffff, v0;
	v0 =	vadd.f32 v56, v33  }
0x13f: {  	s12 =	sshll.u32 s29, $0x14;
	[tilespmem:v54+s20+$0x0] =	vst.idx.msk $0xffff, v59;
	v3 =	vadd.f32 v58, v33  }
0x140: {  	s0 =	sor.u32 s5, s12;
	[tilespmem:v60+s20+$0x0] =	vst.idx.msk $0xffff, v0;
	v0 =	vadd.f32 v2, v33  }
0x141: {  	s0 =	sshrl.u32 s0, $0x3;
	[tilespmem:v61+s20+$0x0] =	vst.idx.msk $0xffff, v3  }
0x142: {  	s15 =	simm.s32 $0xE400;
	s3 =	sadd.s32 s1, s0;
	[tilespmem:v62+s20+$0x0] =	vst.idx.msk $0xffff, v0  }
0x143: {  	[hbm4b:s3+s2] =	stream.linear.scatter [tilespmem:s15], [sflag:$0x5], $0x80, $0x38;
	[tilespmem:$0x15A00] =	vst v63  }
0x144: {  	s9 =	simm.s32 $0xE488;
	s11 =	sadd.s32 $0x10, s3  }
0x145: {  	[hbm4b:s11+s2] =	stream.linear.scatter [tilespmem:s9], [sflag:$0x5], $0x80, $0x38;
	[tilespmem:$0x15A00] =	vst v63  }
0x146: {  	s12 =	simm.s32 $0xE510;
	s15 =	sadd.s32 $0x20, s3  }
0x147: {  	[hbm4b:s15+s2] =	stream.linear.scatter [tilespmem:s12], [sflag:$0x5], $0x80, $0x38;
	[tilespmem:$0x15A00] =	vst v63  }
0x148: {  	s9 =	simm.s32 $0xE598;
	s11 =	sadd.s32 $0x30, s3  }
0x149: {  	[hbm4b:s11+s2] =	stream.linear.scatter [tilespmem:s9], [sflag:$0x5], $0x80, $0x38;
	[tilespmem:$0x15A00] =	vst v63  }
0x14a: {  	s12 =	simm.s32 $0xE620;
	s15 =	sadd.s32 $0x40, s3  }
0x14b: {  	[hbm4b:s15+s2] =	stream.linear.scatter [tilespmem:s12], [sflag:$0x5], $0x80, $0x38;
	[tilespmem:$0x15A00] =	vst v63  }
0x14c: {  	s0 =	simm.s32 $0x440;
	s9 =	simm.s32 $0xE6A8;
	s11 =	sadd.s32 $0x50, s3  }
0x14d: {  	[hbm4b:s11+s2] =	stream.linear.scatter [tilespmem:s9], [sflag:$0x5], $0x80, $0x38;
	[tilespmem:$0x15A00] =	vst v63  }
0x14e: {  	s12 =	simm.s32 $0xE730;
	s15 =	sadd.s32 $0x60, s3;
	s9 =	simm.s32 $0x2200  }
0x14f: {  	[hbm4b:s15+s2] =	stream.linear.scatter [tilespmem:s12], [sflag:$0x5], $0x80, $0x38;
	[tilespmem:$0x15A00] =	vst v63  }
0x150: {  	s11 =	simm.s32 $0xE7B8;
	s12 =	sadd.s32 $0x70, s3;
	s3 =	sadd.s32 $0x1000, s3  }
.LBB2_5:
0x151: {  	[hbm4b:s12+s2] =	stream.linear.scatter [tilespmem:s11], [sflag:$0x5], $0x80, $0x38;
	[tilespmem:$0x15A00] =	vst v63  }
0x152: {  	s11 =	smov.u32 s0;
	s0 =	smov.u32 s9  }
0x153: {  	s15 =	sadd.s32 $0x1100, s9;
	s0 =	sshra.s32 s0, $0x2;
	s12 =	sadd.s32 $0xE400, s11  }
0x154: {  	[hbm4b:s3+s2] =	stream.linear.scatter [tilespmem:s12], [sflag:$0x5], $0x80, $0x38;
	[tilespmem:$0x15A00] =	vst v63  }
0x155: {  	p1 =	sne.s32 s9, $0x7700;
	s9 =	sadd.s32 $0xE488, s11;
	s12 =	sadd.s32 $0x10, s3  }
0x156: {  	[hbm4b:s12+s2] =	stream.linear.scatter [tilespmem:s9], [sflag:$0x5], $0x80, $0x38;
	[tilespmem:$0x15A00] =	vst v63  }
0x157: {  	s9 =	sadd.s32 $0xE510, s11;
	s12 =	sadd.s32 $0x20, s3  }
0x158: {  	[hbm4b:s12+s2] =	stream.linear.scatter [tilespmem:s9], [sflag:$0x5], $0x80, $0x38;
	[tilespmem:$0x15A00] =	vst v63  }
0x159: {  	s9 =	sadd.s32 $0xE598, s11;
	s12 =	sadd.s32 $0x30, s3  }
0x15a: {  	[hbm4b:s12+s2] =	stream.linear.scatter [tilespmem:s9], [sflag:$0x5], $0x80, $0x38;
	[tilespmem:$0x15A00] =	vst v63  }
0x15b: {  	s9 =	sadd.s32 $0xE620, s11;
	s12 =	sadd.s32 $0x40, s3  }
0x15c: {  	[hbm4b:s12+s2] =	stream.linear.scatter [tilespmem:s9], [sflag:$0x5], $0x80, $0x38;
	[tilespmem:$0x15A00] =	vst v63  }
.Ltmp1:
0x15d: {  	s9 =	sadd.s32 $0xE6A8, s11;
	s12 =	sadd.s32 $0x50, s3;
	(pc) =	sbr.rel @p1 .LBB2_5-.Ltmp1, $4  }
0x15e: {  	[hbm4b:s12+s2] =	stream.linear.scatter [tilespmem:s9], [sflag:$0x5], $0x80, $0x38;
	[tilespmem:$0x15A00] =	vst v63  }
0x15f: {  	s9 =	sadd.s32 $0xE730, s11;
	s12 =	sadd.s32 $0x60, s3;
	s11 =	sadd.s32 $0xE7B8, s11  }
0x160: {  	[hbm4b:s12+s2] =	stream.linear.scatter [tilespmem:s9], [sflag:$0x5], $0x80, $0x38;
	[tilespmem:$0x15A00] =	vst v63  }
0x161: {  	s12 =	sadd.s32 $0x70, s3;
	s3 =	sadd.s32 $0x1000, s3;
	s9 =	smov.u32 s15  }
0x162: {  	[hbm4b:s12+s2] =	stream.linear.scatter [tilespmem:s11], [sflag:$0x5], $0x80, $0x38;
	[tilespmem:$0x15A00] =	vst v63  }
0x163: {  	s9 =	sadd.s32 $0xE400, s0  }
0x164: {  	[hbm4b:s3+s2] =	stream.linear.scatter [tilespmem:s9], [sflag:$0x5], $0x80, $0x38;
	[tilespmem:$0x15A00] =	vst v63  }
0x165: {  	s12 =	sadd.s32 $0xE488, s0;
	s15 =	sadd.s32 $0x10, s3  }
0x166: {  	[hbm4b:s15+s2] =	stream.linear.scatter [tilespmem:s12], [sflag:$0x5], $0x80, $0x38;
	[tilespmem:$0x15A00] =	vst v63  }
0x167: {  	s12 =	sadd.s32 $0xE510, s0;
	s15 =	sadd.s32 $0x20, s3  }
0x168: {  	[hbm4b:s15+s2] =	stream.linear.scatter [tilespmem:s12], [sflag:$0x5], $0x80, $0x38;
	[tilespmem:$0x15A00] =	vst v63  }
0x169: {  	s12 =	sadd.s32 $0xE598, s0;
	s15 =	sadd.s32 $0x30, s3  }
0x16a: {  	[hbm4b:s15+s2] =	stream.linear.scatter [tilespmem:s12], [sflag:$0x5], $0x80, $0x38;
	[tilespmem:$0x15A00] =	vst v63  }
0x16b: {  	s12 =	sadd.s32 $0xE620, s0;
	s15 =	sadd.s32 $0x40, s3  }
0x16c: {  	[hbm4b:s15+s2] =	stream.linear.scatter [tilespmem:s12], [sflag:$0x5], $0x80, $0x38;
	[tilespmem:$0x15A00] =	vst v63  }
0x16d: {  	p1 =	sne.s32 s29, $0x31;
	s12 =	sadd.s32 $0xE6A8, s0;
	s15 =	sadd.s32 $0x50, s3  }
0x16e: {  	[hbm4b:s15+s2] =	stream.linear.scatter [tilespmem:s12], [sflag:$0x5], $0x80, $0x38;
	[tilespmem:$0x15A00] =	vst v63  }
.Ltmp2:
0x16f: {  	_ = 	snop;
	(pc) =	sbr.rel @p1 .LBB2_8-.Ltmp2, $4  }
0x170: {  	s12 =	sadd.s32 $0xE730, s0;
	s15 =	sadd.s32 $0x60, s3  }
0x171: {  	[hbm4b:s15+s2] =	stream.linear.scatter [tilespmem:s12], [sflag:$0x5], $0x80, $0x38;
	[tilespmem:$0x15A00] =	vst v63  }
0x172: {  	s12 =	sadd.s32 $0xE7B8, s0;
	s15 =	sadd.s32 $0x70, s3  }
0x173: {  	[hbm4b:s15+s2] =	stream.linear.scatter [tilespmem:s12], [sflag:$0x5], $0x80, $0x38;
	[tilespmem:$0x15A00] =	vst v63  }
.Ltmp3:
0x174: {  	(pc) =	sbr.rel .LBB2_9-.Ltmp3, $4  }
0x175: {  	_ =	swait.ge [sflag:s21], $0x2000  }
0x176: {  	v6 =	vld [tilespmem:$0x1FE40]  }
0x177: {  	[sflag:s21] =	ssyncset.done $0x0;
	v10 =	vld [tilespmem:$0x1FE00]  }
0x178: {  	v22 =	vld [tilespmem:$0x1FE10];
	[sflag:s21] =	ssyncadd.s32 $0xFFFFE000  }
.LBB2_8:
0x179: {  	s0 =	sshll.u32 s31, $0x7  }
0x17a: {  	s0 =	sadd.s32 $0x200, s0  }
0x17b: {  	s0 =	sand.u32 $0xFE00, s0  }
0x17c: {  	[tilespmem:s14], [sflag:$0x1] =	stream.indirect.gather [hbm4b:s4+s13], $0x40, s0, s13, $0xb8;
	[tilespmem:$0x15A00] =	vst v63  }
.Ltmp4:
0x17d: {  	_ = 	snop;
	(pc) =	sbr.rel @p0 .LBB2_10-.Ltmp4, $4  }
0x17e: {  	_ =	swait.ge [sflag:s21], $0x2000  }
0x17f: {  	v6 =	vld [tilespmem:$0x1FE40]  }
0x180: {  	[sflag:s21] =	ssyncset.done $0x0;
	v10 =	vld [tilespmem:$0x1FE00]  }
0x181: {  	v22 =	vld [tilespmem:$0x1FE10];
	[sflag:s21] =	ssyncadd.s32 $0xFFFFE000  }
.LBB2_9:
0x182: {  	_ =	swait.ge [sflag:s22], $0x2000  }
0x183: {  	[sflag:s22] =	ssyncset.done $0x0  }
0x184: {  	[sflag:s22] =	ssyncadd.s32 $0xFFFFE000  }
.LBB2_10:
0x185: {  	s0 =	simm.s32 $0x0;
	s15 =	simm.s32 $0x1  }
0x186: {  	s3 =	simm.s32 $0x2;
	s9 =	simm.s32 $0x3;
	s11 =	simm.s32 $0x4;
	v0 =	vmov s0;
	v2 =	vmov s15  }
0x187: {  	s12 =	simm.s32 $0x5;
	v3 =	vmov s3;
	v4 =	vmov s9;
	s15 =	simm.s32 $0x6;
	v5 =	vmov s11;
	s11 =	simm.s32 $0x7  }
0x188: {  	v33 =	vmov s12;
	s12 =	simm.s32 $0x8;
	s9 =	simm.s32 $0xB;
	s0 =	sor.u32 $0x1, s31;
	v0 =	vshrl.u32 v0, $0x3;
	v34 =	vmov s15  }
0x189: {  	s3 =	simm.s32 $0xA;
	v35 =	vmov s11;
	v36 =	vmov s12;
	v39 =	vmov s9;
	s9 =	sshll.u32 s0, $0x6  }
0x18a: {  	s15 =	simm.s32 $0x9;
	s11 =	simm.s32 $0xC;
	v38 =	vmov s3;
	v2 =	vshrl.u32 v2, $0x3;
	v43 =	vshrl.u32 v33, $0x3;
	s3 =	sand.u32 $0x3FFFFFC0, s9  }
0x18b: {  	s12 =	simm.s32 $0xD;
	v37 =	vmov s15;
	v40 =	vmov s11;
	v46 =	vshrl.u32 v36, $0x3;
	v36 =	vld [tilespmem:s3+$0x12800]  }
0x18c: {  	s15 =	simm.s32 $0xE;
	v41 =	vmov s12;
	v0 =	vshll.u32 v0, v1;
	v45 =	vshrl.u32 v35, $0x3;
	s11 =	simm.s32 $0xF;
	v35 =	vld [tilespmem:s3+$0x12810]  }
0x18d: {  	v44 =	vshrl.u32 v34, $0x3;
	v42 =	vmov s15;
	v60 =	vmov s11;
	v34 =	vld [tilespmem:s3+$0x12820]  }
0x18e: {  	v47 =	vshrl.u32 v37, $0x3;
	v37 =	vbroadcast v0, $0x0;
	v33 =	vld [tilespmem:s3+$0x12830];
	s3 =	simm.s32 $0x87F0;
	v61 =	vshrl.u32 v60, $0x3  }
0x18f: {  	v0 =	vshrl.u32 v41, $0x3;
	v41 =	vshrl.u32 v42, $0x3;
	v63 =	vld [tilespmem:s3+$0xFFFFFC10];
	v42 =	vshll.u32 v61, v1  }
0x190: {  	v3 =	vshrl.u32 v3, $0x3;
	v5 =	vshrl.u32 v5, $0x3;
	v62 =	vld [tilespmem:s3+$0xFFFFFFD0];
	v52 =	vbroadcast v42, $0x0  }
0x191: {  	v2 =	vshll.u32 v2, v1;
	v40 =	vshrl.u32 v40, $0x3;
	v55 =	vadd.s32 v6, v37  }
0x192: {  	v50 =	vbroadcast v2, $0x0;
	v54 =	vld [tilespmem:s3+$0xFFFFFC50];
	v2 =	vshll.u32 v40, v1;
	v40 =	vadd.s32 v22, v52  }
0x193: {  	v9 =	vld [tilespmem:$0x1FEB0];
	v3 =	vshll.u32 v3, v1;
	v5 =	vshll.u32 v5, v1  }
0x194: {  	v11 =	vld [tilespmem:$0x1FEF0];
	v51 =	vbroadcast v3, $0x0;
	v3 =	vadd.s32 v10, v50;
	v42 =	vadd.f32 v63, v36  }
0x195: {  	v8 =	vld [tilespmem:$0x1FF30];
	v53 =	vshll.u32 v47, v1;
	v47 =	vbroadcast v5, $0x0;
	v5 =	vadd.f32 v62, v36  }
0x196: {  	v56 =	vld [tilespmem:s3+$0xFFFFFC90];
	[tilespmem:v55+s23+$0x0] =	vst.idx.msk $0xffff, v42  }
0x197: {  	v4 =	vshrl.u32 v4, $0x3;
	v38 =	vshrl.u32 v38, $0x3;
	v57 =	vld [tilespmem:s3+$0xFFFFFCD0];
	v32 =	vadd.f32 v54, v36;
	[tilespmem:v40+s23+$0x0] =	vst.idx.msk $0xffff, v5  }
0x198: {  	v39 =	vshrl.u32 v39, $0x3;
	v4 =	vshll.u32 v4, v1;
	v43 =	vshll.u32 v43, v1;
	v12 =	vld [tilespmem:$0x1FF70]  }
0x199: {  	v48 =	vshll.u32 v44, v1;
	v49 =	vbroadcast v4, $0x0;
	v59 =	vld [tilespmem:s3+$0xFFFFFD10];
	v58 =	vadd.s32 v9, v51;
	[tilespmem:v3+s23+$0x0] =	vst.idx.msk $0xffff, v32  }
0x19a: {  	v45 =	vshll.u32 v45, v1;
	v46 =	vshll.u32 v46, v1;
	v38 =	vshll.u32 v38, v1;
	v7 =	vld [tilespmem:$0x1FFB0]  }
0x19b: {  	v39 =	vshll.u32 v39, v1;
	v44 =	vbroadcast v43, $0x0;
	v60 =	vadd.s32 v11, v49;
	v61 =	vld [tilespmem:s3+$0xFFFFFD50]  }
0x19c: {  	v4 =	vshll.u32 v41, v1;
	v54 =	vadd.s32 v8, v47;
	v5 =	vadd.f32 v56, v36;
	v55 =	vld [tilespmem:s3+$0xFFFFFFE0]  }
0x19d: {  	v41 =	vbroadcast v48, $0x0;
	v48 =	vbroadcast v45, $0x0;
	v62 =	vld [tilespmem:s3+$0xFFFFFD90];
	v40 =	vadd.s32 v12, v44  }
0x19e: {  	v45 =	vbroadcast v46, $0x0;
	v3 =	vadd.f32 v57, v36;
	v57 =	vld [tilespmem:s3+$0xFFFFFE10];
	[tilespmem:v58+s23+$0x0] =	vst.idx.msk $0xffff, v5;
	v58 =	vadd.s32 v14, v52  }
0x19f: {  	v0 =	vshll.u32 v0, v1;
	v32 =	vld [tilespmem:s3+$0xFFFFFDD0];
	v5 =	vadd.f32 v59, v36;
	v43 =	vadd.s32 v7, v41  }
0x1a0: {  	v46 =	vbroadcast v53, $0x0;
	v53 =	vadd.s32 v6, v45;
	[tilespmem:v60+s23+$0x0] =	vst.idx.msk $0xffff, v3;
	v3 =	vadd.f32 v61, v36;
	v60 =	vld [tilespmem:s3+$0xFFFFFE50]  }
0x1a1: {  	v42 =	vbroadcast v38, $0x0;
	v59 =	vadd.s32 v22, v48;
	[tilespmem:v54+s23+$0x0] =	vst.idx.msk $0xffff, v5;
	v54 =	vld [tilespmem:s3+$0xFFFFFE90];
	v55 =	vadd.f32 v55, v35  }
0x1a2: {  	v39 =	vbroadcast v39, $0x0;
	v61 =	vld [tilespmem:s3+$0xFFFFFED0];
	v5 =	vadd.f32 v62, v36;
	[tilespmem:v40+s23+$0x0] =	vst.idx.msk $0xffff, v3;
	v3 =	vadd.s32 v10, v46  }
0x1a3: {  	v56 =	vadd.s32 v9, v42;
	[tilespmem:v58+s23+$0x0] =	vst.idx.msk $0xffff, v55;
	v40 =	vbroadcast v2, $0x0;
	v2 =	vadd.f32 v57, v36  }
0x1a4: {  	v57 =	vadd.s32 v11, v39;
	[tilespmem:v43+s23+$0x0] =	vst.idx.msk $0xffff, v5;
	v5 =	vadd.f32 v32, v36;
	v32 =	vld [tilespmem:s3+$0xFFFFFF10]  }
0x1a5: {  	v63 =	vld [tilespmem:s3+$0xFFFFFF50];
	v38 =	vbroadcast v0, $0x0;
	v0 =	vadd.f32 v60, v36;
	[tilespmem:v53+s23+$0x0] =	vst.idx.msk $0xffff, v2  }
0x1a6: {  	v55 =	vld [tilespmem:s3+$0xFFFFFFF0];
	v2 =	vadd.f32 v54, v36;
	[tilespmem:v59+s23+$0x0] =	vst.idx.msk $0xffff, v5;
	v5 =	vadd.s32 v8, v40  }
0x1a7: {  	v43 =	vbroadcast v4, $0x0;
	v4 =	vld [tilespmem:s3+$0xFFFFFC60];
	v53 =	vadd.s32 v12, v38;
	[tilespmem:v3+s23+$0x0] =	vst.idx.msk $0xffff, v0;
	v0 =	vadd.f32 v61, v36  }
0x1a8: {  	v54 =	vld [tilespmem:s3+$0xFFFFFF90];
	[tilespmem:v56+s23+$0x0] =	vst.idx.msk $0xffff, v2  }
0x1a9: {  	v2 =	vadd.f32 v32, v36;
	v12 =	vld [tilespmem:$0x1FE80];
	[tilespmem:v57+s23+$0x0] =	vst.idx.msk $0xffff, v0  }
0x1aa: {  	v0 =	vadd.f32 v63, v36;
	v63 =	vld [tilespmem:$0x1FE40]  }
0x1ab: {  	v11 =	vld [tilespmem:$0x1FEC0];
	[tilespmem:v5+s23+$0x0] =	vst.idx.msk $0xffff, v2  }
0x1ac: {  	v3 =	vadd.s32 v18, v52;
	v8 =	vld [tilespmem:$0x1FF00];
	[tilespmem:v53+s23+$0x0] =	vst.idx.msk $0xffff, v0  }
0x1ad: {  	v56 =	vadd.s32 v7, v43;
	v23 =	vld [tilespmem:$0x1FF40]  }
0x1ae: {  	v58 =	vld [tilespmem:s3+$0xFFFFFCA0];
	v59 =	vadd.s32 v12, v50  }
0x1af: {  	v32 =	vld [tilespmem:s3+$0xFFFFFCE0];
	v2 =	vadd.f32 v55, v34  }
0x1b0: {  	v61 =	vld [tilespmem:s3+$0xFFFFFD20];
	v0 =	vadd.f32 v54, v36;
	v57 =	vadd.s32 v11, v51  }
0x1b1: {  	v4 =	vadd.f32 v4, v35;
	v54 =	vld [tilespmem:s3+$0xFFFFFDA0];
	[tilespmem:v3+s23+$0x0] =	vst.idx.msk $0xffff, v2;
	v5 =	vadd.s32 v8, v49  }
0x1b2: {  	v9 =	vld [tilespmem:$0x1FF80];
	[tilespmem:v56+s23+$0x0] =	vst.idx.msk $0xffff, v0;
	v53 =	vadd.s32 v23, v47  }
0x1b3: {  	v62 =	vld [tilespmem:s3+$0xFFFFFE20];
	v2 =	vadd.f32 v58, v35;
	[tilespmem:v59+s23+$0x0] =	vst.idx.msk $0xffff, v4  }
0x1b4: {  	v4 =	vadd.f32 v32, v35;
	v31 =	vld [tilespmem:$0x1FFC0]  }
0x1b5: {  	v55 =	vld [tilespmem:s3+$0xFFFFFD60];
	[tilespmem:v57+s23+$0x0] =	vst.idx.msk $0xffff, v2;
	v2 =	vadd.f32 v61, v35  }
0x1b6: {  	v6 =	vld [tilespmem:$0x1FFF0];
	[tilespmem:v5+s23+$0x0] =	vst.idx.msk $0xffff, v4  }
0x1b7: {  	[tilespmem:v53+s23+$0x0] =	vst.idx.msk $0xffff, v2;
	v2 =	vadd.f32 v54, v35;
	v54 =	vld [tilespmem:s3+$0xFFFFFEA0]  }
0x1b8: {  	v3 =	vadd.s32 v9, v44;
	v7 =	vld [tilespmem:$0x1FE50]  }
0x1b9: {  	v0 =	vld [tilespmem:s3+$0x0];
	v32 =	vadd.s32 v31, v41  }
0x1ba: {  	v60 =	vld [tilespmem:s3+$0xFFFFFDE0];
	v56 =	vadd.s32 v11, v42  }
0x1bb: {  	v4 =	vadd.f32 v55, v35;
	v52 =	vadd.s32 v6, v52  }
0x1bc: {  	v57 =	vadd.f32 v62, v35;
	v5 =	vadd.s32 v14, v48;
	v55 =	vld [tilespmem:s3+$0xFFFFFE60]  }
0x1bd: {  	[tilespmem:v3+s23+$0x0] =	vst.idx.msk $0xffff, v4;
	v62 =	vadd.f32 v54, v35;
	v53 =	vadd.s32 v7, v45  }
0x1be: {  	v0 =	vadd.f32 v0, v33;
	v3 =	vadd.s32 v12, v46;
	v4 =	vld [tilespmem:s3+$0xFFFFFEE0];
	[tilespmem:v32+s23+$0x0] =	vst.idx.msk $0xffff, v2  }
0x1bf: {  	v2 =	vadd.f32 v60, v35;
	v32 =	vld [tilespmem:s3+$0xFFFFFF20];
	[tilespmem:v56+s23+$0x0] =	vst.idx.msk $0xffff, v62  }
0x1c0: {  	v59 =	vadd.s32 v8, v39;
	[tilespmem:v52+s23+$0x0] =	vst.idx.msk $0xffff, v0  }
0x1c1: {  	v60 =	vld [tilespmem:s3+$0xFFFFFF60];
	[tilespmem:v5+s23+$0x0] =	vst.idx.msk $0xffff, v2;
	v0 =	vadd.f32 v55, v35;
	v2 =	vadd.s32 v23, v40  }
0x1c2: {  	v5 =	vld [tilespmem:s3+$0xFFFFFFA0];
	[tilespmem:v53+s23+$0x0] =	vst.idx.msk $0xffff, v57  }
0x1c3: {  	v52 =	vld [tilespmem:s3+$0xFFFFFC20];
	[tilespmem:v3+s23+$0x0] =	vst.idx.msk $0xffff, v0;
	v0 =	vadd.f32 v4, v35  }
0x1c4: {  	v54 =	vadd.s32 v9, v38;
	v53 =	vadd.f32 v32, v35;
	v12 =	vld [tilespmem:$0x1FE90]  }
0x1c5: {  	v55 =	vld [tilespmem:s3+$0xFFFFFC70];
	v3 =	vadd.s32 v31, v43;
	[tilespmem:v59+s23+$0x0] =	vst.idx.msk $0xffff, v0  }
0x1c6: {  	v4 =	vadd.s32 v7, v37;
	v16 =	vld [tilespmem:$0x1FED0];
	[tilespmem:v2+s23+$0x0] =	vst.idx.msk $0xffff, v53  }
0x1c7: {  	v0 =	vadd.f32 v60, v35;
	v20 =	vld [tilespmem:$0x1FF10]  }
0x1c8: {  	v57 =	vld [tilespmem:s3+$0xFFFFFCB0];
	v2 =	vadd.f32 v5, v35  }
0x1c9: {  	v32 =	vld [tilespmem:s3+$0xFFFFFCF0];
	v5 =	vadd.f32 v52, v35;
	[tilespmem:v54+s23+$0x0] =	vst.idx.msk $0xffff, v0;
	v56 =	vadd.s32 v12, v50  }
0x1ca: {  	v24 =	vld [tilespmem:$0x1FF50];
	[tilespmem:v3+s23+$0x0] =	vst.idx.msk $0xffff, v2  }
0x1cb: {  	[tilespmem:v4+s23+$0x0] =	vst.idx.msk $0xffff, v5;
	v59 =	vadd.s32 v16, v51  }
0x1cc: {  	v0 =	vadd.f32 v55, v34;
	v28 =	vld [tilespmem:$0x1FF90];
	v52 =	vadd.s32 v20, v49  }
0x1cd: {  	v62 =	vld [tilespmem:s3+$0xFFFFFD70]  }
0x1ce: {  	v61 =	vld [tilespmem:s3+$0xFFFFFDB0];
	v2 =	vadd.f32 v57, v34;
	[tilespmem:v56+s23+$0x0] =	vst.idx.msk $0xffff, v0  }
0x1cf: {  	v0 =	vadd.f32 v32, v34;
	v32 =	vld [tilespmem:$0x1FFD0]  }
0x1d0: {  	v60 =	vld [tilespmem:s3+$0xFFFFFD30];
	[tilespmem:v59+s23+$0x0] =	vst.idx.msk $0xffff, v2  }
0x1d1: {  	v4 =	vld [tilespmem:s3+$0xFFFFFDF0];
	v3 =	vadd.s32 v28, v44;
	[tilespmem:v52+s23+$0x0] =	vst.idx.msk $0xffff, v0  }
0x1d2: {  	v54 =	vadd.s32 v24, v47;
	v8 =	vld [tilespmem:$0x1FE60]  }
0x1d3: {  	v58 =	vld [tilespmem:s3+$0xFFFFFE70];
	v57 =	vadd.s32 v18, v48  }
0x1d4: {  	v56 =	vld [tilespmem:s3+$0xFFFFFE30];
	v0 =	vadd.f32 v62, v34;
	v5 =	vadd.s32 v32, v41  }
0x1d5: {  	v53 =	vld [tilespmem:s3+$0xFFFFFC80];
	v2 =	vadd.f32 v60, v34  }
0x1d6: {  	v60 =	vadd.s32 v12, v46;
	v62 =	vld [tilespmem:s3+$0xFFFFFEB0];
	[tilespmem:v3+s23+$0x0] =	vst.idx.msk $0xffff, v0;
	v0 =	vadd.f32 v4, v34  }
0x1d7: {  	[tilespmem:v54+s23+$0x0] =	vst.idx.msk $0xffff, v2;
	v2 =	vadd.f32 v61, v34;
	v61 =	vld [tilespmem:s3+$0xFFFFFEF0];
	v52 =	vadd.s32 v8, v45  }
0x1d8: {  	v59 =	vld [tilespmem:s3+$0xFFFFFC30];
	[tilespmem:v57+s23+$0x0] =	vst.idx.msk $0xffff, v0  }
0x1d9: {  	v3 =	vld [tilespmem:s3+$0xFFFFFF30];
	v0 =	vadd.f32 v58, v34;
	[tilespmem:v5+s23+$0x0] =	vst.idx.msk $0xffff, v2;
	v5 =	vadd.s32 v16, v42  }
0x1da: {  	v4 =	vld [tilespmem:s3+$0xFFFFFF70];
	v2 =	vadd.f32 v56, v34  }
0x1db: {  	v57 =	vadd.s32 v20, v39;
	[tilespmem:v60+s23+$0x0] =	vst.idx.msk $0xffff, v0;
	v60 =	vld [tilespmem:s3+$0xFFFFFCC0]  }
0x1dc: {  	v0 =	vadd.f32 v61, v34;
	v61 =	vld [tilespmem:s3+$0xFFFFFD00];
	[tilespmem:v52+s23+$0x0] =	vst.idx.msk $0xffff, v2;
	v2 =	vadd.f32 v62, v34  }
0x1dd: {  	v58 =	vadd.s32 v24, v40;
	v56 =	vld [tilespmem:s3+$0xFFFFFFB0]  }
0x1de: {  	v52 =	vadd.s32 v28, v38;
	v13 =	vld [tilespmem:$0x1FEA0];
	[tilespmem:v5+s23+$0x0] =	vst.idx.msk $0xffff, v2  }
0x1df: {  	v54 =	vadd.s32 v32, v43;
	v17 =	vld [tilespmem:$0x1FEE0]  }
0x1e0: {  	v3 =	vadd.f32 v3, v34;
	[tilespmem:v57+s23+$0x0] =	vst.idx.msk $0xffff, v0;
	v57 =	vld [tilespmem:s3+$0xFFFFFD80]  }
0x1e1: {  	v55 =	vadd.s32 v8, v37;
	v4 =	vadd.f32 v4, v34;
	v21 =	vld [tilespmem:$0x1FF20]  }
0x1e2: {  	s12 =	simm.s32 $0x10;
	v56 =	vadd.f32 v56, v34;
	[tilespmem:v58+s23+$0x0] =	vst.idx.msk $0xffff, v3;
	v58 =	vld [tilespmem:s3+$0xFFFFFDC0]  }
0x1e3: {  	v2 =	vmov s12;
	v25 =	vld [tilespmem:$0x1FF60];
	[tilespmem:v52+s23+$0x0] =	vst.idx.msk $0xffff, v4  }
0x1e4: {  	v0 =	vshrl.u32 v2, $0x3;
	v2 =	vadd.f32 v59, v34;
	v29 =	vld [tilespmem:$0x1FFA0];
	[tilespmem:v54+s23+$0x0] =	vst.idx.msk $0xffff, v56  }
0x1e5: {  	s15 =	simm.s32 $0x11;
	v48 =	vadd.s32 v6, v48;
	v53 =	vadd.f32 v53, v33;
	v50 =	vadd.s32 v13, v50;
	v30 =	vld [tilespmem:$0x1FFE0]  }
0x1e6: {  	s11 =	simm.s32 $0x12;
	v3 =	vmov s15;
	v0 =	vshll.u32 v0, v1;
	[tilespmem:v55+s23+$0x0] =	vst.idx.msk $0xffff, v2;
	v55 =	vld [tilespmem:s3+$0xFFFFFE80];
	v5 =	vadd.s32 v17, v51  }
0x1e7: {  	v4 =	vmov s11;
	v52 =	vadd.f32 v60, v33;
	v51 =	vld [tilespmem:s3+$0xFFFFFD40];
	v49 =	vadd.s32 v21, v49  }
0x1e8: {  	v59 =	vld [tilespmem:s3+$0xFFFFFE00];
	v56 =	vadd.f32 v61, v33;
	v46 =	vadd.s32 v13, v46;
	v42 =	vadd.s32 v17, v42  }
0x1e9: {  	s12 =	simm.s32 $0x13;
	v60 =	vld [tilespmem:s3+$0xFFFFFE40];
	v39 =	vadd.s32 v21, v39;
	v47 =	vadd.s32 v25, v47;
	v40 =	vadd.s32 v25, v40  }
0x1ea: {  	s15 =	simm.s32 $0x14;
	v54 =	vmov s12;
	v44 =	vadd.s32 v29, v44;
	[tilespmem:v50+s23+$0x0] =	vst.idx.msk $0xffff, v53;
	v50 =	vadd.f32 v57, v33;
	v57 =	vld [tilespmem:s3+$0xFFFFFEC0]  }
0x1eb: {  	s11 =	simm.s32 $0x15;
	v2 =	vmov s15;
	v41 =	vadd.s32 v30, v41;
	v9 =	vld [tilespmem:$0x1FE70];
	v62 =	vadd.f32 v55, v33;
	[tilespmem:v5+s23+$0x0] =	vst.idx.msk $0xffff, v52  }
0x1ec: {  	s12 =	simm.s32 $0x16;
	v53 =	vmov s11;
	v51 =	vadd.f32 v51, v33;
	v52 =	vadd.f32 v58, v33;
	v58 =	vld [tilespmem:s3+$0xFFFFFF00];
	[tilespmem:v49+s23+$0x0] =	vst.idx.msk $0xffff, v56  }
0x1ed: {  	s15 =	simm.s32 $0x17;
	v38 =	vadd.s32 v29, v38;
	v5 =	vmov s12;
	s12 =	simm.s32 $0x19;
	v49 =	vadd.f32 v59, v33;
	v59 =	vld [tilespmem:s3+$0xFFFFFF40];
	[tilespmem:v46+s23+$0x0] =	vst.idx.msk $0xffff, v62  }
0x1ee: {  	s11 =	simm.s32 $0x18;
	v43 =	vadd.s32 v30, v43;
	v56 =	vmov s15;
	v61 =	vmov s12;
	[tilespmem:v47+s23+$0x0] =	vst.idx.msk $0xffff, v51  }
0x1ef: {  	v47 =	vmov s11;
	v51 =	vadd.f32 v60, v33;
	v60 =	vld [tilespmem:s3+$0xFFFFFF80];
	s11 =	simm.s32 $0x1B;
	v46 =	vshrl.u32 v56, $0x3;
	[tilespmem:v44+s23+$0x0] =	vst.idx.msk $0xffff, v50  }
0x1f0: {  	v50 =	vld [tilespmem:s3+$0xFFFFFFC0];
	v55 =	vadd.f32 v57, v33;
	[tilespmem:v48+s23+$0x0] =	vst.idx.msk $0xffff, v49;
	v57 =	vmov s11;
	v45 =	vadd.s32 v9, v45  }
0x1f1: {  	s15 =	simm.s32 $0x1A;
	v44 =	vshrl.u32 v3, $0x3;
	v47 =	vshrl.u32 v47, $0x3;
	[tilespmem:v41+s23+$0x0] =	vst.idx.msk $0xffff, v52;
	v52 =	vld [tilespmem:s3+$0xFFFFFC40];
	v48 =	vadd.f32 v58, v33  }
0x1f2: {  	s12 =	simm.s32 $0x1C;
	s11 =	simm.s32 $0x1E;
	v41 =	vmov s15;
	v37 =	vadd.s32 v9, v37;
	[tilespmem:v42+s23+$0x0] =	vst.idx.msk $0xffff, v55;
	v49 =	vadd.f32 v59, v33  }
0x1f3: {  	s15 =	simm.s32 $0x1D;
	v62 =	vmov s11;
	v58 =	vmov s12;
	v42 =	vshrl.u32 v41, $0x3;
	[tilespmem:v39+s23+$0x0] =	vst.idx.msk $0xffff, v48  }
0x1f4: {  	v59 =	vmov s15;
	v41 =	vshrl.u32 v58, $0x3;
	v60 =	vadd.f32 v60, v33;
	[tilespmem:v40+s23+$0x0] =	vst.idx.msk $0xffff, v49  }
0x1f5: {  	v48 =	vshrl.u32 v53, $0x3;
	v39 =	vshrl.u32 v59, $0x3;
	v3 =	vadd.f32 v50, v33;
	[tilespmem:v45+s23+$0x0] =	vst.idx.msk $0xffff, v51  }
0x1f6: {  	v50 =	vshrl.u32 v4, $0x3;
	v49 =	vshrl.u32 v5, $0x3;
	v4 =	vadd.f32 v52, v33;
	[tilespmem:v38+s23+$0x0] =	vst.idx.msk $0xffff, v60  }
0x1f7: {  	v40 =	vshrl.u32 v62, $0x3;
	v45 =	vshrl.u32 v54, $0x3;
	v51 =	vshrl.u32 v2, $0x3;
	[tilespmem:v43+s23+$0x0] =	vst.idx.msk $0xffff, v3  }
0x1f8: {  	s9 =	simm.s32 $0x20;
	s11 =	simm.s32 $0x1F;
	v38 =	vshrl.u32 v61, $0x3;
	v43 =	vshrl.u32 v57, $0x3;
	[tilespmem:v37+s23+$0x0] =	vst.idx.msk $0xffff, v4;
	v37 =	vbroadcast v0, $0x0  }
.LBB2_11:
0x1f9: {  	v3 =	vmov s11;
	v27 =	vld [tilespmem:$0x1FEB0]  }
0x1fa: {  	v15 =	vld [tilespmem:$0x1FEF0];
	v3 =	vshrl.u32 v3, $0x3  }
0x1fb: {  	v0 =	vshll.u32 v44, v1;
	v2 =	vshll.u32 v50, v1;
	s3 =	sadd.s32 $0x400, s3;
	v19 =	vld [tilespmem:$0x1FF30];
	v3 =	vshll.u32 v3, v1  }
0x1fc: {  	v4 =	vshll.u32 v45, v1;
	v5 =	vshll.u32 v51, v1;
	v52 =	vbroadcast v3, $0x0;
	v3 =	vld [tilespmem:s3+$0xFFFFFC10]  }
0x1fd: {  	v44 =	vshll.u32 v48, v1;
	v45 =	vshll.u32 v49, v1;
	v53 =	vshll.u32 v47, v1;
	v48 =	vld [tilespmem:s3+$0xFFFFFFD0]  }
0x1fe: {  	v50 =	vbroadcast v0, $0x0;
	v56 =	vadd.s32 v63, v37;
	v57 =	vld [tilespmem:s3+$0xFFFFFC90];
	v51 =	vbroadcast v2, $0x0  }
0x1ff: {  	v11 =	vld [tilespmem:$0x1FF70];
	v0 =	vshll.u32 v41, v1;
	v49 =	vbroadcast v4, $0x0;
	v41 =	vadd.s32 v22, v52  }
0x200: {  	v4 =	vshll.u32 v40, v1;
	v60 =	vld [tilespmem:s3+$0xFFFFFD10];
	v47 =	vbroadcast v5, $0x0;
	v40 =	vadd.s32 v27, v51  }
0x201: {  	v26 =	vld [tilespmem:$0x1FFB0];
	v3 =	vadd.f32 v3, v36  }
0x202: {  	v55 =	vshll.u32 v43, v1;
	v43 =	vld [tilespmem:s3+$0xFFFFFC50];
	v63 =	vadd.s32 v19, v47;
	v5 =	vadd.f32 v48, v36  }
0x203: {  	v59 =	vld [tilespmem:s3+$0xFFFFFCD0];
	[tilespmem:v56+s23+$0x0] =	vst.idx.msk $0xffff, v3;
	v3 =	vadd.f32 v57, v36  }
0x204: {  	v46 =	vshll.u32 v46, v1;
	v62 =	vld [tilespmem:s3+$0xFFFFFD50];
	v58 =	vadd.s32 v10, v50;
	[tilespmem:v41+s23+$0x0] =	vst.idx.msk $0xffff, v5  }
0x205: {  	v54 =	vshll.u32 v42, v1;
	v42 =	vbroadcast v44, $0x0;
	v6 =	vld [tilespmem:s3+$0xFFFFFD90];
	[tilespmem:v40+s23+$0x0] =	vst.idx.msk $0xffff, v3;
	v3 =	vadd.f32 v60, v36  }
0x206: {  	v2 =	vshll.u32 v39, v1;
	v39 =	vbroadcast v45, $0x0;
	v61 =	vadd.s32 v15, v49;
	v41 =	vld [tilespmem:s3+$0xFFFFFFE0]  }
0x207: {  	v43 =	vadd.f32 v43, v36;
	v5 =	vadd.s32 v11, v42;
	[tilespmem:v63+s23+$0x0] =	vst.idx.msk $0xffff, v3;
	v63 =	vld [tilespmem:$0x1FE40]  }
0x208: {  	v48 =	vbroadcast v46, $0x0;
	v56 =	vadd.s32 v26, v39;
	v57 =	vld [tilespmem:s3+$0xFFFFFDD0]  }
0x209: {  	v44 =	vbroadcast v53, $0x0;
	v53 =	vadd.s32 v14, v52;
	v46 =	vld [tilespmem:s3+$0xFFFFFE10];
	[tilespmem:v58+s23+$0x0] =	vst.idx.msk $0xffff, v43;
	v43 =	vadd.f32 v59, v36  }
0x20a: {  	v38 =	vshll.u32 v38, v1;
	v58 =	vadd.s32 v22, v48;
	v59 =	vld [tilespmem:s3+$0xFFFFFE50];
	v40 =	vadd.f32 v62, v36  }
0x20b: {  	v45 =	vbroadcast v38, $0x0;
	[tilespmem:v61+s23+$0x0] =	vst.idx.msk $0xffff, v43;
	v43 =	vbroadcast v54, $0x0;
	v54 =	vld [tilespmem:s3+$0xFFFFFED0];
	v3 =	vadd.f32 v6, v36  }
0x20c: {  	v60 =	vld [tilespmem:s3+$0xFFFFFE90];
	[tilespmem:v5+s23+$0x0] =	vst.idx.msk $0xffff, v40;
	v40 =	vbroadcast v55, $0x0;
	v55 =	vadd.f32 v41, v35;
	v6 =	vadd.s32 v63, v44  }
0x20d: {  	v62 =	vld [tilespmem:s3+$0xFFFFFF50];
	v5 =	vadd.s32 v10, v45;
	[tilespmem:v56+s23+$0x0] =	vst.idx.msk $0xffff, v3;
	v3 =	vadd.f32 v57, v36;
	v41 =	vbroadcast v0, $0x0  }
0x20e: {  	v56 =	vadd.s32 v27, v43;
	v57 =	vld [tilespmem:s3+$0xFFFFFF10];
	[tilespmem:v53+s23+$0x0] =	vst.idx.msk $0xffff, v55  }
0x20f: {  	v0 =	vadd.f32 v46, v36;
	[tilespmem:v58+s23+$0x0] =	vst.idx.msk $0xffff, v3;
	v3 =	vadd.s32 v19, v41;
	v19 =	vld [tilespmem:$0x1FEC0]  }
0x210: {  	v38 =	vbroadcast v2, $0x0;
	v2 =	vadd.f32 v59, v36;
	v53 =	vld [tilespmem:s3+$0xFFFFFFF0]  }
0x211: {  	v46 =	vbroadcast v4, $0x0;
	v61 =	vadd.s32 v15, v40;
	v55 =	vld [tilespmem:s3+$0xFFFFFF90];
	[tilespmem:v6+s23+$0x0] =	vst.idx.msk $0xffff, v0;
	v0 =	vadd.f32 v60, v36  }
0x212: {  	[tilespmem:v5+s23+$0x0] =	vst.idx.msk $0xffff, v2;
	v2 =	vadd.f32 v54, v36;
	v5 =	vadd.s32 v18, v52;
	v54 =	vld [tilespmem:s3+$0xFFFFFCA0]  }
0x213: {  	[tilespmem:v56+s23+$0x0] =	vst.idx.msk $0xffff, v0;
	v0 =	vadd.f32 v57, v36;
	v56 =	vadd.s32 v26, v46;
	v26 =	vld [tilespmem:$0x1FE80]  }
0x214: {  	v59 =	vadd.s32 v19, v51;
	v60 =	vld [tilespmem:s3+$0xFFFFFD20]  }
0x215: {  	v6 =	vadd.s32 v11, v38;
	v11 =	vld [tilespmem:$0x1FF00];
	[tilespmem:v3+s23+$0x0] =	vst.idx.msk $0xffff, v0;
	v0 =	vadd.f32 v53, v34  }
0x216: {  	v4 =	vld [tilespmem:s3+$0xFFFFFC60]  }
0x217: {  	v15 =	vld [tilespmem:$0x1FF80];
	[tilespmem:v5+s23+$0x0] =	vst.idx.msk $0xffff, v0;
	v0 =	vadd.f32 v54, v35  }
0x218: {  	v58 =	vld [tilespmem:s3+$0xFFFFFCE0];
	[tilespmem:v61+s23+$0x0] =	vst.idx.msk $0xffff, v2;
	v2 =	vadd.f32 v62, v36;
	v57 =	vadd.s32 v26, v50  }
0x219: {  	[tilespmem:v59+s23+$0x0] =	vst.idx.msk $0xffff, v0;
	v0 =	vadd.f32 v60, v35;
	v60 =	vld [tilespmem:$0x1FFF0]  }
0x21a: {  	v53 =	vld [tilespmem:s3+$0xFFFFFD60];
	v3 =	vadd.s32 v11, v49;
	[tilespmem:v6+s23+$0x0] =	vst.idx.msk $0xffff, v2;
	v2 =	vadd.f32 v55, v36  }
0x21b: {  	v4 =	vadd.f32 v4, v35;
	v6 =	vadd.s32 v23, v47;
	v55 =	vld [tilespmem:s3+$0xFFFFFDA0]  }
0x21c: {  	v5 =	vadd.s32 v15, v42;
	[tilespmem:v56+s23+$0x0] =	vst.idx.msk $0xffff, v2;
	v2 =	vld [tilespmem:s3+$0x0]  }
0x21d: {  	v54 =	vadd.s32 v31, v39;
	v56 =	vld [tilespmem:s3+$0xFFFFFDE0];
	[tilespmem:v57+s23+$0x0] =	vst.idx.msk $0xffff, v4;
	v4 =	vadd.f32 v58, v35  }
0x21e: {  	v57 =	vld [tilespmem:s3+$0xFFFFFE20];
	v52 =	vadd.s32 v60, v52  }
0x21f: {  	[tilespmem:v3+s23+$0x0] =	vst.idx.msk $0xffff, v4;
	v3 =	vadd.f32 v53, v35;
	v4 =	vadd.s32 v14, v48;
	v53 =	vld [tilespmem:s3+$0xFFFFFE60]  }
0x220: {  	[tilespmem:v6+s23+$0x0] =	vst.idx.msk $0xffff, v0;
	v0 =	vadd.f32 v55, v35;
	v6 =	vadd.s32 v7, v44  }
0x221: {  	v61 =	vld [tilespmem:s3+$0xFFFFFEA0];
	v2 =	vadd.f32 v2, v33;
	[tilespmem:v5+s23+$0x0] =	vst.idx.msk $0xffff, v3;
	v3 =	vadd.s32 v26, v45  }
0x222: {  	[tilespmem:v54+s23+$0x0] =	vst.idx.msk $0xffff, v0;
	v0 =	vadd.f32 v56, v35;
	v5 =	vld [tilespmem:s3+$0xFFFFFEE0]  }
0x223: {  	v54 =	vadd.s32 v19, v43;
	v56 =	vld [tilespmem:s3+$0xFFFFFF20];
	v57 =	vadd.f32 v57, v35;
	[tilespmem:v52+s23+$0x0] =	vst.idx.msk $0xffff, v2  }
0x224: {  	v62 =	vld [tilespmem:s3+$0xFFFFFF60];
	v58 =	vadd.s32 v11, v40;
	[tilespmem:v4+s23+$0x0] =	vst.idx.msk $0xffff, v0;
	v0 =	vadd.f32 v53, v35  }
0x225: {  	v55 =	vadd.s32 v8, v37;
	v2 =	vadd.s32 v23, v41;
	v4 =	vld [tilespmem:s3+$0xFFFFFFA0];
	[tilespmem:v6+s23+$0x0] =	vst.idx.msk $0xffff, v57  }
0x226: {  	v52 =	vld [tilespmem:s3+$0xFFFFFC20];
	v6 =	vadd.f32 v61, v35;
	v53 =	vadd.s32 v15, v38;
	[tilespmem:v3+s23+$0x0] =	vst.idx.msk $0xffff, v0  }
0x227: {  	v61 =	vld [tilespmem:s3+$0xFFFFFC70];
	v0 =	vadd.f32 v5, v35;
	v3 =	vadd.s32 v31, v46;
	v5 =	vadd.s32 v7, v37  }
0x228: {  	[tilespmem:v54+s23+$0x0] =	vst.idx.msk $0xffff, v6;
	v6 =	vadd.f32 v56, v35;
	v54 =	vadd.s32 v12, v50  }
0x229: {  	v57 =	vld [tilespmem:s3+$0xFFFFFCB0];
	v37 =	vadd.s32 v9, v37;
	[tilespmem:v58+s23+$0x0] =	vst.idx.msk $0xffff, v0;
	v0 =	vadd.f32 v62, v35  }
0x22a: {  	v56 =	vld [tilespmem:s3+$0xFFFFFCF0];
	v58 =	vadd.s32 v16, v51;
	[tilespmem:v2+s23+$0x0] =	vst.idx.msk $0xffff, v6;
	v2 =	vadd.f32 v4, v35  }
0x22b: {  	v62 =	vld [tilespmem:s3+$0xFFFFFD30];
	v6 =	vadd.s32 v20, v49;
	v4 =	vadd.f32 v52, v35;
	[tilespmem:v53+s23+$0x0] =	vst.idx.msk $0xffff, v0  }
0x22c: {  	v49 =	vadd.s32 v21, v49;
	v52 =	vld [tilespmem:s3+$0xFFFFFD70];
	v0 =	vadd.f32 v61, v34;
	[tilespmem:v3+s23+$0x0] =	vst.idx.msk $0xffff, v2  }
0x22d: {  	v53 =	vadd.s32 v24, v47;
	v47 =	vadd.s32 v25, v47;
	[tilespmem:v5+s23+$0x0] =	vst.idx.msk $0xffff, v4  }
0x22e: {  	v61 =	vld [tilespmem:s3+$0xFFFFFDB0];
	v2 =	vadd.f32 v57, v34;
	v3 =	vadd.s32 v28, v42;
	v5 =	vadd.s32 v32, v39  }
0x22f: {  	v4 =	vld [tilespmem:s3+$0xFFFFFDF0];
	v42 =	vadd.s32 v29, v42;
	[tilespmem:v54+s23+$0x0] =	vst.idx.msk $0xffff, v0;
	v0 =	vadd.f32 v56, v34  }
0x230: {  	v54 =	vld [tilespmem:s3+$0xFFFFFE30];
	v56 =	vadd.s32 v18, v48;
	[tilespmem:v58+s23+$0x0] =	vst.idx.msk $0xffff, v2;
	v2 =	vadd.f32 v62, v34  }
0x231: {  	v48 =	vadd.s32 v60, v48;
	v62 =	vld [tilespmem:s3+$0xFFFFFE70];
	[tilespmem:v6+s23+$0x0] =	vst.idx.msk $0xffff, v0;
	v0 =	vadd.f32 v52, v34  }
0x232: {  	v6 =	vadd.s32 v8, v44;
	v52 =	vld [tilespmem:s3+$0xFFFFFEB0];
	v44 =	vadd.s32 v9, v44;
	[tilespmem:v53+s23+$0x0] =	vst.idx.msk $0xffff, v2  }
0x233: {  	v2 =	vadd.f32 v61, v34;
	v53 =	vadd.s32 v12, v45;
	v61 =	vld [tilespmem:s3+$0xFFFFFEF0];
	v45 =	vadd.s32 v13, v45  }
0x234: {  	[tilespmem:v3+s23+$0x0] =	vst.idx.msk $0xffff, v0;
	v0 =	vadd.f32 v4, v34;
	v3 =	vadd.s32 v16, v43;
	v4 =	vld [tilespmem:s3+$0xFFFFFF30]  }
0x235: {  	[tilespmem:v5+s23+$0x0] =	vst.idx.msk $0xffff, v2;
	v2 =	vadd.f32 v54, v34;
	v5 =	vadd.s32 v20, v40;
	v54 =	vld [tilespmem:s3+$0xFFFFFF70]  }
0x236: {  	v57 =	vld [tilespmem:s3+$0xFFFFFFB0];
	[tilespmem:v56+s23+$0x0] =	vst.idx.msk $0xffff, v0;
	v0 =	vadd.f32 v62, v34;
	v56 =	vadd.s32 v24, v41  }
0x237: {  	v62 =	vld [tilespmem:s3+$0xFFFFFC30];
	[tilespmem:v6+s23+$0x0] =	vst.idx.msk $0xffff, v2;
	v2 =	vadd.f32 v52, v34;
	v6 =	vadd.s32 v28, v38  }
0x238: {  	v52 =	vld [tilespmem:s3+$0xFFFFFC80];
	[tilespmem:v53+s23+$0x0] =	vst.idx.msk $0xffff, v0;
	v0 =	vadd.f32 v61, v34;
	v53 =	vadd.s32 v32, v46  }
0x239: {  	v41 =	vadd.s32 v25, v41;
	v61 =	vld [tilespmem:s3+$0xFFFFFCC0];
	[tilespmem:v3+s23+$0x0] =	vst.idx.msk $0xffff, v2;
	v2 =	vadd.f32 v4, v34  }
0x23a: {  	v3 =	vadd.s32 v13, v50;
	v4 =	vld [tilespmem:s3+$0xFFFFFD00];
	[tilespmem:v5+s23+$0x0] =	vst.idx.msk $0xffff, v0;
	v0 =	vadd.f32 v54, v34  }
0x23b: {  	v50 =	vadd.s32 v17, v51;
	v51 =	vld [tilespmem:s3+$0xFFFFFD40];
	[tilespmem:v56+s23+$0x0] =	vst.idx.msk $0xffff, v2;
	v2 =	vadd.f32 v57, v34  }
0x23c: {  	v38 =	vadd.s32 v29, v38;
	v5 =	vmov s9;
	v62 =	vadd.f32 v62, v34;
	v56 =	vld [tilespmem:s3+$0xFFFFFD80];
	[tilespmem:v6+s23+$0x0] =	vst.idx.msk $0xffff, v0  }
0x23d: {  	v46 =	vadd.s32 v30, v46;
	v5 =	vshrl.u32 v5, $0x3;
	v6 =	vadd.f32 v52, v33;
	v52 =	vld [tilespmem:s3+$0xFFFFFDC0];
	[tilespmem:v53+s23+$0x0] =	vst.idx.msk $0xffff, v2  }
0x23e: {  	s15 =	sadd.s32 $0x1, s9;
	v54 =	vld [tilespmem:s3+$0xFFFFFE00];
	v5 =	vshll.u32 v5, v1;
	[tilespmem:v55+s23+$0x0] =	vst.idx.msk $0xffff, v62;
	v61 =	vadd.f32 v61, v33  }
0x23f: {  	s12 =	sadd.s32 $0x2, s9;
	v0 =	vmov s15;
	s15 =	sadd.s32 $0x3, s9;
	[tilespmem:v3+s23+$0x0] =	vst.idx.msk $0xffff, v6;
	v3 =	vadd.f32 v4, v33;
	v4 =	vadd.s32 v30, v39;
	v6 =	vld [tilespmem:s3+$0xFFFFFE40]  }
0x240: {  	v2 =	vmov s12;
	v55 =	vmov s15;
	s12 =	sadd.s32 $0x4, s9;
	s15 =	sadd.s32 $0x5, s9;
	v62 =	vadd.f32 v51, v33;
	v51 =	vld [tilespmem:s3+$0xFFFFFE80];
	[tilespmem:v50+s23+$0x0] =	vst.idx.msk $0xffff, v61  }
0x241: {  	v60 =	vld [tilespmem:s3+$0xFFFFFEC0];
	v39 =	vmov s12;
	v53 =	vmov s15;
	s12 =	sadd.s32 $0x6, s9;
	[tilespmem:v49+s23+$0x0] =	vst.idx.msk $0xffff, v3;
	v3 =	vadd.f32 v56, v33  }
0x242: {  	s15 =	sadd.s32 $0x7, s9;
	v50 =	vshrl.u32 v2, $0x3;
	v56 =	vmov s12;
	[tilespmem:v47+s23+$0x0] =	vst.idx.msk $0xffff, v62;
	v47 =	vld [tilespmem:s3+$0xFFFFFFC0];
	v61 =	vadd.f32 v52, v33  }
0x243: {  	v62 =	vld [tilespmem:s3+$0xFFFFFF00];
	s12 =	sadd.s32 $0x8, s9;
	v52 =	vmov s15;
	[tilespmem:v42+s23+$0x0] =	vst.idx.msk $0xffff, v3;
	v3 =	vadd.f32 v54, v33;
	v42 =	vadd.s32 v17, v43  }
0x244: {  	s15 =	sadd.s32 $0x9, s9;
	v49 =	vshrl.u32 v56, $0x3;
	v43 =	vld [tilespmem:s3+$0xFFFFFF40];
	v54 =	vmov s12;
	[tilespmem:v4+s23+$0x0] =	vst.idx.msk $0xffff, v61;
	v4 =	vadd.f32 v6, v33  }
0x245: {  	v57 =	vmov s15;
	s12 =	sadd.s32 $0xA, s9;
	s15 =	sadd.s32 $0xB, s9;
	v6 =	vadd.s32 v21, v40;
	v40 =	vld [tilespmem:s3+$0xFFFFFF80];
	[tilespmem:v48+s23+$0x0] =	vst.idx.msk $0xffff, v3;
	v3 =	vadd.f32 v51, v33  }
0x246: {  	v58 =	vmov s12;
	v59 =	vmov s15;
	s15 =	sadd.s32 $0xD, s9;
	v48 =	vld [tilespmem:s3+$0xFFFFFC40];
	[tilespmem:v44+s23+$0x0] =	vst.idx.msk $0xffff, v4;
	v4 =	vadd.f32 v60, v33  }
0x247: {  	s12 =	sadd.s32 $0xC, s9;
	v61 =	vmov s15;
	v44 =	vshrl.u32 v0, $0x3;
	v0 =	vadd.f32 v47, v33;
	[tilespmem:v45+s23+$0x0] =	vst.idx.msk $0xffff, v3  }
0x248: {  	p0 =	slt.u32 s9, $0x70;
	v51 =	vshrl.u32 v39, $0x3;
	v60 =	vmov s12;
	v3 =	vadd.f32 v62, v33;
	[tilespmem:v42+s23+$0x0] =	vst.idx.msk $0xffff, v4  }
.Ltmp5:
0x249: {  	s12 =	sadd.s32 $0xE, s9;
	v47 =	vshrl.u32 v54, $0x3;
	v39 =	vshrl.u32 v61, $0x3;
	v4 =	vadd.f32 v43, v33;
	[tilespmem:v46+s23+$0x0] =	vst.idx.msk $0xffff, v0;
	(pc) =	sbr.rel @p0 .LBB2_11-.Ltmp5, $4  }
0x24a: {  	v62 =	vmov s12;
	v45 =	vshrl.u32 v55, $0x3;
	[tilespmem:v6+s23+$0x0] =	vst.idx.msk $0xffff, v3;
	v3 =	vadd.f32 v40, v33  }
0x24b: {  	v46 =	vshrl.u32 v52, $0x3;
	v42 =	vshrl.u32 v58, $0x3;
	[tilespmem:v41+s23+$0x0] =	vst.idx.msk $0xffff, v4;
	v2 =	vadd.f32 v48, v33  }
0x24c: {  	v43 =	vshrl.u32 v59, $0x3;
	v40 =	vshrl.u32 v62, $0x3;
	v48 =	vshrl.u32 v53, $0x3;
	[tilespmem:v38+s23+$0x0] =	vst.idx.msk $0xffff, v3  }
0x24d: {  	s11 =	sadd.s32 $0xF, s9;
	s9 =	sadd.s32 $0x10, s9;
	v41 =	vshrl.u32 v60, $0x3;
	v38 =	vshrl.u32 v57, $0x3;
	[tilespmem:v37+s23+$0x0] =	vst.idx.msk $0xffff, v2;
	v37 =	vbroadcast v5, $0x0  }
0x24e: {  	v3 =	vmov s11  }
0x24f: {  	v3 =	vshrl.u32 v3, $0x3  }
0x250: {  	s3 =	sadd.s32 $0x400, s3;
	v3 =	vshll.u32 v3, v1  }
0x251: {  	v61 =	vld [tilespmem:s3+$0xFFFFFFD0];
	v3 =	vbroadcast v3, $0x0  }
0x252: {  	v0 =	vshll.u32 v44, v1;
	v44 =	vshll.u32 v49, v1;
	v62 =	vld [tilespmem:s3+$0xFFFFFC10]  }
0x253: {  	v49 =	vshll.u32 v38, v1;
	v11 =	vld [tilespmem:s3+$0xFFFFFC50];
	v38 =	vbroadcast v0, $0x0;
	v52 =	vadd.s32 v22, v3  }
0x254: {  	v53 =	vadd.s32 v63, v37  }
0x255: {  	v27 =	vld [tilespmem:$0x1FEB0];
	v55 =	vadd.s32 v10, v38  }
0x256: {  	v15 =	vld [tilespmem:$0x1FEF0];
	v19 =	vadd.f32 v61, v36  }
0x257: {  	v54 =	vld [tilespmem:s3+$0xFFFFFC90];
	v26 =	vadd.f32 v62, v36  }
0x258: {  	v2 =	vshll.u32 v50, v1;
	v56 =	vld [tilespmem:s3+$0xFFFFFCD0];
	v60 =	vadd.f32 v11, v36;
	[tilespmem:v52+s23+$0x0] =	vst.idx.msk $0xffff, v19  }
0x259: {  	v4 =	vshll.u32 v45, v1;
	v5 =	vshll.u32 v51, v1;
	v19 =	vld [tilespmem:$0x1FF30];
	[tilespmem:v53+s23+$0x0] =	vst.idx.msk $0xffff, v26  }
0x25a: {  	v6 =	vshll.u32 v48, v1;
	v0 =	vshll.u32 v41, v1;
	v41 =	vbroadcast v2, $0x0;
	v11 =	vld [tilespmem:$0x1FF70];
	[tilespmem:v55+s23+$0x0] =	vst.idx.msk $0xffff, v60  }
0x25b: {  	v45 =	vshll.u32 v46, v1;
	v2 =	vshll.u32 v39, v1;
	v39 =	vbroadcast v4, $0x0;
	v26 =	vld [tilespmem:$0x1FFB0]  }
0x25c: {  	v4 =	vshll.u32 v40, v1;
	v58 =	vld [tilespmem:s3+$0xFFFFFD10];
	v40 =	vbroadcast v5, $0x0;
	v57 =	vadd.s32 v27, v41  }
0x25d: {  	v50 =	vshll.u32 v42, v1;
	v59 =	vld [tilespmem:s3+$0xFFFFFD50];
	v42 =	vbroadcast v6, $0x0;
	v48 =	vadd.s32 v15, v39  }
0x25e: {  	v51 =	vshll.u32 v43, v1;
	v43 =	vbroadcast v44, $0x0;
	v52 =	vld [tilespmem:s3+$0xFFFFFD90];
	v5 =	vadd.s32 v19, v40  }
0x25f: {  	v46 =	vshll.u32 v47, v1;
	v61 =	vadd.f32 v54, v36;
	v54 =	vld [tilespmem:s3+$0xFFFFFFE0];
	v53 =	vadd.s32 v11, v42  }
0x260: {  	v44 =	vbroadcast v45, $0x0;
	v62 =	vadd.f32 v56, v36;
	v56 =	vld [tilespmem:s3+$0xFFFFFDD0];
	v55 =	vadd.s32 v26, v43  }
0x261: {  	v45 =	vbroadcast v46, $0x0;
	v47 =	vadd.f32 v58, v36;
	v58 =	vadd.s32 v14, v3;
	[tilespmem:v57+s23+$0x0] =	vst.idx.msk $0xffff, v61;
	v57 =	vld [tilespmem:s3+$0xFFFFFE10]  }
0x262: {  	v46 =	vbroadcast v49, $0x0;
	v60 =	vld [tilespmem:s3+$0xFFFFFE50];
	[tilespmem:v48+s23+$0x0] =	vst.idx.msk $0xffff, v62;
	v48 =	vadd.f32 v59, v36;
	v59 =	vadd.s32 v22, v44  }
0x263: {  	v61 =	vld [tilespmem:s3+$0xFFFFFE90];
	v22 =	vadd.f32 v52, v36;
	v52 =	vadd.s32 v63, v45;
	[tilespmem:v5+s23+$0x0] =	vst.idx.msk $0xffff, v47;
	v47 =	vbroadcast v50, $0x0  }
0x264: {  	v6 =	vadd.s32 v10, v46;
	v62 =	vadd.f32 v54, v35;
	[tilespmem:v53+s23+$0x0] =	vst.idx.msk $0xffff, v48;
	v53 =	vld [tilespmem:s3+$0xFFFFFED0];
	v48 =	vbroadcast v51, $0x0  }
0x265: {  	v49 =	vbroadcast v0, $0x0;
	v10 =	vadd.f32 v56, v36;
	[tilespmem:v55+s23+$0x0] =	vst.idx.msk $0xffff, v22;
	v54 =	vadd.s32 v27, v47;
	v55 =	vld [tilespmem:s3+$0xFFFFFF10]  }
0x266: {  	v0 =	vadd.f32 v57, v36;
	[tilespmem:v58+s23+$0x0] =	vst.idx.msk $0xffff, v62;
	v22 =	vadd.s32 v15, v48  }
0x267: {  	[tilespmem:v59+s23+$0x0] =	vst.idx.msk $0xffff, v10;
	v50 =	vbroadcast v2, $0x0;
	v2 =	vadd.f32 v60, v36;
	v27 =	vadd.s32 v19, v49  }
0x268: {  	[tilespmem:v52+s23+$0x0] =	vst.idx.msk $0xffff, v0;
	v0 =	vadd.f32 v61, v36  }
0x269: {  	v57 =	vld [tilespmem:s3+$0xFFFFFF50];
	[tilespmem:v6+s23+$0x0] =	vst.idx.msk $0xffff, v2;
	v61 =	vadd.f32 v53, v36  }
0x26a: {  	v58 =	vld [tilespmem:s3+$0xFFFFFFF0];
	v10 =	vadd.s32 v11, v50;
	[tilespmem:v54+s23+$0x0] =	vst.idx.msk $0xffff, v0;
	v11 =	vadd.f32 v55, v36  }
0x26b: {  	v60 =	vld [tilespmem:s3+$0xFFFFFF90];
	[tilespmem:v22+s23+$0x0] =	vst.idx.msk $0xffff, v61  }
0x26c: {  	v22 =	vld [tilespmem:$0x1FE80];
	[tilespmem:v27+s23+$0x0] =	vst.idx.msk $0xffff, v11  }
0x26d: {  	v51 =	vbroadcast v4, $0x0;
	v19 =	vld [tilespmem:$0x1FEC0]  }
0x26e: {  	v62 =	vadd.s32 v18, v3  }
0x26f: {  	v2 =	vld [tilespmem:s3+$0xFFFFFC60];
	v15 =	vadd.s32 v26, v51  }
0x270: {  	v26 =	vadd.f32 v57, v36;
	v0 =	vld [tilespmem:s3+$0xFFFFFCA0]  }
0x271: {  	v27 =	vadd.f32 v58, v34;
	v4 =	vadd.s32 v22, v38  }
0x272: {  	v60 =	vadd.f32 v60, v36;
	v53 =	vld [tilespmem:s3+$0xFFFFFD20];
	[tilespmem:v10+s23+$0x0] =	vst.idx.msk $0xffff, v26;
	v5 =	vadd.s32 v19, v41  }
0x273: {  	v11 =	vld [tilespmem:$0x1FF00];
	[tilespmem:v62+s23+$0x0] =	vst.idx.msk $0xffff, v27  }
0x274: {  	v55 =	vld [tilespmem:s3+$0xFFFFFCE0];
	v2 =	vadd.f32 v2, v35;
	[tilespmem:v15+s23+$0x0] =	vst.idx.msk $0xffff, v60  }
0x275: {  	v0 =	vadd.f32 v0, v35;
	v15 =	vld [tilespmem:$0x1FF80]  }
0x276: {  	v61 =	vld [tilespmem:s3+$0xFFFFFD60];
	[tilespmem:v4+s23+$0x0] =	vst.idx.msk $0xffff, v2  }
0x277: {  	v6 =	vadd.s32 v23, v40;
	v62 =	vld [tilespmem:s3+$0xFFFFFDA0];
	[tilespmem:v5+s23+$0x0] =	vst.idx.msk $0xffff, v0  }
0x278: {  	v52 =	vadd.s32 v11, v39;
	v10 =	vld [tilespmem:$0x1FFF0]  }
0x279: {  	v26 =	vld [tilespmem:s3+$0xFFFFFDE0];
	v4 =	vadd.s32 v31, v43  }
0x27a: {  	v27 =	vld [tilespmem:s3+$0xFFFFFE20];
	v36 =	vadd.s32 v15, v42;
	v0 =	vadd.f32 v53, v35  }
0x27b: {  	v60 =	vadd.s32 v14, v44;
	v54 =	vld [tilespmem:s3+$0x0];
	v2 =	vadd.f32 v55, v35  }
0x27c: {  	[tilespmem:v6+s23+$0x0] =	vst.idx.msk $0xffff, v0;
	v0 =	vadd.f32 v62, v35;
	v62 =	vadd.s32 v7, v45  }
0x27d: {  	[tilespmem:v52+s23+$0x0] =	vst.idx.msk $0xffff, v2;
	v2 =	vadd.f32 v61, v35;
	v61 =	vld [tilespmem:s3+$0xFFFFFE60];
	v3 =	vadd.s32 v10, v3  }
0x27e: {  	v14 =	vld [tilespmem:s3+$0xFFFFFEA0];
	[tilespmem:v4+s23+$0x0] =	vst.idx.msk $0xffff, v0;
	v0 =	vadd.f32 v26, v35  }
0x27f: {  	v5 =	vadd.f32 v27, v35;
	[tilespmem:v36+s23+$0x0] =	vst.idx.msk $0xffff, v2;
	v2 =	vadd.s32 v22, v46;
	v26 =	vld [tilespmem:s3+$0xFFFFFF20]  }
0x280: {  	v54 =	vadd.f32 v54, v33;
	v36 =	vld [tilespmem:s3+$0xFFFFFEE0];
	[tilespmem:v60+s23+$0x0] =	vst.idx.msk $0xffff, v0  }
0x281: {  	v60 =	vadd.s32 v23, v49;
	[tilespmem:v62+s23+$0x0] =	vst.idx.msk $0xffff, v5  }
0x282: {  	v0 =	vadd.f32 v61, v35;
	v62 =	vld [tilespmem:s3+$0xFFFFFC20];
	[tilespmem:v3+s23+$0x0] =	vst.idx.msk $0xffff, v54;
	v3 =	vadd.s32 v11, v48  }
0x283: {  	v27 =	vld [tilespmem:s3+$0xFFFFFF60];
	v22 =	vadd.s32 v19, v47  }
0x284: {  	v19 =	vadd.s32 v7, v37;
	v61 =	vld [tilespmem:s3+$0xFFFFFFA0];
	[tilespmem:v2+s23+$0x0] =	vst.idx.msk $0xffff, v0;
	v55 =	vadd.f32 v26, v35  }
0x285: {  	v0 =	vld [tilespmem:s3+$0xFFFFFC70];
	v2 =	vadd.f32 v36, v35;
	v11 =	vadd.f32 v14, v35;
	v14 =	vadd.s32 v15, v50  }
0x286: {  	v26 =	vld [tilespmem:s3+$0xFFFFFD30];
	v15 =	vadd.s32 v31, v51;
	[tilespmem:v60+s23+$0x0] =	vst.idx.msk $0xffff, v55  }
0x287: {  	v5 =	vadd.f32 v62, v35;
	[tilespmem:v3+s23+$0x0] =	vst.idx.msk $0xffff, v2;
	v2 =	vadd.s32 v12, v38;
	v3 =	vld [tilespmem:s3+$0xFFFFFCF0]  }
0x288: {  	v57 =	vadd.s32 v24, v40;
	v54 =	vadd.f32 v27, v35;
	[tilespmem:v22+s23+$0x0] =	vst.idx.msk $0xffff, v11;
	v22 =	vld [tilespmem:s3+$0xFFFFFCB0]  }
0x289: {  	v53 =	vadd.f32 v61, v35;
	v27 =	vadd.s32 v20, v39;
	v31 =	vld [tilespmem:s3+$0xFFFFFD70];
	[tilespmem:v19+s23+$0x0] =	vst.idx.msk $0xffff, v5  }
0x28a: {  	v58 =	vld [tilespmem:s3+$0xFFFFFDB0];
	v23 =	vadd.s32 v16, v41;
	v0 =	vadd.f32 v0, v34;
	[tilespmem:v14+s23+$0x0] =	vst.idx.msk $0xffff, v54  }
0x28b: {  	v60 =	vadd.s32 v28, v42;
	v61 =	vld [tilespmem:s3+$0xFFFFFDF0];
	v62 =	vadd.f32 v26, v34;
	[tilespmem:v15+s23+$0x0] =	vst.idx.msk $0xffff, v53  }
0x28c: {  	[tilespmem:v2+s23+$0x0] =	vst.idx.msk $0xffff, v0;
	v0 =	vadd.f32 v3, v34;
	v2 =	vadd.s32 v32, v43;
	v3 =	vld [tilespmem:s3+$0xFFFFFE30]  }
0x28d: {  	v11 =	vadd.s32 v18, v44;
	v14 =	vld [tilespmem:s3+$0xFFFFFE70];
	[tilespmem:v57+s23+$0x0] =	vst.idx.msk $0xffff, v62;
	v59 =	vadd.f32 v22, v34  }
0x28e: {  	v18 =	vld [tilespmem:s3+$0xFFFFFEB0];
	v15 =	vadd.s32 v8, v45;
	[tilespmem:v27+s23+$0x0] =	vst.idx.msk $0xffff, v0;
	v0 =	vadd.f32 v31, v34  }
0x28f: {  	v19 =	vadd.f32 v58, v34;
	v22 =	vadd.s32 v12, v46;
	[tilespmem:v23+s23+$0x0] =	vst.idx.msk $0xffff, v59;
	v23 =	vld [tilespmem:s3+$0xFFFFFEF0]  }
0x290: {  	v26 =	vadd.s32 v16, v47;
	v58 =	vld [tilespmem:s3+$0xFFFFFFB0];
	[tilespmem:v60+s23+$0x0] =	vst.idx.msk $0xffff, v0;
	v0 =	vadd.f32 v61, v34  }
0x291: {  	v27 =	vld [tilespmem:s3+$0xFFFFFF30];
	[tilespmem:v2+s23+$0x0] =	vst.idx.msk $0xffff, v19;
	v2 =	vadd.f32 v3, v34;
	v3 =	vadd.s32 v20, v48  }
0x292: {  	v62 =	vadd.s32 v32, v51;
	v31 =	vld [tilespmem:s3+$0xFFFFFF70];
	[tilespmem:v11+s23+$0x0] =	vst.idx.msk $0xffff, v0;
	v0 =	vadd.f32 v14, v34  }
0x293: {  	v57 =	vadd.s32 v24, v49;
	v59 =	vadd.f32 v18, v34;
	[tilespmem:v15+s23+$0x0] =	vst.idx.msk $0xffff, v2;
	v2 =	vld [tilespmem:s3+$0xFFFFFC30]  }
0x294: {  	v60 =	vadd.s32 v28, v50;
	v61 =	vadd.f32 v23, v34;
	[tilespmem:v22+s23+$0x0] =	vst.idx.msk $0xffff, v0;
	v0 =	vld [tilespmem:s3+$0xFFFFFC80]  }
0x295: {  	v12 =	vld [tilespmem:s3+$0xFFFFFCC0];
	[tilespmem:v26+s23+$0x0] =	vst.idx.msk $0xffff, v59;
	v18 =	vadd.f32 v58, v34;
	v11 =	vadd.s32 v8, v37  }
0x296: {  	v14 =	vld [tilespmem:s3+$0xFFFFFD00];
	v6 =	vadd.f32 v27, v34;
	[tilespmem:v3+s23+$0x0] =	vst.idx.msk $0xffff, v61;
	v3 =	vadd.s32 v13, v38  }
0x297: {  	v16 =	vld [tilespmem:s3+$0xFFFFFD40];
	[tilespmem:v62+s23+$0x0] =	vst.idx.msk $0xffff, v18;
	v4 =	vadd.f32 v31, v34;
	v15 =	vadd.s32 v17, v41  }
0x298: {  	v19 =	vadd.s32 v21, v39;
	v20 =	vld [tilespmem:s3+$0xFFFFFD80];
	[tilespmem:v57+s23+$0x0] =	vst.idx.msk $0xffff, v6;
	v2 =	vadd.f32 v2, v34  }
0x299: {  	v23 =	vld [tilespmem:s3+$0xFFFFFDC0];
	v22 =	vadd.s32 v25, v40;
	[tilespmem:v60+s23+$0x0] =	vst.idx.msk $0xffff, v4;
	v0 =	vadd.f32 v0, v33  }
0x29a: {  	v24 =	vadd.s32 v29, v42;
	v26 =	vld [tilespmem:s3+$0xFFFFFE00];
	[tilespmem:v11+s23+$0x0] =	vst.idx.msk $0xffff, v2;
	v2 =	vadd.f32 v12, v33  }
0x29b: {  	v27 =	vld [tilespmem:s3+$0xFFFFFE40];
	[tilespmem:v3+s23+$0x0] =	vst.idx.msk $0xffff, v0;
	v0 =	vadd.f32 v14, v33;
	v3 =	vadd.s32 v30, v43  }
0x29c: {  	v28 =	vadd.s32 v10, v44;
	v31 =	vld [tilespmem:s3+$0xFFFFFE80];
	[tilespmem:v15+s23+$0x0] =	vst.idx.msk $0xffff, v2;
	v2 =	vadd.f32 v16, v33  }
0x29d: {  	v44 =	vadd.s32 v9, v45;
	v45 =	vld [tilespmem:s3+$0xFFFFFEC0];
	[tilespmem:v19+s23+$0x0] =	vst.idx.msk $0xffff, v0;
	v0 =	vadd.f32 v20, v33  }
0x29e: {  	v46 =	vadd.s32 v13, v46;
	v52 =	vld [tilespmem:s3+$0xFFFFFF00];
	[tilespmem:v22+s23+$0x0] =	vst.idx.msk $0xffff, v2;
	v2 =	vadd.f32 v23, v33  }
0x29f: {  	v53 =	vadd.s32 v17, v47;
	v54 =	vld [tilespmem:s3+$0xFFFFFF40];
	[tilespmem:v24+s23+$0x0] =	vst.idx.msk $0xffff, v0;
	v0 =	vadd.f32 v26, v33  }
0x2a0: {  	v55 =	vld [tilespmem:s3+$0xFFFFFF80];
	[tilespmem:v3+s23+$0x0] =	vst.idx.msk $0xffff, v2;
	v2 =	vadd.f32 v27, v33;
	v3 =	vadd.s32 v21, v48  }
0x2a1: {  	v56 =	vadd.s32 v25, v49;
	v57 =	vld [tilespmem:s3+$0xFFFFFFC0];
	[tilespmem:v28+s23+$0x0] =	vst.idx.msk $0xffff, v0;
	v0 =	vadd.f32 v31, v33  }
0x2a2: {  	v59 =	vadd.s32 v29, v50;
	v58 =	vadd.f32 v45, v33;
	[tilespmem:v44+s23+$0x0] =	vst.idx.msk $0xffff, v2;
	v2 =	vld [tilespmem:s3+$0xFFFFFC40]  }
0x2a3: {  	v60 =	vadd.s32 v30, v51;
	[tilespmem:v46+s23+$0x0] =	vst.idx.msk $0xffff, v0;
	v0 =	vadd.f32 v52, v33  }
0x2a4: {  	v61 =	vadd.s32 v9, v37;
	[tilespmem:v53+s23+$0x0] =	vst.idx.msk $0xffff, v58;
	v62 =	vadd.f32 v54, v33  }
0x2a5: {  	[tilespmem:v3+s23+$0x0] =	vst.idx.msk $0xffff, v0;
	v0 =	vadd.f32 v55, v33  }
0x2a6: {  	s0 =	sshll.u32 s0, $0x12;
	[tilespmem:v56+s23+$0x0] =	vst.idx.msk $0xffff, v62;
	v3 =	vadd.f32 v57, v33  }
0x2a7: {  	s0 =	sor.u32 s5, s0;
	[tilespmem:v59+s23+$0x0] =	vst.idx.msk $0xffff, v0;
	v0 =	vadd.f32 v2, v33  }
0x2a8: {  	s0 =	sshrl.u32 s0, $0x3;
	[tilespmem:v60+s23+$0x0] =	vst.idx.msk $0xffff, v3  }
0x2a9: {  	s9 =	simm.s32 $0x10600;
	s3 =	sadd.s32 s1, s0;
	[tilespmem:v61+s23+$0x0] =	vst.idx.msk $0xffff, v0  }
0x2aa: {  	[hbm4b:s3+s2] =	stream.linear.scatter [tilespmem:s9], [sflag:$0x6], $0x80, $0x38;
	[tilespmem:$0x15A00] =	vst v63  }
0x2ab: {  	s11 =	simm.s32 $0x10688;
	s9 =	sadd.s32 $0x10, s3  }
0x2ac: {  	[hbm4b:s9+s2] =	stream.linear.scatter [tilespmem:s11], [sflag:$0x6], $0x80, $0x38;
	[tilespmem:$0x15A00] =	vst v63  }
0x2ad: {  	s12 =	simm.s32 $0x10710;
	s15 =	sadd.s32 $0x20, s3  }
0x2ae: {  	[hbm4b:s15+s2] =	stream.linear.scatter [tilespmem:s12], [sflag:$0x6], $0x80, $0x38;
	[tilespmem:$0x15A00] =	vst v63  }
0x2af: {  	s9 =	simm.s32 $0x10798;
	s11 =	sadd.s32 $0x30, s3  }
0x2b0: {  	[hbm4b:s11+s2] =	stream.linear.scatter [tilespmem:s9], [sflag:$0x6], $0x80, $0x38;
	[tilespmem:$0x15A00] =	vst v63  }
0x2b1: {  	s12 =	simm.s32 $0x10820;
	s15 =	sadd.s32 $0x40, s3  }
0x2b2: {  	[hbm4b:s15+s2] =	stream.linear.scatter [tilespmem:s12], [sflag:$0x6], $0x80, $0x38;
	[tilespmem:$0x15A00] =	vst v63  }
0x2b3: {  	s0 =	simm.s32 $0x440;
	s9 =	simm.s32 $0x108A8;
	s11 =	sadd.s32 $0x50, s3  }
0x2b4: {  	[hbm4b:s11+s2] =	stream.linear.scatter [tilespmem:s9], [sflag:$0x6], $0x80, $0x38;
	[tilespmem:$0x15A00] =	vst v63  }
0x2b5: {  	s12 =	simm.s32 $0x10930;
	s15 =	sadd.s32 $0x60, s3;
	s9 =	simm.s32 $0x2200  }
0x2b6: {  	[hbm4b:s15+s2] =	stream.linear.scatter [tilespmem:s12], [sflag:$0x6], $0x80, $0x38;
	[tilespmem:$0x15A00] =	vst v63  }
0x2b7: {  	s11 =	simm.s32 $0x109B8;
	s12 =	sadd.s32 $0x70, s3;
	s3 =	sadd.s32 $0x1000, s3  }
.LBB2_13:
0x2b8: {  	[hbm4b:s12+s2] =	stream.linear.scatter [tilespmem:s11], [sflag:$0x6], $0x80, $0x38;
	[tilespmem:$0x15A00] =	vst v63  }
0x2b9: {  	s11 =	smov.u32 s0;
	s0 =	smov.u32 s9  }
0x2ba: {  	s15 =	sadd.s32 $0x1100, s9;
	s0 =	sshra.s32 s0, $0x2;
	s12 =	sadd.s32 $0x10600, s11  }
0x2bb: {  	[hbm4b:s3+s2] =	stream.linear.scatter [tilespmem:s12], [sflag:$0x6], $0x80, $0x38;
	[tilespmem:$0x15A00] =	vst v63  }
0x2bc: {  	p0 =	sne.s32 s9, $0x7700;
	s9 =	sadd.s32 $0x10688, s11;
	s12 =	sadd.s32 $0x10, s3  }
0x2bd: {  	[hbm4b:s12+s2] =	stream.linear.scatter [tilespmem:s9], [sflag:$0x6], $0x80, $0x38;
	[tilespmem:$0x15A00] =	vst v63  }
0x2be: {  	s9 =	sadd.s32 $0x10710, s11;
	s12 =	sadd.s32 $0x20, s3  }
0x2bf: {  	[hbm4b:s12+s2] =	stream.linear.scatter [tilespmem:s9], [sflag:$0x6], $0x80, $0x38;
	[tilespmem:$0x15A00] =	vst v63  }
0x2c0: {  	s9 =	sadd.s32 $0x10798, s11;
	s12 =	sadd.s32 $0x30, s3  }
0x2c1: {  	[hbm4b:s12+s2] =	stream.linear.scatter [tilespmem:s9], [sflag:$0x6], $0x80, $0x38;
	[tilespmem:$0x15A00] =	vst v63  }
0x2c2: {  	s9 =	sadd.s32 $0x10820, s11;
	s12 =	sadd.s32 $0x40, s3  }
0x2c3: {  	[hbm4b:s12+s2] =	stream.linear.scatter [tilespmem:s9], [sflag:$0x6], $0x80, $0x38;
	[tilespmem:$0x15A00] =	vst v63  }
.Ltmp6:
0x2c4: {  	s9 =	sadd.s32 $0x108A8, s11;
	s12 =	sadd.s32 $0x50, s3;
	(pc) =	sbr.rel @p0 .LBB2_13-.Ltmp6, $4  }
0x2c5: {  	[hbm4b:s12+s2] =	stream.linear.scatter [tilespmem:s9], [sflag:$0x6], $0x80, $0x38;
	[tilespmem:$0x15A00] =	vst v63  }
0x2c6: {  	s9 =	sadd.s32 $0x10930, s11;
	s12 =	sadd.s32 $0x60, s3;
	s11 =	sadd.s32 $0x109B8, s11  }
0x2c7: {  	[hbm4b:s12+s2] =	stream.linear.scatter [tilespmem:s9], [sflag:$0x6], $0x80, $0x38;
	[tilespmem:$0x15A00] =	vst v63  }
0x2c8: {  	s12 =	sadd.s32 $0x70, s3;
	s3 =	sadd.s32 $0x1000, s3;
	s9 =	smov.u32 s15  }
0x2c9: {  	[hbm4b:s12+s2] =	stream.linear.scatter [tilespmem:s11], [sflag:$0x6], $0x80, $0x38;
	[tilespmem:$0x15A00] =	vst v63  }
0x2ca: {  	s9 =	sadd.s32 $0x10600, s0  }
0x2cb: {  	[hbm4b:s3+s2] =	stream.linear.scatter [tilespmem:s9], [sflag:$0x6], $0x80, $0x38;
	[tilespmem:$0x15A00] =	vst v63  }
0x2cc: {  	s12 =	sadd.s32 $0x10688, s0;
	s15 =	sadd.s32 $0x10, s3  }
0x2cd: {  	[hbm4b:s15+s2] =	stream.linear.scatter [tilespmem:s12], [sflag:$0x6], $0x80, $0x38;
	[tilespmem:$0x15A00] =	vst v63  }
0x2ce: {  	s12 =	sadd.s32 $0x10710, s0;
	s15 =	sadd.s32 $0x20, s3  }
0x2cf: {  	[hbm4b:s15+s2] =	stream.linear.scatter [tilespmem:s12], [sflag:$0x6], $0x80, $0x38;
	[tilespmem:$0x15A00] =	vst v63  }
0x2d0: {  	s11 =	sadd.s32 $0x109B8, s0;
	s12 =	sadd.s32 $0x10798, s0;
	s15 =	sadd.s32 $0x30, s3  }
0x2d1: {  	[hbm4b:s15+s2] =	stream.linear.scatter [tilespmem:s12], [sflag:$0x6], $0x80, $0x38;
	[tilespmem:$0x15A00] =	vst v63  }
0x2d2: {  	p0 =	seq.s32 s29, $0x31;
	s12 =	sadd.s32 $0x10820, s0;
	s15 =	sadd.s32 $0x40, s3  }
0x2d3: {  	[hbm4b:s15+s2] =	stream.linear.scatter [tilespmem:s12], [sflag:$0x6], $0x80, $0x38;
	[tilespmem:$0x15A00] =	vst v63  }
0x2d4: {  	s9 =	simm.s32 @!p0 $0x80;
	s12 =	sadd.s32 $0x108A8, s0;
	s15 =	sadd.s32 $0x50, s3  }
0x2d5: {  	[hbm4b:s15+s2] =	stream.linear.scatter [tilespmem:s12], [sflag:$0x6], $0x80, $0x38;
	[tilespmem:$0x15A00] =	vst v63  }
0x2d6: {  	s12 =	sadd.s32 $0x10930, s0;
	s15 =	sadd.s32 $0x60, s3;
	s0 =	sshll.u32 @!p0 s31, $0x7  }
0x2d7: {  	[hbm4b:s15+s2] =	stream.linear.scatter [tilespmem:s12], [sflag:$0x6], $0x80, $0x38;
	[tilespmem:$0x15A00] =	vst v63  }
0x2d8: {  	s31 =	sor.u32 $0x2, s31;
	s12 =	sadd.s32 $0x70, s3;
	s3 =	sadd.s32 @!p0 $0x280, s0  }
0x2d9: {  	[hbm4b:s12+s2] =	stream.linear.scatter [tilespmem:s11], [sflag:$0x6], $0x80, $0x38;
	[tilespmem:$0x15A00] =	vst v63  }
0x2da: {  	s15 =	simm.s32 $0x0;
	s3 =	sand.u32 @!p0 $0xFE80, s3;
	s11 =	simm.s32 @!p0 $0x8400  }
0x2db: {  	[tilespmem:s11], [sflag:$0x2] =	stream.indirect.gather @!p0 [hbm4b:s4+s9], $0x40, s3, s9, $0xb8;
	[tilespmem:$0x15A00] =	vst v63  }
0x2dc: {  	v0 =	vmov s15;
	s15 =	simm.s32 $0x3;
	s12 =	simm.s32 $0x2;
	_ =	swait.ge [sflag:s24], $0x2000  }
0x2dd: {  	v0 =	vshrl.u32 v0, $0x3;
	v4 =	vmov s15;
	s15 =	simm.s32 $0x6;
	v3 =	vmov s12;
	s12 =	simm.s32 $0x5;
	[sflag:s24] =	ssyncset.done $0x0  }
0x2de: {  	v33 =	vmov s15;
	s15 =	simm.s32 $0x9;
	v0 =	vshll.u32 v0, v1;
	v4 =	vshrl.u32 v4, $0x3;
	s11 =	simm.s32 $0x1;
	[sflag:s24] =	ssyncadd.s32 $0xFFFFE000  }
0x2df: {  	v6 =	vmov s12;
	s12 =	simm.s32 $0x8;
	v36 =	vmov s15;
	s15 =	simm.s32 $0xC;
	v3 =	vshrl.u32 v3, $0x3;
	_ =	swait.ge [sflag:s25], $0x2000  }
0x2e0: {  	s9 =	simm.s32 $0xD;
	v42 =	vshrl.u32 v33, $0x3;
	v2 =	vmov s11;
	s11 =	simm.s32 $0x4;
	v35 =	vmov s12;
	s12 =	simm.s32 $0xB;
	v14 =	vld [tilespmem:$0x1FE10]  }
0x2e1: {  	v4 =	vshll.u32 v4, v1;
	v39 =	vmov s15;
	s15 =	simm.s32 $0xF;
	v38 =	vmov s12;
	s12 =	sshll.u32 s31, $0x6;
	[sflag:s25] =	ssyncset.done $0x0;
	v13 =	vld [tilespmem:$0x1FE00]  }
0x2e2: {  	v40 =	vmov s9;
	v45 =	vshrl.u32 v36, $0x3;
	v5 =	vmov s11;
	s11 =	simm.s32 $0x7;
	s3 =	sand.u32 $0x3FFFFFC0, s12;
	v11 =	vld [tilespmem:$0x1FEB0];
	[sflag:s25] =	ssyncadd.s32 $0xFFFFE000  }
0x2e3: {  	v44 =	vshrl.u32 v35, $0x3;
	v59 =	vmov s15;
	v34 =	vmov s11;
	s11 =	simm.s32 $0xA;
	v36 =	vld [tilespmem:s3+$0x12800]  }
0x2e4: {  	v60 =	vshrl.u32 v59, $0x3;
	v37 =	vmov s11;
	s11 =	simm.s32 $0xE;
	v43 =	vshrl.u32 v34, $0x3;
	v35 =	vld [tilespmem:s3+$0x12810]  }
0x2e5: {  	v41 =	vmov s11;
	v46 =	vshrl.u32 v37, $0x3;
	v37 =	vbroadcast v0, $0x0;
	v34 =	vld [tilespmem:s3+$0x12820]  }
0x2e6: {  	v0 =	vshrl.u32 v40, $0x3;
	v40 =	vshrl.u32 v41, $0x3;
	v41 =	vshll.u32 v60, v1;
	v33 =	vld [tilespmem:s3+$0x12830];
	s3 =	simm.s32 $0xA7F0  }
0x2e7: {  	v6 =	vshrl.u32 v6, $0x3;
	v2 =	vshrl.u32 v2, $0x3;
	v53 =	vbroadcast v41, $0x0;
	v61 =	vld [tilespmem:s3+$0xFFFFFFD0]  }
0x2e8: {  	v3 =	vshll.u32 v3, v1;
	v39 =	vshrl.u32 v39, $0x3;
	v2 =	vshll.u32 v2, v1;
	v62 =	vld [tilespmem:s3+$0xFFFFFC10]  }
0x2e9: {  	v50 =	vbroadcast v2, $0x0;
	v2 =	vshll.u32 v39, v1;
	v39 =	vadd.s32 v14, v53  }
0x2ea: {  	v54 =	vshll.u32 v45, v1;
	v5 =	vshrl.u32 v5, $0x3;
	v32 =	vadd.s32 v63, v37;
	v45 =	vld [tilespmem:s3+$0xFFFFFC50]  }
0x2eb: {  	v49 =	vbroadcast v4, $0x0;
	v51 =	vbroadcast v3, $0x0;
	v5 =	vshll.u32 v5, v1;
	v48 =	vld [tilespmem:s3+$0xFFFFFC90]  }
0x2ec: {  	v47 =	vbroadcast v5, $0x0;
	v10 =	vld [tilespmem:$0x1FEF0];
	v3 =	vadd.s32 v13, v50;
	v5 =	vadd.f32 v61, v36  }
0x2ed: {  	v8 =	vld [tilespmem:$0x1FF30];
	v4 =	vshll.u32 v40, v1;
	v40 =	vadd.s32 v11, v51;
	v58 =	vadd.f32 v62, v36  }
0x2ee: {  	v6 =	vshll.u32 v6, v1;
	v56 =	vld [tilespmem:s3+$0xFFFFFCD0];
	[tilespmem:v39+s20+$0x0] =	vst.idx.msk $0xffff, v5  }
0x2ef: {  	v52 =	vshll.u32 v44, v1;
	v44 =	vbroadcast v6, $0x0;
	v57 =	vld [tilespmem:s3+$0xFFFFFD10];
	v6 =	vadd.f32 v45, v36;
	[tilespmem:v32+s20+$0x0] =	vst.idx.msk $0xffff, v58  }
0x2f0: {  	v5 =	vadd.f32 v48, v36;
	v12 =	vld [tilespmem:$0x1FF70]  }
0x2f1: {  	v60 =	vld [tilespmem:s3+$0xFFFFFD50];
	[tilespmem:v3+s20+$0x0] =	vst.idx.msk $0xffff, v6  }
0x2f2: {  	v42 =	vshll.u32 v42, v1;
	v9 =	vld [tilespmem:$0x1FFB0];
	[tilespmem:v40+s20+$0x0] =	vst.idx.msk $0xffff, v5  }
0x2f3: {  	v38 =	vshrl.u32 v38, $0x3;
	v43 =	vshll.u32 v43, v1;
	v59 =	vadd.s32 v10, v49;
	v7 =	vld [tilespmem:$0x1FE20]  }
0x2f4: {  	v61 =	vadd.s32 v8, v47;
	v45 =	vbroadcast v52, $0x0;
	v48 =	vbroadcast v43, $0x0;
	v43 =	vld [tilespmem:s3+$0xFFFFFE10]  }
0x2f5: {  	v55 =	vshll.u32 v46, v1;
	v41 =	vbroadcast v42, $0x0;
	v62 =	vld [tilespmem:s3+$0xFFFFFD90];
	v39 =	vadd.s32 v12, v44  }
0x2f6: {  	v46 =	vbroadcast v54, $0x0;
	v54 =	vadd.s32 v63, v45;
	v58 =	vld [tilespmem:s3+$0xFFFFFFE0];
	v3 =	vadd.f32 v56, v36  }
0x2f7: {  	v38 =	vshll.u32 v38, v1;
	v32 =	vld [tilespmem:s3+$0xFFFFFDD0];
	v5 =	vadd.f32 v57, v36;
	v6 =	vadd.s32 v9, v41  }
0x2f8: {  	[tilespmem:v59+s20+$0x0] =	vst.idx.msk $0xffff, v3;
	v3 =	vadd.f32 v60, v36;
	v59 =	vld [tilespmem:s3+$0xFFFFFE50];
	v52 =	vadd.s32 v7, v53  }
0x2f9: {  	v57 =	vadd.s32 v14, v48;
	v40 =	vbroadcast v2, $0x0;
	[tilespmem:v61+s20+$0x0] =	vst.idx.msk $0xffff, v5;
	v2 =	vadd.f32 v43, v36  }
0x2fa: {  	v42 =	vbroadcast v55, $0x0;
	v60 =	vld [tilespmem:s3+$0xFFFFFE90];
	v5 =	vadd.f32 v62, v36;
	[tilespmem:v39+s20+$0x0] =	vst.idx.msk $0xffff, v3;
	v3 =	vadd.s32 v13, v46  }
0x2fb: {  	v0 =	vshll.u32 v0, v1;
	v55 =	vld [tilespmem:s3+$0xFFFFFED0];
	v58 =	vadd.f32 v58, v35;
	[tilespmem:v54+s20+$0x0] =	vst.idx.msk $0xffff, v2;
	v39 =	vbroadcast v38, $0x0  }
0x2fc: {  	[tilespmem:v6+s20+$0x0] =	vst.idx.msk $0xffff, v5;
	v5 =	vadd.f32 v32, v36;
	v6 =	vadd.s32 v11, v42;
	v32 =	vld [tilespmem:s3+$0xFFFFFF10]  }
0x2fd: {  	v62 =	vld [tilespmem:s3+$0xFFFFFF50];
	v38 =	vbroadcast v0, $0x0;
	v0 =	vadd.f32 v59, v36;
	v61 =	vadd.s32 v10, v39;
	[tilespmem:v52+s20+$0x0] =	vst.idx.msk $0xffff, v58  }
0x2fe: {  	v43 =	vbroadcast v4, $0x0;
	v4 =	vld [tilespmem:s3+$0xFFFFFC60];
	[tilespmem:v57+s20+$0x0] =	vst.idx.msk $0xffff, v5;
	v5 =	vadd.s32 v8, v40  }
0x2ff: {  	v2 =	vadd.f32 v60, v36;
	v54 =	vadd.s32 v12, v38;
	v52 =	vld [tilespmem:s3+$0xFFFFFFF0];
	[tilespmem:v3+s20+$0x0] =	vst.idx.msk $0xffff, v0  }
0x300: {  	v0 =	vadd.f32 v55, v36;
	v8 =	vld [tilespmem:$0x1FE30]  }
0x301: {  	v57 =	vld [tilespmem:s3+$0xFFFFFF90];
	[tilespmem:v6+s20+$0x0] =	vst.idx.msk $0xffff, v2;
	v2 =	vadd.f32 v32, v36  }
0x302: {  	v11 =	vld [tilespmem:$0x1FE80];
	[tilespmem:v61+s20+$0x0] =	vst.idx.msk $0xffff, v0;
	v0 =	vadd.f32 v62, v36  }
0x303: {  	v10 =	vld [tilespmem:$0x1FEC0];
	[tilespmem:v5+s20+$0x0] =	vst.idx.msk $0xffff, v2  }
0x304: {  	v12 =	vld [tilespmem:$0x1FF00];
	[tilespmem:v54+s20+$0x0] =	vst.idx.msk $0xffff, v0  }
0x305: {  	v23 =	vld [tilespmem:$0x1FF40];
	v3 =	vadd.s32 v8, v53  }
0x306: {  	v55 =	vld [tilespmem:s3+$0xFFFFFCA0];
	v6 =	vadd.s32 v9, v43  }
0x307: {  	v32 =	vld [tilespmem:s3+$0xFFFFFCE0];
	v56 =	vadd.s32 v11, v50  }
0x308: {  	v60 =	vld [tilespmem:s3+$0xFFFFFD20];
	v2 =	vadd.f32 v52, v34;
	v59 =	vadd.s32 v10, v51  }
0x309: {  	v0 =	vadd.f32 v57, v36;
	v5 =	vadd.s32 v12, v49  }
0x30a: {  	v4 =	vadd.f32 v4, v35;
	v54 =	vadd.s32 v23, v47;
	[tilespmem:v3+s20+$0x0] =	vst.idx.msk $0xffff, v2  }
0x30b: {  	v2 =	vadd.f32 v55, v35;
	v13 =	vld [tilespmem:$0x1FF80];
	[tilespmem:v6+s20+$0x0] =	vst.idx.msk $0xffff, v0  }
0x30c: {  	v62 =	vld [tilespmem:s3+$0xFFFFFD60];
	[tilespmem:v56+s20+$0x0] =	vst.idx.msk $0xffff, v4;
	v4 =	vadd.f32 v32, v35  }
0x30d: {  	v31 =	vld [tilespmem:$0x1FFC0];
	[tilespmem:v59+s20+$0x0] =	vst.idx.msk $0xffff, v2;
	v2 =	vadd.f32 v60, v35  }
0x30e: {  	v9 =	vld [tilespmem:$0x1FFF0];
	[tilespmem:v5+s20+$0x0] =	vst.idx.msk $0xffff, v4  }
0x30f: {  	v57 =	vld [tilespmem:s3+$0xFFFFFDA0];
	[tilespmem:v54+s20+$0x0] =	vst.idx.msk $0xffff, v2  }
0x310: {  	v5 =	vadd.s32 v7, v48;
	v7 =	vld [tilespmem:$0x1FE50]  }
0x311: {  	v0 =	vld [tilespmem:s3+$0x0];
	v3 =	vadd.s32 v13, v44  }
0x312: {  	v55 =	vld [tilespmem:s3+$0xFFFFFDE0];
	v6 =	vadd.s32 v31, v41  }
0x313: {  	v61 =	vld [tilespmem:s3+$0xFFFFFE20];
	v53 =	vadd.s32 v9, v53  }
0x314: {  	v4 =	vadd.f32 v62, v35;
	v62 =	vld [tilespmem:s3+$0xFFFFFE60]  }
0x315: {  	v60 =	vld [tilespmem:s3+$0xFFFFFEA0];
	v2 =	vadd.f32 v57, v35;
	v32 =	vadd.s32 v7, v45  }
0x316: {  	v0 =	vadd.f32 v0, v33;
	[tilespmem:v3+s20+$0x0] =	vst.idx.msk $0xffff, v4;
	v3 =	vadd.s32 v11, v46  }
0x317: {  	v4 =	vld [tilespmem:s3+$0xFFFFFEE0];
	[tilespmem:v6+s20+$0x0] =	vst.idx.msk $0xffff, v2;
	v2 =	vadd.f32 v55, v35;
	v6 =	vadd.s32 v10, v42  }
0x318: {  	v56 =	vadd.f32 v61, v35;
	v55 =	vld [tilespmem:s3+$0xFFFFFF20];
	[tilespmem:v53+s20+$0x0] =	vst.idx.msk $0xffff, v0  }
0x319: {  	v58 =	vadd.s32 v12, v39;
	v0 =	vadd.f32 v62, v35;
	[tilespmem:v5+s20+$0x0] =	vst.idx.msk $0xffff, v2  }
0x31a: {  	v61 =	vld [tilespmem:s3+$0xFFFFFC20];
	v2 =	vadd.s32 v23, v40;
	[tilespmem:v32+s20+$0x0] =	vst.idx.msk $0xffff, v56;
	v32 =	vadd.f32 v60, v35  }
0x31b: {  	v59 =	vld [tilespmem:s3+$0xFFFFFF60];
	[tilespmem:v3+s20+$0x0] =	vst.idx.msk $0xffff, v0  }
0x31c: {  	v5 =	vld [tilespmem:s3+$0xFFFFFFA0];
	v0 =	vadd.f32 v4, v35;
	[tilespmem:v6+s20+$0x0] =	vst.idx.msk $0xffff, v32  }
0x31d: {  	v60 =	vadd.s32 v13, v38;
	v6 =	vadd.f32 v55, v35;
	v12 =	vld [tilespmem:$0x1FE90]  }
0x31e: {  	v62 =	vld [tilespmem:s3+$0xFFFFFC70];
	v3 =	vadd.s32 v31, v43;
	[tilespmem:v58+s20+$0x0] =	vst.idx.msk $0xffff, v0  }
0x31f: {  	v4 =	vadd.s32 v7, v37;
	v16 =	vld [tilespmem:$0x1FED0];
	[tilespmem:v2+s20+$0x0] =	vst.idx.msk $0xffff, v6  }
0x320: {  	v0 =	vadd.f32 v59, v35;
	v20 =	vld [tilespmem:$0x1FF10]  }
0x321: {  	v57 =	vld [tilespmem:s3+$0xFFFFFCB0];
	v2 =	vadd.f32 v5, v35  }
0x322: {  	v32 =	vld [tilespmem:s3+$0xFFFFFCF0];
	v5 =	vadd.f32 v61, v35;
	[tilespmem:v60+s20+$0x0] =	vst.idx.msk $0xffff, v0;
	v53 =	vadd.s32 v12, v50  }
0x323: {  	v24 =	vld [tilespmem:$0x1FF50];
	[tilespmem:v3+s20+$0x0] =	vst.idx.msk $0xffff, v2  }
0x324: {  	v59 =	vld [tilespmem:s3+$0xFFFFFD30];
	[tilespmem:v4+s20+$0x0] =	vst.idx.msk $0xffff, v5;
	v58 =	vadd.s32 v16, v51  }
0x325: {  	v0 =	vadd.f32 v62, v34;
	v28 =	vld [tilespmem:$0x1FF90];
	v6 =	vadd.s32 v20, v49  }
0x326: {  	v61 =	vld [tilespmem:s3+$0xFFFFFD70]  }
0x327: {  	v60 =	vld [tilespmem:s3+$0xFFFFFDB0];
	v2 =	vadd.f32 v57, v34;
	[tilespmem:v53+s20+$0x0] =	vst.idx.msk $0xffff, v0  }
0x328: {  	v0 =	vadd.f32 v32, v34;
	v32 =	vld [tilespmem:$0x1FFD0]  }
0x329: {  	v4 =	vld [tilespmem:s3+$0xFFFFFDF0];
	v62 =	vadd.s32 v24, v47;
	[tilespmem:v58+s20+$0x0] =	vst.idx.msk $0xffff, v2  }
0x32a: {  	v57 =	vld [tilespmem:s3+$0xFFFFFE70];
	v3 =	vadd.s32 v28, v44;
	[tilespmem:v6+s20+$0x0] =	vst.idx.msk $0xffff, v0  }
0x32b: {  	v55 =	vadd.s32 v8, v48;
	v8 =	vld [tilespmem:$0x1FE60]  }
0x32c: {  	v53 =	vld [tilespmem:s3+$0xFFFFFE30];
	v2 =	vadd.f32 v59, v34  }
0x32d: {  	v58 =	vld [tilespmem:s3+$0xFFFFFC30];
	v0 =	vadd.f32 v61, v34;
	v5 =	vadd.s32 v32, v41  }
0x32e: {  	v52 =	vld [tilespmem:s3+$0xFFFFFC80];
	[tilespmem:v62+s20+$0x0] =	vst.idx.msk $0xffff, v2;
	v2 =	vadd.f32 v60, v34  }
0x32f: {  	v62 =	vadd.s32 v12, v46;
	v60 =	vld [tilespmem:s3+$0xFFFFFEF0];
	[tilespmem:v3+s20+$0x0] =	vst.idx.msk $0xffff, v0;
	v0 =	vadd.f32 v4, v34  }
0x330: {  	v61 =	vld [tilespmem:s3+$0xFFFFFEB0];
	v6 =	vadd.s32 v8, v45  }
0x331: {  	v59 =	vld [tilespmem:s3+$0xFFFFFCC0];
	[tilespmem:v55+s20+$0x0] =	vst.idx.msk $0xffff, v0  }
0x332: {  	v3 =	vld [tilespmem:s3+$0xFFFFFF30];
	v0 =	vadd.f32 v57, v34;
	[tilespmem:v5+s20+$0x0] =	vst.idx.msk $0xffff, v2;
	v5 =	vadd.s32 v16, v42  }
0x333: {  	v4 =	vld [tilespmem:s3+$0xFFFFFF70];
	v2 =	vadd.f32 v53, v34  }
0x334: {  	v55 =	vadd.s32 v20, v39;
	[tilespmem:v62+s20+$0x0] =	vst.idx.msk $0xffff, v0;
	v0 =	vadd.f32 v60, v34;
	v60 =	vld [tilespmem:s3+$0xFFFFFD00]  }
0x335: {  	v53 =	vld [tilespmem:s3+$0xFFFFFFB0];
	[tilespmem:v6+s20+$0x0] =	vst.idx.msk $0xffff, v2;
	v2 =	vadd.f32 v61, v34  }
0x336: {  	v57 =	vadd.s32 v24, v40;
	v13 =	vld [tilespmem:$0x1FEA0]  }
0x337: {  	v6 =	vadd.s32 v28, v38;
	v62 =	vld [tilespmem:s3+$0xFFFFFE40];
	[tilespmem:v5+s20+$0x0] =	vst.idx.msk $0xffff, v2  }
0x338: {  	s11 =	simm.s32 $0x10;
	v54 =	vadd.s32 v32, v43;
	v17 =	vld [tilespmem:$0x1FEE0]  }
0x339: {  	v3 =	vadd.f32 v3, v34;
	v2 =	vmov s11;
	[tilespmem:v55+s20+$0x0] =	vst.idx.msk $0xffff, v0;
	v55 =	vld [tilespmem:s3+$0xFFFFFD80]  }
0x33a: {  	v4 =	vadd.f32 v4, v34;
	v0 =	vshrl.u32 v2, $0x3;
	v2 =	vadd.f32 v58, v34;
	v58 =	vld [tilespmem:s3+$0xFFFFFE00]  }
0x33b: {  	v53 =	vadd.f32 v53, v34;
	v21 =	vld [tilespmem:$0x1FF20];
	[tilespmem:v57+s20+$0x0] =	vst.idx.msk $0xffff, v3  }
0x33c: {  	v25 =	vld [tilespmem:$0x1FF60];
	[tilespmem:v6+s20+$0x0] =	vst.idx.msk $0xffff, v4  }
0x33d: {  	v56 =	vadd.s32 v8, v37;
	v29 =	vld [tilespmem:$0x1FFA0];
	[tilespmem:v54+s20+$0x0] =	vst.idx.msk $0xffff, v53  }
0x33e: {  	s12 =	simm.s32 $0x11;
	v48 =	vadd.s32 v9, v48;
	v52 =	vadd.f32 v52, v33;
	v50 =	vadd.s32 v13, v50;
	v30 =	vld [tilespmem:$0x1FFE0]  }
0x33f: {  	v61 =	vadd.f32 v60, v33;
	v3 =	vmov s12;
	v5 =	vadd.s32 v17, v51;
	v51 =	vld [tilespmem:s3+$0xFFFFFD40]  }
0x340: {  	v0 =	vshll.u32 v0, v1;
	v60 =	vadd.f32 v55, v33;
	v55 =	vld [tilespmem:s3+$0xFFFFFEC0];
	v49 =	vadd.s32 v21, v49  }
0x341: {  	s15 =	simm.s32 $0x12;
	v57 =	vld [tilespmem:s3+$0xFFFFFDC0];
	v6 =	vadd.f32 v59, v33;
	v46 =	vadd.s32 v13, v46;
	v47 =	vadd.s32 v25, v47  }
0x342: {  	s11 =	simm.s32 $0x13;
	v4 =	vmov s15;
	[tilespmem:v56+s20+$0x0] =	vst.idx.msk $0xffff, v2;
	v56 =	vld [tilespmem:s3+$0xFFFFFE80];
	v42 =	vadd.s32 v17, v42;
	v39 =	vadd.s32 v21, v39  }
0x343: {  	s12 =	simm.s32 $0x14;
	v53 =	vmov s11;
	v59 =	vld [tilespmem:s3+$0xFFFFFF80];
	[tilespmem:v50+s20+$0x0] =	vst.idx.msk $0xffff, v52;
	v40 =	vadd.s32 v25, v40;
	v44 =	vadd.s32 v29, v44  }
0x344: {  	v2 =	vmov s12;
	s12 =	simm.s32 $0x17;
	v9 =	vld [tilespmem:$0x1FE70];
	v38 =	vadd.s32 v29, v38;
	v51 =	vadd.f32 v51, v33;
	[tilespmem:v5+s20+$0x0] =	vst.idx.msk $0xffff, v6  }
0x345: {  	s15 =	simm.s32 $0x15;
	v54 =	vmov s12;
	v50 =	vld [tilespmem:s3+$0xFFFFFFC0];
	v41 =	vadd.s32 v30, v41;
	v55 =	vadd.f32 v55, v33;
	[tilespmem:v49+s20+$0x0] =	vst.idx.msk $0xffff, v61  }
0x346: {  	s11 =	simm.s32 $0x16;
	v52 =	vmov s15;
	v43 =	vadd.s32 v30, v43;
	v6 =	vadd.f32 v57, v33;
	[tilespmem:v47+s20+$0x0] =	vst.idx.msk $0xffff, v51  }
0x347: {  	s15 =	simm.s32 $0x18;
	v5 =	vmov s11;
	v57 =	vld [tilespmem:s3+$0xFFFFFF00];
	v49 =	vadd.f32 v58, v33;
	v61 =	vadd.f32 v56, v33;
	[tilespmem:v42+s20+$0x0] =	vst.idx.msk $0xffff, v55  }
0x348: {  	s11 =	simm.s32 $0x19;
	v47 =	vmov s15;
	v51 =	vadd.f32 v62, v33;
	s15 =	simm.s32 $0x1B;
	v62 =	vadd.f32 v59, v33;
	[tilespmem:v44+s20+$0x0] =	vst.idx.msk $0xffff, v60  }
0x349: {  	v58 =	vld [tilespmem:s3+$0xFFFFFF40];
	v45 =	vadd.s32 v9, v45;
	v60 =	vmov s11;
	[tilespmem:v48+s20+$0x0] =	vst.idx.msk $0xffff, v49;
	v56 =	vmov s15  }
0x34a: {  	v37 =	vadd.s32 v9, v37;
	v44 =	vshrl.u32 v3, $0x3;
	v3 =	vadd.f32 v50, v33;
	[tilespmem:v41+s20+$0x0] =	vst.idx.msk $0xffff, v6;
	v41 =	vld [tilespmem:s3+$0xFFFFFC40]  }
0x34b: {  	s12 =	simm.s32 $0x1A;
	s15 =	simm.s32 $0x1E;
	[tilespmem:v46+s20+$0x0] =	vst.idx.msk $0xffff, v61;
	v50 =	vshrl.u32 v4, $0x3;
	v46 =	vshrl.u32 v54, $0x3;
	v47 =	vshrl.u32 v47, $0x3  }
0x34c: {  	s11 =	simm.s32 $0x1C;
	v6 =	vmov s12;
	v61 =	vmov s15;
	[tilespmem:v38+s20+$0x0] =	vst.idx.msk $0xffff, v62;
	v48 =	vadd.f32 v57, v33  }
0x34d: {  	s12 =	simm.s32 $0x1D;
	v38 =	vshrl.u32 v60, $0x3;
	v57 =	vmov s11;
	[tilespmem:v43+s20+$0x0] =	vst.idx.msk $0xffff, v3;
	v42 =	vshrl.u32 v6, $0x3  }
0x34e: {  	v43 =	vshrl.u32 v56, $0x3;
	v49 =	vadd.f32 v58, v33;
	v58 =	vmov s12;
	[tilespmem:v39+s20+$0x0] =	vst.idx.msk $0xffff, v48  }
0x34f: {  	v48 =	vshrl.u32 v52, $0x3;
	v39 =	vshrl.u32 v58, $0x3;
	[tilespmem:v45+s20+$0x0] =	vst.idx.msk $0xffff, v51;
	v4 =	vadd.f32 v41, v33  }
0x350: {  	v45 =	vshrl.u32 v53, $0x3;
	[tilespmem:v40+s20+$0x0] =	vst.idx.msk $0xffff, v49;
	v51 =	vshrl.u32 v2, $0x3;
	v49 =	vshrl.u32 v5, $0x3  }
0x351: {  	s9 =	simm.s32 $0x20;
	s11 =	simm.s32 $0x1F;
	v40 =	vshrl.u32 v61, $0x3;
	v41 =	vshrl.u32 v57, $0x3;
	[tilespmem:v37+s20+$0x0] =	vst.idx.msk $0xffff, v4;
	v37 =	vbroadcast v0, $0x0  }
.LBB2_15:
0x352: {  	v27 =	vld [tilespmem:$0x1FE10]  }
0x353: {  	v22 =	vld [tilespmem:$0x1FE00]  }
0x354: {  	v10 =	vld [tilespmem:$0x1FEB0]  }
0x355: {  	v15 =	vld [tilespmem:$0x1FEF0]  }
0x356: {  	v26 =	vld [tilespmem:$0x1FF30]  }
0x357: {  	v0 =	vshll.u32 v44, v1;
	v3 =	vmov s11;
	v19 =	vld [tilespmem:$0x1FF70]  }
0x358: {  	v2 =	vshll.u32 v50, v1;
	v4 =	vshll.u32 v45, v1;
	v18 =	vld [tilespmem:$0x1FFB0];
	v3 =	vshrl.u32 v3, $0x3  }
0x359: {  	v5 =	vshll.u32 v51, v1;
	v6 =	vshll.u32 v48, v1;
	s3 =	sadd.s32 $0x400, s3;
	v14 =	vld [tilespmem:$0x1FE20];
	v3 =	vshll.u32 v3, v1  }
0x35a: {  	v44 =	vshll.u32 v49, v1;
	v45 =	vshll.u32 v46, v1;
	v61 =	vld [tilespmem:s3+$0xFFFFFFD0];
	v52 =	vbroadcast v3, $0x0  }
0x35b: {  	v46 =	vshll.u32 v47, v1;
	v53 =	vshll.u32 v42, v1;
	v54 =	vshll.u32 v43, v1;
	v3 =	vld [tilespmem:s3+$0xFFFFFC10]  }
0x35c: {  	v43 =	vld [tilespmem:s3+$0xFFFFFC50];
	v50 =	vbroadcast v0, $0x0;
	v0 =	vshll.u32 v41, v1;
	v41 =	vadd.s32 v27, v52  }
0x35d: {  	v55 =	vadd.s32 v63, v37;
	v56 =	vld [tilespmem:s3+$0xFFFFFC90];
	v51 =	vbroadcast v2, $0x0;
	v2 =	vshll.u32 v39, v1  }
0x35e: {  	v58 =	vld [tilespmem:s3+$0xFFFFFCD0];
	v49 =	vbroadcast v4, $0x0;
	v4 =	vshll.u32 v40, v1;
	v57 =	vadd.s32 v22, v50  }
0x35f: {  	v59 =	vld [tilespmem:s3+$0xFFFFFD10];
	v47 =	vbroadcast v5, $0x0;
	v40 =	vadd.s32 v10, v51;
	v5 =	vadd.f32 v61, v36  }
0x360: {  	v42 =	vbroadcast v6, $0x0;
	v60 =	vadd.s32 v15, v49;
	v61 =	vld [tilespmem:s3+$0xFFFFFD50];
	v3 =	vadd.f32 v3, v36  }
0x361: {  	v62 =	vld [tilespmem:s3+$0xFFFFFD90];
	v39 =	vbroadcast v44, $0x0;
	v6 =	vadd.f32 v43, v36;
	v43 =	vadd.s32 v26, v47;
	[tilespmem:v41+s20+$0x0] =	vst.idx.msk $0xffff, v5  }
0x362: {  	[tilespmem:v55+s20+$0x0] =	vst.idx.msk $0xffff, v3;
	v3 =	vadd.f32 v56, v36;
	v5 =	vadd.s32 v19, v42;
	v56 =	vld [tilespmem:s3+$0xFFFFFDD0]  }
0x363: {  	[tilespmem:v57+s20+$0x0] =	vst.idx.msk $0xffff, v6;
	v6 =	vadd.f32 v58, v36;
	v55 =	vadd.s32 v18, v39;
	v57 =	vld [tilespmem:s3+$0xFFFFFE10]  }
0x364: {  	v41 =	vld [tilespmem:s3+$0xFFFFFFE0];
	[tilespmem:v40+s20+$0x0] =	vst.idx.msk $0xffff, v3;
	v3 =	vadd.f32 v59, v36  }
0x365: {  	[tilespmem:v60+s20+$0x0] =	vst.idx.msk $0xffff, v6;
	v6 =	vadd.f32 v61, v36;
	v59 =	vld [tilespmem:s3+$0xFFFFFE50]  }
0x366: {  	v38 =	vshll.u32 v38, v1;
	v44 =	vbroadcast v46, $0x0;
	v61 =	vld [tilespmem:s3+$0xFFFFFE90];
	[tilespmem:v43+s20+$0x0] =	vst.idx.msk $0xffff, v3;
	v3 =	vadd.f32 v62, v36  }
0x367: {  	v48 =	vbroadcast v45, $0x0;
	v45 =	vbroadcast v38, $0x0;
	v46 =	vadd.s32 v14, v52;
	[tilespmem:v5+s20+$0x0] =	vst.idx.msk $0xffff, v6;
	v6 =	vld [tilespmem:s3+$0xFFFFFED0]  }
0x368: {  	v60 =	vadd.s32 v63, v44;
	v40 =	vbroadcast v54, $0x0;
	v43 =	vbroadcast v53, $0x0;
	[tilespmem:v55+s20+$0x0] =	vst.idx.msk $0xffff, v3;
	v55 =	vld [tilespmem:s3+$0xFFFFFF10]  }
0x369: {  	v62 =	vadd.f32 v41, v35;
	v41 =	vbroadcast v0, $0x0;
	v0 =	vadd.f32 v57, v36;
	v57 =	vld [tilespmem:s3+$0xFFFFFF50]  }
0x36a: {  	v58 =	vadd.s32 v27, v48;
	v54 =	vadd.s32 v10, v43;
	v10 =	vld [tilespmem:$0x1FEC0]  }
0x36b: {  	v5 =	vadd.s32 v22, v45;
	v3 =	vadd.f32 v56, v36;
	v56 =	vadd.s32 v15, v40;
	v15 =	vld [tilespmem:$0x1FF00]  }
0x36c: {  	v38 =	vbroadcast v2, $0x0;
	v2 =	vadd.f32 v59, v36;
	v59 =	vld [tilespmem:s3+$0xFFFFFF90]  }
0x36d: {  	[tilespmem:v60+s20+$0x0] =	vst.idx.msk $0xffff, v0;
	v0 =	vadd.f32 v61, v36;
	v61 =	vld [tilespmem:$0x1FE30]  }
0x36e: {  	[tilespmem:v46+s20+$0x0] =	vst.idx.msk $0xffff, v62;
	v46 =	vbroadcast v4, $0x0;
	v4 =	vld [tilespmem:s3+$0xFFFFFC60]  }
0x36f: {  	[tilespmem:v58+s20+$0x0] =	vst.idx.msk $0xffff, v3;
	v3 =	vadd.s32 v26, v41;
	v53 =	vld [tilespmem:s3+$0xFFFFFFF0]  }
0x370: {  	v58 =	vadd.s32 v19, v38;
	v60 =	vld [tilespmem:s3+$0xFFFFFCE0];
	[tilespmem:v5+s20+$0x0] =	vst.idx.msk $0xffff, v2;
	v2 =	vadd.f32 v6, v36  }
0x371: {  	v6 =	vld [tilespmem:s3+$0xFFFFFCA0];
	[tilespmem:v54+s20+$0x0] =	vst.idx.msk $0xffff, v0;
	v0 =	vadd.f32 v55, v36;
	v55 =	vadd.s32 v11, v50  }
0x372: {  	v54 =	vadd.s32 v18, v46;
	v18 =	vld [tilespmem:$0x1FF80];
	v5 =	vadd.s32 v61, v52  }
0x373: {  	v62 =	vld [tilespmem:s3+$0xFFFFFD20];
	[tilespmem:v56+s20+$0x0] =	vst.idx.msk $0xffff, v2;
	v2 =	vadd.f32 v57, v36;
	v56 =	vadd.s32 v10, v51  }
0x374: {  	[tilespmem:v3+s20+$0x0] =	vst.idx.msk $0xffff, v0;
	v4 =	vadd.f32 v4, v35;
	v0 =	vadd.f32 v53, v34;
	v53 =	vld [tilespmem:s3+$0xFFFFFD60]  }
0x375: {  	v3 =	vadd.s32 v15, v49;
	[tilespmem:v58+s20+$0x0] =	vst.idx.msk $0xffff, v2;
	v2 =	vadd.f32 v59, v36;
	v59 =	vld [tilespmem:s3+$0xFFFFFDA0]  }
0x376: {  	v58 =	vadd.s32 v23, v47;
	[tilespmem:v55+s20+$0x0] =	vst.idx.msk $0xffff, v4;
	v4 =	vadd.f32 v60, v35;
	v60 =	vld [tilespmem:$0x1FFF0]  }
0x377: {  	v55 =	vld [tilespmem:s3+$0xFFFFFE20];
	[tilespmem:v5+s20+$0x0] =	vst.idx.msk $0xffff, v0;
	v0 =	vadd.f32 v6, v35;
	v5 =	vadd.s32 v18, v42  }
0x378: {  	[tilespmem:v54+s20+$0x0] =	vst.idx.msk $0xffff, v2;
	v54 =	vld [tilespmem:s3+$0xFFFFFDE0];
	v6 =	vadd.s32 v31, v39  }
0x379: {  	v2 =	vld [tilespmem:s3+$0x0];
	[tilespmem:v56+s20+$0x0] =	vst.idx.msk $0xffff, v0;
	v0 =	vadd.f32 v62, v35;
	v56 =	vadd.s32 v7, v44  }
0x37a: {  	[tilespmem:v3+s20+$0x0] =	vst.idx.msk $0xffff, v4;
	v4 =	vadd.s32 v14, v48;
	v3 =	vadd.f32 v53, v35;
	v53 =	vld [tilespmem:s3+$0xFFFFFE60]  }
0x37b: {  	v52 =	vadd.s32 v60, v52;
	[tilespmem:v58+s20+$0x0] =	vst.idx.msk $0xffff, v0;
	v0 =	vadd.f32 v59, v35  }
0x37c: {  	v62 =	vld [tilespmem:s3+$0xFFFFFEA0];
	v55 =	vadd.f32 v55, v35;
	[tilespmem:v5+s20+$0x0] =	vst.idx.msk $0xffff, v3;
	v3 =	vadd.s32 v11, v45  }
0x37d: {  	v5 =	vld [tilespmem:s3+$0xFFFFFEE0];
	[tilespmem:v6+s20+$0x0] =	vst.idx.msk $0xffff, v0;
	v0 =	vadd.f32 v54, v35  }
0x37e: {  	v2 =	vadd.f32 v2, v33;
	v6 =	vadd.s32 v10, v43;
	v54 =	vld [tilespmem:s3+$0xFFFFFF20];
	[tilespmem:v56+s20+$0x0] =	vst.idx.msk $0xffff, v55  }
0x37f: {  	v58 =	vadd.s32 v15, v40;
	v59 =	vld [tilespmem:s3+$0xFFFFFF60];
	[tilespmem:v4+s20+$0x0] =	vst.idx.msk $0xffff, v0;
	v0 =	vadd.f32 v53, v35  }
0x380: {  	v55 =	vadd.s32 v18, v38;
	[tilespmem:v52+s20+$0x0] =	vst.idx.msk $0xffff, v2;
	v2 =	vadd.s32 v23, v41;
	v4 =	vld [tilespmem:s3+$0xFFFFFFA0]  }
0x381: {  	v56 =	vadd.s32 v8, v37;
	v52 =	vld [tilespmem:s3+$0xFFFFFC20];
	v53 =	vadd.f32 v62, v35;
	[tilespmem:v3+s20+$0x0] =	vst.idx.msk $0xffff, v0  }
0x382: {  	v62 =	vld [tilespmem:s3+$0xFFFFFC70];
	v0 =	vadd.f32 v5, v35;
	v3 =	vadd.s32 v31, v46;
	v5 =	vadd.s32 v7, v37  }
0x383: {  	v37 =	vadd.s32 v9, v37;
	[tilespmem:v6+s20+$0x0] =	vst.idx.msk $0xffff, v53;
	v6 =	vadd.f32 v54, v35  }
0x384: {  	v57 =	vld [tilespmem:s3+$0xFFFFFCB0];
	v53 =	vadd.s32 v12, v50;
	[tilespmem:v58+s20+$0x0] =	vst.idx.msk $0xffff, v0;
	v0 =	vadd.f32 v59, v35  }
0x385: {  	v54 =	vld [tilespmem:s3+$0xFFFFFCF0];
	v58 =	vadd.s32 v16, v51;
	[tilespmem:v2+s20+$0x0] =	vst.idx.msk $0xffff, v6;
	v2 =	vadd.f32 v4, v35  }
0x386: {  	v59 =	vld [tilespmem:s3+$0xFFFFFD30];
	v4 =	vadd.f32 v52, v35;
	v6 =	vadd.s32 v20, v49;
	[tilespmem:v55+s20+$0x0] =	vst.idx.msk $0xffff, v0  }
0x387: {  	v52 =	vld [tilespmem:s3+$0xFFFFFD70];
	v49 =	vadd.s32 v21, v49;
	v0 =	vadd.f32 v62, v34;
	[tilespmem:v3+s20+$0x0] =	vst.idx.msk $0xffff, v2  }
0x388: {  	v55 =	vadd.s32 v24, v47;
	v47 =	vadd.s32 v25, v47;
	[tilespmem:v5+s20+$0x0] =	vst.idx.msk $0xffff, v4  }
0x389: {  	v62 =	vld [tilespmem:s3+$0xFFFFFDB0];
	v2 =	vadd.f32 v57, v34;
	v3 =	vadd.s32 v28, v42;
	v5 =	vadd.s32 v32, v39  }
0x38a: {  	v4 =	vld [tilespmem:s3+$0xFFFFFDF0];
	v42 =	vadd.s32 v29, v42;
	[tilespmem:v53+s20+$0x0] =	vst.idx.msk $0xffff, v0;
	v0 =	vadd.f32 v54, v34  }
0x38b: {  	v53 =	vld [tilespmem:s3+$0xFFFFFE30];
	v54 =	vadd.s32 v61, v48;
	[tilespmem:v58+s20+$0x0] =	vst.idx.msk $0xffff, v2;
	v2 =	vadd.f32 v59, v34  }
0x38c: {  	v57 =	vld [tilespmem:s3+$0xFFFFFE70];
	v48 =	vadd.s32 v60, v48;
	[tilespmem:v6+s20+$0x0] =	vst.idx.msk $0xffff, v0;
	v0 =	vadd.f32 v52, v34  }
0x38d: {  	v58 =	vld [tilespmem:s3+$0xFFFFFC30];
	v6 =	vadd.s32 v8, v44;
	v44 =	vadd.s32 v9, v44;
	[tilespmem:v55+s20+$0x0] =	vst.idx.msk $0xffff, v2  }
0x38e: {  	v61 =	vld [tilespmem:s3+$0xFFFFFEB0];
	v2 =	vadd.f32 v62, v34;
	v55 =	vadd.s32 v12, v45;
	v45 =	vadd.s32 v13, v45  }
0x38f: {  	v62 =	vld [tilespmem:s3+$0xFFFFFEF0];
	[tilespmem:v3+s20+$0x0] =	vst.idx.msk $0xffff, v0;
	v0 =	vadd.f32 v4, v34;
	v3 =	vadd.s32 v16, v43  }
0x390: {  	v4 =	vld [tilespmem:s3+$0xFFFFFF30];
	[tilespmem:v5+s20+$0x0] =	vst.idx.msk $0xffff, v2;
	v2 =	vadd.f32 v53, v34;
	v5 =	vadd.s32 v20, v40  }
0x391: {  	v53 =	vld [tilespmem:s3+$0xFFFFFF70];
	[tilespmem:v54+s20+$0x0] =	vst.idx.msk $0xffff, v0;
	v0 =	vadd.f32 v57, v34;
	v54 =	vadd.s32 v24, v41  }
0x392: {  	v57 =	vld [tilespmem:s3+$0xFFFFFFB0];
	v58 =	vadd.f32 v58, v34;
	v41 =	vadd.s32 v25, v41;
	[tilespmem:v6+s20+$0x0] =	vst.idx.msk $0xffff, v2  }
0x393: {  	v2 =	vadd.f32 v61, v34;
	v6 =	vadd.s32 v28, v38;
	v61 =	vld [tilespmem:s3+$0xFFFFFC80];
	[tilespmem:v55+s20+$0x0] =	vst.idx.msk $0xffff, v0  }
0x394: {  	v0 =	vadd.f32 v62, v34;
	v55 =	vadd.s32 v32, v46;
	v62 =	vld [tilespmem:s3+$0xFFFFFCC0];
	[tilespmem:v56+s20+$0x0] =	vst.idx.msk $0xffff, v58  }
0x395: {  	[tilespmem:v3+s20+$0x0] =	vst.idx.msk $0xffff, v2;
	v2 =	vadd.f32 v4, v34;
	v3 =	vadd.s32 v13, v50;
	v4 =	vld [tilespmem:s3+$0xFFFFFD00]  }
0x396: {  	v50 =	vadd.s32 v17, v51;
	v51 =	vld [tilespmem:s3+$0xFFFFFD40];
	[tilespmem:v5+s20+$0x0] =	vst.idx.msk $0xffff, v0;
	v0 =	vadd.f32 v53, v34  }
0x397: {  	v38 =	vadd.s32 v29, v38;
	v5 =	vmov s9;
	[tilespmem:v54+s20+$0x0] =	vst.idx.msk $0xffff, v2;
	v2 =	vadd.f32 v57, v34;
	v54 =	vld [tilespmem:s3+$0xFFFFFD80]  }
0x398: {  	v46 =	vadd.s32 v30, v46;
	v5 =	vshrl.u32 v5, $0x3;
	[tilespmem:v6+s20+$0x0] =	vst.idx.msk $0xffff, v0;
	v6 =	vadd.f32 v61, v33;
	v61 =	vld [tilespmem:s3+$0xFFFFFDC0]  }
0x399: {  	s15 =	sadd.s32 $0x1, s9;
	v5 =	vshll.u32 v5, v1;
	[tilespmem:v55+s20+$0x0] =	vst.idx.msk $0xffff, v2;
	v62 =	vadd.f32 v62, v33;
	v55 =	vld [tilespmem:s3+$0xFFFFFE00]  }
0x39a: {  	s12 =	sadd.s32 $0x2, s9;
	v0 =	vmov s15;
	s15 =	sadd.s32 $0x3, s9;
	[tilespmem:v3+s20+$0x0] =	vst.idx.msk $0xffff, v6;
	v3 =	vadd.f32 v4, v33;
	v4 =	vadd.s32 v30, v39;
	v6 =	vld [tilespmem:s3+$0xFFFFFE40]  }
0x39b: {  	v2 =	vmov s12;
	v56 =	vmov s15;
	s12 =	sadd.s32 $0x4, s9;
	s15 =	sadd.s32 $0x5, s9;
	v59 =	vadd.f32 v51, v33;
	v51 =	vld [tilespmem:s3+$0xFFFFFE80];
	[tilespmem:v50+s20+$0x0] =	vst.idx.msk $0xffff, v62  }
0x39c: {  	v60 =	vld [tilespmem:s3+$0xFFFFFEC0];
	v39 =	vmov s12;
	v53 =	vmov s15;
	s15 =	sadd.s32 $0x7, s9;
	[tilespmem:v49+s20+$0x0] =	vst.idx.msk $0xffff, v3;
	v3 =	vadd.f32 v54, v33  }
0x39d: {  	v52 =	vmov s15;
	s15 =	sadd.s32 $0x9, s9;
	v50 =	vshrl.u32 v2, $0x3;
	[tilespmem:v47+s20+$0x0] =	vst.idx.msk $0xffff, v59;
	v47 =	vld [tilespmem:s3+$0xFFFFFFC0];
	v61 =	vadd.f32 v61, v33  }
0x39e: {  	s12 =	sadd.s32 $0x6, s9;
	v62 =	vld [tilespmem:s3+$0xFFFFFF00];
	v57 =	vmov s15;
	s15 =	sadd.s32 $0xB, s9;
	[tilespmem:v42+s20+$0x0] =	vst.idx.msk $0xffff, v3;
	v3 =	vadd.f32 v55, v33;
	v42 =	vadd.s32 v17, v43  }
0x39f: {  	v54 =	vmov s12;
	s12 =	sadd.s32 $0x8, s9;
	v59 =	vmov s15;
	v43 =	vld [tilespmem:s3+$0xFFFFFF40];
	[tilespmem:v4+s20+$0x0] =	vst.idx.msk $0xffff, v61;
	v4 =	vadd.f32 v6, v33  }
0x3a0: {  	v55 =	vmov s12;
	s12 =	sadd.s32 $0xA, s9;
	v6 =	vadd.s32 v21, v40;
	v40 =	vld [tilespmem:s3+$0xFFFFFF80];
	[tilespmem:v48+s20+$0x0] =	vst.idx.msk $0xffff, v3;
	v3 =	vadd.f32 v51, v33  }
0x3a1: {  	s15 =	sadd.s32 $0xD, s9;
	v49 =	vshrl.u32 v54, $0x3;
	v58 =	vmov s12;
	v48 =	vld [tilespmem:s3+$0xFFFFFC40];
	[tilespmem:v44+s20+$0x0] =	vst.idx.msk $0xffff, v4;
	v4 =	vadd.f32 v60, v33  }
0x3a2: {  	v61 =	vmov s15;
	v44 =	vshrl.u32 v0, $0x3;
	v0 =	vadd.f32 v47, v33;
	[tilespmem:v45+s20+$0x0] =	vst.idx.msk $0xffff, v3  }
0x3a3: {  	p1 =	slt.u32 s9, $0x70;
	s12 =	sadd.s32 $0xC, s9;
	v51 =	vshrl.u32 v39, $0x3;
	v39 =	vshrl.u32 v61, $0x3;
	v3 =	vadd.f32 v62, v33;
	[tilespmem:v42+s20+$0x0] =	vst.idx.msk $0xffff, v4  }
.Ltmp7:
0x3a4: {  	v60 =	vmov s12;
	s12 =	sadd.s32 $0xE, s9;
	v47 =	vshrl.u32 v55, $0x3;
	v4 =	vadd.f32 v43, v33;
	[tilespmem:v46+s20+$0x0] =	vst.idx.msk $0xffff, v0;
	(pc) =	sbr.rel @p1 .LBB2_15-.Ltmp7, $4  }
0x3a5: {  	v62 =	vmov s12;
	v45 =	vshrl.u32 v56, $0x3;
	[tilespmem:v6+s20+$0x0] =	vst.idx.msk $0xffff, v3;
	v3 =	vadd.f32 v40, v33  }
0x3a6: {  	v46 =	vshrl.u32 v52, $0x3;
	v42 =	vshrl.u32 v58, $0x3;
	[tilespmem:v41+s20+$0x0] =	vst.idx.msk $0xffff, v4;
	v2 =	vadd.f32 v48, v33  }
0x3a7: {  	v43 =	vshrl.u32 v59, $0x3;
	v40 =	vshrl.u32 v62, $0x3;
	v48 =	vshrl.u32 v53, $0x3;
	[tilespmem:v38+s20+$0x0] =	vst.idx.msk $0xffff, v3  }
0x3a8: {  	s11 =	sadd.s32 $0xF, s9;
	s9 =	sadd.s32 $0x10, s9;
	v41 =	vshrl.u32 v60, $0x3;
	v38 =	vshrl.u32 v57, $0x3;
	[tilespmem:v37+s20+$0x0] =	vst.idx.msk $0xffff, v2;
	v37 =	vbroadcast v5, $0x0  }
0x3a9: {  	v3 =	vmov s11;
	v26 =	vld [tilespmem:$0x1FE10]  }
0x3aa: {  	v22 =	vld [tilespmem:$0x1FE00];
	v3 =	vshrl.u32 v3, $0x3  }
0x3ab: {  	s3 =	sadd.s32 $0x400, s3;
	v10 =	vld [tilespmem:$0x1FEB0];
	v3 =	vshll.u32 v3, v1  }
0x3ac: {  	v15 =	vld [tilespmem:s3+$0xFFFFFFD0];
	v3 =	vbroadcast v3, $0x0  }
0x3ad: {  	v0 =	vshll.u32 v44, v1;
	v2 =	vshll.u32 v50, v1;
	v62 =	vshll.u32 v49, v1;
	v18 =	vld [tilespmem:s3+$0xFFFFFC10]  }
0x3ae: {  	v49 =	vshll.u32 v38, v1;
	v19 =	vld [tilespmem:s3+$0xFFFFFC50];
	v38 =	vbroadcast v0, $0x0;
	v52 =	vadd.s32 v26, v3  }
0x3af: {  	v0 =	vshll.u32 v41, v1;
	v53 =	vadd.s32 v63, v37;
	v54 =	vld [tilespmem:s3+$0xFFFFFC90];
	v41 =	vbroadcast v2, $0x0  }
0x3b0: {  	v55 =	vadd.s32 v22, v38  }
0x3b1: {  	v56 =	vld [tilespmem:s3+$0xFFFFFCD0];
	v57 =	vadd.s32 v10, v41;
	v27 =	vadd.f32 v15, v36  }
0x3b2: {  	v58 =	vld [tilespmem:s3+$0xFFFFFD10];
	v60 =	vadd.f32 v18, v36  }
0x3b3: {  	v5 =	vshll.u32 v51, v1;
	v15 =	vld [tilespmem:$0x1FEF0];
	v61 =	vadd.f32 v19, v36;
	[tilespmem:v52+s20+$0x0] =	vst.idx.msk $0xffff, v27  }
0x3b4: {  	v51 =	vshll.u32 v43, v1;
	v43 =	vbroadcast v62, $0x0;
	v62 =	vadd.f32 v54, v36;
	v14 =	vld [tilespmem:$0x1FF30];
	[tilespmem:v53+s20+$0x0] =	vst.idx.msk $0xffff, v60  }
0x3b5: {  	v4 =	vshll.u32 v45, v1;
	v19 =	vld [tilespmem:$0x1FF70];
	[tilespmem:v55+s20+$0x0] =	vst.idx.msk $0xffff, v61  }
0x3b6: {  	v2 =	vshll.u32 v39, v1;
	v39 =	vbroadcast v4, $0x0;
	v18 =	vld [tilespmem:$0x1FFB0];
	[tilespmem:v57+s20+$0x0] =	vst.idx.msk $0xffff, v62  }
0x3b7: {  	v6 =	vshll.u32 v48, v1;
	v4 =	vshll.u32 v40, v1;
	v40 =	vbroadcast v5, $0x0;
	v62 =	vld [tilespmem:$0x1FE20]  }
0x3b8: {  	v50 =	vshll.u32 v42, v1;
	v59 =	vld [tilespmem:s3+$0xFFFFFD50];
	v42 =	vbroadcast v6, $0x0;
	v48 =	vadd.s32 v15, v39  }
0x3b9: {  	v52 =	vld [tilespmem:s3+$0xFFFFFD90];
	v5 =	vadd.s32 v14, v40  }
0x3ba: {  	v45 =	vshll.u32 v46, v1;
	v46 =	vshll.u32 v47, v1;
	v54 =	vld [tilespmem:s3+$0xFFFFFFE0];
	v53 =	vadd.s32 v19, v42  }
0x3bb: {  	v44 =	vbroadcast v45, $0x0;
	v6 =	vadd.f32 v56, v36;
	v56 =	vld [tilespmem:s3+$0xFFFFFDD0];
	v55 =	vadd.s32 v18, v43  }
0x3bc: {  	v45 =	vbroadcast v46, $0x0;
	v27 =	vadd.f32 v58, v36;
	v57 =	vld [tilespmem:s3+$0xFFFFFE10];
	v58 =	vadd.s32 v62, v3  }
0x3bd: {  	v46 =	vbroadcast v49, $0x0;
	v60 =	vld [tilespmem:s3+$0xFFFFFE50];
	[tilespmem:v48+s20+$0x0] =	vst.idx.msk $0xffff, v6;
	v48 =	vadd.f32 v59, v36;
	v59 =	vadd.s32 v26, v44  }
0x3be: {  	v47 =	vbroadcast v50, $0x0;
	v61 =	vld [tilespmem:s3+$0xFFFFFE90];
	[tilespmem:v5+s20+$0x0] =	vst.idx.msk $0xffff, v27;
	v27 =	vadd.f32 v52, v36;
	v52 =	vadd.s32 v63, v45  }
0x3bf: {  	v6 =	vadd.s32 v22, v46;
	v26 =	vadd.f32 v54, v35;
	[tilespmem:v53+s20+$0x0] =	vst.idx.msk $0xffff, v48;
	v53 =	vld [tilespmem:s3+$0xFFFFFED0];
	v48 =	vbroadcast v51, $0x0  }
0x3c0: {  	v49 =	vbroadcast v0, $0x0;
	v54 =	vadd.s32 v10, v47;
	v22 =	vld [tilespmem:s3+$0xFFFFFF10];
	[tilespmem:v55+s20+$0x0] =	vst.idx.msk $0xffff, v27;
	v27 =	vadd.f32 v56, v36  }
0x3c1: {  	v0 =	vadd.f32 v57, v36;
	[tilespmem:v58+s20+$0x0] =	vst.idx.msk $0xffff, v26;
	v26 =	vadd.s32 v15, v48  }
0x3c2: {  	v50 =	vbroadcast v2, $0x0;
	v2 =	vadd.f32 v60, v36;
	[tilespmem:v59+s20+$0x0] =	vst.idx.msk $0xffff, v27;
	v27 =	vadd.s32 v14, v49  }
0x3c3: {  	[tilespmem:v52+s20+$0x0] =	vst.idx.msk $0xffff, v0;
	v0 =	vadd.f32 v61, v36  }
0x3c4: {  	[tilespmem:v6+s20+$0x0] =	vst.idx.msk $0xffff, v2;
	v10 =	vadd.f32 v53, v36  }
0x3c5: {  	v52 =	vadd.s32 v19, v50;
	v19 =	vadd.f32 v22, v36;
	v14 =	vld [tilespmem:$0x1FE30];
	[tilespmem:v54+s20+$0x0] =	vst.idx.msk $0xffff, v0  }
0x3c6: {  	v57 =	vld [tilespmem:s3+$0xFFFFFF50];
	[tilespmem:v26+s20+$0x0] =	vst.idx.msk $0xffff, v10  }
0x3c7: {  	v60 =	vld [tilespmem:s3+$0xFFFFFF90];
	[tilespmem:v27+s20+$0x0] =	vst.idx.msk $0xffff, v19  }
0x3c8: {  	v51 =	vbroadcast v4, $0x0;
	v15 =	vld [tilespmem:$0x1FEC0]  }
0x3c9: {  	v58 =	vld [tilespmem:s3+$0xFFFFFFF0]  }
0x3ca: {  	v2 =	vld [tilespmem:s3+$0xFFFFFC60];
	v54 =	vadd.s32 v18, v51  }
0x3cb: {  	v61 =	vadd.f32 v57, v36;
	v0 =	vld [tilespmem:s3+$0xFFFFFCA0];
	v6 =	vadd.s32 v14, v3  }
0x3cc: {  	v22 =	vadd.s32 v11, v38  }
0x3cd: {  	v60 =	vadd.f32 v60, v36;
	v10 =	vld [tilespmem:s3+$0xFFFFFD20];
	[tilespmem:v52+s20+$0x0] =	vst.idx.msk $0xffff, v61;
	v5 =	vadd.s32 v15, v41  }
0x3ce: {  	v27 =	vadd.f32 v58, v34;
	v18 =	vld [tilespmem:$0x1FF00]  }
0x3cf: {  	v2 =	vadd.f32 v2, v35;
	[tilespmem:v54+s20+$0x0] =	vst.idx.msk $0xffff, v60  }
0x3d0: {  	v26 =	vld [tilespmem:s3+$0xFFFFFCE0];
	v0 =	vadd.f32 v0, v35;
	[tilespmem:v6+s20+$0x0] =	vst.idx.msk $0xffff, v27  }
0x3d1: {  	v19 =	vld [tilespmem:$0x1FF80];
	[tilespmem:v22+s20+$0x0] =	vst.idx.msk $0xffff, v2  }
0x3d2: {  	v27 =	vld [tilespmem:s3+$0xFFFFFE20];
	[tilespmem:v5+s20+$0x0] =	vst.idx.msk $0xffff, v0  }
0x3d3: {  	v52 =	vadd.s32 v18, v39;
	v0 =	vadd.f32 v10, v35;
	v10 =	vld [tilespmem:$0x1FFF0]  }
0x3d4: {  	v61 =	vld [tilespmem:s3+$0xFFFFFD60];
	v6 =	vadd.s32 v23, v40  }
0x3d5: {  	v57 =	vld [tilespmem:s3+$0xFFFFFDA0];
	v60 =	vadd.s32 v62, v44;
	v62 =	vadd.s32 v7, v45  }
0x3d6: {  	v54 =	vld [tilespmem:s3+$0x0];
	v2 =	vadd.f32 v26, v35;
	v36 =	vadd.s32 v19, v42  }
0x3d7: {  	v22 =	vadd.s32 v31, v43;
	v26 =	vld [tilespmem:s3+$0xFFFFFDE0]  }
0x3d8: {  	[tilespmem:v52+s20+$0x0] =	vst.idx.msk $0xffff, v2;
	v5 =	vadd.f32 v27, v35;
	v3 =	vadd.s32 v10, v3  }
0x3d9: {  	v2 =	vadd.f32 v61, v35;
	v61 =	vld [tilespmem:s3+$0xFFFFFE60];
	[tilespmem:v6+s20+$0x0] =	vst.idx.msk $0xffff, v0  }
0x3da: {  	v56 =	vld [tilespmem:s3+$0xFFFFFEA0];
	v0 =	vadd.f32 v57, v35;
	[tilespmem:v62+s20+$0x0] =	vst.idx.msk $0xffff, v5  }
0x3db: {  	v54 =	vadd.f32 v54, v33;
	[tilespmem:v36+s20+$0x0] =	vst.idx.msk $0xffff, v2;
	v2 =	vadd.s32 v11, v46;
	v36 =	vld [tilespmem:s3+$0xFFFFFEE0]  }
0x3dc: {  	v62 =	vld [tilespmem:s3+$0xFFFFFC20];
	[tilespmem:v22+s20+$0x0] =	vst.idx.msk $0xffff, v0;
	v0 =	vadd.f32 v26, v35;
	v22 =	vadd.s32 v15, v47  }
0x3dd: {  	v26 =	vld [tilespmem:s3+$0xFFFFFF20];
	v15 =	vadd.s32 v19, v50;
	[tilespmem:v3+s20+$0x0] =	vst.idx.msk $0xffff, v54;
	v3 =	vadd.s32 v18, v48  }
0x3de: {  	v27 =	vld [tilespmem:s3+$0xFFFFFF60];
	v19 =	vadd.s32 v7, v37;
	[tilespmem:v60+s20+$0x0] =	vst.idx.msk $0xffff, v0;
	v0 =	vadd.f32 v61, v35  }
0x3df: {  	v60 =	vadd.s32 v23, v49;
	v61 =	vld [tilespmem:s3+$0xFFFFFFA0];
	v11 =	vadd.f32 v56, v35  }
0x3e0: {  	[tilespmem:v2+s20+$0x0] =	vst.idx.msk $0xffff, v0;
	v0 =	vld [tilespmem:s3+$0xFFFFFC70];
	v2 =	vadd.f32 v36, v35  }
0x3e1: {  	v5 =	vadd.f32 v62, v35;
	[tilespmem:v22+s20+$0x0] =	vst.idx.msk $0xffff, v11;
	v22 =	vld [tilespmem:s3+$0xFFFFFCB0];
	v18 =	vadd.s32 v31, v51  }
0x3e2: {  	v55 =	vadd.f32 v26, v35;
	[tilespmem:v3+s20+$0x0] =	vst.idx.msk $0xffff, v2;
	v2 =	vadd.s32 v12, v38;
	v3 =	vld [tilespmem:s3+$0xFFFFFCF0]  }
0x3e3: {  	v23 =	vadd.s32 v16, v41;
	v26 =	vld [tilespmem:s3+$0xFFFFFD30];
	[tilespmem:v19+s20+$0x0] =	vst.idx.msk $0xffff, v5;
	v54 =	vadd.f32 v27, v35  }
0x3e4: {  	[tilespmem:v60+s20+$0x0] =	vst.idx.msk $0xffff, v55;
	v53 =	vadd.f32 v61, v35;
	v27 =	vadd.s32 v20, v39;
	v31 =	vld [tilespmem:s3+$0xFFFFFD70]  }
0x3e5: {  	v57 =	vadd.s32 v24, v40;
	v58 =	vld [tilespmem:s3+$0xFFFFFDB0];
	[tilespmem:v15+s20+$0x0] =	vst.idx.msk $0xffff, v54;
	v0 =	vadd.f32 v0, v34  }
0x3e6: {  	v60 =	vadd.s32 v28, v42;
	v61 =	vld [tilespmem:s3+$0xFFFFFDF0];
	v59 =	vadd.f32 v22, v34;
	[tilespmem:v18+s20+$0x0] =	vst.idx.msk $0xffff, v53  }
0x3e7: {  	[tilespmem:v2+s20+$0x0] =	vst.idx.msk $0xffff, v0;
	v0 =	vadd.f32 v3, v34;
	v2 =	vadd.s32 v32, v43;
	v3 =	vld [tilespmem:s3+$0xFFFFFE30]  }
0x3e8: {  	v11 =	vadd.s32 v14, v44;
	v14 =	vld [tilespmem:s3+$0xFFFFFE70];
	v62 =	vadd.f32 v26, v34;
	[tilespmem:v23+s20+$0x0] =	vst.idx.msk $0xffff, v59  }
0x3e9: {  	v15 =	vadd.s32 v8, v45;
	v18 =	vld [tilespmem:s3+$0xFFFFFEB0];
	[tilespmem:v27+s20+$0x0] =	vst.idx.msk $0xffff, v0;
	v0 =	vadd.f32 v31, v34  }
0x3ea: {  	v19 =	vadd.f32 v58, v34;
	v22 =	vadd.s32 v12, v46;
	[tilespmem:v57+s20+$0x0] =	vst.idx.msk $0xffff, v62;
	v23 =	vld [tilespmem:s3+$0xFFFFFEF0]  }
0x3eb: {  	v26 =	vadd.s32 v16, v47;
	v58 =	vld [tilespmem:s3+$0xFFFFFFB0];
	[tilespmem:v60+s20+$0x0] =	vst.idx.msk $0xffff, v0;
	v0 =	vadd.f32 v61, v34  }
0x3ec: {  	v27 =	vld [tilespmem:s3+$0xFFFFFF30];
	[tilespmem:v2+s20+$0x0] =	vst.idx.msk $0xffff, v19;
	v2 =	vadd.f32 v3, v34;
	v3 =	vadd.s32 v20, v48  }
0x3ed: {  	v62 =	vadd.s32 v32, v51;
	v31 =	vld [tilespmem:s3+$0xFFFFFF70];
	[tilespmem:v11+s20+$0x0] =	vst.idx.msk $0xffff, v0;
	v0 =	vadd.f32 v14, v34  }
0x3ee: {  	v57 =	vadd.s32 v24, v49;
	v59 =	vadd.f32 v18, v34;
	[tilespmem:v15+s20+$0x0] =	vst.idx.msk $0xffff, v2;
	v2 =	vld [tilespmem:s3+$0xFFFFFC30]  }
0x3ef: {  	v60 =	vadd.s32 v28, v50;
	v61 =	vadd.f32 v23, v34;
	[tilespmem:v22+s20+$0x0] =	vst.idx.msk $0xffff, v0;
	v0 =	vld [tilespmem:s3+$0xFFFFFC80]  }
0x3f0: {  	v12 =	vld [tilespmem:s3+$0xFFFFFCC0];
	v18 =	vadd.f32 v58, v34;
	[tilespmem:v26+s20+$0x0] =	vst.idx.msk $0xffff, v59;
	v11 =	vadd.s32 v8, v37  }
0x3f1: {  	v14 =	vld [tilespmem:s3+$0xFFFFFD00];
	v6 =	vadd.f32 v27, v34;
	[tilespmem:v3+s20+$0x0] =	vst.idx.msk $0xffff, v61;
	v3 =	vadd.s32 v13, v38  }
0x3f2: {  	v16 =	vld [tilespmem:s3+$0xFFFFFD40];
	[tilespmem:v62+s20+$0x0] =	vst.idx.msk $0xffff, v18;
	v4 =	vadd.f32 v31, v34;
	v15 =	vadd.s32 v17, v41  }
0x3f3: {  	v19 =	vadd.s32 v21, v39;
	v20 =	vld [tilespmem:s3+$0xFFFFFD80];
	[tilespmem:v57+s20+$0x0] =	vst.idx.msk $0xffff, v6;
	v2 =	vadd.f32 v2, v34  }
0x3f4: {  	v23 =	vld [tilespmem:s3+$0xFFFFFDC0];
	v22 =	vadd.s32 v25, v40;
	[tilespmem:v60+s20+$0x0] =	vst.idx.msk $0xffff, v4;
	v0 =	vadd.f32 v0, v33  }
0x3f5: {  	v24 =	vadd.s32 v29, v42;
	v26 =	vld [tilespmem:s3+$0xFFFFFE00];
	[tilespmem:v11+s20+$0x0] =	vst.idx.msk $0xffff, v2;
	v2 =	vadd.f32 v12, v33  }
0x3f6: {  	v27 =	vld [tilespmem:s3+$0xFFFFFE40];
	[tilespmem:v3+s20+$0x0] =	vst.idx.msk $0xffff, v0;
	v0 =	vadd.f32 v14, v33;
	v3 =	vadd.s32 v30, v43  }
0x3f7: {  	v28 =	vadd.s32 v10, v44;
	v31 =	vld [tilespmem:s3+$0xFFFFFE80];
	[tilespmem:v15+s20+$0x0] =	vst.idx.msk $0xffff, v2;
	v2 =	vadd.f32 v16, v33  }
0x3f8: {  	v44 =	vadd.s32 v9, v45;
	v45 =	vld [tilespmem:s3+$0xFFFFFEC0];
	[tilespmem:v19+s20+$0x0] =	vst.idx.msk $0xffff, v0;
	v0 =	vadd.f32 v20, v33  }
0x3f9: {  	v46 =	vadd.s32 v13, v46;
	v52 =	vld [tilespmem:s3+$0xFFFFFF00];
	[tilespmem:v22+s20+$0x0] =	vst.idx.msk $0xffff, v2;
	v2 =	vadd.f32 v23, v33  }
0x3fa: {  	v53 =	vadd.s32 v17, v47;
	v54 =	vld [tilespmem:s3+$0xFFFFFF40];
	[tilespmem:v24+s20+$0x0] =	vst.idx.msk $0xffff, v0;
	v0 =	vadd.f32 v26, v33  }
0x3fb: {  	v55 =	vld [tilespmem:s3+$0xFFFFFF80];
	[tilespmem:v3+s20+$0x0] =	vst.idx.msk $0xffff, v2;
	v2 =	vadd.f32 v27, v33;
	v3 =	vadd.s32 v21, v48  }
0x3fc: {  	v56 =	vadd.s32 v25, v49;
	v57 =	vld [tilespmem:s3+$0xFFFFFFC0];
	[tilespmem:v28+s20+$0x0] =	vst.idx.msk $0xffff, v0;
	v0 =	vadd.f32 v31, v33  }
0x3fd: {  	v59 =	vadd.s32 v29, v50;
	v58 =	vadd.f32 v45, v33;
	[tilespmem:v44+s20+$0x0] =	vst.idx.msk $0xffff, v2;
	v2 =	vld [tilespmem:s3+$0xFFFFFC40]  }
0x3fe: {  	v60 =	vadd.s32 v30, v51;
	[tilespmem:v46+s20+$0x0] =	vst.idx.msk $0xffff, v0;
	v0 =	vadd.f32 v52, v33  }
0x3ff: {  	v61 =	vadd.s32 v9, v37;
	[tilespmem:v53+s20+$0x0] =	vst.idx.msk $0xffff, v58;
	v62 =	vadd.f32 v54, v33  }
0x400: {  	[tilespmem:v3+s20+$0x0] =	vst.idx.msk $0xffff, v0;
	v0 =	vadd.f32 v55, v33  }
0x401: {  	s9 =	sshll.u32 s31, $0x12;
	[tilespmem:v56+s20+$0x0] =	vst.idx.msk $0xffff, v62;
	v3 =	vadd.f32 v57, v33  }
0x402: {  	s3 =	sor.u32 s5, s9;
	[tilespmem:v59+s20+$0x0] =	vst.idx.msk $0xffff, v0;
	v0 =	vadd.f32 v2, v33  }
0x403: {  	s3 =	sshrl.u32 s3, $0x3;
	[tilespmem:v60+s20+$0x0] =	vst.idx.msk $0xffff, v3  }
0x404: {  	s11 =	simm.s32 $0xE400;
	s9 =	sadd.s32 s1, s3;
	[tilespmem:v61+s20+$0x0] =	vst.idx.msk $0xffff, v0  }
0x405: {  	[hbm4b:s9+s2] =	stream.linear.scatter [tilespmem:s11], [sflag:$0x5], $0x80, $0x38;
	[tilespmem:$0x15A00] =	vst v63  }
0x406: {  	s12 =	simm.s32 $0xE488;
	s15 =	sadd.s32 $0x10, s9  }
0x407: {  	[hbm4b:s15+s2] =	stream.linear.scatter [tilespmem:s12], [sflag:$0x5], $0x80, $0x38;
	[tilespmem:$0x15A00] =	vst v63  }
0x408: {  	s12 =	simm.s32 $0xE510;
	s15 =	sadd.s32 $0x20, s9  }
0x409: {  	[hbm4b:s15+s2] =	stream.linear.scatter [tilespmem:s12], [sflag:$0x5], $0x80, $0x38;
	[tilespmem:$0x15A00] =	vst v63  }
0x40a: {  	s12 =	simm.s32 $0xE598;
	s15 =	sadd.s32 $0x30, s9  }
0x40b: {  	[hbm4b:s15+s2] =	stream.linear.scatter [tilespmem:s12], [sflag:$0x5], $0x80, $0x38;
	[tilespmem:$0x15A00] =	vst v63  }
0x40c: {  	s12 =	simm.s32 $0xE620;
	s15 =	sadd.s32 $0x40, s9  }
0x40d: {  	[hbm4b:s15+s2] =	stream.linear.scatter [tilespmem:s12], [sflag:$0x5], $0x80, $0x38;
	[tilespmem:$0x15A00] =	vst v63  }
0x40e: {  	s31 =	simm.s32 $0x2200;
	s12 =	simm.s32 $0xE6A8;
	s15 =	sadd.s32 $0x50, s9  }
0x40f: {  	[hbm4b:s15+s2] =	stream.linear.scatter [tilespmem:s12], [sflag:$0x5], $0x80, $0x38;
	[tilespmem:$0x15A00] =	vst v63  }
0x410: {  	s3 =	simm.s32 $0x440;
	s12 =	simm.s32 $0xE730;
	s15 =	sadd.s32 $0x60, s9  }
0x411: {  	[hbm4b:s15+s2] =	stream.linear.scatter [tilespmem:s12], [sflag:$0x5], $0x80, $0x38;
	[tilespmem:$0x15A00] =	vst v63  }
0x412: {  	s11 =	simm.s32 $0xE7B8;
	s12 =	sadd.s32 $0x70, s9;
	s9 =	sadd.s32 $0x1000, s9  }
.LBB2_17:
0x413: {  	[hbm4b:s12+s2] =	stream.linear.scatter [tilespmem:s11], [sflag:$0x5], $0x80, $0x38;
	[tilespmem:$0x15A00] =	vst v63  }
0x414: {  	s11 =	smov.u32 s3;
	s3 =	smov.u32 s31  }
0x415: {  	s15 =	sadd.s32 $0x1100, s31;
	s3 =	sshra.s32 s3, $0x2;
	s12 =	sadd.s32 $0xE400, s11  }
0x416: {  	[hbm4b:s9+s2] =	stream.linear.scatter [tilespmem:s12], [sflag:$0x5], $0x80, $0x38;
	[tilespmem:$0x15A00] =	vst v63  }
0x417: {  	p1 =	sne.s32 s31, $0x7700;
	s31 =	sadd.s32 $0x10, s9;
	s12 =	sadd.s32 $0xE488, s11  }
0x418: {  	[hbm4b:s31+s2] =	stream.linear.scatter [tilespmem:s12], [sflag:$0x5], $0x80, $0x38;
	[tilespmem:$0x15A00] =	vst v63  }
0x419: {  	s12 =	sadd.s32 $0xE510, s11;
	s31 =	sadd.s32 $0x20, s9  }
0x41a: {  	[hbm4b:s31+s2] =	stream.linear.scatter [tilespmem:s12], [sflag:$0x5], $0x80, $0x38;
	[tilespmem:$0x15A00] =	vst v63  }
0x41b: {  	s12 =	sadd.s32 $0xE598, s11;
	s31 =	sadd.s32 $0x30, s9  }
0x41c: {  	[hbm4b:s31+s2] =	stream.linear.scatter [tilespmem:s12], [sflag:$0x5], $0x80, $0x38;
	[tilespmem:$0x15A00] =	vst v63  }
0x41d: {  	s12 =	sadd.s32 $0xE620, s11;
	s31 =	sadd.s32 $0x40, s9  }
0x41e: {  	[hbm4b:s31+s2] =	stream.linear.scatter [tilespmem:s12], [sflag:$0x5], $0x80, $0x38;
	[tilespmem:$0x15A00] =	vst v63  }
.Ltmp8:
0x41f: {  	s12 =	sadd.s32 $0xE6A8, s11;
	s31 =	sadd.s32 $0x50, s9;
	(pc) =	sbr.rel @p1 .LBB2_17-.Ltmp8, $4  }
0x420: {  	[hbm4b:s31+s2] =	stream.linear.scatter [tilespmem:s12], [sflag:$0x5], $0x80, $0x38;
	[tilespmem:$0x15A00] =	vst v63  }
0x421: {  	s12 =	sadd.s32 $0xE730, s11;
	s31 =	sadd.s32 $0x60, s9;
	s11 =	sadd.s32 $0xE7B8, s11  }
0x422: {  	[hbm4b:s31+s2] =	stream.linear.scatter [tilespmem:s12], [sflag:$0x5], $0x80, $0x38;
	[tilespmem:$0x15A00] =	vst v63  }
0x423: {  	s12 =	sadd.s32 $0x70, s9;
	s9 =	sadd.s32 $0x1000, s9;
	s31 =	smov.u32 s15  }
0x424: {  	[hbm4b:s12+s2] =	stream.linear.scatter [tilespmem:s11], [sflag:$0x5], $0x80, $0x38;
	[tilespmem:$0x15A00] =	vst v63  }
0x425: {  	s12 =	sadd.s32 $0xE400, s3  }
0x426: {  	[hbm4b:s9+s2] =	stream.linear.scatter [tilespmem:s12], [sflag:$0x5], $0x80, $0x38;
	[tilespmem:$0x15A00] =	vst v63  }
0x427: {  	s15 =	sadd.s32 $0xE488, s3;
	s31 =	sadd.s32 $0x10, s9  }
0x428: {  	[hbm4b:s31+s2] =	stream.linear.scatter [tilespmem:s15], [sflag:$0x5], $0x80, $0x38;
	[tilespmem:$0x15A00] =	vst v63  }
0x429: {  	s15 =	sadd.s32 $0xE510, s3;
	s31 =	sadd.s32 $0x20, s9  }
0x42a: {  	[hbm4b:s31+s2] =	stream.linear.scatter [tilespmem:s15], [sflag:$0x5], $0x80, $0x38;
	[tilespmem:$0x15A00] =	vst v63  }
0x42b: {  	s15 =	sadd.s32 $0xE598, s3;
	s31 =	sadd.s32 $0x30, s9  }
0x42c: {  	[hbm4b:s31+s2] =	stream.linear.scatter [tilespmem:s15], [sflag:$0x5], $0x80, $0x38;
	[tilespmem:$0x15A00] =	vst v63  }
0x42d: {  	s15 =	sadd.s32 $0xE620, s3;
	s31 =	sadd.s32 $0x40, s9  }
0x42e: {  	[hbm4b:s31+s2] =	stream.linear.scatter [tilespmem:s15], [sflag:$0x5], $0x80, $0x38;
	[tilespmem:$0x15A00] =	vst v63  }
0x42f: {  	s0 =	sadd.s32 @!p0 $0x300, s0;
	s15 =	sadd.s32 $0xE6A8, s3;
	s31 =	sadd.s32 $0x50, s9  }
0x430: {  	[hbm4b:s31+s2] =	stream.linear.scatter [tilespmem:s15], [sflag:$0x5], $0x80, $0x38;
	[tilespmem:$0x15A00] =	vst v63  }
0x431: {  	s11 =	simm.s32 $0x3;
	s15 =	sadd.s32 $0xE730, s3;
	s31 =	sadd.s32 $0x60, s9  }
0x432: {  	[hbm4b:s31+s2] =	stream.linear.scatter [tilespmem:s15], [sflag:$0x5], $0x80, $0x38;
	[tilespmem:$0x15A00] =	vst v63  }
0x433: {  	s0 =	sand.u32 @!p0 $0xFF00, s0;
	s12 =	sadd.s32 $0xE7B8, s3;
	s15 =	sadd.s32 $0x70, s9  }
0x434: {  	[hbm4b:s15+s2] =	stream.linear.scatter [tilespmem:s12], [sflag:$0x5], $0x80, $0x38;
	[tilespmem:$0x15A00] =	vst v63  }
0x435: {  	v4 =	vmov s11;
	s11 =	simm.s32 $0x9;
	s3 =	simm.s32 @!p0 $0x80;
	s9 =	simm.s32 @!p0 $0xA400  }
0x436: {  	[tilespmem:s9], [sflag:$0x3] =	stream.indirect.gather @!p0 [hbm4b:s4+s3], $0x40, s0, s3, $0xb8;
	[tilespmem:$0x15A00] =	vst v63  }
0x437: {  	v36 =	vmov s11;
	s11 =	simm.s32 $0xD;
	s31 =	simm.s32 $0x0;
	_ =	swait.ge [sflag:s26], $0x2000  }
0x438: {  	v4 =	vshrl.u32 v4, $0x3;
	v0 =	vmov s31;
	s31 =	simm.s32 $0x6;
	s12 =	simm.s32 $0x4;
	[sflag:s26] =	ssyncset.done $0x0  }
0x439: {  	v40 =	vmov s11;
	v45 =	vshrl.u32 v36, $0x3;
	s15 =	simm.s32 $0x5;
	v33 =	vmov s31;
	s31 =	simm.s32 $0xC;
	[sflag:s26] =	ssyncadd.s32 $0xFFFFE000  }
0x43a: {  	v4 =	vshll.u32 v4, v1;
	v5 =	vmov s12;
	v6 =	vmov s15;
	s12 =	simm.s32 $0xA;
	s15 =	simm.s32 $0xB;
	_ =	swait.ge [sflag:s22], $0x2000  }
0x43b: {  	v54 =	vshll.u32 v45, v1;
	v0 =	vshrl.u32 v0, $0x3;
	v39 =	vmov s31;
	s31 =	simm.s32 $0xF;
	s3 =	simm.s32 $0x1;
	s9 =	simm.s32 $0x2;
	v14 =	vld [tilespmem:$0x1FE10]  }
0x43c: {  	v0 =	vshll.u32 v0, v1;
	v37 =	vmov s12;
	v38 =	vmov s15;
	s12 =	simm.s32 $0xE;
	s15 =	sshll.u32 s30, $0x6;
	[sflag:s22] =	ssyncset.done $0x0;
	v13 =	vld [tilespmem:$0x1FE00]  }
0x43d: {  	v42 =	vshrl.u32 v33, $0x3;
	v59 =	vmov s31;
	v3 =	vmov s9;
	s9 =	simm.s32 $0x8;
	s0 =	sand.u32 $0x3FFFFFC0, s15;
	v11 =	vld [tilespmem:$0x1FEB0];
	[sflag:s22] =	ssyncadd.s32 $0xFFFFE000  }
0x43e: {  	v2 =	vmov s3;
	s3 =	simm.s32 $0x7;
	v41 =	vmov s12;
	v35 =	vmov s9;
	v36 =	vld [tilespmem:s0+$0x12800]  }
0x43f: {  	v46 =	vshrl.u32 v37, $0x3;
	v34 =	vmov s3;
	v44 =	vshrl.u32 v35, $0x3;
	v35 =	vld [tilespmem:s0+$0x12810]  }
0x440: {  	v37 =	vbroadcast v0, $0x0;
	v60 =	vshrl.u32 v59, $0x3;
	v43 =	vshrl.u32 v34, $0x3;
	v34 =	vld [tilespmem:s0+$0x12820]  }
0x441: {  	v0 =	vshrl.u32 v40, $0x3;
	v40 =	vshrl.u32 v41, $0x3;
	v41 =	vshll.u32 v60, v1;
	v33 =	vld [tilespmem:s0+$0x12830];
	s0 =	simm.s32 $0xC7F0  }
0x442: {  	v49 =	vbroadcast v4, $0x0;
	v2 =	vshrl.u32 v2, $0x3;
	v53 =	vbroadcast v41, $0x0;
	v61 =	vld [tilespmem:s0+$0xFFFFFFD0]  }
0x443: {  	v39 =	vshrl.u32 v39, $0x3;
	v3 =	vshrl.u32 v3, $0x3;
	v2 =	vshll.u32 v2, v1;
	v62 =	vld [tilespmem:s0+$0xFFFFFC10]  }
0x444: {  	v50 =	vbroadcast v2, $0x0;
	v2 =	vshll.u32 v39, v1;
	v39 =	vadd.s32 v14, v53  }
0x445: {  	v5 =	vshrl.u32 v5, $0x3;
	v3 =	vshll.u32 v3, v1;
	v32 =	vadd.s32 v63, v37;
	v45 =	vld [tilespmem:s0+$0xFFFFFC50]  }
0x446: {  	v6 =	vshrl.u32 v6, $0x3;
	v5 =	vshll.u32 v5, v1;
	v51 =	vbroadcast v3, $0x0;
	v48 =	vld [tilespmem:s0+$0xFFFFFC90]  }
0x447: {  	v47 =	vbroadcast v5, $0x0;
	v10 =	vld [tilespmem:$0x1FEF0];
	v3 =	vadd.s32 v13, v50;
	v5 =	vadd.f32 v61, v36  }
0x448: {  	v4 =	vshll.u32 v40, v1;
	v8 =	vld [tilespmem:$0x1FF30];
	v40 =	vadd.s32 v11, v51;
	v58 =	vadd.f32 v62, v36  }
0x449: {  	v6 =	vshll.u32 v6, v1;
	v56 =	vld [tilespmem:s0+$0xFFFFFCD0];
	[tilespmem:v39+s23+$0x0] =	vst.idx.msk $0xffff, v5  }
0x44a: {  	v52 =	vshll.u32 v44, v1;
	v44 =	vbroadcast v6, $0x0;
	v57 =	vld [tilespmem:s0+$0xFFFFFD10];
	v6 =	vadd.f32 v45, v36;
	[tilespmem:v32+s23+$0x0] =	vst.idx.msk $0xffff, v58  }
0x44b: {  	v5 =	vadd.f32 v48, v36;
	v12 =	vld [tilespmem:$0x1FF70]  }
0x44c: {  	v60 =	vld [tilespmem:s0+$0xFFFFFD50];
	[tilespmem:v3+s23+$0x0] =	vst.idx.msk $0xffff, v6  }
0x44d: {  	v42 =	vshll.u32 v42, v1;
	v9 =	vld [tilespmem:$0x1FFB0];
	[tilespmem:v40+s23+$0x0] =	vst.idx.msk $0xffff, v5  }
0x44e: {  	v38 =	vshrl.u32 v38, $0x3;
	v43 =	vshll.u32 v43, v1;
	v59 =	vadd.s32 v10, v49;
	v7 =	vld [tilespmem:$0x1FE20]  }
0x44f: {  	v61 =	vadd.s32 v8, v47;
	v45 =	vbroadcast v52, $0x0;
	v48 =	vbroadcast v43, $0x0;
	v43 =	vld [tilespmem:s0+$0xFFFFFE10]  }
0x450: {  	v55 =	vshll.u32 v46, v1;
	v41 =	vbroadcast v42, $0x0;
	v62 =	vld [tilespmem:s0+$0xFFFFFD90];
	v39 =	vadd.s32 v12, v44  }
0x451: {  	v46 =	vbroadcast v54, $0x0;
	v54 =	vadd.s32 v63, v45;
	v58 =	vld [tilespmem:s0+$0xFFFFFFE0];
	v3 =	vadd.f32 v56, v36  }
0x452: {  	v38 =	vshll.u32 v38, v1;
	v32 =	vld [tilespmem:s0+$0xFFFFFDD0];
	v5 =	vadd.f32 v57, v36;
	v6 =	vadd.s32 v9, v41  }
0x453: {  	[tilespmem:v59+s23+$0x0] =	vst.idx.msk $0xffff, v3;
	v3 =	vadd.f32 v60, v36;
	v59 =	vld [tilespmem:s0+$0xFFFFFE50];
	v52 =	vadd.s32 v7, v53  }
0x454: {  	v57 =	vadd.s32 v14, v48;
	v40 =	vbroadcast v2, $0x0;
	[tilespmem:v61+s23+$0x0] =	vst.idx.msk $0xffff, v5;
	v2 =	vadd.f32 v43, v36  }
0x455: {  	v42 =	vbroadcast v55, $0x0;
	v60 =	vld [tilespmem:s0+$0xFFFFFE90];
	v5 =	vadd.f32 v62, v36;
	[tilespmem:v39+s23+$0x0] =	vst.idx.msk $0xffff, v3;
	v3 =	vadd.s32 v13, v46  }
0x456: {  	v0 =	vshll.u32 v0, v1;
	v55 =	vld [tilespmem:s0+$0xFFFFFED0];
	v58 =	vadd.f32 v58, v35;
	[tilespmem:v54+s23+$0x0] =	vst.idx.msk $0xffff, v2;
	v39 =	vbroadcast v38, $0x0  }
0x457: {  	[tilespmem:v6+s23+$0x0] =	vst.idx.msk $0xffff, v5;
	v5 =	vadd.f32 v32, v36;
	v6 =	vadd.s32 v11, v42;
	v32 =	vld [tilespmem:s0+$0xFFFFFF10]  }
0x458: {  	v62 =	vld [tilespmem:s0+$0xFFFFFF50];
	v38 =	vbroadcast v0, $0x0;
	v0 =	vadd.f32 v59, v36;
	v61 =	vadd.s32 v10, v39;
	[tilespmem:v52+s23+$0x0] =	vst.idx.msk $0xffff, v58  }
0x459: {  	v43 =	vbroadcast v4, $0x0;
	v4 =	vld [tilespmem:s0+$0xFFFFFC60];
	[tilespmem:v57+s23+$0x0] =	vst.idx.msk $0xffff, v5;
	v5 =	vadd.s32 v8, v40  }
0x45a: {  	v2 =	vadd.f32 v60, v36;
	v54 =	vadd.s32 v12, v38;
	v52 =	vld [tilespmem:s0+$0xFFFFFFF0];
	[tilespmem:v3+s23+$0x0] =	vst.idx.msk $0xffff, v0  }
0x45b: {  	v0 =	vadd.f32 v55, v36;
	v8 =	vld [tilespmem:$0x1FE30]  }
0x45c: {  	v57 =	vld [tilespmem:s0+$0xFFFFFF90];
	[tilespmem:v6+s23+$0x0] =	vst.idx.msk $0xffff, v2;
	v2 =	vadd.f32 v32, v36  }
0x45d: {  	v11 =	vld [tilespmem:$0x1FE80];
	[tilespmem:v61+s23+$0x0] =	vst.idx.msk $0xffff, v0;
	v0 =	vadd.f32 v62, v36  }
0x45e: {  	v10 =	vld [tilespmem:$0x1FEC0];
	[tilespmem:v5+s23+$0x0] =	vst.idx.msk $0xffff, v2  }
0x45f: {  	v12 =	vld [tilespmem:$0x1FF00];
	[tilespmem:v54+s23+$0x0] =	vst.idx.msk $0xffff, v0  }
0x460: {  	v23 =	vld [tilespmem:$0x1FF40];
	v3 =	vadd.s32 v8, v53  }
0x461: {  	v55 =	vld [tilespmem:s0+$0xFFFFFCA0];
	v6 =	vadd.s32 v9, v43  }
0x462: {  	v32 =	vld [tilespmem:s0+$0xFFFFFCE0];
	v56 =	vadd.s32 v11, v50  }
0x463: {  	v60 =	vld [tilespmem:s0+$0xFFFFFD20];
	v2 =	vadd.f32 v52, v34;
	v59 =	vadd.s32 v10, v51  }
0x464: {  	v0 =	vadd.f32 v57, v36;
	v5 =	vadd.s32 v12, v49  }
0x465: {  	v4 =	vadd.f32 v4, v35;
	v54 =	vadd.s32 v23, v47;
	[tilespmem:v3+s23+$0x0] =	vst.idx.msk $0xffff, v2  }
0x466: {  	v2 =	vadd.f32 v55, v35;
	v13 =	vld [tilespmem:$0x1FF80];
	[tilespmem:v6+s23+$0x0] =	vst.idx.msk $0xffff, v0  }
0x467: {  	v62 =	vld [tilespmem:s0+$0xFFFFFD60];
	[tilespmem:v56+s23+$0x0] =	vst.idx.msk $0xffff, v4;
	v4 =	vadd.f32 v32, v35  }
0x468: {  	v31 =	vld [tilespmem:$0x1FFC0];
	[tilespmem:v59+s23+$0x0] =	vst.idx.msk $0xffff, v2;
	v2 =	vadd.f32 v60, v35  }
0x469: {  	v9 =	vld [tilespmem:$0x1FFF0];
	[tilespmem:v5+s23+$0x0] =	vst.idx.msk $0xffff, v4  }
0x46a: {  	v57 =	vld [tilespmem:s0+$0xFFFFFDA0];
	[tilespmem:v54+s23+$0x0] =	vst.idx.msk $0xffff, v2  }
0x46b: {  	v5 =	vadd.s32 v7, v48;
	v7 =	vld [tilespmem:$0x1FE50]  }
0x46c: {  	v0 =	vld [tilespmem:s0+$0x0];
	v3 =	vadd.s32 v13, v44  }
0x46d: {  	v55 =	vld [tilespmem:s0+$0xFFFFFDE0];
	v6 =	vadd.s32 v31, v41  }
0x46e: {  	v61 =	vld [tilespmem:s0+$0xFFFFFE20];
	v53 =	vadd.s32 v9, v53  }
0x46f: {  	v4 =	vadd.f32 v62, v35;
	v62 =	vld [tilespmem:s0+$0xFFFFFE60]  }
0x470: {  	v60 =	vld [tilespmem:s0+$0xFFFFFEA0];
	v2 =	vadd.f32 v57, v35;
	v32 =	vadd.s32 v7, v45  }
0x471: {  	v0 =	vadd.f32 v0, v33;
	[tilespmem:v3+s23+$0x0] =	vst.idx.msk $0xffff, v4;
	v3 =	vadd.s32 v11, v46  }
0x472: {  	v4 =	vld [tilespmem:s0+$0xFFFFFEE0];
	[tilespmem:v6+s23+$0x0] =	vst.idx.msk $0xffff, v2;
	v2 =	vadd.f32 v55, v35;
	v6 =	vadd.s32 v10, v42  }
0x473: {  	v56 =	vadd.f32 v61, v35;
	v55 =	vld [tilespmem:s0+$0xFFFFFF20];
	[tilespmem:v53+s23+$0x0] =	vst.idx.msk $0xffff, v0  }
0x474: {  	v58 =	vadd.s32 v12, v39;
	v0 =	vadd.f32 v62, v35;
	[tilespmem:v5+s23+$0x0] =	vst.idx.msk $0xffff, v2  }
0x475: {  	v61 =	vld [tilespmem:s0+$0xFFFFFC20];
	v2 =	vadd.s32 v23, v40;
	[tilespmem:v32+s23+$0x0] =	vst.idx.msk $0xffff, v56;
	v32 =	vadd.f32 v60, v35  }
0x476: {  	v59 =	vld [tilespmem:s0+$0xFFFFFF60];
	[tilespmem:v3+s23+$0x0] =	vst.idx.msk $0xffff, v0  }
0x477: {  	v5 =	vld [tilespmem:s0+$0xFFFFFFA0];
	v0 =	vadd.f32 v4, v35;
	[tilespmem:v6+s23+$0x0] =	vst.idx.msk $0xffff, v32  }
0x478: {  	v60 =	vadd.s32 v13, v38;
	v6 =	vadd.f32 v55, v35;
	v12 =	vld [tilespmem:$0x1FE90]  }
0x479: {  	v62 =	vld [tilespmem:s0+$0xFFFFFC70];
	v3 =	vadd.s32 v31, v43;
	[tilespmem:v58+s23+$0x0] =	vst.idx.msk $0xffff, v0  }
0x47a: {  	v4 =	vadd.s32 v7, v37;
	v16 =	vld [tilespmem:$0x1FED0];
	[tilespmem:v2+s23+$0x0] =	vst.idx.msk $0xffff, v6  }
0x47b: {  	v0 =	vadd.f32 v59, v35;
	v20 =	vld [tilespmem:$0x1FF10]  }
0x47c: {  	v57 =	vld [tilespmem:s0+$0xFFFFFCB0];
	v2 =	vadd.f32 v5, v35  }
0x47d: {  	v32 =	vld [tilespmem:s0+$0xFFFFFCF0];
	v5 =	vadd.f32 v61, v35;
	[tilespmem:v60+s23+$0x0] =	vst.idx.msk $0xffff, v0;
	v53 =	vadd.s32 v12, v50  }
0x47e: {  	v24 =	vld [tilespmem:$0x1FF50];
	[tilespmem:v3+s23+$0x0] =	vst.idx.msk $0xffff, v2  }
0x47f: {  	v59 =	vld [tilespmem:s0+$0xFFFFFD30];
	[tilespmem:v4+s23+$0x0] =	vst.idx.msk $0xffff, v5;
	v58 =	vadd.s32 v16, v51  }
0x480: {  	v0 =	vadd.f32 v62, v34;
	v28 =	vld [tilespmem:$0x1FF90];
	v6 =	vadd.s32 v20, v49  }
0x481: {  	v61 =	vld [tilespmem:s0+$0xFFFFFD70]  }
0x482: {  	v60 =	vld [tilespmem:s0+$0xFFFFFDB0];
	v2 =	vadd.f32 v57, v34;
	[tilespmem:v53+s23+$0x0] =	vst.idx.msk $0xffff, v0  }
0x483: {  	v0 =	vadd.f32 v32, v34;
	v32 =	vld [tilespmem:$0x1FFD0]  }
0x484: {  	v4 =	vld [tilespmem:s0+$0xFFFFFDF0];
	v62 =	vadd.s32 v24, v47;
	[tilespmem:v58+s23+$0x0] =	vst.idx.msk $0xffff, v2  }
0x485: {  	v57 =	vld [tilespmem:s0+$0xFFFFFE70];
	v3 =	vadd.s32 v28, v44;
	[tilespmem:v6+s23+$0x0] =	vst.idx.msk $0xffff, v0  }
0x486: {  	v55 =	vadd.s32 v8, v48;
	v8 =	vld [tilespmem:$0x1FE60]  }
0x487: {  	v53 =	vld [tilespmem:s0+$0xFFFFFE30];
	v2 =	vadd.f32 v59, v34  }
0x488: {  	v58 =	vld [tilespmem:s0+$0xFFFFFC30];
	v0 =	vadd.f32 v61, v34;
	v5 =	vadd.s32 v32, v41  }
0x489: {  	v52 =	vld [tilespmem:s0+$0xFFFFFC80];
	[tilespmem:v62+s23+$0x0] =	vst.idx.msk $0xffff, v2;
	v2 =	vadd.f32 v60, v34  }
0x48a: {  	v62 =	vadd.s32 v12, v46;
	v60 =	vld [tilespmem:s0+$0xFFFFFEF0];
	[tilespmem:v3+s23+$0x0] =	vst.idx.msk $0xffff, v0;
	v0 =	vadd.f32 v4, v34  }
0x48b: {  	v61 =	vld [tilespmem:s0+$0xFFFFFEB0];
	v6 =	vadd.s32 v8, v45  }
0x48c: {  	v59 =	vld [tilespmem:s0+$0xFFFFFCC0];
	[tilespmem:v55+s23+$0x0] =	vst.idx.msk $0xffff, v0  }
0x48d: {  	v3 =	vld [tilespmem:s0+$0xFFFFFF30];
	v0 =	vadd.f32 v57, v34;
	[tilespmem:v5+s23+$0x0] =	vst.idx.msk $0xffff, v2;
	v5 =	vadd.s32 v16, v42  }
0x48e: {  	v4 =	vld [tilespmem:s0+$0xFFFFFF70];
	v2 =	vadd.f32 v53, v34  }
0x48f: {  	v55 =	vadd.s32 v20, v39;
	[tilespmem:v62+s23+$0x0] =	vst.idx.msk $0xffff, v0;
	v0 =	vadd.f32 v60, v34;
	v60 =	vld [tilespmem:s0+$0xFFFFFD00]  }
0x490: {  	v53 =	vld [tilespmem:s0+$0xFFFFFFB0];
	[tilespmem:v6+s23+$0x0] =	vst.idx.msk $0xffff, v2;
	v2 =	vadd.f32 v61, v34  }
0x491: {  	v57 =	vadd.s32 v24, v40;
	v13 =	vld [tilespmem:$0x1FEA0]  }
0x492: {  	v6 =	vadd.s32 v28, v38;
	v62 =	vld [tilespmem:s0+$0xFFFFFE40];
	[tilespmem:v5+s23+$0x0] =	vst.idx.msk $0xffff, v2  }
0x493: {  	s9 =	simm.s32 $0x10;
	v54 =	vadd.s32 v32, v43;
	v17 =	vld [tilespmem:$0x1FEE0]  }
0x494: {  	v3 =	vadd.f32 v3, v34;
	v2 =	vmov s9;
	[tilespmem:v55+s23+$0x0] =	vst.idx.msk $0xffff, v0;
	v55 =	vld [tilespmem:s0+$0xFFFFFD80]  }
0x495: {  	v4 =	vadd.f32 v4, v34;
	v0 =	vshrl.u32 v2, $0x3;
	v2 =	vadd.f32 v58, v34;
	v58 =	vld [tilespmem:s0+$0xFFFFFE00]  }
0x496: {  	v53 =	vadd.f32 v53, v34;
	v21 =	vld [tilespmem:$0x1FF20];
	[tilespmem:v57+s23+$0x0] =	vst.idx.msk $0xffff, v3  }
0x497: {  	v25 =	vld [tilespmem:$0x1FF60];
	[tilespmem:v6+s23+$0x0] =	vst.idx.msk $0xffff, v4  }
0x498: {  	v56 =	vadd.s32 v8, v37;
	v29 =	vld [tilespmem:$0x1FFA0];
	[tilespmem:v54+s23+$0x0] =	vst.idx.msk $0xffff, v53  }
0x499: {  	s11 =	simm.s32 $0x11;
	v48 =	vadd.s32 v9, v48;
	v52 =	vadd.f32 v52, v33;
	v50 =	vadd.s32 v13, v50;
	v30 =	vld [tilespmem:$0x1FFE0]  }
0x49a: {  	v61 =	vadd.f32 v60, v33;
	v3 =	vmov s11;
	v5 =	vadd.s32 v17, v51;
	v51 =	vld [tilespmem:s0+$0xFFFFFD40]  }
0x49b: {  	v0 =	vshll.u32 v0, v1;
	v60 =	vadd.f32 v55, v33;
	v55 =	vld [tilespmem:s0+$0xFFFFFEC0];
	v49 =	vadd.s32 v21, v49  }
0x49c: {  	s12 =	simm.s32 $0x12;
	v57 =	vld [tilespmem:s0+$0xFFFFFDC0];
	v6 =	vadd.f32 v59, v33;
	v46 =	vadd.s32 v13, v46;
	v47 =	vadd.s32 v25, v47  }
0x49d: {  	s15 =	simm.s32 $0x13;
	v4 =	vmov s12;
	[tilespmem:v56+s23+$0x0] =	vst.idx.msk $0xffff, v2;
	v56 =	vld [tilespmem:s0+$0xFFFFFE80];
	v42 =	vadd.s32 v17, v42;
	v39 =	vadd.s32 v21, v39  }
0x49e: {  	s12 =	simm.s32 $0x17;
	v53 =	vmov s15;
	v59 =	vld [tilespmem:s0+$0xFFFFFF80];
	[tilespmem:v50+s23+$0x0] =	vst.idx.msk $0xffff, v52;
	v40 =	vadd.s32 v25, v40;
	v44 =	vadd.s32 v29, v44  }
0x49f: {  	s31 =	simm.s32 $0x14;
	v54 =	vmov s12;
	v9 =	vld [tilespmem:$0x1FE70];
	v38 =	vadd.s32 v29, v38;
	v51 =	vadd.f32 v51, v33;
	[tilespmem:v5+s23+$0x0] =	vst.idx.msk $0xffff, v6  }
0x4a0: {  	s9 =	simm.s32 $0x15;
	v2 =	vmov s31;
	v50 =	vld [tilespmem:s0+$0xFFFFFFC0];
	v41 =	vadd.s32 v30, v41;
	v55 =	vadd.f32 v55, v33;
	[tilespmem:v49+s23+$0x0] =	vst.idx.msk $0xffff, v61  }
0x4a1: {  	s11 =	simm.s32 $0x16;
	v52 =	vmov s9;
	v43 =	vadd.s32 v30, v43;
	v6 =	vadd.f32 v57, v33;
	[tilespmem:v47+s23+$0x0] =	vst.idx.msk $0xffff, v51  }
0x4a2: {  	s15 =	simm.s32 $0x18;
	v5 =	vmov s11;
	v57 =	vld [tilespmem:s0+$0xFFFFFF00];
	s11 =	simm.s32 $0x1B;
	v49 =	vadd.f32 v58, v33;
	v61 =	vadd.f32 v56, v33;
	[tilespmem:v42+s23+$0x0] =	vst.idx.msk $0xffff, v55  }
0x4a3: {  	s31 =	simm.s32 $0x19;
	v56 =	vmov s11;
	v47 =	vmov s15;
	v51 =	vadd.f32 v62, v33;
	[tilespmem:v44+s23+$0x0] =	vst.idx.msk $0xffff, v60  }
0x4a4: {  	v58 =	vld [tilespmem:s0+$0xFFFFFF40];
	v62 =	vadd.f32 v59, v33;
	v45 =	vadd.s32 v9, v45;
	v60 =	vmov s31;
	[tilespmem:v48+s23+$0x0] =	vst.idx.msk $0xffff, v49  }
0x4a5: {  	v37 =	vadd.s32 v9, v37;
	v44 =	vshrl.u32 v3, $0x3;
	v3 =	vadd.f32 v50, v33;
	[tilespmem:v41+s23+$0x0] =	vst.idx.msk $0xffff, v6;
	v41 =	vld [tilespmem:s0+$0xFFFFFC40]  }
0x4a6: {  	s9 =	simm.s32 $0x1A;
	s31 =	simm.s32 $0x1E;
	[tilespmem:v46+s23+$0x0] =	vst.idx.msk $0xffff, v61;
	v50 =	vshrl.u32 v4, $0x3;
	v46 =	vshrl.u32 v54, $0x3;
	v47 =	vshrl.u32 v47, $0x3  }
0x4a7: {  	s12 =	simm.s32 $0x1C;
	v6 =	vmov s9;
	v61 =	vmov s31;
	[tilespmem:v38+s23+$0x0] =	vst.idx.msk $0xffff, v62;
	v48 =	vadd.f32 v57, v33  }
0x4a8: {  	s15 =	simm.s32 $0x1D;
	v38 =	vshrl.u32 v60, $0x3;
	v57 =	vmov s12;
	[tilespmem:v43+s23+$0x0] =	vst.idx.msk $0xffff, v3;
	v42 =	vshrl.u32 v6, $0x3  }
0x4a9: {  	v43 =	vshrl.u32 v56, $0x3;
	v49 =	vadd.f32 v58, v33;
	v58 =	vmov s15;
	[tilespmem:v39+s23+$0x0] =	vst.idx.msk $0xffff, v48  }
0x4aa: {  	v48 =	vshrl.u32 v52, $0x3;
	v39 =	vshrl.u32 v58, $0x3;
	[tilespmem:v45+s23+$0x0] =	vst.idx.msk $0xffff, v51;
	v4 =	vadd.f32 v41, v33  }
0x4ab: {  	v45 =	vshrl.u32 v53, $0x3;
	[tilespmem:v40+s23+$0x0] =	vst.idx.msk $0xffff, v49;
	v51 =	vshrl.u32 v2, $0x3;
	v49 =	vshrl.u32 v5, $0x3  }
0x4ac: {  	s3 =	simm.s32 $0x20;
	s9 =	simm.s32 $0x1F;
	v40 =	vshrl.u32 v61, $0x3;
	v41 =	vshrl.u32 v57, $0x3;
	[tilespmem:v37+s23+$0x0] =	vst.idx.msk $0xffff, v4;
	v37 =	vbroadcast v0, $0x0  }
.LBB2_19:
0x4ad: {  	v27 =	vld [tilespmem:$0x1FE10]  }
0x4ae: {  	v22 =	vld [tilespmem:$0x1FE00]  }
0x4af: {  	v10 =	vld [tilespmem:$0x1FEB0]  }
0x4b0: {  	v15 =	vld [tilespmem:$0x1FEF0]  }
0x4b1: {  	v26 =	vld [tilespmem:$0x1FF30]  }
0x4b2: {  	v0 =	vshll.u32 v44, v1;
	v3 =	vmov s9;
	v19 =	vld [tilespmem:$0x1FF70]  }
0x4b3: {  	v2 =	vshll.u32 v50, v1;
	v4 =	vshll.u32 v45, v1;
	v18 =	vld [tilespmem:$0x1FFB0];
	v3 =	vshrl.u32 v3, $0x3  }
0x4b4: {  	v5 =	vshll.u32 v51, v1;
	v6 =	vshll.u32 v48, v1;
	s0 =	sadd.s32 $0x400, s0;
	v14 =	vld [tilespmem:$0x1FE20];
	v3 =	vshll.u32 v3, v1  }
0x4b5: {  	v44 =	vshll.u32 v49, v1;
	v45 =	vshll.u32 v46, v1;
	v61 =	vld [tilespmem:s0+$0xFFFFFFD0];
	v52 =	vbroadcast v3, $0x0  }
0x4b6: {  	v46 =	vshll.u32 v47, v1;
	v53 =	vshll.u32 v42, v1;
	v54 =	vshll.u32 v43, v1;
	v3 =	vld [tilespmem:s0+$0xFFFFFC10]  }
0x4b7: {  	v43 =	vld [tilespmem:s0+$0xFFFFFC50];
	v50 =	vbroadcast v0, $0x0;
	v0 =	vshll.u32 v41, v1;
	v41 =	vadd.s32 v27, v52  }
0x4b8: {  	v55 =	vadd.s32 v63, v37;
	v56 =	vld [tilespmem:s0+$0xFFFFFC90];
	v51 =	vbroadcast v2, $0x0;
	v2 =	vshll.u32 v39, v1  }
0x4b9: {  	v58 =	vld [tilespmem:s0+$0xFFFFFCD0];
	v49 =	vbroadcast v4, $0x0;
	v4 =	vshll.u32 v40, v1;
	v57 =	vadd.s32 v22, v50  }
0x4ba: {  	v59 =	vld [tilespmem:s0+$0xFFFFFD10];
	v47 =	vbroadcast v5, $0x0;
	v40 =	vadd.s32 v10, v51;
	v5 =	vadd.f32 v61, v36  }
0x4bb: {  	v42 =	vbroadcast v6, $0x0;
	v60 =	vadd.s32 v15, v49;
	v61 =	vld [tilespmem:s0+$0xFFFFFD50];
	v3 =	vadd.f32 v3, v36  }
0x4bc: {  	v62 =	vld [tilespmem:s0+$0xFFFFFD90];
	v39 =	vbroadcast v44, $0x0;
	v6 =	vadd.f32 v43, v36;
	v43 =	vadd.s32 v26, v47;
	[tilespmem:v41+s23+$0x0] =	vst.idx.msk $0xffff, v5  }
0x4bd: {  	[tilespmem:v55+s23+$0x0] =	vst.idx.msk $0xffff, v3;
	v3 =	vadd.f32 v56, v36;
	v5 =	vadd.s32 v19, v42;
	v56 =	vld [tilespmem:s0+$0xFFFFFDD0]  }
0x4be: {  	[tilespmem:v57+s23+$0x0] =	vst.idx.msk $0xffff, v6;
	v6 =	vadd.f32 v58, v36;
	v55 =	vadd.s32 v18, v39;
	v57 =	vld [tilespmem:s0+$0xFFFFFE10]  }
0x4bf: {  	v41 =	vld [tilespmem:s0+$0xFFFFFFE0];
	[tilespmem:v40+s23+$0x0] =	vst.idx.msk $0xffff, v3;
	v3 =	vadd.f32 v59, v36  }
0x4c0: {  	[tilespmem:v60+s23+$0x0] =	vst.idx.msk $0xffff, v6;
	v6 =	vadd.f32 v61, v36;
	v59 =	vld [tilespmem:s0+$0xFFFFFE50]  }
0x4c1: {  	v38 =	vshll.u32 v38, v1;
	v44 =	vbroadcast v46, $0x0;
	v61 =	vld [tilespmem:s0+$0xFFFFFE90];
	[tilespmem:v43+s23+$0x0] =	vst.idx.msk $0xffff, v3;
	v3 =	vadd.f32 v62, v36  }
0x4c2: {  	v48 =	vbroadcast v45, $0x0;
	v45 =	vbroadcast v38, $0x0;
	v46 =	vadd.s32 v14, v52;
	[tilespmem:v5+s23+$0x0] =	vst.idx.msk $0xffff, v6;
	v6 =	vld [tilespmem:s0+$0xFFFFFED0]  }
0x4c3: {  	v60 =	vadd.s32 v63, v44;
	v40 =	vbroadcast v54, $0x0;
	v43 =	vbroadcast v53, $0x0;
	[tilespmem:v55+s23+$0x0] =	vst.idx.msk $0xffff, v3;
	v55 =	vld [tilespmem:s0+$0xFFFFFF10]  }
0x4c4: {  	v62 =	vadd.f32 v41, v35;
	v41 =	vbroadcast v0, $0x0;
	v0 =	vadd.f32 v57, v36;
	v57 =	vld [tilespmem:s0+$0xFFFFFF50]  }
0x4c5: {  	v58 =	vadd.s32 v27, v48;
	v54 =	vadd.s32 v10, v43;
	v10 =	vld [tilespmem:$0x1FEC0]  }
0x4c6: {  	v5 =	vadd.s32 v22, v45;
	v3 =	vadd.f32 v56, v36;
	v56 =	vadd.s32 v15, v40;
	v15 =	vld [tilespmem:$0x1FF00]  }
0x4c7: {  	v38 =	vbroadcast v2, $0x0;
	v2 =	vadd.f32 v59, v36;
	v59 =	vld [tilespmem:s0+$0xFFFFFF90]  }
0x4c8: {  	[tilespmem:v60+s23+$0x0] =	vst.idx.msk $0xffff, v0;
	v0 =	vadd.f32 v61, v36;
	v61 =	vld [tilespmem:$0x1FE30]  }
0x4c9: {  	[tilespmem:v46+s23+$0x0] =	vst.idx.msk $0xffff, v62;
	v46 =	vbroadcast v4, $0x0;
	v4 =	vld [tilespmem:s0+$0xFFFFFC60]  }
0x4ca: {  	[tilespmem:v58+s23+$0x0] =	vst.idx.msk $0xffff, v3;
	v3 =	vadd.s32 v26, v41;
	v53 =	vld [tilespmem:s0+$0xFFFFFFF0]  }
0x4cb: {  	v58 =	vadd.s32 v19, v38;
	v60 =	vld [tilespmem:s0+$0xFFFFFCE0];
	[tilespmem:v5+s23+$0x0] =	vst.idx.msk $0xffff, v2;
	v2 =	vadd.f32 v6, v36  }
0x4cc: {  	v6 =	vld [tilespmem:s0+$0xFFFFFCA0];
	[tilespmem:v54+s23+$0x0] =	vst.idx.msk $0xffff, v0;
	v0 =	vadd.f32 v55, v36;
	v55 =	vadd.s32 v11, v50  }
0x4cd: {  	v54 =	vadd.s32 v18, v46;
	v18 =	vld [tilespmem:$0x1FF80];
	v5 =	vadd.s32 v61, v52  }
0x4ce: {  	v62 =	vld [tilespmem:s0+$0xFFFFFD20];
	[tilespmem:v56+s23+$0x0] =	vst.idx.msk $0xffff, v2;
	v2 =	vadd.f32 v57, v36;
	v56 =	vadd.s32 v10, v51  }
0x4cf: {  	[tilespmem:v3+s23+$0x0] =	vst.idx.msk $0xffff, v0;
	v4 =	vadd.f32 v4, v35;
	v0 =	vadd.f32 v53, v34;
	v53 =	vld [tilespmem:s0+$0xFFFFFD60]  }
0x4d0: {  	v3 =	vadd.s32 v15, v49;
	[tilespmem:v58+s23+$0x0] =	vst.idx.msk $0xffff, v2;
	v2 =	vadd.f32 v59, v36;
	v59 =	vld [tilespmem:s0+$0xFFFFFDA0]  }
0x4d1: {  	v58 =	vadd.s32 v23, v47;
	[tilespmem:v55+s23+$0x0] =	vst.idx.msk $0xffff, v4;
	v4 =	vadd.f32 v60, v35;
	v60 =	vld [tilespmem:$0x1FFF0]  }
0x4d2: {  	v55 =	vld [tilespmem:s0+$0xFFFFFE20];
	[tilespmem:v5+s23+$0x0] =	vst.idx.msk $0xffff, v0;
	v0 =	vadd.f32 v6, v35;
	v5 =	vadd.s32 v18, v42  }
0x4d3: {  	[tilespmem:v54+s23+$0x0] =	vst.idx.msk $0xffff, v2;
	v54 =	vld [tilespmem:s0+$0xFFFFFDE0];
	v6 =	vadd.s32 v31, v39  }
0x4d4: {  	v2 =	vld [tilespmem:s0+$0x0];
	[tilespmem:v56+s23+$0x0] =	vst.idx.msk $0xffff, v0;
	v0 =	vadd.f32 v62, v35;
	v56 =	vadd.s32 v7, v44  }
0x4d5: {  	[tilespmem:v3+s23+$0x0] =	vst.idx.msk $0xffff, v4;
	v4 =	vadd.s32 v14, v48;
	v3 =	vadd.f32 v53, v35;
	v53 =	vld [tilespmem:s0+$0xFFFFFE60]  }
0x4d6: {  	v52 =	vadd.s32 v60, v52;
	[tilespmem:v58+s23+$0x0] =	vst.idx.msk $0xffff, v0;
	v0 =	vadd.f32 v59, v35  }
0x4d7: {  	v62 =	vld [tilespmem:s0+$0xFFFFFEA0];
	v55 =	vadd.f32 v55, v35;
	[tilespmem:v5+s23+$0x0] =	vst.idx.msk $0xffff, v3;
	v3 =	vadd.s32 v11, v45  }
0x4d8: {  	v5 =	vld [tilespmem:s0+$0xFFFFFEE0];
	[tilespmem:v6+s23+$0x0] =	vst.idx.msk $0xffff, v0;
	v0 =	vadd.f32 v54, v35  }
0x4d9: {  	v2 =	vadd.f32 v2, v33;
	v6 =	vadd.s32 v10, v43;
	v54 =	vld [tilespmem:s0+$0xFFFFFF20];
	[tilespmem:v56+s23+$0x0] =	vst.idx.msk $0xffff, v55  }
0x4da: {  	v58 =	vadd.s32 v15, v40;
	v59 =	vld [tilespmem:s0+$0xFFFFFF60];
	[tilespmem:v4+s23+$0x0] =	vst.idx.msk $0xffff, v0;
	v0 =	vadd.f32 v53, v35  }
0x4db: {  	v55 =	vadd.s32 v18, v38;
	[tilespmem:v52+s23+$0x0] =	vst.idx.msk $0xffff, v2;
	v2 =	vadd.s32 v23, v41;
	v4 =	vld [tilespmem:s0+$0xFFFFFFA0]  }
0x4dc: {  	v56 =	vadd.s32 v8, v37;
	v52 =	vld [tilespmem:s0+$0xFFFFFC20];
	v53 =	vadd.f32 v62, v35;
	[tilespmem:v3+s23+$0x0] =	vst.idx.msk $0xffff, v0  }
0x4dd: {  	v62 =	vld [tilespmem:s0+$0xFFFFFC70];
	v0 =	vadd.f32 v5, v35;
	v3 =	vadd.s32 v31, v46;
	v5 =	vadd.s32 v7, v37  }
0x4de: {  	v37 =	vadd.s32 v9, v37;
	[tilespmem:v6+s23+$0x0] =	vst.idx.msk $0xffff, v53;
	v6 =	vadd.f32 v54, v35  }
0x4df: {  	v57 =	vld [tilespmem:s0+$0xFFFFFCB0];
	v53 =	vadd.s32 v12, v50;
	[tilespmem:v58+s23+$0x0] =	vst.idx.msk $0xffff, v0;
	v0 =	vadd.f32 v59, v35  }
0x4e0: {  	v54 =	vld [tilespmem:s0+$0xFFFFFCF0];
	v58 =	vadd.s32 v16, v51;
	[tilespmem:v2+s23+$0x0] =	vst.idx.msk $0xffff, v6;
	v2 =	vadd.f32 v4, v35  }
0x4e1: {  	v59 =	vld [tilespmem:s0+$0xFFFFFD30];
	v4 =	vadd.f32 v52, v35;
	v6 =	vadd.s32 v20, v49;
	[tilespmem:v55+s23+$0x0] =	vst.idx.msk $0xffff, v0  }
0x4e2: {  	v52 =	vld [tilespmem:s0+$0xFFFFFD70];
	v49 =	vadd.s32 v21, v49;
	v0 =	vadd.f32 v62, v34;
	[tilespmem:v3+s23+$0x0] =	vst.idx.msk $0xffff, v2  }
0x4e3: {  	v55 =	vadd.s32 v24, v47;
	v47 =	vadd.s32 v25, v47;
	[tilespmem:v5+s23+$0x0] =	vst.idx.msk $0xffff, v4  }
0x4e4: {  	v62 =	vld [tilespmem:s0+$0xFFFFFDB0];
	v2 =	vadd.f32 v57, v34;
	v3 =	vadd.s32 v28, v42;
	v5 =	vadd.s32 v32, v39  }
0x4e5: {  	v4 =	vld [tilespmem:s0+$0xFFFFFDF0];
	v42 =	vadd.s32 v29, v42;
	[tilespmem:v53+s23+$0x0] =	vst.idx.msk $0xffff, v0;
	v0 =	vadd.f32 v54, v34  }
0x4e6: {  	v53 =	vld [tilespmem:s0+$0xFFFFFE30];
	v54 =	vadd.s32 v61, v48;
	[tilespmem:v58+s23+$0x0] =	vst.idx.msk $0xffff, v2;
	v2 =	vadd.f32 v59, v34  }
0x4e7: {  	v57 =	vld [tilespmem:s0+$0xFFFFFE70];
	v48 =	vadd.s32 v60, v48;
	[tilespmem:v6+s23+$0x0] =	vst.idx.msk $0xffff, v0;
	v0 =	vadd.f32 v52, v34  }
0x4e8: {  	v58 =	vld [tilespmem:s0+$0xFFFFFC30];
	v6 =	vadd.s32 v8, v44;
	v44 =	vadd.s32 v9, v44;
	[tilespmem:v55+s23+$0x0] =	vst.idx.msk $0xffff, v2  }
0x4e9: {  	v61 =	vld [tilespmem:s0+$0xFFFFFEB0];
	v2 =	vadd.f32 v62, v34;
	v55 =	vadd.s32 v12, v45;
	v45 =	vadd.s32 v13, v45  }
0x4ea: {  	v62 =	vld [tilespmem:s0+$0xFFFFFEF0];
	[tilespmem:v3+s23+$0x0] =	vst.idx.msk $0xffff, v0;
	v0 =	vadd.f32 v4, v34;
	v3 =	vadd.s32 v16, v43  }
0x4eb: {  	v4 =	vld [tilespmem:s0+$0xFFFFFF30];
	[tilespmem:v5+s23+$0x0] =	vst.idx.msk $0xffff, v2;
	v2 =	vadd.f32 v53, v34;
	v5 =	vadd.s32 v20, v40  }
0x4ec: {  	v53 =	vld [tilespmem:s0+$0xFFFFFF70];
	[tilespmem:v54+s23+$0x0] =	vst.idx.msk $0xffff, v0;
	v0 =	vadd.f32 v57, v34;
	v54 =	vadd.s32 v24, v41  }
0x4ed: {  	v57 =	vld [tilespmem:s0+$0xFFFFFFB0];
	v58 =	vadd.f32 v58, v34;
	v41 =	vadd.s32 v25, v41;
	[tilespmem:v6+s23+$0x0] =	vst.idx.msk $0xffff, v2  }
0x4ee: {  	v2 =	vadd.f32 v61, v34;
	v6 =	vadd.s32 v28, v38;
	v61 =	vld [tilespmem:s0+$0xFFFFFC80];
	[tilespmem:v55+s23+$0x0] =	vst.idx.msk $0xffff, v0  }
0x4ef: {  	v0 =	vadd.f32 v62, v34;
	v55 =	vadd.s32 v32, v46;
	v62 =	vld [tilespmem:s0+$0xFFFFFCC0];
	[tilespmem:v56+s23+$0x0] =	vst.idx.msk $0xffff, v58  }
0x4f0: {  	[tilespmem:v3+s23+$0x0] =	vst.idx.msk $0xffff, v2;
	v2 =	vadd.f32 v4, v34;
	v3 =	vadd.s32 v13, v50;
	v4 =	vld [tilespmem:s0+$0xFFFFFD00]  }
0x4f1: {  	v50 =	vadd.s32 v17, v51;
	v51 =	vld [tilespmem:s0+$0xFFFFFD40];
	[tilespmem:v5+s23+$0x0] =	vst.idx.msk $0xffff, v0;
	v0 =	vadd.f32 v53, v34  }
0x4f2: {  	s12 =	sadd.s32 $0x3, s3;
	v38 =	vadd.s32 v29, v38;
	[tilespmem:v54+s23+$0x0] =	vst.idx.msk $0xffff, v2;
	v2 =	vadd.f32 v57, v34;
	v54 =	vld [tilespmem:s0+$0xFFFFFD80]  }
0x4f3: {  	v56 =	vmov s12;
	s12 =	sadd.s32 $0x7, s3;
	v46 =	vadd.s32 v30, v46;
	[tilespmem:v6+s23+$0x0] =	vst.idx.msk $0xffff, v0;
	v6 =	vadd.f32 v61, v33;
	v61 =	vld [tilespmem:s0+$0xFFFFFDC0]  }
0x4f4: {  	v52 =	vmov s12;
	v5 =	vmov s3;
	[tilespmem:v55+s23+$0x0] =	vst.idx.msk $0xffff, v2;
	v62 =	vadd.f32 v62, v33;
	v55 =	vld [tilespmem:s0+$0xFFFFFE00]  }
0x4f5: {  	s31 =	sadd.s32 $0x1, s3;
	v5 =	vshrl.u32 v5, $0x3;
	[tilespmem:v3+s23+$0x0] =	vst.idx.msk $0xffff, v6;
	v3 =	vadd.f32 v4, v33;
	v4 =	vadd.s32 v30, v39;
	v6 =	vld [tilespmem:s0+$0xFFFFFE40]  }
0x4f6: {  	s11 =	sadd.s32 $0x2, s3;
	v0 =	vmov s31;
	s31 =	sadd.s32 $0x5, s3;
	v5 =	vshll.u32 v5, v1;
	v59 =	vadd.f32 v51, v33;
	v51 =	vld [tilespmem:s0+$0xFFFFFE80];
	[tilespmem:v50+s23+$0x0] =	vst.idx.msk $0xffff, v62  }
0x4f7: {  	s15 =	sadd.s32 $0x4, s3;
	v60 =	vld [tilespmem:s0+$0xFFFFFEC0];
	v2 =	vmov s11;
	v53 =	vmov s31;
	s31 =	sadd.s32 $0x9, s3;
	[tilespmem:v49+s23+$0x0] =	vst.idx.msk $0xffff, v3;
	v3 =	vadd.f32 v54, v33  }
0x4f8: {  	v39 =	vmov s15;
	v57 =	vmov s31;
	[tilespmem:v47+s23+$0x0] =	vst.idx.msk $0xffff, v59;
	v47 =	vld [tilespmem:s0+$0xFFFFFFC0];
	v61 =	vadd.f32 v61, v33  }
0x4f9: {  	s12 =	sadd.s32 $0xB, s3;
	s11 =	sadd.s32 $0x6, s3;
	v62 =	vld [tilespmem:s0+$0xFFFFFF00];
	v50 =	vshrl.u32 v2, $0x3;
	[tilespmem:v42+s23+$0x0] =	vst.idx.msk $0xffff, v3;
	v3 =	vadd.f32 v55, v33;
	v42 =	vadd.s32 v17, v43  }
0x4fa: {  	v54 =	vmov s11;
	s11 =	sadd.s32 $0xA, s3;
	v59 =	vmov s12;
	v43 =	vld [tilespmem:s0+$0xFFFFFF40];
	[tilespmem:v4+s23+$0x0] =	vst.idx.msk $0xffff, v61;
	v4 =	vadd.f32 v6, v33  }
0x4fb: {  	s15 =	sadd.s32 $0x8, s3;
	v58 =	vmov s11;
	v6 =	vadd.s32 v21, v40;
	v40 =	vld [tilespmem:s0+$0xFFFFFF80];
	[tilespmem:v48+s23+$0x0] =	vst.idx.msk $0xffff, v3;
	v3 =	vadd.f32 v51, v33  }
0x4fc: {  	s31 =	sadd.s32 $0xD, s3;
	v49 =	vshrl.u32 v54, $0x3;
	v55 =	vmov s15;
	v48 =	vld [tilespmem:s0+$0xFFFFFC40];
	[tilespmem:v44+s23+$0x0] =	vst.idx.msk $0xffff, v4;
	v4 =	vadd.f32 v60, v33  }
0x4fd: {  	v61 =	vmov s31;
	v44 =	vshrl.u32 v0, $0x3;
	v0 =	vadd.f32 v47, v33;
	[tilespmem:v45+s23+$0x0] =	vst.idx.msk $0xffff, v3  }
0x4fe: {  	p0 =	slt.u32 s3, $0x70;
	s15 =	sadd.s32 $0xC, s3;
	v51 =	vshrl.u32 v39, $0x3;
	v39 =	vshrl.u32 v61, $0x3;
	v3 =	vadd.f32 v62, v33;
	[tilespmem:v42+s23+$0x0] =	vst.idx.msk $0xffff, v4  }
.Ltmp9:
0x4ff: {  	s11 =	sadd.s32 $0xE, s3;
	v60 =	vmov s15;
	v47 =	vshrl.u32 v55, $0x3;
	v4 =	vadd.f32 v43, v33;
	[tilespmem:v46+s23+$0x0] =	vst.idx.msk $0xffff, v0;
	(pc) =	sbr.rel @p0 .LBB2_19-.Ltmp9, $4  }
0x500: {  	v62 =	vmov s11;
	v45 =	vshrl.u32 v56, $0x3;
	[tilespmem:v6+s23+$0x0] =	vst.idx.msk $0xffff, v3;
	v3 =	vadd.f32 v40, v33  }
0x501: {  	v46 =	vshrl.u32 v52, $0x3;
	v42 =	vshrl.u32 v58, $0x3;
	[tilespmem:v41+s23+$0x0] =	vst.idx.msk $0xffff, v4;
	v2 =	vadd.f32 v48, v33  }
0x502: {  	v43 =	vshrl.u32 v59, $0x3;
	v40 =	vshrl.u32 v62, $0x3;
	v48 =	vshrl.u32 v53, $0x3;
	[tilespmem:v38+s23+$0x0] =	vst.idx.msk $0xffff, v3  }
0x503: {  	s9 =	sadd.s32 $0xF, s3;
	s3 =	sadd.s32 $0x10, s3;
	v41 =	vshrl.u32 v60, $0x3;
	v38 =	vshrl.u32 v57, $0x3;
	[tilespmem:v37+s23+$0x0] =	vst.idx.msk $0xffff, v2;
	v37 =	vbroadcast v5, $0x0  }
0x504: {  	v3 =	vmov s9;
	v26 =	vld [tilespmem:$0x1FE10]  }
0x505: {  	v22 =	vld [tilespmem:$0x1FE00];
	v3 =	vshrl.u32 v3, $0x3  }
0x506: {  	s0 =	sadd.s32 $0x400, s0;
	v10 =	vld [tilespmem:$0x1FEB0];
	v3 =	vshll.u32 v3, v1  }
0x507: {  	v15 =	vld [tilespmem:s0+$0xFFFFFFD0];
	v3 =	vbroadcast v3, $0x0  }
0x508: {  	v0 =	vshll.u32 v44, v1;
	v2 =	vshll.u32 v50, v1;
	v62 =	vshll.u32 v49, v1;
	v18 =	vld [tilespmem:s0+$0xFFFFFC10]  }
0x509: {  	v49 =	vshll.u32 v38, v1;
	v19 =	vld [tilespmem:s0+$0xFFFFFC50];
	v38 =	vbroadcast v0, $0x0;
	v52 =	vadd.s32 v26, v3  }
0x50a: {  	v0 =	vshll.u32 v41, v1;
	v53 =	vadd.s32 v63, v37;
	v54 =	vld [tilespmem:s0+$0xFFFFFC90];
	v41 =	vbroadcast v2, $0x0  }
0x50b: {  	v55 =	vadd.s32 v22, v38  }
0x50c: {  	v56 =	vld [tilespmem:s0+$0xFFFFFCD0];
	v57 =	vadd.s32 v10, v41;
	v27 =	vadd.f32 v15, v36  }
0x50d: {  	v58 =	vld [tilespmem:s0+$0xFFFFFD10];
	v60 =	vadd.f32 v18, v36  }
0x50e: {  	v5 =	vshll.u32 v51, v1;
	v15 =	vld [tilespmem:$0x1FEF0];
	v61 =	vadd.f32 v19, v36;
	[tilespmem:v52+s23+$0x0] =	vst.idx.msk $0xffff, v27  }
0x50f: {  	v51 =	vshll.u32 v43, v1;
	v43 =	vbroadcast v62, $0x0;
	v62 =	vadd.f32 v54, v36;
	v14 =	vld [tilespmem:$0x1FF30];
	[tilespmem:v53+s23+$0x0] =	vst.idx.msk $0xffff, v60  }
0x510: {  	v4 =	vshll.u32 v45, v1;
	v19 =	vld [tilespmem:$0x1FF70];
	[tilespmem:v55+s23+$0x0] =	vst.idx.msk $0xffff, v61  }
0x511: {  	v2 =	vshll.u32 v39, v1;
	v39 =	vbroadcast v4, $0x0;
	v18 =	vld [tilespmem:$0x1FFB0];
	[tilespmem:v57+s23+$0x0] =	vst.idx.msk $0xffff, v62  }
0x512: {  	v6 =	vshll.u32 v48, v1;
	v4 =	vshll.u32 v40, v1;
	v40 =	vbroadcast v5, $0x0;
	v62 =	vld [tilespmem:$0x1FE20]  }
0x513: {  	v50 =	vshll.u32 v42, v1;
	v59 =	vld [tilespmem:s0+$0xFFFFFD50];
	v42 =	vbroadcast v6, $0x0;
	v48 =	vadd.s32 v15, v39  }
0x514: {  	v52 =	vld [tilespmem:s0+$0xFFFFFD90];
	v5 =	vadd.s32 v14, v40  }
0x515: {  	v45 =	vshll.u32 v46, v1;
	v46 =	vshll.u32 v47, v1;
	v54 =	vld [tilespmem:s0+$0xFFFFFFE0];
	v53 =	vadd.s32 v19, v42  }
0x516: {  	v44 =	vbroadcast v45, $0x0;
	v6 =	vadd.f32 v56, v36;
	v56 =	vld [tilespmem:s0+$0xFFFFFDD0];
	v55 =	vadd.s32 v18, v43  }
0x517: {  	v45 =	vbroadcast v46, $0x0;
	v27 =	vadd.f32 v58, v36;
	v57 =	vld [tilespmem:s0+$0xFFFFFE10];
	v58 =	vadd.s32 v62, v3  }
0x518: {  	v46 =	vbroadcast v49, $0x0;
	v60 =	vld [tilespmem:s0+$0xFFFFFE50];
	[tilespmem:v48+s23+$0x0] =	vst.idx.msk $0xffff, v6;
	v48 =	vadd.f32 v59, v36;
	v59 =	vadd.s32 v26, v44  }
0x519: {  	v47 =	vbroadcast v50, $0x0;
	v61 =	vld [tilespmem:s0+$0xFFFFFE90];
	[tilespmem:v5+s23+$0x0] =	vst.idx.msk $0xffff, v27;
	v27 =	vadd.f32 v52, v36;
	v52 =	vadd.s32 v63, v45  }
0x51a: {  	v6 =	vadd.s32 v22, v46;
	v26 =	vadd.f32 v54, v35;
	[tilespmem:v53+s23+$0x0] =	vst.idx.msk $0xffff, v48;
	v53 =	vld [tilespmem:s0+$0xFFFFFED0];
	v48 =	vbroadcast v51, $0x0  }
0x51b: {  	v49 =	vbroadcast v0, $0x0;
	v54 =	vadd.s32 v10, v47;
	v22 =	vld [tilespmem:s0+$0xFFFFFF10];
	[tilespmem:v55+s23+$0x0] =	vst.idx.msk $0xffff, v27;
	v27 =	vadd.f32 v56, v36  }
0x51c: {  	v0 =	vadd.f32 v57, v36;
	[tilespmem:v58+s23+$0x0] =	vst.idx.msk $0xffff, v26;
	v26 =	vadd.s32 v15, v48  }
0x51d: {  	v50 =	vbroadcast v2, $0x0;
	v2 =	vadd.f32 v60, v36;
	[tilespmem:v59+s23+$0x0] =	vst.idx.msk $0xffff, v27;
	v27 =	vadd.s32 v14, v49  }
0x51e: {  	[tilespmem:v52+s23+$0x0] =	vst.idx.msk $0xffff, v0;
	v0 =	vadd.f32 v61, v36  }
0x51f: {  	[tilespmem:v6+s23+$0x0] =	vst.idx.msk $0xffff, v2;
	v10 =	vadd.f32 v53, v36  }
0x520: {  	v52 =	vadd.s32 v19, v50;
	v19 =	vadd.f32 v22, v36;
	v14 =	vld [tilespmem:$0x1FE30];
	[tilespmem:v54+s23+$0x0] =	vst.idx.msk $0xffff, v0  }
0x521: {  	v57 =	vld [tilespmem:s0+$0xFFFFFF50];
	[tilespmem:v26+s23+$0x0] =	vst.idx.msk $0xffff, v10  }
0x522: {  	v60 =	vld [tilespmem:s0+$0xFFFFFF90];
	[tilespmem:v27+s23+$0x0] =	vst.idx.msk $0xffff, v19  }
0x523: {  	v51 =	vbroadcast v4, $0x0;
	v15 =	vld [tilespmem:$0x1FEC0]  }
0x524: {  	v58 =	vld [tilespmem:s0+$0xFFFFFFF0]  }
0x525: {  	v2 =	vld [tilespmem:s0+$0xFFFFFC60];
	v54 =	vadd.s32 v18, v51  }
0x526: {  	v61 =	vadd.f32 v57, v36;
	v0 =	vld [tilespmem:s0+$0xFFFFFCA0];
	v6 =	vadd.s32 v14, v3  }
0x527: {  	v22 =	vadd.s32 v11, v38  }
0x528: {  	v60 =	vadd.f32 v60, v36;
	v10 =	vld [tilespmem:s0+$0xFFFFFD20];
	[tilespmem:v52+s23+$0x0] =	vst.idx.msk $0xffff, v61;
	v5 =	vadd.s32 v15, v41  }
0x529: {  	v27 =	vadd.f32 v58, v34;
	v18 =	vld [tilespmem:$0x1FF00]  }
0x52a: {  	v2 =	vadd.f32 v2, v35;
	[tilespmem:v54+s23+$0x0] =	vst.idx.msk $0xffff, v60  }
0x52b: {  	v26 =	vld [tilespmem:s0+$0xFFFFFCE0];
	v0 =	vadd.f32 v0, v35;
	[tilespmem:v6+s23+$0x0] =	vst.idx.msk $0xffff, v27  }
0x52c: {  	v19 =	vld [tilespmem:$0x1FF80];
	[tilespmem:v22+s23+$0x0] =	vst.idx.msk $0xffff, v2  }
0x52d: {  	v27 =	vld [tilespmem:s0+$0xFFFFFE20];
	[tilespmem:v5+s23+$0x0] =	vst.idx.msk $0xffff, v0  }
0x52e: {  	v52 =	vadd.s32 v18, v39;
	v0 =	vadd.f32 v10, v35;
	v10 =	vld [tilespmem:$0x1FFF0]  }
0x52f: {  	v61 =	vld [tilespmem:s0+$0xFFFFFD60];
	v6 =	vadd.s32 v23, v40  }
0x530: {  	v57 =	vld [tilespmem:s0+$0xFFFFFDA0];
	v60 =	vadd.s32 v62, v44;
	v62 =	vadd.s32 v7, v45  }
0x531: {  	v54 =	vld [tilespmem:s0+$0x0];
	v2 =	vadd.f32 v26, v35;
	v36 =	vadd.s32 v19, v42  }
0x532: {  	v22 =	vadd.s32 v31, v43;
	v26 =	vld [tilespmem:s0+$0xFFFFFDE0]  }
0x533: {  	[tilespmem:v52+s23+$0x0] =	vst.idx.msk $0xffff, v2;
	v5 =	vadd.f32 v27, v35;
	v3 =	vadd.s32 v10, v3  }
0x534: {  	v2 =	vadd.f32 v61, v35;
	v61 =	vld [tilespmem:s0+$0xFFFFFE60];
	[tilespmem:v6+s23+$0x0] =	vst.idx.msk $0xffff, v0  }
0x535: {  	v56 =	vld [tilespmem:s0+$0xFFFFFEA0];
	v0 =	vadd.f32 v57, v35;
	[tilespmem:v62+s23+$0x0] =	vst.idx.msk $0xffff, v5  }
0x536: {  	v54 =	vadd.f32 v54, v33;
	[tilespmem:v36+s23+$0x0] =	vst.idx.msk $0xffff, v2;
	v2 =	vadd.s32 v11, v46;
	v36 =	vld [tilespmem:s0+$0xFFFFFEE0]  }
0x537: {  	v62 =	vld [tilespmem:s0+$0xFFFFFC20];
	[tilespmem:v22+s23+$0x0] =	vst.idx.msk $0xffff, v0;
	v0 =	vadd.f32 v26, v35;
	v22 =	vadd.s32 v15, v47  }
0x538: {  	v26 =	vld [tilespmem:s0+$0xFFFFFF20];
	v15 =	vadd.s32 v19, v50;
	[tilespmem:v3+s23+$0x0] =	vst.idx.msk $0xffff, v54;
	v3 =	vadd.s32 v18, v48  }
0x539: {  	v27 =	vld [tilespmem:s0+$0xFFFFFF60];
	v19 =	vadd.s32 v7, v37;
	[tilespmem:v60+s23+$0x0] =	vst.idx.msk $0xffff, v0;
	v0 =	vadd.f32 v61, v35  }
0x53a: {  	v60 =	vadd.s32 v23, v49;
	v61 =	vld [tilespmem:s0+$0xFFFFFFA0];
	v11 =	vadd.f32 v56, v35  }
0x53b: {  	[tilespmem:v2+s23+$0x0] =	vst.idx.msk $0xffff, v0;
	v0 =	vld [tilespmem:s0+$0xFFFFFC70];
	v2 =	vadd.f32 v36, v35  }
0x53c: {  	v5 =	vadd.f32 v62, v35;
	[tilespmem:v22+s23+$0x0] =	vst.idx.msk $0xffff, v11;
	v22 =	vld [tilespmem:s0+$0xFFFFFCB0];
	v18 =	vadd.s32 v31, v51  }
0x53d: {  	v55 =	vadd.f32 v26, v35;
	[tilespmem:v3+s23+$0x0] =	vst.idx.msk $0xffff, v2;
	v2 =	vadd.s32 v12, v38;
	v3 =	vld [tilespmem:s0+$0xFFFFFCF0]  }
0x53e: {  	v23 =	vadd.s32 v16, v41;
	v26 =	vld [tilespmem:s0+$0xFFFFFD30];
	[tilespmem:v19+s23+$0x0] =	vst.idx.msk $0xffff, v5;
	v54 =	vadd.f32 v27, v35  }
0x53f: {  	[tilespmem:v60+s23+$0x0] =	vst.idx.msk $0xffff, v55;
	v53 =	vadd.f32 v61, v35;
	v27 =	vadd.s32 v20, v39;
	v31 =	vld [tilespmem:s0+$0xFFFFFD70]  }
0x540: {  	v57 =	vadd.s32 v24, v40;
	v58 =	vld [tilespmem:s0+$0xFFFFFDB0];
	[tilespmem:v15+s23+$0x0] =	vst.idx.msk $0xffff, v54;
	v0 =	vadd.f32 v0, v34  }
0x541: {  	v60 =	vadd.s32 v28, v42;
	v61 =	vld [tilespmem:s0+$0xFFFFFDF0];
	v59 =	vadd.f32 v22, v34;
	[tilespmem:v18+s23+$0x0] =	vst.idx.msk $0xffff, v53  }
0x542: {  	[tilespmem:v2+s23+$0x0] =	vst.idx.msk $0xffff, v0;
	v0 =	vadd.f32 v3, v34;
	v2 =	vadd.s32 v32, v43;
	v3 =	vld [tilespmem:s0+$0xFFFFFE30]  }
0x543: {  	v11 =	vadd.s32 v14, v44;
	v14 =	vld [tilespmem:s0+$0xFFFFFE70];
	v62 =	vadd.f32 v26, v34;
	[tilespmem:v23+s23+$0x0] =	vst.idx.msk $0xffff, v59  }
0x544: {  	v15 =	vadd.s32 v8, v45;
	v18 =	vld [tilespmem:s0+$0xFFFFFEB0];
	[tilespmem:v27+s23+$0x0] =	vst.idx.msk $0xffff, v0;
	v0 =	vadd.f32 v31, v34  }
0x545: {  	v19 =	vadd.f32 v58, v34;
	v22 =	vadd.s32 v12, v46;
	[tilespmem:v57+s23+$0x0] =	vst.idx.msk $0xffff, v62;
	v23 =	vld [tilespmem:s0+$0xFFFFFEF0]  }
0x546: {  	v26 =	vadd.s32 v16, v47;
	v58 =	vld [tilespmem:s0+$0xFFFFFFB0];
	[tilespmem:v60+s23+$0x0] =	vst.idx.msk $0xffff, v0;
	v0 =	vadd.f32 v61, v34  }
0x547: {  	v27 =	vld [tilespmem:s0+$0xFFFFFF30];
	[tilespmem:v2+s23+$0x0] =	vst.idx.msk $0xffff, v19;
	v2 =	vadd.f32 v3, v34;
	v3 =	vadd.s32 v20, v48  }
0x548: {  	v62 =	vadd.s32 v32, v51;
	v31 =	vld [tilespmem:s0+$0xFFFFFF70];
	[tilespmem:v11+s23+$0x0] =	vst.idx.msk $0xffff, v0;
	v0 =	vadd.f32 v14, v34  }
0x549: {  	v57 =	vadd.s32 v24, v49;
	v59 =	vadd.f32 v18, v34;
	[tilespmem:v15+s23+$0x0] =	vst.idx.msk $0xffff, v2;
	v2 =	vld [tilespmem:s0+$0xFFFFFC30]  }
0x54a: {  	v60 =	vadd.s32 v28, v50;
	v61 =	vadd.f32 v23, v34;
	[tilespmem:v22+s23+$0x0] =	vst.idx.msk $0xffff, v0;
	v0 =	vld [tilespmem:s0+$0xFFFFFC80]  }
0x54b: {  	v12 =	vld [tilespmem:s0+$0xFFFFFCC0];
	v18 =	vadd.f32 v58, v34;
	[tilespmem:v26+s23+$0x0] =	vst.idx.msk $0xffff, v59;
	v11 =	vadd.s32 v8, v37  }
0x54c: {  	v14 =	vld [tilespmem:s0+$0xFFFFFD00];
	v6 =	vadd.f32 v27, v34;
	[tilespmem:v3+s23+$0x0] =	vst.idx.msk $0xffff, v61;
	v3 =	vadd.s32 v13, v38  }
0x54d: {  	v16 =	vld [tilespmem:s0+$0xFFFFFD40];
	[tilespmem:v62+s23+$0x0] =	vst.idx.msk $0xffff, v18;
	v4 =	vadd.f32 v31, v34;
	v15 =	vadd.s32 v17, v41  }
0x54e: {  	v19 =	vadd.s32 v21, v39;
	v20 =	vld [tilespmem:s0+$0xFFFFFD80];
	[tilespmem:v57+s23+$0x0] =	vst.idx.msk $0xffff, v6;
	v2 =	vadd.f32 v2, v34  }
0x54f: {  	v23 =	vld [tilespmem:s0+$0xFFFFFDC0];
	v22 =	vadd.s32 v25, v40;
	[tilespmem:v60+s23+$0x0] =	vst.idx.msk $0xffff, v4;
	v0 =	vadd.f32 v0, v33  }
0x550: {  	v24 =	vadd.s32 v29, v42;
	v26 =	vld [tilespmem:s0+$0xFFFFFE00];
	[tilespmem:v11+s23+$0x0] =	vst.idx.msk $0xffff, v2;
	v2 =	vadd.f32 v12, v33  }
0x551: {  	v27 =	vld [tilespmem:s0+$0xFFFFFE40];
	[tilespmem:v3+s23+$0x0] =	vst.idx.msk $0xffff, v0;
	v0 =	vadd.f32 v14, v33;
	v3 =	vadd.s32 v30, v43  }
0x552: {  	v28 =	vadd.s32 v10, v44;
	v31 =	vld [tilespmem:s0+$0xFFFFFE80];
	[tilespmem:v15+s23+$0x0] =	vst.idx.msk $0xffff, v2;
	v2 =	vadd.f32 v16, v33  }
0x553: {  	v44 =	vadd.s32 v9, v45;
	v45 =	vld [tilespmem:s0+$0xFFFFFEC0];
	[tilespmem:v19+s23+$0x0] =	vst.idx.msk $0xffff, v0;
	v0 =	vadd.f32 v20, v33  }
0x554: {  	v46 =	vadd.s32 v13, v46;
	v52 =	vld [tilespmem:s0+$0xFFFFFF00];
	[tilespmem:v22+s23+$0x0] =	vst.idx.msk $0xffff, v2;
	v2 =	vadd.f32 v23, v33  }
0x555: {  	v53 =	vadd.s32 v17, v47;
	v54 =	vld [tilespmem:s0+$0xFFFFFF40];
	[tilespmem:v24+s23+$0x0] =	vst.idx.msk $0xffff, v0;
	v0 =	vadd.f32 v26, v33  }
0x556: {  	v55 =	vld [tilespmem:s0+$0xFFFFFF80];
	[tilespmem:v3+s23+$0x0] =	vst.idx.msk $0xffff, v2;
	v2 =	vadd.f32 v27, v33;
	v3 =	vadd.s32 v21, v48  }
0x557: {  	v56 =	vadd.s32 v25, v49;
	v57 =	vld [tilespmem:s0+$0xFFFFFFC0];
	[tilespmem:v28+s23+$0x0] =	vst.idx.msk $0xffff, v0;
	v0 =	vadd.f32 v31, v33  }
0x558: {  	v59 =	vadd.s32 v29, v50;
	v58 =	vadd.f32 v45, v33;
	[tilespmem:v44+s23+$0x0] =	vst.idx.msk $0xffff, v2;
	v2 =	vld [tilespmem:s0+$0xFFFFFC40]  }
0x559: {  	v60 =	vadd.s32 v30, v51;
	[tilespmem:v46+s23+$0x0] =	vst.idx.msk $0xffff, v0;
	v0 =	vadd.f32 v52, v33  }
0x55a: {  	v61 =	vadd.s32 v9, v37;
	[tilespmem:v53+s23+$0x0] =	vst.idx.msk $0xffff, v58;
	v62 =	vadd.f32 v54, v33  }
0x55b: {  	[tilespmem:v3+s23+$0x0] =	vst.idx.msk $0xffff, v0;
	v0 =	vadd.f32 v55, v33  }
0x55c: {  	s30 =	sshll.u32 s30, $0x12;
	[tilespmem:v56+s23+$0x0] =	vst.idx.msk $0xffff, v62;
	v3 =	vadd.f32 v57, v33  }
0x55d: {  	s0 =	sor.u32 s5, s30;
	[tilespmem:v59+s23+$0x0] =	vst.idx.msk $0xffff, v0;
	v0 =	vadd.f32 v2, v33  }
0x55e: {  	s0 =	sshrl.u32 s0, $0x3;
	[tilespmem:v60+s23+$0x0] =	vst.idx.msk $0xffff, v3  }
0x55f: {  	s31 =	simm.s32 $0x10600;
	s3 =	sadd.s32 s1, s0;
	[tilespmem:v61+s23+$0x0] =	vst.idx.msk $0xffff, v0  }
0x560: {  	[hbm4b:s3+s2] =	stream.linear.scatter [tilespmem:s31], [sflag:$0x6], $0x80, $0x38;
	[tilespmem:$0x15A00] =	vst v63  }
0x561: {  	s9 =	simm.s32 $0x10688;
	s11 =	sadd.s32 $0x10, s3  }
0x562: {  	[hbm4b:s11+s2] =	stream.linear.scatter [tilespmem:s9], [sflag:$0x6], $0x80, $0x38;
	[tilespmem:$0x15A00] =	vst v63  }
0x563: {  	s12 =	simm.s32 $0x10710;
	s30 =	simm.s32 $0x10798;
	s15 =	sadd.s32 $0x20, s3  }
0x564: {  	[hbm4b:s15+s2] =	stream.linear.scatter [tilespmem:s12], [sflag:$0x6], $0x80, $0x38;
	[tilespmem:$0x15A00] =	vst v63  }
0x565: {  	s0 =	simm.s32 $0x440;
	s31 =	sadd.s32 $0x30, s3;
	s9 =	simm.s32 $0x10820  }
0x566: {  	[hbm4b:s31+s2] =	stream.linear.scatter [tilespmem:s30], [sflag:$0x6], $0x80, $0x38;
	[tilespmem:$0x15A00] =	vst v63  }
0x567: {  	s11 =	sadd.s32 $0x40, s3;
	s12 =	simm.s32 $0x108A8;
	s15 =	sadd.s32 $0x50, s3  }
0x568: {  	[hbm4b:s11+s2] =	stream.linear.scatter [tilespmem:s9], [sflag:$0x6], $0x80, $0x38;
	[tilespmem:$0x15A00] =	vst v63  }
0x569: {  	s30 =	simm.s32 $0x10930;
	s31 =	sadd.s32 $0x60, s3;
	s9 =	simm.s32 $0x2200  }
0x56a: {  	[hbm4b:s15+s2] =	stream.linear.scatter [tilespmem:s12], [sflag:$0x6], $0x80, $0x38;
	[tilespmem:$0x15A00] =	vst v63  }
0x56b: {  	s11 =	simm.s32 $0x109B8;
	s12 =	sadd.s32 $0x70, s3;
	s3 =	sadd.s32 $0x1000, s3  }
0x56c: {  	[hbm4b:s31+s2] =	stream.linear.scatter [tilespmem:s30], [sflag:$0x6], $0x80, $0x38;
	[tilespmem:$0x15A00] =	vst v63  }
.LBB2_21:
0x56d: {  	[hbm4b:s12+s2] =	stream.linear.scatter [tilespmem:s11], [sflag:$0x6], $0x80, $0x38;
	[tilespmem:$0x15A00] =	vst v63  }
0x56e: {  	s11 =	smov.u32 s0;
	s0 =	smov.u32 s9  }
0x56f: {  	s15 =	sadd.s32 $0x1100, s9;
	s0 =	sshra.s32 s0, $0x2;
	s12 =	sadd.s32 $0x10600, s11  }
0x570: {  	[hbm4b:s3+s2] =	stream.linear.scatter [tilespmem:s12], [sflag:$0x6], $0x80, $0x38;
	[tilespmem:$0x15A00] =	vst v63  }
0x571: {  	p0 =	sne.s32 s9, $0x7700;
	s9 =	sadd.s32 $0x10688, s11;
	s12 =	sadd.s32 $0x10, s3  }
0x572: {  	[hbm4b:s12+s2] =	stream.linear.scatter [tilespmem:s9], [sflag:$0x6], $0x80, $0x38;
	[tilespmem:$0x15A00] =	vst v63  }
0x573: {  	s9 =	sadd.s32 $0x10710, s11;
	s12 =	sadd.s32 $0x20, s3  }
0x574: {  	[hbm4b:s12+s2] =	stream.linear.scatter [tilespmem:s9], [sflag:$0x6], $0x80, $0x38;
	[tilespmem:$0x15A00] =	vst v63  }
0x575: {  	s9 =	sadd.s32 $0x10798, s11;
	s12 =	sadd.s32 $0x30, s3  }
0x576: {  	[hbm4b:s12+s2] =	stream.linear.scatter [tilespmem:s9], [sflag:$0x6], $0x80, $0x38;
	[tilespmem:$0x15A00] =	vst v63  }
0x577: {  	s9 =	sadd.s32 $0x10820, s11;
	s12 =	sadd.s32 $0x40, s3  }
0x578: {  	[hbm4b:s12+s2] =	stream.linear.scatter [tilespmem:s9], [sflag:$0x6], $0x80, $0x38;
	[tilespmem:$0x15A00] =	vst v63  }
.Ltmp10:
0x579: {  	s9 =	sadd.s32 $0x108A8, s11;
	s12 =	sadd.s32 $0x50, s3;
	(pc) =	sbr.rel @p0 .LBB2_21-.Ltmp10, $4  }
0x57a: {  	[hbm4b:s12+s2] =	stream.linear.scatter [tilespmem:s9], [sflag:$0x6], $0x80, $0x38;
	[tilespmem:$0x15A00] =	vst v63  }
0x57b: {  	s9 =	sadd.s32 $0x10930, s11;
	s12 =	sadd.s32 $0x60, s3;
	s11 =	sadd.s32 $0x109B8, s11  }
0x57c: {  	[hbm4b:s12+s2] =	stream.linear.scatter [tilespmem:s9], [sflag:$0x6], $0x80, $0x38;
	[tilespmem:$0x15A00] =	vst v63  }
0x57d: {  	s12 =	sadd.s32 $0x70, s3;
	s3 =	sadd.s32 $0x1000, s3;
	s9 =	smov.u32 s15  }
0x57e: {  	v8 =	vld [tilespmem:$0x1FE50]  }
0x57f: {  	v5 =	vld [tilespmem:$0x1FE60]  }
0x580: {  	v12 =	vld [tilespmem:$0x1FE80]  }
0x581: {  	v13 =	vld [tilespmem:$0x1FE90]  }
0x582: {  	v14 =	vld [tilespmem:$0x1FEB0]  }
0x583: {  	v15 =	vld [tilespmem:$0x1FEC0]  }
0x584: {  	v16 =	vld [tilespmem:$0x1FED0]  }
0x585: {  	[hbm4b:s12+s2] =	stream.linear.scatter [tilespmem:s11], [sflag:$0x6], $0x80, $0x38;
	v17 =	vld [tilespmem:$0x1FEE0]  }
0x586: {  	s9 =	sadd.s32 $0x10600, s0;
	v18 =	vld [tilespmem:$0x1FEF0]  }
0x587: {  	v19 =	vld [tilespmem:$0x1FF00];
	[hbm4b:s3+s2] =	stream.linear.scatter [tilespmem:s9], [sflag:$0x6], $0x80, $0x38  }
0x588: {  	s30 =	sadd.s32 $0x10688, s0;
	s31 =	sadd.s32 $0x10, s3;
	v20 =	vld [tilespmem:$0x1FF10]  }
0x589: {  	v21 =	vld [tilespmem:$0x1FF20];
	[hbm4b:s31+s2] =	stream.linear.scatter [tilespmem:s30], [sflag:$0x6], $0x80, $0x38  }
0x58a: {  	s12 =	sadd.s32 $0x10710, s0;
	s15 =	sadd.s32 $0x20, s3;
	v22 =	vld [tilespmem:$0x1FF30]  }
0x58b: {  	v23 =	vld [tilespmem:$0x1FF40];
	[hbm4b:s15+s2] =	stream.linear.scatter [tilespmem:s12], [sflag:$0x6], $0x80, $0x38  }
0x58c: {  	v24 =	vld [tilespmem:$0x1FF50];
	s30 =	sadd.s32 $0x10798, s0;
	s31 =	sadd.s32 $0x30, s3  }
0x58d: {  	v25 =	vld [tilespmem:$0x1FF60];
	[hbm4b:s31+s2] =	stream.linear.scatter [tilespmem:s30], [sflag:$0x6], $0x80, $0x38  }
0x58e: {  	s29 =	sadd.s32 $0x1, s29;
	v26 =	vld [tilespmem:$0x1FF70];
	s12 =	sadd.s32 $0x10820, s0;
	s15 =	sadd.s32 $0x40, s3  }
0x58f: {  	v27 =	vld [tilespmem:$0x1FF80];
	[hbm4b:s15+s2] =	stream.linear.scatter [tilespmem:s12], [sflag:$0x6], $0x80, $0x38  }
0x590: {  	v28 =	vld [tilespmem:$0x1FF90];
	p0 =	sne.s32 s29, $0x32;
	s30 =	sadd.s32 $0x108A8, s0;
	s31 =	sadd.s32 $0x50, s3  }
0x591: {  	v10 =	vld [tilespmem:$0x1FFA0];
	[hbm4b:s31+s2] =	stream.linear.scatter [tilespmem:s30], [sflag:$0x6], $0x80, $0x38  }
.Ltmp11:
0x592: {  	v30 =	vld [tilespmem:$0x1FFB0];
	(pc) =	sbr.rel @p0 .LBB2_2-.Ltmp11, $4  }
0x593: {  	v31 =	vld [tilespmem:$0x1FFC0];
	s12 =	sadd.s32 $0x10930, s0;
	s15 =	sadd.s32 $0x60, s3  }
0x594: {  	v32 =	vld [tilespmem:$0x1FFD0];
	[hbm4b:s15+s2] =	stream.linear.scatter [tilespmem:s12], [sflag:$0x6], $0x80, $0x38  }
0x595: {  	v9 =	vld [tilespmem:$0x1FFE0];
	s30 =	sadd.s32 $0x109B8, s0;
	s31 =	sadd.s32 $0x70, s3  }
0x596: {  	v6 =	vld [tilespmem:$0x1FFF0];
	[hbm4b:s31+s2] =	stream.linear.scatter [tilespmem:s30], [sflag:$0x6], $0x80, $0x38  }
0x597: {  	s28 =	sadd.s32 $0x1, s28  }
0x598: {  	_ =	swait.ge [sflag:s25], $0x2000;
	p0 =	sne.s32 s28, s8  }
.Ltmp12:
0x599: {  	[sflag:s25] =	ssyncset.done $0x0;
	(pc) =	sbr.rel @p0 .LBB2_1-.Ltmp12, $4  }
0x59a: {  	[sflag:s25] =	ssyncadd.s32 $0xFFFFE000  }
0x59b: {  	_ =	swait.ge [sflag:s22], $0x2000  }
0x59c: {  	[sflag:s22] =	ssyncset.done $0x0  }
0x59d: {  	[sflag:s22] =	ssyncadd.s32 $0xFFFFE000  }
0x59e: {  	_ =	sfence.sel $0x180000  }
0x59f: {  	[bflag:$0x0] =	sbarrier.arrive $0xFFFF  }
0x5a0: {  	_ =	strace $0x90000047  }
0x5a1: {  	s0 =	stileid.u32;
	[bflag:$0x2] =	sbarrier.arrive $0xFFFF  }
0x5a2: {  	p0 =	sne.s32 s0, $0x0;
	s0 =	rddreg [dreg:$0x3]  }
0x5a3: {  	s0 =	sadd.s32 @!p0 $0x100000, s0  }
0x5a4: {  	[sflag:s0] =	ssyncadd.tile.s32 @!p0 $0x1;
	_ =	shalt  }
.Lfunc_end2:
_tile_overlayer_lowered:
.L_overlay_start_2:
0x5a5: {  	(tag) =	ssettag $0x2  }
0x5a6: {  	s0 =	rddreg [dreg:$0x0];
	s2 =	stileid.u32  }
0x5a7: {  	s1 =	rddreg [dreg:$0x1];
	p0 =	sne.s32 s2, $0x0  }
0x5a8: {  	s3 =	rddreg [dreg:$0x2];
	[bflag:$0x3] =	sbarrier.arrive $0xFFFF;
	s2 =	simm.s32 @!p0 $0x1C07  }
0x5a9: {  	[timem:s3], [sflag:s2] =	dma.local @!p0 [hbm:s0], s1  }
0x5aa: {  	s0 =	simm.s32 @!p0 $0x7  }
0x5ab: {  	_ =	swait.ge @!p0 [sflag:s0], s1  }
0x5ac: {  	s1 =	ssub.s32 @!p0 $0x0, s1;
	[sflag:s0] =	ssyncset.done @!p0 $0x0  }
0x5ad: {  	[sflag:s0] =	ssyncadd.s32 @!p0 s1  }
0x5ae: {  	[bflag:$0x3] =	sbarrier.arrive $0xFFFF  }
0x5af: {  	_ =	shalt  }

</sc_bundles>
